<compile_context>
chip_gen: v7x
topology: tpu7x:2x2x1
jax: 0.10.2.dev20260603
libtpu: 0.0.44.dev20260713+nightly
codegen_flags: <defaults>
</compile_context>

<pallas_src>
import functools

import jax
import jax.numpy as jnp
from jax import lax
from jax.experimental import pallas as pl
from jax.experimental.pallas import tpu as pltpu
from jax.experimental.pallas import tpu_sc as plsc

N = 4096
NUM_BINS = 30
LAMBD = 0.01

_RB_MM = 512

_NC = 2
_NS = 16
_NW = _NC * _NS
_WROWS = 8
_WCOLS = 2048
_ROWS_PER_W = N // _NW
_NWIN = (_ROWS_PER_W // _WROWS) * (N // _WCOLS)


def _minmax_body(d_ref, bins_ref, bias_ref, ih_ref, mn_ref, mx_ref):
    i = pl.program_id(0)

    @pl.when(i == 0)
    def _():
        mn_ref[0] = jnp.float32(jnp.inf)
        mx_ref[0] = jnp.float32(-jnp.inf)

    d = d_ref[...]
    mn_ref[0] = jnp.minimum(mn_ref[0], jnp.min(d))
    mx_ref[0] = jnp.maximum(mx_ref[0], jnp.max(d))

    @pl.when(i == pl.num_programs(0) - 1)
    def _():
        mn = mn_ref[0]
        mx = mx_ref[0]
        f = lax.broadcasted_iota(jnp.int32, (1, NUM_BINS), 1).astype(
            jnp.float32) / NUM_BINS
        lo = mn * (1.0 - f) + mx * f
        bins_ref[...] = jnp.concatenate(
            [lo, jnp.full((1, 1), mx, jnp.float32),
             jnp.full((1, 1), jnp.inf, jnp.float32)], axis=1)
        ih_up = (jnp.float32(NUM_BINS) / (mx - mn)) * jnp.float32(1.0 + 1e-4)
        ih_ref[...] = jnp.full((1, 16), ih_up, jnp.float32)
        bias_ref[...] = jnp.full((1, 16), jnp.float32(0.01) - mn * ih_up,
                                 jnp.float32)


_minmax = pl.pallas_call(
    _minmax_body,
    grid=(N // _RB_MM,),
    in_specs=[pl.BlockSpec((_RB_MM, N), lambda i: (i, 0))],
    out_specs=[pl.BlockSpec((1, 32), lambda i: (0, 0)),
               pl.BlockSpec((1, 16), lambda i: (0, 0)),
               pl.BlockSpec((1, 16), lambda i: (0, 0))],
    out_shape=[jax.ShapeDtypeStruct((1, 32), jnp.float32),
               jax.ShapeDtypeStruct((1, 16), jnp.float32),
               jax.ShapeDtypeStruct((1, 16), jnp.float32)],
    scratch_shapes=[pltpu.SMEM((1,), jnp.float32),
                    pltpu.SMEM((1,), jnp.float32)],
)


def _sc_hist_body(w_hbm, d_hbm, bins_hbm, bias_hbm, ih_hbm, out_hbm,
                  dbuf0, dbuf1, wbuf0, wbuf1, binsbuf, biasbuf, ihbuf, hist,
                  sd0, sd1, sw0, sw1):
    wid = lax.axis_index("s") * _NC + lax.axis_index("c")
    base_row = wid * _ROWS_PER_W

    pltpu.sync_copy(bins_hbm, binsbuf)
    pltpu.sync_copy(bias_hbm, biasbuf)
    pltpu.sync_copy(ih_hbm, ihbuf)

    for i in range(2 * _NS):
        hist[i, :] = jnp.zeros((16,), jnp.float32)

    lane = lax.iota(jnp.int32, 16)
    zero16 = jnp.zeros((16,), jnp.int32)
    bv = biasbuf[0, :]
    ihv = ihbuf[0, :]

    dbufs = (dbuf0, dbuf1)
    wbufs = (wbuf0, wbuf1)
    sds = (sd0, sd1)
    sws = (sw0, sw1)

    def start(win_idx, b):
        r0 = base_row + (win_idx // 2) * _WROWS
        c0 = (win_idx % 2) * _WCOLS
        pltpu.async_copy(d_hbm.at[pl.ds(r0, _WROWS), pl.ds(c0, _WCOLS)],
                         dbufs[b], sds[b])
        pltpu.async_copy(w_hbm.at[pl.ds(r0, _WROWS), pl.ds(c0, _WCOLS)],
                         wbufs[b], sws[b])

    def wait(b):
        pltpu.make_async_copy(d_hbm.at[pl.ds(0, _WROWS), pl.ds(0, _WCOLS)],
                              dbufs[b], sds[b]).wait()
        pltpu.make_async_copy(w_hbm.at[pl.ds(0, _WROWS), pl.ds(0, _WCOLS)],
                              wbufs[b], sws[b]).wait()

    def compute(b):
        for r in range(_WROWS):
            db = dbufs[b]
            wb = wbufs[b]

            @plsc.parallel_loop(0, _WCOLS, step=16, unroll=16)
            def _(off):
                d = db[r, pl.ds(off, 16)]
                w = wb[r, pl.ds(off, 16)]
                a = jnp.abs(w)
                t = d * ihv + bv
                c = t.astype(jnp.int32)
                g = plsc.load_gather(binsbuf, [zero16, c])
                k = c + jnp.where(g < d, 1, 0)
                plsc.addupdate_scatter(hist, [k, lane], a)

    start(0, 0)
    start(1, 1)

    def body2(h, carry):
        wait(0)
        compute(0)

        @pl.when(2 * h + 2 < _NWIN)
        def _():
            start(2 * h + 2, 0)

        wait(1)
        compute(1)

        @pl.when(2 * h + 3 < _NWIN)
        def _():
            start(2 * h + 3, 1)

        return carry

    lax.fori_loop(0, _NWIN // 2, body2, 0)
    pltpu.sync_copy(hist, out_hbm.at[wid])


_sc_hist = functools.partial(
    pl.kernel,
    out_type=jax.ShapeDtypeStruct((_NW, 2 * _NS, 16), jnp.float32),
    mesh=plsc.VectorSubcoreMesh(core_axis_name="c", subcore_axis_name="s",
                                num_cores=_NC, num_subcores=_NS),
    compiler_params=pltpu.CompilerParams(use_tc_tiling_on_sc=True,
                                         needs_layout_passes=False),
    scratch_types=[
        pltpu.VMEM((_WROWS, _WCOLS), jnp.float32),
        pltpu.VMEM((_WROWS, _WCOLS), jnp.float32),
        pltpu.VMEM((_WROWS, _WCOLS), jnp.float32),
        pltpu.VMEM((_WROWS, _WCOLS), jnp.float32),
        pltpu.VMEM((1, 32), jnp.float32),
        pltpu.VMEM((1, 16), jnp.float32),
        pltpu.VMEM((1, 16), jnp.float32),
        pltpu.VMEM((2 * _NS, 16), jnp.float32),
        pltpu.SemaphoreType.DMA,
        pltpu.SemaphoreType.DMA,
        pltpu.SemaphoreType.DMA,
        pltpu.SemaphoreType.DMA,
    ],
)(_sc_hist_body)


def _combine_body(h_ref, o_ref):
    x = h_ref[...]
    s = jnp.sum(jnp.sum(x, axis=2), axis=0)
    t = s[1:NUM_BINS + 1]
    total = jnp.sum(t) + 1e-8
    p = t / total
    o_ref[0] = LAMBD * jnp.sum(p * jnp.log(p + 1e-8))


_combine = pl.pallas_call(
    _combine_body,
    out_specs=pl.BlockSpec(memory_space=pltpu.SMEM),
    out_shape=jax.ShapeDtypeStruct((1,), jnp.float32),
)


def kernel(weight_hh, distance_matrix):
    bins32, bias16, ih16 = _minmax(distance_matrix)
    hist = _sc_hist(weight_hh, distance_matrix, bins32, bias16, ih16)
    loss = _combine(hist)
    return loss[0]

# --- scband reference (transcript-rebuilt; emitter-appended) ---
"""Pipeline reference for scband-wiring-entropy-regulariser-40450001993761 (READ-ONLY COPY).

The authoritative reference and input builder live on the scoring server;
editing this copy changes nothing except your own understanding.
"""

import jax, jax.numpy as jnp
import numpy as np

NUM_BINS = 30
LAMBD = 0.01


def setup_inputs(seed: int = 0) -> dict:
    key = jax.random.key(seed)
    k1, k2 = jax.random.split(key)
    N = 4096
    weight_hh = jax.random.normal(k1, (N, N), dtype=jnp.float32)
    distance_matrix = jax.random.uniform(k2, (N, N), dtype=jnp.float32)
    return {"weight_hh": weight_hh, "distance_matrix": distance_matrix}


def reference(weight_hh, distance_matrix):
    # abs of recurrent weights, flattened
    abs_w_flat = jnp.abs(weight_hh).reshape(-1)
    dist_flat = distance_matrix.reshape(-1)
    min_d = dist_flat.min()
    max_d = dist_flat.max()
    # num_bins + 1 boundaries, like torch.linspace(min_d, max_d, steps=num_bins+1)
    bins = jnp.linspace(min_d, max_d, NUM_BINS + 1)
    # torch.bucketize(x, bins, right=False) == searchsorted(bins, x, side='left')
    bin_indices = jnp.searchsorted(bins, dist_flat, side='left')
    # scatter-add |W| into bins; torch loop sums only indices 1..num_bins
    sums = jnp.zeros(NUM_BINS + 1, dtype=abs_w_flat.dtype).at[bin_indices].add(abs_w_flat)
    p_i = sums[1:]
    total_strength = p_i.sum() + 1e-08
    prob_p_i = p_i / total_strength
    negative_entropy = jnp.sum(prob_p_i * jnp.log(prob_p_i + 1e-08))
    entropy_loss = LAMBD * negative_entropy
    # d_bar_max is None and lambda_cost == 0 -> no cost penalty
    total_loss = entropy_loss
    return total_loss

if __name__ == "__main__":
    import jax
    _d = setup_inputs()
    print(jax.jit(kernel)(*tuple(_d.values())))

</pallas_src>

<mosaic_0001>
#map = affine_map<(d0, d1) -> (0, 0)>
#map1 = affine_map<(d0, d1) -> (0, 0, 0)>
module attributes {stable_mosaic.version = 14 : i64} {
  func.func @_sc_hist_body(%arg0: i32, %arg1: i32, %arg2: memref<4096x4096xf32, #tpu.memory_space<hbm>>, %arg3: memref<4096x4096xf32, #tpu.memory_space<hbm>>, %arg4: memref<1x32xf32, #tpu.memory_space<hbm>>, %arg5: memref<1x16xf32, #tpu.memory_space<hbm>>, %arg6: memref<1x16xf32, #tpu.memory_space<hbm>>, %arg7: memref<32x32x16xf32, #tpu.memory_space<hbm>>, %arg8: memref<8x2048xf32, #tpu.memory_space<vmem>>, %arg9: memref<8x2048xf32, #tpu.memory_space<vmem>>, %arg10: memref<8x2048xf32, #tpu.memory_space<vmem>>, %arg11: memref<8x2048xf32, #tpu.memory_space<vmem>>, %arg12: memref<1x32xf32, #tpu.memory_space<vmem>>, %arg13: memref<1x16xf32, #tpu.memory_space<vmem>>, %arg14: memref<1x16xf32, #tpu.memory_space<vmem>>, %arg15: memref<32x16xf32, #tpu.memory_space<vmem>>, %arg16: memref<!tpu.dma_semaphore, #tpu.memory_space<semaphore_mem>>, %arg17: memref<!tpu.dma_semaphore, #tpu.memory_space<semaphore_mem>>, %arg18: memref<!tpu.dma_semaphore, #tpu.memory_space<semaphore_mem>>, %arg19: memref<!tpu.dma_semaphore, #tpu.memory_space<semaphore_mem>>) attributes {dimension_semantics = [#tpu.dimension_semantics<core_parallel>, #tpu.dimension_semantics<subcore_parallel>], iteration_bounds = array<i64: 2, 16>, scalar_prefetch = 0 : i64, scratch_operands = 12 : i64, tpu.core_type = #tpu.core_type<sc_vector_subcore>, window_params = [{transform_indices = #map}, {transform_indices = #map}, {transform_indices = #map}, {transform_indices = #map}, {transform_indices = #map}, {transform_indices = #map1}]} {
    %mul3A = arith.constant 2 : i32
    %mul3A_0 = arith.muli %arg1, %mul3A : i32
    %add3A = arith.addi %mul3A_0, %arg0 : i32
    %mul3A_1 = arith.constant 128 : i32
    %mul3A_2 = arith.muli %add3A, %mul3A_1 : i32
    "tpu.region"() ({
      %run_scoped3A = tpu.sem_alloc : memref<!tpu.dma_semaphore, #tpu.memory_space<semaphore_mem>>
      tpu.enqueue_dma source(%arg4 : memref<1x32xf32, #tpu.memory_space<hbm>>) target(%arg12 : memref<1x32xf32, #tpu.memory_space<vmem>>) target_semaphore(%run_scoped3A : memref<!tpu.dma_semaphore, #tpu.memory_space<semaphore_mem>>)
      tpu.wait_dma2 semaphore(%run_scoped3A : memref<!tpu.dma_semaphore, #tpu.memory_space<semaphore_mem>>) src(%arg4 : memref<1x32xf32, #tpu.memory_space<hbm>>) dst(%arg12 : memref<1x32xf32, #tpu.memory_space<vmem>>)
      tpu.yield
    }) : () -> ()
    "tpu.region"() ({
      %run_scoped3A = tpu.sem_alloc : memref<!tpu.dma_semaphore, #tpu.memory_space<semaphore_mem>>
      tpu.enqueue_dma source(%arg5 : memref<1x16xf32, #tpu.memory_space<hbm>>) target(%arg13 : memref<1x16xf32, #tpu.memory_space<vmem>>) target_semaphore(%run_scoped3A : memref<!tpu.dma_semaphore, #tpu.memory_space<semaphore_mem>>)
      tpu.wait_dma2 semaphore(%run_scoped3A : memref<!tpu.dma_semaphore, #tpu.memory_space<semaphore_mem>>) src(%arg5 : memref<1x16xf32, #tpu.memory_space<hbm>>) dst(%arg13 : memref<1x16xf32, #tpu.memory_space<vmem>>)
      tpu.yield
    }) : () -> ()
    "tpu.region"() ({
      %run_scoped3A = tpu.sem_alloc : memref<!tpu.dma_semaphore, #tpu.memory_space<semaphore_mem>>
      tpu.enqueue_dma source(%arg6 : memref<1x16xf32, #tpu.memory_space<hbm>>) target(%arg14 : memref<1x16xf32, #tpu.memory_space<vmem>>) target_semaphore(%run_scoped3A : memref<!tpu.dma_semaphore, #tpu.memory_space<semaphore_mem>>)
      tpu.wait_dma2 semaphore(%run_scoped3A : memref<!tpu.dma_semaphore, #tpu.memory_space<semaphore_mem>>) src(%arg6 : memref<1x16xf32, #tpu.memory_space<hbm>>) dst(%arg14 : memref<1x16xf32, #tpu.memory_space<vmem>>)
      tpu.yield
    }) : () -> ()
    %broadcast_in_dim3A = arith.constant 0.000000e+00 : f32
    %broadcast_in_dim3A_3 = vector.broadcast %broadcast_in_dim3A : f32 to vector<16xf32>
    %swap3A = arith.constant 0 : i32
    %swap3A_4 = arith.index_cast %swap3A : i32 to index
    %swap3A_5 = arith.constant 0 : index
    %swap3A_6 = tpu.vector_load %arg15[%swap3A_4, %swap3A_5] {strides = array<i32>} : memref<32x16xf32, #tpu.memory_space<vmem>>, vector<16xf32>,
    tpu.vector_store %arg15[%swap3A_4, %swap3A_5], %broadcast_in_dim3A_3 {strides = array<i32>} : memref<32x16xf32, #tpu.memory_space<vmem>>, vector<16xf32>,
    %broadcast_in_dim3A_7 = arith.constant 0.000000e+00 : f32
    %broadcast_in_dim3A_8 = vector.broadcast %broadcast_in_dim3A_7 : f32 to vector<16xf32>
    %swap3A_9 = arith.constant 1 : i32
    %swap3A_10 = arith.index_cast %swap3A_9 : i32 to index
    %swap3A_11 = arith.constant 0 : index
    %swap3A_12 = tpu.vector_load %arg15[%swap3A_10, %swap3A_11] {strides = array<i32>} : memref<32x16xf32, #tpu.memory_space<vmem>>, vector<16xf32>,
    tpu.vector_store %arg15[%swap3A_10, %swap3A_11], %broadcast_in_dim3A_8 {strides = array<i32>} : memref<32x16xf32, #tpu.memory_space<vmem>>, vector<16xf32>,
    %broadcast_in_dim3A_13 = arith.constant 0.000000e+00 : f32
    %broadcast_in_dim3A_14 = vector.broadcast %broadcast_in_dim3A_13 : f32 to vector<16xf32>
    %swap3A_15 = arith.constant 2 : i32
    %swap3A_16 = arith.index_cast %swap3A_15 : i32 to index
    %swap3A_17 = arith.constant 0 : index
    %swap3A_18 = tpu.vector_load %arg15[%swap3A_16, %swap3A_17] {strides = array<i32>} : memref<32x16xf32, #tpu.memory_space<vmem>>, vector<16xf32>,
    tpu.vector_store %arg15[%swap3A_16, %swap3A_17], %broadcast_in_dim3A_14 {strides = array<i32>} : memref<32x16xf32, #tpu.memory_space<vmem>>, vector<16xf32>,
    %broadcast_in_dim3A_19 = arith.constant 0.000000e+00 : f32
    %broadcast_in_dim3A_20 = vector.broadcast %broadcast_in_dim3A_19 : f32 to vector<16xf32>
    %swap3A_21 = arith.constant 3 : i32
    %swap3A_22 = arith.index_cast %swap3A_21 : i32 to index
    %swap3A_23 = arith.constant 0 : index
    %swap3A_24 = tpu.vector_load %arg15[%swap3A_22, %swap3A_23] {strides = array<i32>} : memref<32x16xf32, #tpu.memory_space<vmem>>, vector<16xf32>,
    tpu.vector_store %arg15[%swap3A_22, %swap3A_23], %broadcast_in_dim3A_20 {strides = array<i32>} : memref<32x16xf32, #tpu.memory_space<vmem>>, vector<16xf32>,
    %broadcast_in_dim3A_25 = arith.constant 0.000000e+00 : f32
    %broadcast_in_dim3A_26 = vector.broadcast %broadcast_in_dim3A_25 : f32 to vector<16xf32>
    %swap3A_27 = arith.constant 4 : i32
    %swap3A_28 = arith.index_cast %swap3A_27 : i32 to index
    %swap3A_29 = arith.constant 0 : index
    %swap3A_30 = tpu.vector_load %arg15[%swap3A_28, %swap3A_29] {strides = array<i32>} : memref<32x16xf32, #tpu.memory_space<vmem>>, vector<16xf32>,
    tpu.vector_store %arg15[%swap3A_28, %swap3A_29], %broadcast_in_dim3A_26 {strides = array<i32>} : memref<32x16xf32, #tpu.memory_space<vmem>>, vector<16xf32>,
    %broadcast_in_dim3A_31 = arith.constant 0.000000e+00 : f32
    %broadcast_in_dim3A_32 = vector.broadcast %broadcast_in_dim3A_31 : f32 to vector<16xf32>
    %swap3A_33 = arith.constant 5 : i32
    %swap3A_34 = arith.index_cast %swap3A_33 : i32 to index
    %swap3A_35 = arith.constant 0 : index
    %swap3A_36 = tpu.vector_load %arg15[%swap3A_34, %swap3A_35] {strides = array<i32>} : memref<32x16xf32, #tpu.memory_space<vmem>>, vector<16xf32>,
    tpu.vector_store %arg15[%swap3A_34, %swap3A_35], %broadcast_in_dim3A_32 {strides = array<i32>} : memref<32x16xf32, #tpu.memory_space<vmem>>, vector<16xf32>,
    %broadcast_in_dim3A_37 = arith.constant 0.000000e+00 : f32
    %broadcast_in_dim3A_38 = vector.broadcast %broadcast_in_dim3A_37 : f32 to vector<16xf32>
    %swap3A_39 = arith.constant 6 : i32
    %swap3A_40 = arith.index_cast %swap3A_39 : i32 to index
    %swap3A_41 = arith.constant 0 : index
    %swap3A_42 = tpu.vector_load %arg15[%swap3A_40, %swap3A_41] {strides = array<i32>} : memref<32x16xf32, #tpu.memory_space<vmem>>, vector<16xf32>,
    tpu.vector_store %arg15[%swap3A_40, %swap3A_41], %broadcast_in_dim3A_38 {strides = array<i32>} : memref<32x16xf32, #tpu.memory_space<vmem>>, vector<16xf32>,
    %broadcast_in_dim3A_43 = arith.constant 0.000000e+00 : f32
    %broadcast_in_dim3A_44 = vector.broadcast %broadcast_in_dim3A_43 : f32 to vector<16xf32>
    %swap3A_45 = arith.constant 7 : i32
    %swap3A_46 = arith.index_cast %swap3A_45 : i32 to index
    %swap3A_47 = arith.constant 0 : index
    %swap3A_48 = tpu.vector_load %arg15[%swap3A_46, %swap3A_47] {strides = array<i32>} : memref<32x16xf32, #tpu.memory_space<vmem>>, vector<16xf32>,
    tpu.vector_store %arg15[%swap3A_46, %swap3A_47], %broadcast_in_dim3A_44 {strides = array<i32>} : memref<32x16xf32, #tpu.memory_space<vmem>>, vector<16xf32>,
    %broadcast_in_dim3A_49 = arith.constant 0.000000e+00 : f32
    %broadcast_in_dim3A_50 = vector.broadcast %broadcast_in_dim3A_49 : f32 to vector<16xf32>
    %swap3A_51 = arith.constant 8 : i32
    %swap3A_52 = arith.index_cast %swap3A_51 : i32 to index
    %swap3A_53 = arith.constant 0 : index
    %swap3A_54 = tpu.vector_load %arg15[%swap3A_52, %swap3A_53] {strides = array<i32>} : memref<32x16xf32, #tpu.memory_space<vmem>>, vector<16xf32>,
    tpu.vector_store %arg15[%swap3A_52, %swap3A_53], %broadcast_in_dim3A_50 {strides = array<i32>} : memref<32x16xf32, #tpu.memory_space<vmem>>, vector<16xf32>,
    %broadcast_in_dim3A_55 = arith.constant 0.000000e+00 : f32
    %broadcast_in_dim3A_56 = vector.broadcast %broadcast_in_dim3A_55 : f32 to vector<16xf32>
    %swap3A_57 = arith.constant 9 : i32
    %swap3A_58 = arith.index_cast %swap3A_57 : i32 to index
    %swap3A_59 = arith.constant 0 : index
    %swap3A_60 = tpu.vector_load %arg15[%swap3A_58, %swap3A_59] {strides = array<i32>} : memref<32x16xf32, #tpu.memory_space<vmem>>, vector<16xf32>,
    tpu.vector_store %arg15[%swap3A_58, %swap3A_59], %broadcast_in_dim3A_56 {strides = array<i32>} : memref<32x16xf32, #tpu.memory_space<vmem>>, vector<16xf32>,
    %broadcast_in_dim3A_61 = arith.constant 0.000000e+00 : f32
    %broadcast_in_dim3A_62 = vector.broadcast %broadcast_in_dim3A_61 : f32 to vector<16xf32>
    %swap3A_63 = arith.constant 10 : i32
    %swap3A_64 = arith.index_cast %swap3A_63 : i32 to index
    %swap3A_65 = arith.constant 0 : index
    %swap3A_66 = tpu.vector_load %arg15[%swap3A_64, %swap3A_65] {strides = array<i32>} : memref<32x16xf32, #tpu.memory_space<vmem>>, vector<16xf32>,
    tpu.vector_store %arg15[%swap3A_64, %swap3A_65], %broadcast_in_dim3A_62 {strides = array<i32>} : memref<32x16xf32, #tpu.memory_space<vmem>>, vector<16xf32>,
    %broadcast_in_dim3A_67 = arith.constant 0.000000e+00 : f32
    %broadcast_in_dim3A_68 = vector.broadcast %broadcast_in_dim3A_67 : f32 to vector<16xf32>
    %swap3A_69 = arith.constant 11 : i32
    %swap3A_70 = arith.index_cast %swap3A_69 : i32 to index
    %swap3A_71 = arith.constant 0 : index
    %swap3A_72 = tpu.vector_load %arg15[%swap3A_70, %swap3A_71] {strides = array<i32>} : memref<32x16xf32, #tpu.memory_space<vmem>>, vector<16xf32>,
    tpu.vector_store %arg15[%swap3A_70, %swap3A_71], %broadcast_in_dim3A_68 {strides = array<i32>} : memref<32x16xf32, #tpu.memory_space<vmem>>, vector<16xf32>,
    %broadcast_in_dim3A_73 = arith.constant 0.000000e+00 : f32
    %broadcast_in_dim3A_74 = vector.broadcast %broadcast_in_dim3A_73 : f32 to vector<16xf32>
    %swap3A_75 = arith.constant 12 : i32
    %swap3A_76 = arith.index_cast %swap3A_75 : i32 to index
    %swap3A_77 = arith.constant 0 : index
    %swap3A_78 = tpu.vector_load %arg15[%swap3A_76, %swap3A_77] {strides = array<i32>} : memref<32x16xf32, #tpu.memory_space<vmem>>, vector<16xf32>,
    tpu.vector_store %arg15[%swap3A_76, %swap3A_77], %broadcast_in_dim3A_74 {strides = array<i32>} : memref<32x16xf32, #tpu.memory_space<vmem>>, vector<16xf32>,
    %broadcast_in_dim3A_79 = arith.constant 0.000000e+00 : f32
    %broadcast_in_dim3A_80 = vector.broadcast %broadcast_in_dim3A_79 : f32 to vector<16xf32>
    %swap3A_81 = arith.constant 13 : i32
    %swap3A_82 = arith.index_cast %swap3A_81 : i32 to index
    %swap3A_83 = arith.constant 0 : index
    %swap3A_84 = tpu.vector_load %arg15[%swap3A_82, %swap3A_83] {strides = array<i32>} : memref<32x16xf32, #tpu.memory_space<vmem>>, vector<16xf32>,
    tpu.vector_store %arg15[%swap3A_82, %swap3A_83], %broadcast_in_dim3A_80 {strides = array<i32>} : memref<32x16xf32, #tpu.memory_space<vmem>>, vector<16xf32>,
    %broadcast_in_dim3A_85 = arith.constant 0.000000e+00 : f32
    %broadcast_in_dim3A_86 = vector.broadcast %broadcast_in_dim3A_85 : f32 to vector<16xf32>
    %swap3A_87 = arith.constant 14 : i32
    %swap3A_88 = arith.index_cast %swap3A_87 : i32 to index
    %swap3A_89 = arith.constant 0 : index
    %swap3A_90 = tpu.vector_load %arg15[%swap3A_88, %swap3A_89] {strides = array<i32>} : memref<32x16xf32, #tpu.memory_space<vmem>>, vector<16xf32>,
    tpu.vector_store %arg15[%swap3A_88, %swap3A_89], %broadcast_in_dim3A_86 {strides = array<i32>} : memref<32x16xf32, #tpu.memory_space<vmem>>, vector<16xf32>,
    %broadcast_in_dim3A_91 = arith.constant 0.000000e+00 : f32
    %broadcast_in_dim3A_92 = vector.broadcast %broadcast_in_dim3A_91 : f32 to vector<16xf32>
    %swap3A_93 = arith.constant 15 : i32
    %swap3A_94 = arith.index_cast %swap3A_93 : i32 to index
    %swap3A_95 = arith.constant 0 : index
    %swap3A_96 = tpu.vector_load %arg15[%swap3A_94, %swap3A_95] {strides = array<i32>} : memref<32x16xf32, #tpu.memory_space<vmem>>, vector<16xf32>,
    tpu.vector_store %arg15[%swap3A_94, %swap3A_95], %broadcast_in_dim3A_92 {strides = array<i32>} : memref<32x16xf32, #tpu.memory_space<vmem>>, vector<16xf32>,
    %broadcast_in_dim3A_97 = arith.constant 0.000000e+00 : f32
    %broadcast_in_dim3A_98 = vector.broadcast %broadcast_in_dim3A_97 : f32 to vector<16xf32>
    %swap3A_99 = arith.constant 16 : i32
    %swap3A_100 = arith.index_cast %swap3A_99 : i32 to index
    %swap3A_101 = arith.constant 0 : index
    %swap3A_102 = tpu.vector_load %arg15[%swap3A_100, %swap3A_101] {strides = array<i32>} : memref<32x16xf32, #tpu.memory_space<vmem>>, vector<16xf32>,
    tpu.vector_store %arg15[%swap3A_100, %swap3A_101], %broadcast_in_dim3A_98 {strides = array<i32>} : memref<32x16xf32, #tpu.memory_space<vmem>>, vector<16xf32>,
    %broadcast_in_dim3A_103 = arith.constant 0.000000e+00 : f32
    %broadcast_in_dim3A_104 = vector.broadcast %broadcast_in_dim3A_103 : f32 to vector<16xf32>
    %swap3A_105 = arith.constant 17 : i32
    %swap3A_106 = arith.index_cast %swap3A_105 : i32 to index
    %swap3A_107 = arith.constant 0 : index
    %swap3A_108 = tpu.vector_load %arg15[%swap3A_106, %swap3A_107] {strides = array<i32>} : memref<32x16xf32, #tpu.memory_space<vmem>>, vector<16xf32>,
    tpu.vector_store %arg15[%swap3A_106, %swap3A_107], %broadcast_in_dim3A_104 {strides = array<i32>} : memref<32x16xf32, #tpu.memory_space<vmem>>, vector<16xf32>,
    %broadcast_in_dim3A_109 = arith.constant 0.000000e+00 : f32
    %broadcast_in_dim3A_110 = vector.broadcast %broadcast_in_dim3A_109 : f32 to vector<16xf32>
    %swap3A_111 = arith.constant 18 : i32
    %swap3A_112 = arith.index_cast %swap3A_111 : i32 to index
    %swap3A_113 = arith.constant 0 : index
    %swap3A_114 = tpu.vector_load %arg15[%swap3A_112, %swap3A_113] {strides = array<i32>} : memref<32x16xf32, #tpu.memory_space<vmem>>, vector<16xf32>,
    tpu.vector_store %arg15[%swap3A_112, %swap3A_113], %broadcast_in_dim3A_110 {strides = array<i32>} : memref<32x16xf32, #tpu.memory_space<vmem>>, vector<16xf32>,
    %broadcast_in_dim3A_115 = arith.constant 0.000000e+00 : f32
    %broadcast_in_dim3A_116 = vector.broadcast %broadcast_in_dim3A_115 : f32 to vector<16xf32>
    %swap3A_117 = arith.constant 19 : i32
    %swap3A_118 = arith.index_cast %swap3A_117 : i32 to index
    %swap3A_119 = arith.constant 0 : index
    %swap3A_120 = tpu.vector_load %arg15[%swap3A_118, %swap3A_119] {strides = array<i32>} : memref<32x16xf32, #tpu.memory_space<vmem>>, vector<16xf32>,
    tpu.vector_store %arg15[%swap3A_118, %swap3A_119], %broadcast_in_dim3A_116 {strides = array<i32>} : memref<32x16xf32, #tpu.memory_space<vmem>>, vector<16xf32>,
    %broadcast_in_dim3A_121 = arith.constant 0.000000e+00 : f32
    %broadcast_in_dim3A_122 = vector.broadcast %broadcast_in_dim3A_121 : f32 to vector<16xf32>
    %swap3A_123 = arith.constant 20 : i32
    %swap3A_124 = arith.index_cast %swap3A_123 : i32 to index
    %swap3A_125 = arith.constant 0 : index
    %swap3A_126 = tpu.vector_load %arg15[%swap3A_124, %swap3A_125] {strides = array<i32>} : memref<32x16xf32, #tpu.memory_space<vmem>>, vector<16xf32>,
    tpu.vector_store %arg15[%swap3A_124, %swap3A_125], %broadcast_in_dim3A_122 {strides = array<i32>} : memref<32x16xf32, #tpu.memory_space<vmem>>, vector<16xf32>,
    %broadcast_in_dim3A_127 = arith.constant 0.000000e+00 : f32
    %broadcast_in_dim3A_128 = vector.broadcast %broadcast_in_dim3A_127 : f32 to vector<16xf32>
    %swap3A_129 = arith.constant 21 : i32
    %swap3A_130 = arith.index_cast %swap3A_129 : i32 to index
    %swap3A_131 = arith.constant 0 : index
    %swap3A_132 = tpu.vector_load %arg15[%swap3A_130, %swap3A_131] {strides = array<i32>} : memref<32x16xf32, #tpu.memory_space<vmem>>, vector<16xf32>,
    tpu.vector_store %arg15[%swap3A_130, %swap3A_131], %broadcast_in_dim3A_128 {strides = array<i32>} : memref<32x16xf32, #tpu.memory_space<vmem>>, vector<16xf32>,
    %broadcast_in_dim3A_133 = arith.constant 0.000000e+00 : f32
    %broadcast_in_dim3A_134 = vector.broadcast %broadcast_in_dim3A_133 : f32 to vector<16xf32>
    %swap3A_135 = arith.constant 22 : i32
    %swap3A_136 = arith.index_cast %swap3A_135 : i32 to index
    %swap3A_137 = arith.constant 0 : index
    %swap3A_138 = tpu.vector_load %arg15[%swap3A_136, %swap3A_137] {strides = array<i32>} : memref<32x16xf32, #tpu.memory_space<vmem>>, vector<16xf32>,
    tpu.vector_store %arg15[%swap3A_136, %swap3A_137], %broadcast_in_dim3A_134 {strides = array<i32>} : memref<32x16xf32, #tpu.memory_space<vmem>>, vector<16xf32>,
    %broadcast_in_dim3A_139 = arith.constant 0.000000e+00 : f32
    %broadcast_in_dim3A_140 = vector.broadcast %broadcast_in_dim3A_139 : f32 to vector<16xf32>
    %swap3A_141 = arith.constant 23 : i32
    %swap3A_142 = arith.index_cast %swap3A_141 : i32 to index
    %swap3A_143 = arith.constant 0 : index
    %swap3A_144 = tpu.vector_load %arg15[%swap3A_142, %swap3A_143] {strides = array<i32>} : memref<32x16xf32, #tpu.memory_space<vmem>>, vector<16xf32>,
    tpu.vector_store %arg15[%swap3A_142, %swap3A_143], %broadcast_in_dim3A_140 {strides = array<i32>} : memref<32x16xf32, #tpu.memory_space<vmem>>, vector<16xf32>,
    %broadcast_in_dim3A_145 = arith.constant 0.000000e+00 : f32
    %broadcast_in_dim3A_146 = vector.broadcast %broadcast_in_dim3A_145 : f32 to vector<16xf32>
    %swap3A_147 = arith.constant 24 : i32
    %swap3A_148 = arith.index_cast %swap3A_147 : i32 to index
    %swap3A_149 = arith.constant 0 : index
    %swap3A_150 = tpu.vector_load %arg15[%swap3A_148, %swap3A_149] {strides = array<i32>} : memref<32x16xf32, #tpu.memory_space<vmem>>, vector<16xf32>,
    tpu.vector_store %arg15[%swap3A_148, %swap3A_149], %broadcast_in_dim3A_146 {strides = array<i32>} : memref<32x16xf32, #tpu.memory_space<vmem>>, vector<16xf32>,
    %broadcast_in_dim3A_151 = arith.constant 0.000000e+00 : f32
    %broadcast_in_dim3A_152 = vector.broadcast %broadcast_in_dim3A_151 : f32 to vector<16xf32>
    %swap3A_153 = arith.constant 25 : i32
    %swap3A_154 = arith.index_cast %swap3A_153 : i32 to index
    %swap3A_155 = arith.constant 0 : index
    %swap3A_156 = tpu.vector_load %arg15[%swap3A_154, %swap3A_155] {strides = array<i32>} : memref<32x16xf32, #tpu.memory_space<vmem>>, vector<16xf32>,
    tpu.vector_store %arg15[%swap3A_154, %swap3A_155], %broadcast_in_dim3A_152 {strides = array<i32>} : memref<32x16xf32, #tpu.memory_space<vmem>>, vector<16xf32>,
    %broadcast_in_dim3A_157 = arith.constant 0.000000e+00 : f32
    %broadcast_in_dim3A_158 = vector.broadcast %broadcast_in_dim3A_157 : f32 to vector<16xf32>
    %swap3A_159 = arith.constant 26 : i32
    %swap3A_160 = arith.index_cast %swap3A_159 : i32 to index
    %swap3A_161 = arith.constant 0 : index
    %swap3A_162 = tpu.vector_load %arg15[%swap3A_160, %swap3A_161] {strides = array<i32>} : memref<32x16xf32, #tpu.memory_space<vmem>>, vector<16xf32>,
    tpu.vector_store %arg15[%swap3A_160, %swap3A_161], %broadcast_in_dim3A_158 {strides = array<i32>} : memref<32x16xf32, #tpu.memory_space<vmem>>, vector<16xf32>,
    %broadcast_in_dim3A_163 = arith.constant 0.000000e+00 : f32
    %broadcast_in_dim3A_164 = vector.broadcast %broadcast_in_dim3A_163 : f32 to vector<16xf32>
    %swap3A_165 = arith.constant 27 : i32
    %swap3A_166 = arith.index_cast %swap3A_165 : i32 to index
    %swap3A_167 = arith.constant 0 : index
    %swap3A_168 = tpu.vector_load %arg15[%swap3A_166, %swap3A_167] {strides = array<i32>} : memref<32x16xf32, #tpu.memory_space<vmem>>, vector<16xf32>,
    tpu.vector_store %arg15[%swap3A_166, %swap3A_167], %broadcast_in_dim3A_164 {strides = array<i32>} : memref<32x16xf32, #tpu.memory_space<vmem>>, vector<16xf32>,
    %broadcast_in_dim3A_169 = arith.constant 0.000000e+00 : f32
    %broadcast_in_dim3A_170 = vector.broadcast %broadcast_in_dim3A_169 : f32 to vector<16xf32>
    %swap3A_171 = arith.constant 28 : i32
    %swap3A_172 = arith.index_cast %swap3A_171 : i32 to index
    %swap3A_173 = arith.constant 0 : index
    %swap3A_174 = tpu.vector_load %arg15[%swap3A_172, %swap3A_173] {strides = array<i32>} : memref<32x16xf32, #tpu.memory_space<vmem>>, vector<16xf32>,
    tpu.vector_store %arg15[%swap3A_172, %swap3A_173], %broadcast_in_dim3A_170 {strides = array<i32>} : memref<32x16xf32, #tpu.memory_space<vmem>>, vector<16xf32>,
    %broadcast_in_dim3A_175 = arith.constant 0.000000e+00 : f32
    %broadcast_in_dim3A_176 = vector.broadcast %broadcast_in_dim3A_175 : f32 to vector<16xf32>
    %swap3A_177 = arith.constant 29 : i32
    %swap3A_178 = arith.index_cast %swap3A_177 : i32 to index
    %swap3A_179 = arith.constant 0 : index
    %swap3A_180 = tpu.vector_load %arg15[%swap3A_178, %swap3A_179] {strides = array<i32>} : memref<32x16xf32, #tpu.memory_space<vmem>>, vector<16xf32>,
    tpu.vector_store %arg15[%swap3A_178, %swap3A_179], %broadcast_in_dim3A_176 {strides = array<i32>} : memref<32x16xf32, #tpu.memory_space<vmem>>, vector<16xf32>,
    %broadcast_in_dim3A_181 = arith.constant 0.000000e+00 : f32
    %broadcast_in_dim3A_182 = vector.broadcast %broadcast_in_dim3A_181 : f32 to vector<16xf32>
    %swap3A_183 = arith.constant 30 : i32
    %swap3A_184 = arith.index_cast %swap3A_183 : i32 to index
    %swap3A_185 = arith.constant 0 : index
    %swap3A_186 = tpu.vector_load %arg15[%swap3A_184, %swap3A_185] {strides = array<i32>} : memref<32x16xf32, #tpu.memory_space<vmem>>, vector<16xf32>,
    tpu.vector_store %arg15[%swap3A_184, %swap3A_185], %broadcast_in_dim3A_182 {strides = array<i32>} : memref<32x16xf32, #tpu.memory_space<vmem>>, vector<16xf32>,
    %broadcast_in_dim3A_187 = arith.constant 0.000000e+00 : f32
    %broadcast_in_dim3A_188 = vector.broadcast %broadcast_in_dim3A_187 : f32 to vector<16xf32>
    %swap3A_189 = arith.constant 31 : i32
    %swap3A_190 = arith.index_cast %swap3A_189 : i32 to index
    %swap3A_191 = arith.constant 0 : index
    %swap3A_192 = tpu.vector_load %arg15[%swap3A_190, %swap3A_191] {strides = array<i32>} : memref<32x16xf32, #tpu.memory_space<vmem>>, vector<16xf32>,
    tpu.vector_store %arg15[%swap3A_190, %swap3A_191], %broadcast_in_dim3A_188 {strides = array<i32>} : memref<32x16xf32, #tpu.memory_space<vmem>>, vector<16xf32>,
    %iota3A = tpu.iota {dimensions = array<i32: 0>} : vector<16xi32>
    %broadcast_in_dim3A_193 = arith.constant 0 : i32
    %broadcast_in_dim3A_194 = vector.broadcast %broadcast_in_dim3A_193 : i32 to vector<16xi32>
    %get3A = arith.constant 0 : i32
    %get3A_195 = arith.index_cast %get3A : i32 to index
    %get3A_196 = arith.constant 0 : index
    %get3A_197 = tpu.vector_load %arg13[%get3A_195, %get3A_196] {strides = array<i32>} : memref<1x16xf32, #tpu.memory_space<vmem>>, vector<16xf32>,
    %get3A_198 = arith.constant 0 : i32
    %get3A_199 = arith.index_cast %get3A_198 : i32 to index
    %get3A_200 = arith.constant 0 : index
    %get3A_201 = tpu.vector_load %arg14[%get3A_199, %get3A_200] {strides = array<i32>} : memref<1x16xf32, #tpu.memory_space<vmem>>, vector<16xf32>,
    %add3A_202 = arith.constant 0 : i32
    %add3A_203 = arith.addi %mul3A_2, %add3A_202 : i32
    %dma_start3A = arith.constant 0 : i32
    %dma_start3A_204 = tpu.memref_slice %arg3[%add3A_203, %dma_start3A] : memref<4096x4096xf32, #tpu.memory_space<hbm>> -> memref<8x2048xf32, #tpu.memory_space<hbm>>
    %dma_start3A_205 = arith.constant 0 : i32
    %dma_start3A_206 = tpu.memref_slice %arg3[%add3A_203, %dma_start3A_205] : memref<4096x4096xf32, #tpu.memory_space<hbm>> -> memref<8x2048xf32, #tpu.memory_space<hbm>>
    tpu.enqueue_dma source(%dma_start3A_206 : memref<8x2048xf32, #tpu.memory_space<hbm>>) target(%arg8 : memref<8x2048xf32, #tpu.memory_space<vmem>>) target_semaphore(%arg16 : memref<!tpu.dma_semaphore, #tpu.memory_space<semaphore_mem>>)
    %dma_start3A_207 = arith.constant 0 : i32
    %dma_start3A_208 = tpu.memref_slice %arg2[%add3A_203, %dma_start3A_207] : memref<4096x4096xf32, #tpu.memory_space<hbm>> -> memref<8x2048xf32, #tpu.memory_space<hbm>>
    %dma_start3A_209 = arith.constant 0 : i32
    %dma_start3A_210 = tpu.memref_slice %arg2[%add3A_203, %dma_start3A_209] : memref<4096x4096xf32, #tpu.memory_space<hbm>> -> memref<8x2048xf32, #tpu.memory_space<hbm>>
    tpu.enqueue_dma source(%dma_start3A_210 : memref<8x2048xf32, #tpu.memory_space<hbm>>) target(%arg10 : memref<8x2048xf32, #tpu.memory_space<vmem>>) target_semaphore(%arg18 : memref<!tpu.dma_semaphore, #tpu.memory_space<semaphore_mem>>)
    %add3A_211 = arith.constant 0 : i32
    %add3A_212 = arith.addi %mul3A_2, %add3A_211 : i32
    %dma_start3A_213 = arith.constant 2048 : i32
    %dma_start3A_214 = tpu.memref_slice %arg3[%add3A_212, %dma_start3A_213] : memref<4096x4096xf32, #tpu.memory_space<hbm>> -> memref<8x2048xf32, #tpu.memory_space<hbm>>
    %dma_start3A_215 = arith.constant 2048 : i32
    %dma_start3A_216 = tpu.memref_slice %arg3[%add3A_212, %dma_start3A_215] : memref<4096x4096xf32, #tpu.memory_space<hbm>> -> memref<8x2048xf32, #tpu.memory_space<hbm>>
    tpu.enqueue_dma source(%dma_start3A_216 : memref<8x2048xf32, #tpu.memory_space<hbm>>) target(%arg9 : memref<8x2048xf32, #tpu.memory_space<vmem>>) target_semaphore(%arg17 : memref<!tpu.dma_semaphore, #tpu.memory_space<semaphore_mem>>)
    %dma_start3A_217 = arith.constant 2048 : i32
    %dma_start3A_218 = tpu.memref_slice %arg2[%add3A_212, %dma_start3A_217] : memref<4096x4096xf32, #tpu.memory_space<hbm>> -> memref<8x2048xf32, #tpu.memory_space<hbm>>
    %dma_start3A_219 = arith.constant 2048 : i32
    %dma_start3A_220 = tpu.memref_slice %arg2[%add3A_212, %dma_start3A_219] : memref<4096x4096xf32, #tpu.memory_space<hbm>> -> memref<8x2048xf32, #tpu.memory_space<hbm>>
    tpu.enqueue_dma source(%dma_start3A_220 : memref<8x2048xf32, #tpu.memory_space<hbm>>) target(%arg11 : memref<8x2048xf32, #tpu.memory_space<vmem>>) target_semaphore(%arg19 : memref<!tpu.dma_semaphore, #tpu.memory_space<semaphore_mem>>)
    %scan3A = arith.constant 0 : i32
    %scan3A_221 = arith.constant 0 : i32
    %scan3A_222 = arith.constant 16 : i32
    %scan3A_223 = arith.addi %scan3A_221, %scan3A_222 : i32
    %scan3A_224 = arith.constant 1 : i32
    scf.for %scan3A_226 = %scan3A_221 to %scan3A_223 step %scan3A_224  : i32 {
      %dma_wait3A = arith.constant 0 : i32
      %dma_wait3A_227 = arith.constant 0 : i32
      %dma_wait3A_228 = tpu.memref_slice %arg3[%dma_wait3A, %dma_wait3A_227] : memref<4096x4096xf32, #tpu.memory_space<hbm>> -> memref<8x2048xf32, #tpu.memory_space<hbm>>
      %dma_wait3A_229 = arith.constant 0 : i32
      %dma_wait3A_230 = arith.constant 0 : i32
      %dma_wait3A_231 = tpu.memref_slice %arg3[%dma_wait3A_229, %dma_wait3A_230] : memref<4096x4096xf32, #tpu.memory_space<hbm>> -> memref<8x2048xf32, #tpu.memory_space<hbm>>
      tpu.wait_dma2 semaphore(%arg16 : memref<!tpu.dma_semaphore, #tpu.memory_space<semaphore_mem>>) src(%dma_wait3A_231 : memref<8x2048xf32, #tpu.memory_space<hbm>>) dst(%arg8 : memref<8x2048xf32, #tpu.memory_space<vmem>>)
      %dma_wait3A_232 = arith.constant 0 : i32
      %dma_wait3A_233 = arith.constant 0 : i32
      %dma_wait3A_234 = tpu.memref_slice %arg2[%dma_wait3A_232, %dma_wait3A_233] : memref<4096x4096xf32, #tpu.memory_space<hbm>> -> memref<8x2048xf32, #tpu.memory_space<hbm>>
      %dma_wait3A_235 = arith.constant 0 : i32
      %dma_wait3A_236 = arith.constant 0 : i32
      %dma_wait3A_237 = tpu.memref_slice %arg2[%dma_wait3A_235, %dma_wait3A_236] : memref<4096x4096xf32, #tpu.memory_space<hbm>> -> memref<8x2048xf32, #tpu.memory_space<hbm>>
      tpu.wait_dma2 semaphore(%arg18 : memref<!tpu.dma_semaphore, #tpu.memory_space<semaphore_mem>>) src(%dma_wait3A_237 : memref<8x2048xf32, #tpu.memory_space<hbm>>) dst(%arg10 : memref<8x2048xf32, #tpu.memory_space<vmem>>)
      %parallel_loop3A = arith.constant 0 : i32
      %parallel_loop3A_238 = arith.constant 2048 : i32
      %parallel_loop3A_239 = arith.constant 16 : i32
      scf.for %parallel_loop3A_312 = %parallel_loop3A to %parallel_loop3A_238 step %parallel_loop3A_239  : i32 {
        %parallel_loop3A_313 = arith.constant 0 : i32
        %parallel_loop3A_314 = arith.index_cast %parallel_loop3A_313 : i32 to index
        %parallel_loop3A_315 = arith.index_cast %parallel_loop3A_312 : i32 to index
        %parallel_loop3A_316 = tpu.vector_load %arg8[%parallel_loop3A_314, %parallel_loop3A_315] {strides = array<i32>} : memref<8x2048xf32, #tpu.memory_space<vmem>>, vector<16xf32>,
        %parallel_loop3A_317 = arith.constant 0 : i32
        %parallel_loop3A_318 = arith.index_cast %parallel_loop3A_317 : i32 to index
        %parallel_loop3A_319 = arith.index_cast %parallel_loop3A_312 : i32 to index
        %parallel_loop3A_320 = tpu.vector_load %arg10[%parallel_loop3A_318, %parallel_loop3A_319] {strides = array<i32>} : memref<8x2048xf32, #tpu.memory_space<vmem>>, vector<16xf32>,
        %parallel_loop3A_321 = math.absf %parallel_loop3A_320 : vector<16xf32>
        %parallel_loop3A_322 = arith.mulf %parallel_loop3A_316, %get3A_201 : vector<16xf32>
        %parallel_loop3A_323 = arith.addf %parallel_loop3A_322, %get3A_197 : vector<16xf32>
        %parallel_loop3A_324 = arith.fptosi %parallel_loop3A_323 : vector<16xf32> to vector<16xi32>
        %parallel_loop3A_325 = tpu.vector_load_idx %arg12[%broadcast_in_dim3A_194, %parallel_loop3A_324] : memref<1x32xf32, #tpu.memory_space<vmem>>[vector<16xi32>, vector<16xi32>], vector<16xf32>,
        %parallel_loop3A_326 = arith.cmpf olt, %parallel_loop3A_325, %parallel_loop3A_316 : vector<16xf32>
        %parallel_loop3A_327 = arith.constant 1 : i32
        %parallel_loop3A_328 = arith.constant 0 : i32
        %parallel_loop3A_329 = vector.broadcast %parallel_loop3A_327 : i32 to vector<16xi32>
        %parallel_loop3A_330 = vector.broadcast %parallel_loop3A_328 : i32 to vector<16xi32>
        %parallel_loop3A_331 = arith.select %parallel_loop3A_326, %parallel_loop3A_329, %parallel_loop3A_330 : vector<16xi1>, vector<16xi32>
        %parallel_loop3A_332 = arith.addi %parallel_loop3A_324, %parallel_loop3A_331 : vector<16xi32>
        tpu.vector_store_idx %arg15[%parallel_loop3A_332, %iota3A], %parallel_loop3A_321 {add = true} : memref<32x16xf32, #tpu.memory_space<vmem>>[vector<16xi32>, vector<16xi32>], vector<16xf32>,
      } {sc.loop_unroll_factor = 16 : i64, sc.parallel_access}
      %parallel_loop3A_240 = arith.constant 0 : i32
      %parallel_loop3A_241 = arith.constant 2048 : i32
      %parallel_loop3A_242 = arith.constant 16 : i32
      scf.for %parallel_loop3A_312 = %parallel_loop3A_240 to %parallel_loop3A_241 step %parallel_loop3A_242  : i32 {
        %parallel_loop3A_313 = arith.constant 1 : i32
        %parallel_loop3A_314 = arith.index_cast %parallel_loop3A_313 : i32 to index
        %parallel_loop3A_315 = arith.index_cast %parallel_loop3A_312 : i32 to index
        %parallel_loop3A_316 = tpu.vector_load %arg8[%parallel_loop3A_314, %parallel_loop3A_315] {strides = array<i32>} : memref<8x2048xf32, #tpu.memory_space<vmem>>, vector<16xf32>,
        %parallel_loop3A_317 = arith.constant 1 : i32
        %parallel_loop3A_318 = arith.index_cast %parallel_loop3A_317 : i32 to index
        %parallel_loop3A_319 = arith.index_cast %parallel_loop3A_312 : i32 to index
        %parallel_loop3A_320 = tpu.vector_load %arg10[%parallel_loop3A_318, %parallel_loop3A_319] {strides = array<i32>} : memref<8x2048xf32, #tpu.memory_space<vmem>>, vector<16xf32>,
        %parallel_loop3A_321 = math.absf %parallel_loop3A_320 : vector<16xf32>
        %parallel_loop3A_322 = arith.mulf %parallel_loop3A_316, %get3A_201 : vector<16xf32>
        %parallel_loop3A_323 = arith.addf %parallel_loop3A_322, %get3A_197 : vector<16xf32>
        %parallel_loop3A_324 = arith.fptosi %parallel_loop3A_323 : vector<16xf32> to vector<16xi32>
        %parallel_loop3A_325 = tpu.vector_load_idx %arg12[%broadcast_in_dim3A_194, %parallel_loop3A_324] : memref<1x32xf32, #tpu.memory_space<vmem>>[vector<16xi32>, vector<16xi32>], vector<16xf32>,
        %parallel_loop3A_326 = arith.cmpf olt, %parallel_loop3A_325, %parallel_loop3A_316 : vector<16xf32>
        %parallel_loop3A_327 = arith.constant 1 : i32
        %parallel_loop3A_328 = arith.constant 0 : i32
        %parallel_loop3A_329 = vector.broadcast %parallel_loop3A_327 : i32 to vector<16xi32>
        %parallel_loop3A_330 = vector.broadcast %parallel_loop3A_328 : i32 to vector<16xi32>
        %parallel_loop3A_331 = arith.select %parallel_loop3A_326, %parallel_loop3A_329, %parallel_loop3A_330 : vector<16xi1>, vector<16xi32>
        %parallel_loop3A_332 = arith.addi %parallel_loop3A_324, %parallel_loop3A_331 : vector<16xi32>
        tpu.vector_store_idx %arg15[%parallel_loop3A_332, %iota3A], %parallel_loop3A_321 {add = true} : memref<32x16xf32, #tpu.memory_space<vmem>>[vector<16xi32>, vector<16xi32>], vector<16xf32>,
      } {sc.loop_unroll_factor = 16 : i64, sc.parallel_access}
      %parallel_loop3A_243 = arith.constant 0 : i32
      %parallel_loop3A_244 = arith.constant 2048 : i32
      %parallel_loop3A_245 = arith.constant 16 : i32
      scf.for %parallel_loop3A_312 = %parallel_loop3A_243 to %parallel_loop3A_244 step %parallel_loop3A_245  : i32 {
        %parallel_loop3A_313 = arith.constant 2 : i32
        %parallel_loop3A_314 = arith.index_cast %parallel_loop3A_313 : i32 to index
        %parallel_loop3A_315 = arith.index_cast %parallel_loop3A_312 : i32 to index
        %parallel_loop3A_316 = tpu.vector_load %arg8[%parallel_loop3A_314, %parallel_loop3A_315] {strides = array<i32>} : memref<8x2048xf32, #tpu.memory_space<vmem>>, vector<16xf32>,
        %parallel_loop3A_317 = arith.constant 2 : i32
        %parallel_loop3A_318 = arith.index_cast %parallel_loop3A_317 : i32 to index
        %parallel_loop3A_319 = arith.index_cast %parallel_loop3A_312 : i32 to index
        %parallel_loop3A_320 = tpu.vector_load %arg10[%parallel_loop3A_318, %parallel_loop3A_319] {strides = array<i32>} : memref<8x2048xf32, #tpu.memory_space<vmem>>, vector<16xf32>,
        %parallel_loop3A_321 = math.absf %parallel_loop3A_320 : vector<16xf32>
        %parallel_loop3A_322 = arith.mulf %parallel_loop3A_316, %get3A_201 : vector<16xf32>
        %parallel_loop3A_323 = arith.addf %parallel_loop3A_322, %get3A_197 : vector<16xf32>
        %parallel_loop3A_324 = arith.fptosi %parallel_loop3A_323 : vector<16xf32> to vector<16xi32>
        %parallel_loop3A_325 = tpu.vector_load_idx %arg12[%broadcast_in_dim3A_194, %parallel_loop3A_324] : memref<1x32xf32, #tpu.memory_space<vmem>>[vector<16xi32>, vector<16xi32>], vector<16xf32>,
        %parallel_loop3A_326 = arith.cmpf olt, %parallel_loop3A_325, %parallel_loop3A_316 : vector<16xf32>
        %parallel_loop3A_327 = arith.constant 1 : i32
        %parallel_loop3A_328 = arith.constant 0 : i32
        %parallel_loop3A_329 = vector.broadcast %parallel_loop3A_327 : i32 to vector<16xi32>
        %parallel_loop3A_330 = vector.broadcast %parallel_loop3A_328 : i32 to vector<16xi32>
        %parallel_loop3A_331 = arith.select %parallel_loop3A_326, %parallel_loop3A_329, %parallel_loop3A_330 : vector<16xi1>, vector<16xi32>
        %parallel_loop3A_332 = arith.addi %parallel_loop3A_324, %parallel_loop3A_331 : vector<16xi32>
        tpu.vector_store_idx %arg15[%parallel_loop3A_332, %iota3A], %parallel_loop3A_321 {add = true} : memref<32x16xf32, #tpu.memory_space<vmem>>[vector<16xi32>, vector<16xi32>], vector<16xf32>,
      } {sc.loop_unroll_factor = 16 : i64, sc.parallel_access}
      %parallel_loop3A_246 = arith.constant 0 : i32
      %parallel_loop3A_247 = arith.constant 2048 : i32
      %parallel_loop3A_248 = arith.constant 16 : i32
      scf.for %parallel_loop3A_312 = %parallel_loop3A_246 to %parallel_loop3A_247 step %parallel_loop3A_248  : i32 {
        %parallel_loop3A_313 = arith.constant 3 : i32
        %parallel_loop3A_314 = arith.index_cast %parallel_loop3A_313 : i32 to index
        %parallel_loop3A_315 = arith.index_cast %parallel_loop3A_312 : i32 to index
        %parallel_loop3A_316 = tpu.vector_load %arg8[%parallel_loop3A_314, %parallel_loop3A_315] {strides = array<i32>} : memref<8x2048xf32, #tpu.memory_space<vmem>>, vector<16xf32>,
        %parallel_loop3A_317 = arith.constant 3 : i32
        %parallel_loop3A_318 = arith.index_cast %parallel_loop3A_317 : i32 to index
        %parallel_loop3A_319 = arith.index_cast %parallel_loop3A_312 : i32 to index
        %parallel_loop3A_320 = tpu.vector_load %arg10[%parallel_loop3A_318, %parallel_loop3A_319] {strides = array<i32>} : memref<8x2048xf32, #tpu.memory_space<vmem>>, vector<16xf32>,
        %parallel_loop3A_321 = math.absf %parallel_loop3A_320 : vector<16xf32>
        %parallel_loop3A_322 = arith.mulf %parallel_loop3A_316, %get3A_201 : vector<16xf32>
        %parallel_loop3A_323 = arith.addf %parallel_loop3A_322, %get3A_197 : vector<16xf32>
        %parallel_loop3A_324 = arith.fptosi %parallel_loop3A_323 : vector<16xf32> to vector<16xi32>
        %parallel_loop3A_325 = tpu.vector_load_idx %arg12[%broadcast_in_dim3A_194, %parallel_loop3A_324] : memref<1x32xf32, #tpu.memory_space<vmem>>[vector<16xi32>, vector<16xi32>], vector<16xf32>,
        %parallel_loop3A_326 = arith.cmpf olt, %parallel_loop3A_325, %parallel_loop3A_316 : vector<16xf32>
        %parallel_loop3A_327 = arith.constant 1 : i32
        %parallel_loop3A_328 = arith.constant 0 : i32
        %parallel_loop3A_329 = vector.broadcast %parallel_loop3A_327 : i32 to vector<16xi32>
        %parallel_loop3A_330 = vector.broadcast %parallel_loop3A_328 : i32 to vector<16xi32>
        %parallel_loop3A_331 = arith.select %parallel_loop3A_326, %parallel_loop3A_329, %parallel_loop3A_330 : vector<16xi1>, vector<16xi32>
        %parallel_loop3A_332 = arith.addi %parallel_loop3A_324, %parallel_loop3A_331 : vector<16xi32>
        tpu.vector_store_idx %arg15[%parallel_loop3A_332, %iota3A], %parallel_loop3A_321 {add = true} : memref<32x16xf32, #tpu.memory_space<vmem>>[vector<16xi32>, vector<16xi32>], vector<16xf32>,
      } {sc.loop_unroll_factor = 16 : i64, sc.parallel_access}
      %parallel_loop3A_249 = arith.constant 0 : i32
      %parallel_loop3A_250 = arith.constant 2048 : i32
      %parallel_loop3A_251 = arith.constant 16 : i32
      scf.for %parallel_loop3A_312 = %parallel_loop3A_249 to %parallel_loop3A_250 step %parallel_loop3A_251  : i32 {
        %parallel_loop3A_313 = arith.constant 4 : i32
        %parallel_loop3A_314 = arith.index_cast %parallel_loop3A_313 : i32 to index
        %parallel_loop3A_315 = arith.index_cast %parallel_loop3A_312 : i32 to index
        %parallel_loop3A_316 = tpu.vector_load %arg8[%parallel_loop3A_314, %parallel_loop3A_315] {strides = array<i32>} : memref<8x2048xf32, #tpu.memory_space<vmem>>, vector<16xf32>,
        %parallel_loop3A_317 = arith.constant 4 : i32
        %parallel_loop3A_318 = arith.index_cast %parallel_loop3A_317 : i32 to index
        %parallel_loop3A_319 = arith.index_cast %parallel_loop3A_312 : i32 to index
        %parallel_loop3A_320 = tpu.vector_load %arg10[%parallel_loop3A_318, %parallel_loop3A_319] {strides = array<i32>} : memref<8x2048xf32, #tpu.memory_space<vmem>>, vector<16xf32>,
        %parallel_loop3A_321 = math.absf %parallel_loop3A_320 : vector<16xf32>
        %parallel_loop3A_322 = arith.mulf %parallel_loop3A_316, %get3A_201 : vector<16xf32>
        %parallel_loop3A_323 = arith.addf %parallel_loop3A_322, %get3A_197 : vector<16xf32>
        %parallel_loop3A_324 = arith.fptosi %parallel_loop3A_323 : vector<16xf32> to vector<16xi32>
        %parallel_loop3A_325 = tpu.vector_load_idx %arg12[%broadcast_in_dim3A_194, %parallel_loop3A_324] : memref<1x32xf32, #tpu.memory_space<vmem>>[vector<16xi32>, vector<16xi32>], vector<16xf32>,
        %parallel_loop3A_326 = arith.cmpf olt, %parallel_loop3A_325, %parallel_loop3A_316 : vector<16xf32>
        %parallel_loop3A_327 = arith.constant 1 : i32
        %parallel_loop3A_328 = arith.constant 0 : i32
        %parallel_loop3A_329 = vector.broadcast %parallel_loop3A_327 : i32 to vector<16xi32>
        %parallel_loop3A_330 = vector.broadcast %parallel_loop3A_328 : i32 to vector<16xi32>
        %parallel_loop3A_331 = arith.select %parallel_loop3A_326, %parallel_loop3A_329, %parallel_loop3A_330 : vector<16xi1>, vector<16xi32>
        %parallel_loop3A_332 = arith.addi %parallel_loop3A_324, %parallel_loop3A_331 : vector<16xi32>
        tpu.vector_store_idx %arg15[%parallel_loop3A_332, %iota3A], %parallel_loop3A_321 {add = true} : memref<32x16xf32, #tpu.memory_space<vmem>>[vector<16xi32>, vector<16xi32>], vector<16xf32>,
      } {sc.loop_unroll_factor = 16 : i64, sc.parallel_access}
      %parallel_loop3A_252 = arith.constant 0 : i32
      %parallel_loop3A_253 = arith.constant 2048 : i32
      %parallel_loop3A_254 = arith.constant 16 : i32
      scf.for %parallel_loop3A_312 = %parallel_loop3A_252 to %parallel_loop3A_253 step %parallel_loop3A_254  : i32 {
        %parallel_loop3A_313 = arith.constant 5 : i32
        %parallel_loop3A_314 = arith.index_cast %parallel_loop3A_313 : i32 to index
        %parallel_loop3A_315 = arith.index_cast %parallel_loop3A_312 : i32 to index
        %parallel_loop3A_316 = tpu.vector_load %arg8[%parallel_loop3A_314, %parallel_loop3A_315] {strides = array<i32>} : memref<8x2048xf32, #tpu.memory_space<vmem>>, vector<16xf32>,
        %parallel_loop3A_317 = arith.constant 5 : i32
        %parallel_loop3A_318 = arith.index_cast %parallel_loop3A_317 : i32 to index
        %parallel_loop3A_319 = arith.index_cast %parallel_loop3A_312 : i32 to index
        %parallel_loop3A_320 = tpu.vector_load %arg10[%parallel_loop3A_318, %parallel_loop3A_319] {strides = array<i32>} : memref<8x2048xf32, #tpu.memory_space<vmem>>, vector<16xf32>,
        %parallel_loop3A_321 = math.absf %parallel_loop3A_320 : vector<16xf32>
        %parallel_loop3A_322 = arith.mulf %parallel_loop3A_316, %get3A_201 : vector<16xf32>
        %parallel_loop3A_323 = arith.addf %parallel_loop3A_322, %get3A_197 : vector<16xf32>
        %parallel_loop3A_324 = arith.fptosi %parallel_loop3A_323 : vector<16xf32> to vector<16xi32>
        %parallel_loop3A_325 = tpu.vector_load_idx %arg12[%broadcast_in_dim3A_194, %parallel_loop3A_324] : memref<1x32xf32, #tpu.memory_space<vmem>>[vector<16xi32>, vector<16xi32>], vector<16xf32>,
        %parallel_loop3A_326 = arith.cmpf olt, %parallel_loop3A_325, %parallel_loop3A_316 : vector<16xf32>
        %parallel_loop3A_327 = arith.constant 1 : i32
        %parallel_loop3A_328 = arith.constant 0 : i32
        %parallel_loop3A_329 = vector.broadcast %parallel_loop3A_327 : i32 to vector<16xi32>
        %parallel_loop3A_330 = vector.broadcast %parallel_loop3A_328 : i32 to vector<16xi32>
        %parallel_loop3A_331 = arith.select %parallel_loop3A_326, %parallel_loop3A_329, %parallel_loop3A_330 : vector<16xi1>, vector<16xi32>
        %parallel_loop3A_332 = arith.addi %parallel_loop3A_324, %parallel_loop3A_331 : vector<16xi32>
        tpu.vector_store_idx %arg15[%parallel_loop3A_332, %iota3A], %parallel_loop3A_321 {add = true} : memref<32x16xf32, #tpu.memory_space<vmem>>[vector<16xi32>, vector<16xi32>], vector<16xf32>,
      } {sc.loop_unroll_factor = 16 : i64, sc.parallel_access}
      %parallel_loop3A_255 = arith.constant 0 : i32
      %parallel_loop3A_256 = arith.constant 2048 : i32
      %parallel_loop3A_257 = arith.constant 16 : i32
      scf.for %parallel_loop3A_312 = %parallel_loop3A_255 to %parallel_loop3A_256 step %parallel_loop3A_257  : i32 {
        %parallel_loop3A_313 = arith.constant 6 : i32
        %parallel_loop3A_314 = arith.index_cast %parallel_loop3A_313 : i32 to index
        %parallel_loop3A_315 = arith.index_cast %parallel_loop3A_312 : i32 to index
        %parallel_loop3A_316 = tpu.vector_load %arg8[%parallel_loop3A_314, %parallel_loop3A_315] {strides = array<i32>} : memref<8x2048xf32, #tpu.memory_space<vmem>>, vector<16xf32>,
        %parallel_loop3A_317 = arith.constant 6 : i32
        %parallel_loop3A_318 = arith.index_cast %parallel_loop3A_317 : i32 to index
        %parallel_loop3A_319 = arith.index_cast %parallel_loop3A_312 : i32 to index
        %parallel_loop3A_320 = tpu.vector_load %arg10[%parallel_loop3A_318, %parallel_loop3A_319] {strides = array<i32>} : memref<8x2048xf32, #tpu.memory_space<vmem>>, vector<16xf32>,
        %parallel_loop3A_321 = math.absf %parallel_loop3A_320 : vector<16xf32>
        %parallel_loop3A_322 = arith.mulf %parallel_loop3A_316, %get3A_201 : vector<16xf32>
        %parallel_loop3A_323 = arith.addf %parallel_loop3A_322, %get3A_197 : vector<16xf32>
        %parallel_loop3A_324 = arith.fptosi %parallel_loop3A_323 : vector<16xf32> to vector<16xi32>
        %parallel_loop3A_325 = tpu.vector_load_idx %arg12[%broadcast_in_dim3A_194, %parallel_loop3A_324] : memref<1x32xf32, #tpu.memory_space<vmem>>[vector<16xi32>, vector<16xi32>], vector<16xf32>,
        %parallel_loop3A_326 = arith.cmpf olt, %parallel_loop3A_325, %parallel_loop3A_316 : vector<16xf32>
        %parallel_loop3A_327 = arith.constant 1 : i32
        %parallel_loop3A_328 = arith.constant 0 : i32
        %parallel_loop3A_329 = vector.broadcast %parallel_loop3A_327 : i32 to vector<16xi32>
        %parallel_loop3A_330 = vector.broadcast %parallel_loop3A_328 : i32 to vector<16xi32>
        %parallel_loop3A_331 = arith.select %parallel_loop3A_326, %parallel_loop3A_329, %parallel_loop3A_330 : vector<16xi1>, vector<16xi32>
        %parallel_loop3A_332 = arith.addi %parallel_loop3A_324, %parallel_loop3A_331 : vector<16xi32>
        tpu.vector_store_idx %arg15[%parallel_loop3A_332, %iota3A], %parallel_loop3A_321 {add = true} : memref<32x16xf32, #tpu.memory_space<vmem>>[vector<16xi32>, vector<16xi32>], vector<16xf32>,
      } {sc.loop_unroll_factor = 16 : i64, sc.parallel_access}
      %parallel_loop3A_258 = arith.constant 0 : i32
      %parallel_loop3A_259 = arith.constant 2048 : i32
      %parallel_loop3A_260 = arith.constant 16 : i32
      scf.for %parallel_loop3A_312 = %parallel_loop3A_258 to %parallel_loop3A_259 step %parallel_loop3A_260  : i32 {
        %parallel_loop3A_313 = arith.constant 7 : i32
        %parallel_loop3A_314 = arith.index_cast %parallel_loop3A_313 : i32 to index
        %parallel_loop3A_315 = arith.index_cast %parallel_loop3A_312 : i32 to index
        %parallel_loop3A_316 = tpu.vector_load %arg8[%parallel_loop3A_314, %parallel_loop3A_315] {strides = array<i32>} : memref<8x2048xf32, #tpu.memory_space<vmem>>, vector<16xf32>,
        %parallel_loop3A_317 = arith.constant 7 : i32
        %parallel_loop3A_318 = arith.index_cast %parallel_loop3A_317 : i32 to index
        %parallel_loop3A_319 = arith.index_cast %parallel_loop3A_312 : i32 to index
        %parallel_loop3A_320 = tpu.vector_load %arg10[%parallel_loop3A_318, %parallel_loop3A_319] {strides = array<i32>} : memref<8x2048xf32, #tpu.memory_space<vmem>>, vector<16xf32>,
        %parallel_loop3A_321 = math.absf %parallel_loop3A_320 : vector<16xf32>
        %parallel_loop3A_322 = arith.mulf %parallel_loop3A_316, %get3A_201 : vector<16xf32>
        %parallel_loop3A_323 = arith.addf %parallel_loop3A_322, %get3A_197 : vector<16xf32>
        %parallel_loop3A_324 = arith.fptosi %parallel_loop3A_323 : vector<16xf32> to vector<16xi32>
        %parallel_loop3A_325 = tpu.vector_load_idx %arg12[%broadcast_in_dim3A_194, %parallel_loop3A_324] : memref<1x32xf32, #tpu.memory_space<vmem>>[vector<16xi32>, vector<16xi32>], vector<16xf32>,
        %parallel_loop3A_326 = arith.cmpf olt, %parallel_loop3A_325, %parallel_loop3A_316 : vector<16xf32>
        %parallel_loop3A_327 = arith.constant 1 : i32
        %parallel_loop3A_328 = arith.constant 0 : i32
        %parallel_loop3A_329 = vector.broadcast %parallel_loop3A_327 : i32 to vector<16xi32>
        %parallel_loop3A_330 = vector.broadcast %parallel_loop3A_328 : i32 to vector<16xi32>
        %parallel_loop3A_331 = arith.select %parallel_loop3A_326, %parallel_loop3A_329, %parallel_loop3A_330 : vector<16xi1>, vector<16xi32>
        %parallel_loop3A_332 = arith.addi %parallel_loop3A_324, %parallel_loop3A_331 : vector<16xi32>
        tpu.vector_store_idx %arg15[%parallel_loop3A_332, %iota3A], %parallel_loop3A_321 {add = true} : memref<32x16xf32, #tpu.memory_space<vmem>>[vector<16xi32>, vector<16xi32>], vector<16xf32>,
      } {sc.loop_unroll_factor = 16 : i64, sc.parallel_access}
      %mul3A_261 = arith.constant 2 : i32
      %mul3A_262 = arith.muli %mul3A_261, %scan3A_226 : i32
      %add3A_263 = arith.constant 2 : i32
      %add3A_264 = arith.addi %mul3A_262, %add3A_263 : i32
      %lt3A = arith.constant 32 : i32
      %lt3A_265 = arith.cmpi slt, %add3A_264, %lt3A : i32
      %convert_element_type3A = arith.extui %lt3A_265 : i1 to i32
      %cond3A = arith.constant 0 : i32
      %cond3A_266 = arith.cmpi ne, %convert_element_type3A, %cond3A : i32
      scf.if %cond3A_266 {
        %mul3A_312 = arith.constant 2 : i32
        %mul3A_313 = arith.muli %mul3A_312, %scan3A_226 : i32
        %add3A_314 = arith.constant 2 : i32
        %add3A_315 = arith.addi %mul3A_313, %add3A_314 : i32
        %jit3A = arith.constant 2 : i32
        %div3A = arith.divsi %add3A_315, %jit3A : i32
        %sign3A = arith.constant 0 : i32
        %sign3A_316 = arith.cmpi sgt, %add3A_315, %sign3A : i32
        %sign3A_317 = arith.extui %sign3A_316 : i1 to i32
        %sign3A_318 = arith.constant 0 : i32
        %sign3A_319 = arith.cmpi slt, %add3A_315, %sign3A_318 : i32
        %sign3A_320 = arith.extui %sign3A_319 : i1 to i32
        %sign3A_321 = arith.subi %sign3A_317, %sign3A_320 : i32
        %sign3A_322 = arith.constant 0 : i32
        %sign3A_323 = arith.cmpi sgt, %jit3A, %sign3A_322 : i32
        %sign3A_324 = arith.extui %sign3A_323 : i1 to i32
        %sign3A_325 = arith.constant 0 : i32
        %sign3A_326 = arith.cmpi slt, %jit3A, %sign3A_325 : i32
        %sign3A_327 = arith.extui %sign3A_326 : i1 to i32
        %sign3A_328 = arith.subi %sign3A_324, %sign3A_327 : i32
        %ne3A = arith.cmpi ne, %sign3A_321, %sign3A_328 : i32
        %rem3A = arith.remsi %add3A_315, %jit3A : i32
        %ne3A_329 = arith.constant 0 : i32
        %ne3A_330 = arith.cmpi ne, %rem3A, %ne3A_329 : i32
        %and3A = arith.andi %ne3A, %ne3A_330 : i1
        %sub3A = arith.constant 1 : i32
        %sub3A_331 = arith.subi %div3A, %sub3A : i32
        %select_n3A = arith.select %and3A, %sub3A_331, %div3A : i32
        %mul3A_332 = arith.constant 8 : i32
        %mul3A_333 = arith.muli %select_n3A, %mul3A_332 : i32
        %add3A_334 = arith.addi %mul3A_2, %mul3A_333 : i32
        %jit3A_335 = arith.constant 2 : i32
        %eq3A = arith.constant 0 : i32
        %eq3A_336 = arith.cmpi eq, %jit3A_335, %eq3A : i32
        %jit3A_337 = arith.constant 1 : i32
        %select_n3A_338 = arith.select %eq3A_336, %jit3A_337, %jit3A_335 : i32
        %rem3A_339 = arith.remsi %add3A_315, %select_n3A_338 : i32
        %ne3A_340 = arith.constant 0 : i32
        %ne3A_341 = arith.cmpi ne, %rem3A_339, %ne3A_340 : i32
        %lt3A_342 = arith.constant 0 : i32
        %lt3A_343 = arith.cmpi slt, %rem3A_339, %lt3A_342 : i32
        %lt3A_344 = arith.constant 0 : i32
        %lt3A_345 = arith.cmpi slt, %select_n3A_338, %lt3A_344 : i32
        %ne3A_346 = arith.xori %lt3A_343, %lt3A_345 : i1
        %and3A_347 = arith.andi %ne3A_346, %ne3A_341 : i1
        %add3A_348 = arith.addi %rem3A_339, %select_n3A_338 : i32
        %select_n3A_349 = arith.select %and3A_347, %add3A_348, %rem3A_339 : i32
        %mul3A_350 = arith.constant 2048 : i32
        %mul3A_351 = arith.muli %select_n3A_349, %mul3A_350 : i32
        %dma_start3A_352 = tpu.memref_slice %arg3[%add3A_334, %mul3A_351] : memref<4096x4096xf32, #tpu.memory_space<hbm>> -> memref<8x2048xf32, #tpu.memory_space<hbm>>
        %dma_start3A_353 = tpu.memref_slice %arg3[%add3A_334, %mul3A_351] : memref<4096x4096xf32, #tpu.memory_space<hbm>> -> memref<8x2048xf32, #tpu.memory_space<hbm>>
        tpu.enqueue_dma source(%dma_start3A_353 : memref<8x2048xf32, #tpu.memory_space<hbm>>) target(%arg8 : memref<8x2048xf32, #tpu.memory_space<vmem>>) target_semaphore(%arg16 : memref<!tpu.dma_semaphore, #tpu.memory_space<semaphore_mem>>)
        %dma_start3A_354 = tpu.memref_slice %arg2[%add3A_334, %mul3A_351] : memref<4096x4096xf32, #tpu.memory_space<hbm>> -> memref<8x2048xf32, #tpu.memory_space<hbm>>
        %dma_start3A_355 = tpu.memref_slice %arg2[%add3A_334, %mul3A_351] : memref<4096x4096xf32, #tpu.memory_space<hbm>> -> memref<8x2048xf32, #tpu.memory_space<hbm>>
        tpu.enqueue_dma source(%dma_start3A_355 : memref<8x2048xf32, #tpu.memory_space<hbm>>) target(%arg10 : memref<8x2048xf32, #tpu.memory_space<vmem>>) target_semaphore(%arg18 : memref<!tpu.dma_semaphore, #tpu.memory_space<semaphore_mem>>)
      } else {
      }
      %dma_wait3A_267 = arith.constant 0 : i32
      %dma_wait3A_268 = arith.constant 0 : i32
      %dma_wait3A_269 = tpu.memref_slice %arg3[%dma_wait3A_267, %dma_wait3A_268] : memref<4096x4096xf32, #tpu.memory_space<hbm>> -> memref<8x2048xf32, #tpu.memory_space<hbm>>
      %dma_wait3A_270 = arith.constant 0 : i32
      %dma_wait3A_271 = arith.constant 0 : i32
      %dma_wait3A_272 = tpu.memref_slice %arg3[%dma_wait3A_270, %dma_wait3A_271] : memref<4096x4096xf32, #tpu.memory_space<hbm>> -> memref<8x2048xf32, #tpu.memory_space<hbm>>
      tpu.wait_dma2 semaphore(%arg17 : memref<!tpu.dma_semaphore, #tpu.memory_space<semaphore_mem>>) src(%dma_wait3A_272 : memref<8x2048xf32, #tpu.memory_space<hbm>>) dst(%arg9 : memref<8x2048xf32, #tpu.memory_space<vmem>>)
      %dma_wait3A_273 = arith.constant 0 : i32
      %dma_wait3A_274 = arith.constant 0 : i32
      %dma_wait3A_275 = tpu.memref_slice %arg2[%dma_wait3A_273, %dma_wait3A_274] : memref<4096x4096xf32, #tpu.memory_space<hbm>> -> memref<8x2048xf32, #tpu.memory_space<hbm>>
      %dma_wait3A_276 = arith.constant 0 : i32
      %dma_wait3A_277 = arith.constant 0 : i32
      %dma_wait3A_278 = tpu.memref_slice %arg2[%dma_wait3A_276, %dma_wait3A_277] : memref<4096x4096xf32, #tpu.memory_space<hbm>> -> memref<8x2048xf32, #tpu.memory_space<hbm>>
      tpu.wait_dma2 semaphore(%arg19 : memref<!tpu.dma_semaphore, #tpu.memory_space<semaphore_mem>>) src(%dma_wait3A_278 : memref<8x2048xf32, #tpu.memory_space<hbm>>) dst(%arg11 : memref<8x2048xf32, #tpu.memory_space<vmem>>)
      %parallel_loop3A_279 = arith.constant 0 : i32
      %parallel_loop3A_280 = arith.constant 2048 : i32
      %parallel_loop3A_281 = arith.constant 16 : i32
      scf.for %parallel_loop3A_312 = %parallel_loop3A_279 to %parallel_loop3A_280 step %parallel_loop3A_281  : i32 {
        %parallel_loop3A_313 = arith.constant 0 : i32
        %parallel_loop3A_314 = arith.index_cast %parallel_loop3A_313 : i32 to index
        %parallel_loop3A_315 = arith.index_cast %parallel_loop3A_312 : i32 to index
        %parallel_loop3A_316 = tpu.vector_load %arg9[%parallel_loop3A_314, %parallel_loop3A_315] {strides = array<i32>} : memref<8x2048xf32, #tpu.memory_space<vmem>>, vector<16xf32>,
        %parallel_loop3A_317 = arith.constant 0 : i32
        %parallel_loop3A_318 = arith.index_cast %parallel_loop3A_317 : i32 to index
        %parallel_loop3A_319 = arith.index_cast %parallel_loop3A_312 : i32 to index
        %parallel_loop3A_320 = tpu.vector_load %arg11[%parallel_loop3A_318, %parallel_loop3A_319] {strides = array<i32>} : memref<8x2048xf32, #tpu.memory_space<vmem>>, vector<16xf32>,
        %parallel_loop3A_321 = math.absf %parallel_loop3A_320 : vector<16xf32>
        %parallel_loop3A_322 = arith.mulf %parallel_loop3A_316, %get3A_201 : vector<16xf32>
        %parallel_loop3A_323 = arith.addf %parallel_loop3A_322, %get3A_197 : vector<16xf32>
        %parallel_loop3A_324 = arith.fptosi %parallel_loop3A_323 : vector<16xf32> to vector<16xi32>
        %parallel_loop3A_325 = tpu.vector_load_idx %arg12[%broadcast_in_dim3A_194, %parallel_loop3A_324] : memref<1x32xf32, #tpu.memory_space<vmem>>[vector<16xi32>, vector<16xi32>], vector<16xf32>,
        %parallel_loop3A_326 = arith.cmpf olt, %parallel_loop3A_325, %parallel_loop3A_316 : vector<16xf32>
        %parallel_loop3A_327 = arith.constant 1 : i32
        %parallel_loop3A_328 = arith.constant 0 : i32
        %parallel_loop3A_329 = vector.broadcast %parallel_loop3A_327 : i32 to vector<16xi32>
        %parallel_loop3A_330 = vector.broadcast %parallel_loop3A_328 : i32 to vector<16xi32>
        %parallel_loop3A_331 = arith.select %parallel_loop3A_326, %parallel_loop3A_329, %parallel_loop3A_330 : vector<16xi1>, vector<16xi32>
        %parallel_loop3A_332 = arith.addi %parallel_loop3A_324, %parallel_loop3A_331 : vector<16xi32>
        tpu.vector_store_idx %arg15[%parallel_loop3A_332, %iota3A], %parallel_loop3A_321 {add = true} : memref<32x16xf32, #tpu.memory_space<vmem>>[vector<16xi32>, vector<16xi32>], vector<16xf32>,
      } {sc.loop_unroll_factor = 16 : i64, sc.parallel_access}
      %parallel_loop3A_282 = arith.constant 0 : i32
      %parallel_loop3A_283 = arith.constant 2048 : i32
      %parallel_loop3A_284 = arith.constant 16 : i32
      scf.for %parallel_loop3A_312 = %parallel_loop3A_282 to %parallel_loop3A_283 step %parallel_loop3A_284  : i32 {
        %parallel_loop3A_313 = arith.constant 1 : i32
        %parallel_loop3A_314 = arith.index_cast %parallel_loop3A_313 : i32 to index
        %parallel_loop3A_315 = arith.index_cast %parallel_loop3A_312 : i32 to index
        %parallel_loop3A_316 = tpu.vector_load %arg9[%parallel_loop3A_314, %parallel_loop3A_315] {strides = array<i32>} : memref<8x2048xf32, #tpu.memory_space<vmem>>, vector<16xf32>,
        %parallel_loop3A_317 = arith.constant 1 : i32
        %parallel_loop3A_318 = arith.index_cast %parallel_loop3A_317 : i32 to index
        %parallel_loop3A_319 = arith.index_cast %parallel_loop3A_312 : i32 to index
        %parallel_loop3A_320 = tpu.vector_load %arg11[%parallel_loop3A_318, %parallel_loop3A_319] {strides = array<i32>} : memref<8x2048xf32, #tpu.memory_space<vmem>>, vector<16xf32>,
        %parallel_loop3A_321 = math.absf %parallel_loop3A_320 : vector<16xf32>
        %parallel_loop3A_322 = arith.mulf %parallel_loop3A_316, %get3A_201 : vector<16xf32>
        %parallel_loop3A_323 = arith.addf %parallel_loop3A_322, %get3A_197 : vector<16xf32>
        %parallel_loop3A_324 = arith.fptosi %parallel_loop3A_323 : vector<16xf32> to vector<16xi32>
        %parallel_loop3A_325 = tpu.vector_load_idx %arg12[%broadcast_in_dim3A_194, %parallel_loop3A_324] : memref<1x32xf32, #tpu.memory_space<vmem>>[vector<16xi32>, vector<16xi32>], vector<16xf32>,
        %parallel_loop3A_326 = arith.cmpf olt, %parallel_loop3A_325, %parallel_loop3A_316 : vector<16xf32>
        %parallel_loop3A_327 = arith.constant 1 : i32
        %parallel_loop3A_328 = arith.constant 0 : i32
        %parallel_loop3A_329 = vector.broadcast %parallel_loop3A_327 : i32 to vector<16xi32>
        %parallel_loop3A_330 = vector.broadcast %parallel_loop3A_328 : i32 to vector<16xi32>
        %parallel_loop3A_331 = arith.select %parallel_loop3A_326, %parallel_loop3A_329, %parallel_loop3A_330 : vector<16xi1>, vector<16xi32>
        %parallel_loop3A_332 = arith.addi %parallel_loop3A_324, %parallel_loop3A_331 : vector<16xi32>
        tpu.vector_store_idx %arg15[%parallel_loop3A_332, %iota3A], %parallel_loop3A_321 {add = true} : memref<32x16xf32, #tpu.memory_space<vmem>>[vector<16xi32>, vector<16xi32>], vector<16xf32>,
      } {sc.loop_unroll_factor = 16 : i64, sc.parallel_access}
      %parallel_loop3A_285 = arith.constant 0 : i32
      %parallel_loop3A_286 = arith.constant 2048 : i32
      %parallel_loop3A_287 = arith.constant 16 : i32
      scf.for %parallel_loop3A_312 = %parallel_loop3A_285 to %parallel_loop3A_286 step %parallel_loop3A_287  : i32 {
        %parallel_loop3A_313 = arith.constant 2 : i32
        %parallel_loop3A_314 = arith.index_cast %parallel_loop3A_313 : i32 to index
        %parallel_loop3A_315 = arith.index_cast %parallel_loop3A_312 : i32 to index
        %parallel_loop3A_316 = tpu.vector_load %arg9[%parallel_loop3A_314, %parallel_loop3A_315] {strides = array<i32>} : memref<8x2048xf32, #tpu.memory_space<vmem>>, vector<16xf32>,
        %parallel_loop3A_317 = arith.constant 2 : i32
        %parallel_loop3A_318 = arith.index_cast %parallel_loop3A_317 : i32 to index
        %parallel_loop3A_319 = arith.index_cast %parallel_loop3A_312 : i32 to index
        %parallel_loop3A_320 = tpu.vector_load %arg11[%parallel_loop3A_318, %parallel_loop3A_319] {strides = array<i32>} : memref<8x2048xf32, #tpu.memory_space<vmem>>, vector<16xf32>,
        %parallel_loop3A_321 = math.absf %parallel_loop3A_320 : vector<16xf32>
        %parallel_loop3A_322 = arith.mulf %parallel_loop3A_316, %get3A_201 : vector<16xf32>
        %parallel_loop3A_323 = arith.addf %parallel_loop3A_322, %get3A_197 : vector<16xf32>
        %parallel_loop3A_324 = arith.fptosi %parallel_loop3A_323 : vector<16xf32> to vector<16xi32>
        %parallel_loop3A_325 = tpu.vector_load_idx %arg12[%broadcast_in_dim3A_194, %parallel_loop3A_324] : memref<1x32xf32, #tpu.memory_space<vmem>>[vector<16xi32>, vector<16xi32>], vector<16xf32>,
        %parallel_loop3A_326 = arith.cmpf olt, %parallel_loop3A_325, %parallel_loop3A_316 : vector<16xf32>
        %parallel_loop3A_327 = arith.constant 1 : i32
        %parallel_loop3A_328 = arith.constant 0 : i32
        %parallel_loop3A_329 = vector.broadcast %parallel_loop3A_327 : i32 to vector<16xi32>
        %parallel_loop3A_330 = vector.broadcast %parallel_loop3A_328 : i32 to vector<16xi32>
        %parallel_loop3A_331 = arith.select %parallel_loop3A_326, %parallel_loop3A_329, %parallel_loop3A_330 : vector<16xi1>, vector<16xi32>
        %parallel_loop3A_332 = arith.addi %parallel_loop3A_324, %parallel_loop3A_331 : vector<16xi32>
        tpu.vector_store_idx %arg15[%parallel_loop3A_332, %iota3A], %parallel_loop3A_321 {add = true} : memref<32x16xf32, #tpu.memory_space<vmem>>[vector<16xi32>, vector<16xi32>], vector<16xf32>,
      } {sc.loop_unroll_factor = 16 : i64, sc.parallel_access}
      %parallel_loop3A_288 = arith.constant 0 : i32
      %parallel_loop3A_289 = arith.constant 2048 : i32
      %parallel_loop3A_290 = arith.constant 16 : i32
      scf.for %parallel_loop3A_312 = %parallel_loop3A_288 to %parallel_loop3A_289 step %parallel_loop3A_290  : i32 {
        %parallel_loop3A_313 = arith.constant 3 : i32
        %parallel_loop3A_314 = arith.index_cast %parallel_loop3A_313 : i32 to index
        %parallel_loop3A_315 = arith.index_cast %parallel_loop3A_312 : i32 to index
        %parallel_loop3A_316 = tpu.vector_load %arg9[%parallel_loop3A_314, %parallel_loop3A_315] {strides = array<i32>} : memref<8x2048xf32, #tpu.memory_space<vmem>>, vector<16xf32>,
        %parallel_loop3A_317 = arith.constant 3 : i32
        %parallel_loop3A_318 = arith.index_cast %parallel_loop3A_317 : i32 to index
        %parallel_loop3A_319 = arith.index_cast %parallel_loop3A_312 : i32 to index
        %parallel_loop3A_320 = tpu.vector_load %arg11[%parallel_loop3A_318, %parallel_loop3A_319] {strides = array<i32>} : memref<8x2048xf32, #tpu.memory_space<vmem>>, vector<16xf32>,
        %parallel_loop3A_321 = math.absf %parallel_loop3A_320 : vector<16xf32>
        %parallel_loop3A_322 = arith.mulf %parallel_loop3A_316, %get3A_201 : vector<16xf32>
        %parallel_loop3A_323 = arith.addf %parallel_loop3A_322, %get3A_197 : vector<16xf32>
        %parallel_loop3A_324 = arith.fptosi %parallel_loop3A_323 : vector<16xf32> to vector<16xi32>
        %parallel_loop3A_325 = tpu.vector_load_idx %arg12[%broadcast_in_dim3A_194, %parallel_loop3A_324] : memref<1x32xf32, #tpu.memory_space<vmem>>[vector<16xi32>, vector<16xi32>], vector<16xf32>,
        %parallel_loop3A_326 = arith.cmpf olt, %parallel_loop3A_325, %parallel_loop3A_316 : vector<16xf32>
        %parallel_loop3A_327 = arith.constant 1 : i32
        %parallel_loop3A_328 = arith.constant 0 : i32
        %parallel_loop3A_329 = vector.broadcast %parallel_loop3A_327 : i32 to vector<16xi32>
        %parallel_loop3A_330 = vector.broadcast %parallel_loop3A_328 : i32 to vector<16xi32>
        %parallel_loop3A_331 = arith.select %parallel_loop3A_326, %parallel_loop3A_329, %parallel_loop3A_330 : vector<16xi1>, vector<16xi32>
        %parallel_loop3A_332 = arith.addi %parallel_loop3A_324, %parallel_loop3A_331 : vector<16xi32>
        tpu.vector_store_idx %arg15[%parallel_loop3A_332, %iota3A], %parallel_loop3A_321 {add = true} : memref<32x16xf32, #tpu.memory_space<vmem>>[vector<16xi32>, vector<16xi32>], vector<16xf32>,
      } {sc.loop_unroll_factor = 16 : i64, sc.parallel_access}
      %parallel_loop3A_291 = arith.constant 0 : i32
      %parallel_loop3A_292 = arith.constant 2048 : i32
      %parallel_loop3A_293 = arith.constant 16 : i32
      scf.for %parallel_loop3A_312 = %parallel_loop3A_291 to %parallel_loop3A_292 step %parallel_loop3A_293  : i32 {
        %parallel_loop3A_313 = arith.constant 4 : i32
        %parallel_loop3A_314 = arith.index_cast %parallel_loop3A_313 : i32 to index
        %parallel_loop3A_315 = arith.index_cast %parallel_loop3A_312 : i32 to index
        %parallel_loop3A_316 = tpu.vector_load %arg9[%parallel_loop3A_314, %parallel_loop3A_315] {strides = array<i32>} : memref<8x2048xf32, #tpu.memory_space<vmem>>, vector<16xf32>,
        %parallel_loop3A_317 = arith.constant 4 : i32
        %parallel_loop3A_318 = arith.index_cast %parallel_loop3A_317 : i32 to index
        %parallel_loop3A_319 = arith.index_cast %parallel_loop3A_312 : i32 to index
        %parallel_loop3A_320 = tpu.vector_load %arg11[%parallel_loop3A_318, %parallel_loop3A_319] {strides = array<i32>} : memref<8x2048xf32, #tpu.memory_space<vmem>>, vector<16xf32>,
        %parallel_loop3A_321 = math.absf %parallel_loop3A_320 : vector<16xf32>
        %parallel_loop3A_322 = arith.mulf %parallel_loop3A_316, %get3A_201 : vector<16xf32>
        %parallel_loop3A_323 = arith.addf %parallel_loop3A_322, %get3A_197 : vector<16xf32>
        %parallel_loop3A_324 = arith.fptosi %parallel_loop3A_323 : vector<16xf32> to vector<16xi32>
        %parallel_loop3A_325 = tpu.vector_load_idx %arg12[%broadcast_in_dim3A_194, %parallel_loop3A_324] : memref<1x32xf32, #tpu.memory_space<vmem>>[vector<16xi32>, vector<16xi32>], vector<16xf32>,
        %parallel_loop3A_326 = arith.cmpf olt, %parallel_loop3A_325, %parallel_loop3A_316 : vector<16xf32>
        %parallel_loop3A_327 = arith.constant 1 : i32
        %parallel_loop3A_328 = arith.constant 0 : i32
        %parallel_loop3A_329 = vector.broadcast %parallel_loop3A_327 : i32 to vector<16xi32>
        %parallel_loop3A_330 = vector.broadcast %parallel_loop3A_328 : i32 to vector<16xi32>
        %parallel_loop3A_331 = arith.select %parallel_loop3A_326, %parallel_loop3A_329, %parallel_loop3A_330 : vector<16xi1>, vector<16xi32>
        %parallel_loop3A_332 = arith.addi %parallel_loop3A_324, %parallel_loop3A_331 : vector<16xi32>
        tpu.vector_store_idx %arg15[%parallel_loop3A_332, %iota3A], %parallel_loop3A_321 {add = true} : memref<32x16xf32, #tpu.memory_space<vmem>>[vector<16xi32>, vector<16xi32>], vector<16xf32>,
      } {sc.loop_unroll_factor = 16 : i64, sc.parallel_access}
      %parallel_loop3A_294 = arith.constant 0 : i32
      %parallel_loop3A_295 = arith.constant 2048 : i32
      %parallel_loop3A_296 = arith.constant 16 : i32
      scf.for %parallel_loop3A_312 = %parallel_loop3A_294 to %parallel_loop3A_295 step %parallel_loop3A_296  : i32 {
        %parallel_loop3A_313 = arith.constant 5 : i32
        %parallel_loop3A_314 = arith.index_cast %parallel_loop3A_313 : i32 to index
        %parallel_loop3A_315 = arith.index_cast %parallel_loop3A_312 : i32 to index
        %parallel_loop3A_316 = tpu.vector_load %arg9[%parallel_loop3A_314, %parallel_loop3A_315] {strides = array<i32>} : memref<8x2048xf32, #tpu.memory_space<vmem>>, vector<16xf32>,
        %parallel_loop3A_317 = arith.constant 5 : i32
        %parallel_loop3A_318 = arith.index_cast %parallel_loop3A_317 : i32 to index
        %parallel_loop3A_319 = arith.index_cast %parallel_loop3A_312 : i32 to index
        %parallel_loop3A_320 = tpu.vector_load %arg11[%parallel_loop3A_318, %parallel_loop3A_319] {strides = array<i32>} : memref<8x2048xf32, #tpu.memory_space<vmem>>, vector<16xf32>,
        %parallel_loop3A_321 = math.absf %parallel_loop3A_320 : vector<16xf32>
        %parallel_loop3A_322 = arith.mulf %parallel_loop3A_316, %get3A_201 : vector<16xf32>
        %parallel_loop3A_323 = arith.addf %parallel_loop3A_322, %get3A_197 : vector<16xf32>
        %parallel_loop3A_324 = arith.fptosi %parallel_loop3A_323 : vector<16xf32> to vector<16xi32>
        %parallel_loop3A_325 = tpu.vector_load_idx %arg12[%broadcast_in_dim3A_194, %parallel_loop3A_324] : memref<1x32xf32, #tpu.memory_space<vmem>>[vector<16xi32>, vector<16xi32>], vector<16xf32>,
        %parallel_loop3A_326 = arith.cmpf olt, %parallel_loop3A_325, %parallel_loop3A_316 : vector<16xf32>
        %parallel_loop3A_327 = arith.constant 1 : i32
        %parallel_loop3A_328 = arith.constant 0 : i32
        %parallel_loop3A_329 = vector.broadcast %parallel_loop3A_327 : i32 to vector<16xi32>
        %parallel_loop3A_330 = vector.broadcast %parallel_loop3A_328 : i32 to vector<16xi32>
        %parallel_loop3A_331 = arith.select %parallel_loop3A_326, %parallel_loop3A_329, %parallel_loop3A_330 : vector<16xi1>, vector<16xi32>
        %parallel_loop3A_332 = arith.addi %parallel_loop3A_324, %parallel_loop3A_331 : vector<16xi32>
        tpu.vector_store_idx %arg15[%parallel_loop3A_332, %iota3A], %parallel_loop3A_321 {add = true} : memref<32x16xf32, #tpu.memory_space<vmem>>[vector<16xi32>, vector<16xi32>], vector<16xf32>,
      } {sc.loop_unroll_factor = 16 : i64, sc.parallel_access}
      %parallel_loop3A_297 = arith.constant 0 : i32
      %parallel_loop3A_298 = arith.constant 2048 : i32
      %parallel_loop3A_299 = arith.constant 16 : i32
      scf.for %parallel_loop3A_312 = %parallel_loop3A_297 to %parallel_loop3A_298 step %parallel_loop3A_299  : i32 {
        %parallel_loop3A_313 = arith.constant 6 : i32
        %parallel_loop3A_314 = arith.index_cast %parallel_loop3A_313 : i32 to index
        %parallel_loop3A_315 = arith.index_cast %parallel_loop3A_312 : i32 to index
        %parallel_loop3A_316 = tpu.vector_load %arg9[%parallel_loop3A_314, %parallel_loop3A_315] {strides = array<i32>} : memref<8x2048xf32, #tpu.memory_space<vmem>>, vector<16xf32>,
        %parallel_loop3A_317 = arith.constant 6 : i32
        %parallel_loop3A_318 = arith.index_cast %parallel_loop3A_317 : i32 to index
        %parallel_loop3A_319 = arith.index_cast %parallel_loop3A_312 : i32 to index
        %parallel_loop3A_320 = tpu.vector_load %arg11[%parallel_loop3A_318, %parallel_loop3A_319] {strides = array<i32>} : memref<8x2048xf32, #tpu.memory_space<vmem>>, vector<16xf32>,
        %parallel_loop3A_321 = math.absf %parallel_loop3A_320 : vector<16xf32>
        %parallel_loop3A_322 = arith.mulf %parallel_loop3A_316, %get3A_201 : vector<16xf32>
        %parallel_loop3A_323 = arith.addf %parallel_loop3A_322, %get3A_197 : vector<16xf32>
        %parallel_loop3A_324 = arith.fptosi %parallel_loop3A_323 : vector<16xf32> to vector<16xi32>
        %parallel_loop3A_325 = tpu.vector_load_idx %arg12[%broadcast_in_dim3A_194, %parallel_loop3A_324] : memref<1x32xf32, #tpu.memory_space<vmem>>[vector<16xi32>, vector<16xi32>], vector<16xf32>,
        %parallel_loop3A_326 = arith.cmpf olt, %parallel_loop3A_325, %parallel_loop3A_316 : vector<16xf32>
        %parallel_loop3A_327 = arith.constant 1 : i32
        %parallel_loop3A_328 = arith.constant 0 : i32
        %parallel_loop3A_329 = vector.broadcast %parallel_loop3A_327 : i32 to vector<16xi32>
        %parallel_loop3A_330 = vector.broadcast %parallel_loop3A_328 : i32 to vector<16xi32>
        %parallel_loop3A_331 = arith.select %parallel_loop3A_326, %parallel_loop3A_329, %parallel_loop3A_330 : vector<16xi1>, vector<16xi32>
        %parallel_loop3A_332 = arith.addi %parallel_loop3A_324, %parallel_loop3A_331 : vector<16xi32>
        tpu.vector_store_idx %arg15[%parallel_loop3A_332, %iota3A], %parallel_loop3A_321 {add = true} : memref<32x16xf32, #tpu.memory_space<vmem>>[vector<16xi32>, vector<16xi32>], vector<16xf32>,
      } {sc.loop_unroll_factor = 16 : i64, sc.parallel_access}
      %parallel_loop3A_300 = arith.constant 0 : i32
      %parallel_loop3A_301 = arith.constant 2048 : i32
      %parallel_loop3A_302 = arith.constant 16 : i32
      scf.for %parallel_loop3A_312 = %parallel_loop3A_300 to %parallel_loop3A_301 step %parallel_loop3A_302  : i32 {
        %parallel_loop3A_313 = arith.constant 7 : i32
        %parallel_loop3A_314 = arith.index_cast %parallel_loop3A_313 : i32 to index
        %parallel_loop3A_315 = arith.index_cast %parallel_loop3A_312 : i32 to index
        %parallel_loop3A_316 = tpu.vector_load %arg9[%parallel_loop3A_314, %parallel_loop3A_315] {strides = array<i32>} : memref<8x2048xf32, #tpu.memory_space<vmem>>, vector<16xf32>,
        %parallel_loop3A_317 = arith.constant 7 : i32
        %parallel_loop3A_318 = arith.index_cast %parallel_loop3A_317 : i32 to index
        %parallel_loop3A_319 = arith.index_cast %parallel_loop3A_312 : i32 to index
        %parallel_loop3A_320 = tpu.vector_load %arg11[%parallel_loop3A_318, %parallel_loop3A_319] {strides = array<i32>} : memref<8x2048xf32, #tpu.memory_space<vmem>>, vector<16xf32>,
        %parallel_loop3A_321 = math.absf %parallel_loop3A_320 : vector<16xf32>
        %parallel_loop3A_322 = arith.mulf %parallel_loop3A_316, %get3A_201 : vector<16xf32>
        %parallel_loop3A_323 = arith.addf %parallel_loop3A_322, %get3A_197 : vector<16xf32>
        %parallel_loop3A_324 = arith.fptosi %parallel_loop3A_323 : vector<16xf32> to vector<16xi32>
        %parallel_loop3A_325 = tpu.vector_load_idx %arg12[%broadcast_in_dim3A_194, %parallel_loop3A_324] : memref<1x32xf32, #tpu.memory_space<vmem>>[vector<16xi32>, vector<16xi32>], vector<16xf32>,
        %parallel_loop3A_326 = arith.cmpf olt, %parallel_loop3A_325, %parallel_loop3A_316 : vector<16xf32>
        %parallel_loop3A_327 = arith.constant 1 : i32
        %parallel_loop3A_328 = arith.constant 0 : i32
        %parallel_loop3A_329 = vector.broadcast %parallel_loop3A_327 : i32 to vector<16xi32>
        %parallel_loop3A_330 = vector.broadcast %parallel_loop3A_328 : i32 to vector<16xi32>
        %parallel_loop3A_331 = arith.select %parallel_loop3A_326, %parallel_loop3A_329, %parallel_loop3A_330 : vector<16xi1>, vector<16xi32>
        %parallel_loop3A_332 = arith.addi %parallel_loop3A_324, %parallel_loop3A_331 : vector<16xi32>
        tpu.vector_store_idx %arg15[%parallel_loop3A_332, %iota3A], %parallel_loop3A_321 {add = true} : memref<32x16xf32, #tpu.memory_space<vmem>>[vector<16xi32>, vector<16xi32>], vector<16xf32>,
      } {sc.loop_unroll_factor = 16 : i64, sc.parallel_access}
      %mul3A_303 = arith.constant 2 : i32
      %mul3A_304 = arith.muli %mul3A_303, %scan3A_226 : i32
      %add3A_305 = arith.constant 3 : i32
      %add3A_306 = arith.addi %mul3A_304, %add3A_305 : i32
      %lt3A_307 = arith.constant 32 : i32
      %lt3A_308 = arith.cmpi slt, %add3A_306, %lt3A_307 : i32
      %convert_element_type3A_309 = arith.extui %lt3A_308 : i1 to i32
      %cond3A_310 = arith.constant 0 : i32
      %cond3A_311 = arith.cmpi ne, %convert_element_type3A_309, %cond3A_310 : i32
      scf.if %cond3A_311 {
        %mul3A_312 = arith.constant 2 : i32
        %mul3A_313 = arith.muli %mul3A_312, %scan3A_226 : i32
        %add3A_314 = arith.constant 3 : i32
        %add3A_315 = arith.addi %mul3A_313, %add3A_314 : i32
        %jit3A = arith.constant 2 : i32
        %div3A = arith.divsi %add3A_315, %jit3A : i32
        %sign3A = arith.constant 0 : i32
        %sign3A_316 = arith.cmpi sgt, %add3A_315, %sign3A : i32
        %sign3A_317 = arith.extui %sign3A_316 : i1 to i32
        %sign3A_318 = arith.constant 0 : i32
        %sign3A_319 = arith.cmpi slt, %add3A_315, %sign3A_318 : i32
        %sign3A_320 = arith.extui %sign3A_319 : i1 to i32
        %sign3A_321 = arith.subi %sign3A_317, %sign3A_320 : i32
        %sign3A_322 = arith.constant 0 : i32
        %sign3A_323 = arith.cmpi sgt, %jit3A, %sign3A_322 : i32
        %sign3A_324 = arith.extui %sign3A_323 : i1 to i32
        %sign3A_325 = arith.constant 0 : i32
        %sign3A_326 = arith.cmpi slt, %jit3A, %sign3A_325 : i32
        %sign3A_327 = arith.extui %sign3A_326 : i1 to i32
        %sign3A_328 = arith.subi %sign3A_324, %sign3A_327 : i32
        %ne3A = arith.cmpi ne, %sign3A_321, %sign3A_328 : i32
        %rem3A = arith.remsi %add3A_315, %jit3A : i32
        %ne3A_329 = arith.constant 0 : i32
        %ne3A_330 = arith.cmpi ne, %rem3A, %ne3A_329 : i32
        %and3A = arith.andi %ne3A, %ne3A_330 : i1
        %sub3A = arith.constant 1 : i32
        %sub3A_331 = arith.subi %div3A, %sub3A : i32
        %select_n3A = arith.select %and3A, %sub3A_331, %div3A : i32
        %mul3A_332 = arith.constant 8 : i32
        %mul3A_333 = arith.muli %select_n3A, %mul3A_332 : i32
        %add3A_334 = arith.addi %mul3A_2, %mul3A_333 : i32
        %jit3A_335 = arith.constant 2 : i32
        %eq3A = arith.constant 0 : i32
        %eq3A_336 = arith.cmpi eq, %jit3A_335, %eq3A : i32
        %jit3A_337 = arith.constant 1 : i32
        %select_n3A_338 = arith.select %eq3A_336, %jit3A_337, %jit3A_335 : i32
        %rem3A_339 = arith.remsi %add3A_315, %select_n3A_338 : i32
        %ne3A_340 = arith.constant 0 : i32
        %ne3A_341 = arith.cmpi ne, %rem3A_339, %ne3A_340 : i32
        %lt3A_342 = arith.constant 0 : i32
        %lt3A_343 = arith.cmpi slt, %rem3A_339, %lt3A_342 : i32
        %lt3A_344 = arith.constant 0 : i32
        %lt3A_345 = arith.cmpi slt, %select_n3A_338, %lt3A_344 : i32
        %ne3A_346 = arith.xori %lt3A_343, %lt3A_345 : i1
        %and3A_347 = arith.andi %ne3A_346, %ne3A_341 : i1
        %add3A_348 = arith.addi %rem3A_339, %select_n3A_338 : i32
        %select_n3A_349 = arith.select %and3A_347, %add3A_348, %rem3A_339 : i32
        %mul3A_350 = arith.constant 2048 : i32
        %mul3A_351 = arith.muli %select_n3A_349, %mul3A_350 : i32
        %dma_start3A_352 = tpu.memref_slice %arg3[%add3A_334, %mul3A_351] : memref<4096x4096xf32, #tpu.memory_space<hbm>> -> memref<8x2048xf32, #tpu.memory_space<hbm>>
        %dma_start3A_353 = tpu.memref_slice %arg3[%add3A_334, %mul3A_351] : memref<4096x4096xf32, #tpu.memory_space<hbm>> -> memref<8x2048xf32, #tpu.memory_space<hbm>>
        tpu.enqueue_dma source(%dma_start3A_353 : memref<8x2048xf32, #tpu.memory_space<hbm>>) target(%arg9 : memref<8x2048xf32, #tpu.memory_space<vmem>>) target_semaphore(%arg17 : memref<!tpu.dma_semaphore, #tpu.memory_space<semaphore_mem>>)
        %dma_start3A_354 = tpu.memref_slice %arg2[%add3A_334, %mul3A_351] : memref<4096x4096xf32, #tpu.memory_space<hbm>> -> memref<8x2048xf32, #tpu.memory_space<hbm>>
        %dma_start3A_355 = tpu.memref_slice %arg2[%add3A_334, %mul3A_351] : memref<4096x4096xf32, #tpu.memory_space<hbm>> -> memref<8x2048xf32, #tpu.memory_space<hbm>>
        tpu.enqueue_dma source(%dma_start3A_355 : memref<8x2048xf32, #tpu.memory_space<hbm>>) target(%arg11 : memref<8x2048xf32, #tpu.memory_space<vmem>>) target_semaphore(%arg19 : memref<!tpu.dma_semaphore, #tpu.memory_space<semaphore_mem>>)
      } else {
      }
    }
    %scan3A_225 = arith.constant 16 : i32
    "tpu.region"() ({
      %run_scoped3A = tpu.sem_alloc : memref<!tpu.dma_semaphore, #tpu.memory_space<semaphore_mem>>
      %dma_start3A_226 = arith.constant 0 : i32
      %dma_start3A_227 = arith.constant 0 : i32
      %dma_start3A_228 = tpu.memref_slice %arg7[%add3A, %dma_start3A_226, %dma_start3A_227] : memref<32x32x16xf32, #tpu.memory_space<hbm>> -> memref<1x32x16xf32, #tpu.memory_space<hbm>>
      %dma_start3A_229 = tpu.memref_squeeze %dma_start3A_228 : memref<1x32x16xf32, #tpu.memory_space<hbm>> -> memref<32x16xf32, #tpu.memory_space<hbm>>
      %dma_start3A_230 = arith.constant 0 : i32
      %dma_start3A_231 = arith.constant 0 : i32
      %dma_start3A_232 = tpu.memref_slice %arg7[%add3A, %dma_start3A_230, %dma_start3A_231] : memref<32x32x16xf32, #tpu.memory_space<hbm>> -> memref<1x32x16xf32, #tpu.memory_space<hbm>>
      %dma_start3A_233 = tpu.memref_squeeze %dma_start3A_232 : memref<1x32x16xf32, #tpu.memory_space<hbm>> -> memref<32x16xf32, #tpu.memory_space<hbm>>
      tpu.enqueue_dma source(%arg15 : memref<32x16xf32, #tpu.memory_space<vmem>>) target(%dma_start3A_233 : memref<32x16xf32, #tpu.memory_space<hbm>>) target_semaphore(%run_scoped3A : memref<!tpu.dma_semaphore, #tpu.memory_space<semaphore_mem>>)
      %dma_wait3A = arith.constant 0 : i32
      %dma_wait3A_234 = arith.constant 0 : i32
      %dma_wait3A_235 = tpu.memref_slice %arg7[%add3A, %dma_wait3A, %dma_wait3A_234] : memref<32x32x16xf32, #tpu.memory_space<hbm>> -> memref<1x32x16xf32, #tpu.memory_space<hbm>>
      %dma_wait3A_236 = tpu.memref_squeeze %dma_wait3A_235 : memref<1x32x16xf32, #tpu.memory_space<hbm>> -> memref<32x16xf32, #tpu.memory_space<hbm>>
      %dma_wait3A_237 = arith.constant 0 : i32
      %dma_wait3A_238 = arith.constant 0 : i32
      %dma_wait3A_239 = tpu.memref_slice %arg7[%add3A, %dma_wait3A_237, %dma_wait3A_238] : memref<32x32x16xf32, #tpu.memory_space<hbm>> -> memref<1x32x16xf32, #tpu.memory_space<hbm>>
      %dma_wait3A_240 = tpu.memref_squeeze %dma_wait3A_239 : memref<1x32x16xf32, #tpu.memory_space<hbm>> -> memref<32x16xf32, #tpu.memory_space<hbm>>
      tpu.wait_dma2 semaphore(%run_scoped3A : memref<!tpu.dma_semaphore, #tpu.memory_space<semaphore_mem>>) src(%arg15 : memref<32x16xf32, #tpu.memory_space<vmem>>) dst(%dma_wait3A_240 : memref<32x16xf32, #tpu.memory_space<hbm>>)
      tpu.yield
    }) : () -> ()
    return
  }
}

module attributes {stable_mosaic.version = 14 : i64} {
  func.func @_minmax_body(%arg0: i32, %arg1: memref<512x4096xf32, #tpu.memory_space<vmem>>, %arg2: memref<1x32xf32, #tpu.memory_space<vmem>>, %arg3: memref<1x16xf32, #tpu.memory_space<vmem>>, %arg4: memref<1x16xf32, #tpu.memory_space<vmem>>, %arg5: memref<1xf32, #tpu.memory_space<smem>>, %arg6: memref<1xf32, #tpu.memory_space<smem>>) attributes {dimension_semantics = [#tpu.dimension_semantics<arbitrary>], iteration_bounds = array<i64: 8>, scalar_prefetch = 0 : i64, scratch_operands = 2 : i64, tpu.core_type = #tpu.core_type<tc>, window_params = [{transform_indices = @transform_0, window_bounds = array<i64: 512, 4096>}, {pipeline_mode = #tpu.pipeline_mode<synchronous>, transform_indices = @transform_1, window_bounds = array<i64: 1, 32>}, {pipeline_mode = #tpu.pipeline_mode<synchronous>, transform_indices = @transform_2, window_bounds = array<i64: 1, 16>}, {pipeline_mode = #tpu.pipeline_mode<synchronous>, transform_indices = @transform_3, window_bounds = array<i64: 1, 16>}]} {
    %eq3A = arith.constant 0 : i32
    %eq3A_0 = arith.cmpi eq, %arg0, %eq3A : i32
    %convert_element_type3A = arith.extui %eq3A_0 : i1 to i32
    %cond3A = arith.constant 0 : i32
    %cond3A_1 = arith.cmpi ne, %convert_element_type3A, %cond3A : i32
    scf.if %cond3A_1 {
      %swap3A_24 = arith.constant 0x7F800000 : f32
      %swap3A_25 = arith.constant 0 : index
      %swap3A_26 = memref.load %arg5[%swap3A_25] : memref<1xf32, #tpu.memory_space<smem>>
      memref.store %swap3A_24, %arg5[%swap3A_25] : memref<1xf32, #tpu.memory_space<smem>>
      %swap3A_27 = arith.constant 0xFF800000 : f32
      %swap3A_28 = arith.constant 0 : index
      %swap3A_29 = memref.load %arg6[%swap3A_28] : memref<1xf32, #tpu.memory_space<smem>>
      memref.store %swap3A_27, %arg6[%swap3A_28] : memref<1xf32, #tpu.memory_space<smem>>
    } else {
    }
    %get3A = arith.constant 0 : index
    %get3A_2 = arith.constant 0 : index
    %get3A_3 = vector.load %arg1[%get3A, %get3A_2] : memref<512x4096xf32, #tpu.memory_space<vmem>>, vector<512x4096xf32>
    %get3A_4 = arith.constant 0 : index
    %get3A_5 = memref.load %arg5[%get3A_4] : memref<1xf32, #tpu.memory_space<smem>>
    %reduce_min3A = vector.shape_cast %get3A_3 : vector<512x4096xf32> to vector<1x512x4096xf32>
    %reduce_min3A_6 = arith.constant dense<0x7F800000> : vector<1xf32>
    %reduce_min3A_7 = vector.multi_reduction <minimumf>, %reduce_min3A, %reduce_min3A_6 [1, 2] : vector<1x512x4096xf32> to vector<1xf32>
    %reduce_min3A_8 = vector.shape_cast %reduce_min3A_7 : vector<1xf32> to vector<1x1x1xf32>
    %reduce_min3A_9 = vector.extract %reduce_min3A_8[0, 0, 0] : f32 from vector<1x1x1xf32>
    %min3A = arith.minimumf %get3A_5, %reduce_min3A_9 : f32
    %swap3A = arith.constant 0 : index
    %swap3A_10 = memref.load %arg5[%swap3A] : memref<1xf32, #tpu.memory_space<smem>>
    memref.store %min3A, %arg5[%swap3A] : memref<1xf32, #tpu.memory_space<smem>>
    %get3A_11 = arith.constant 0 : index
    %get3A_12 = memref.load %arg6[%get3A_11] : memref<1xf32, #tpu.memory_space<smem>>
    %reduce_max3A = vector.shape_cast %get3A_3 : vector<512x4096xf32> to vector<1x512x4096xf32>
    %reduce_max3A_13 = arith.constant dense<0xFF800000> : vector<1xf32>
    %reduce_max3A_14 = vector.multi_reduction <maximumf>, %reduce_max3A, %reduce_max3A_13 [1, 2] : vector<1x512x4096xf32> to vector<1xf32>
    %reduce_max3A_15 = vector.shape_cast %reduce_max3A_14 : vector<1xf32> to vector<1x1x1xf32>
    %reduce_max3A_16 = vector.extract %reduce_max3A_15[0, 0, 0] : f32 from vector<1x1x1xf32>
    %max3A = arith.maximumf %get3A_12, %reduce_max3A_16 : f32
    %swap3A_17 = arith.constant 0 : index
    %swap3A_18 = memref.load %arg6[%swap3A_17] : memref<1xf32, #tpu.memory_space<smem>>
    memref.store %max3A, %arg6[%swap3A_17] : memref<1xf32, #tpu.memory_space<smem>>
    %eq3A_19 = arith.constant 7 : i32
    %eq3A_20 = arith.cmpi eq, %arg0, %eq3A_19 : i32
    %convert_element_type3A_21 = arith.extui %eq3A_20 : i1 to i32
    %cond3A_22 = arith.constant 0 : i32
    %cond3A_23 = arith.cmpi ne, %convert_element_type3A_21, %cond3A_22 : i32
    scf.if %cond3A_23 {
      %get3A_24 = arith.constant 0 : index
      %get3A_25 = memref.load %arg5[%get3A_24] : memref<1xf32, #tpu.memory_space<smem>>
      %get3A_26 = arith.constant 0 : index
      %get3A_27 = memref.load %arg6[%get3A_26] : memref<1xf32, #tpu.memory_space<smem>>
      %iota3A = tpu.iota {dimensions = array<i32: 1>} : vector<1x30xi32>
      %convert_element_type3A_28 = arith.sitofp %iota3A : vector<1x30xi32> to vector<1x30xf32>
      %div3A = arith.constant 3.000000e+01 : f32
      %div3A_29 = vector.broadcast %div3A : f32 to vector<1x30xf32>
      %div3A_30 = arith.divf %convert_element_type3A_28, %div3A_29 : vector<1x30xf32>
      %sub3A = arith.constant 1.000000e+00 : f32
      %sub3A_31 = vector.broadcast %sub3A : f32 to vector<1x30xf32>
      %sub3A_32 = arith.subf %sub3A_31, %div3A_30 : vector<1x30xf32>
      %mul3A = vector.broadcast %get3A_25 : f32 to vector<1x30xf32>
      %mul3A_33 = arith.mulf %mul3A, %sub3A_32 : vector<1x30xf32>
      %mul3A_34 = vector.broadcast %get3A_27 : f32 to vector<1x30xf32>
      %mul3A_35 = arith.mulf %mul3A_34, %div3A_30 : vector<1x30xf32>
      %add3A = arith.addf %mul3A_33, %mul3A_35 : vector<1x30xf32>
      %broadcast_in_dim3A = vector.broadcast %get3A_27 : f32 to vector<1x1xf32>
      %broadcast_in_dim3A_36 = arith.constant 0x7F800000 : f32
      %broadcast_in_dim3A_37 = vector.broadcast %broadcast_in_dim3A_36 : f32 to vector<1x1xf32>
      %concatenate3A = tpu.concatenate %add3A, %broadcast_in_dim3A, %broadcast_in_dim3A_37 in 1 : vector<1x30xf32>, vector<1x1xf32>, vector<1x1xf32> -> vector<1x32xf32>
      %swap3A_38 = arith.constant 0 : index
      %swap3A_39 = arith.constant 0 : index
      %swap3A_40 = vector.load %arg2[%swap3A_38, %swap3A_39] : memref<1x32xf32, #tpu.memory_space<vmem>>, vector<1x32xf32>
      tpu.vector_store %arg2[%swap3A_38, %swap3A_39], %concatenate3A {strides = array<i32>} : memref<1x32xf32, #tpu.memory_space<vmem>>, vector<1x32xf32>,
      %sub3A_41 = arith.subf %get3A_27, %get3A_25 : f32
      %div3A_42 = arith.constant 3.000000e+01 : f32
      %div3A_43 = arith.divf %div3A_42, %sub3A_41 : f32
      %mul3A_44 = arith.constant 1.000100e+00 : f32
      %mul3A_45 = arith.mulf %div3A_43, %mul3A_44 : f32
      %broadcast_in_dim3A_46 = vector.broadcast %mul3A_45 : f32 to vector<1x16xf32>
      %swap3A_47 = arith.constant 0 : index
      %swap3A_48 = arith.constant 0 : index
      %swap3A_49 = vector.load %arg4[%swap3A_47, %swap3A_48] : memref<1x16xf32, #tpu.memory_space<vmem>>, vector<1x16xf32>
      tpu.vector_store %arg4[%swap3A_47, %swap3A_48], %broadcast_in_dim3A_46 {strides = array<i32>} : memref<1x16xf32, #tpu.memory_space<vmem>>, vector<1x16xf32>,
      %mul3A_50 = arith.mulf %get3A_25, %mul3A_45 : f32
      %sub3A_51 = arith.constant 0.00999999977 : f32
      %sub3A_52 = arith.subf %sub3A_51, %mul3A_50 : f32
      %broadcast_in_dim3A_53 = vector.broadcast %sub3A_52 : f32 to vector<1x16xf32>
      %swap3A_54 = arith.constant 0 : index
      %swap3A_55 = arith.constant 0 : index
      %swap3A_56 = vector.load %arg3[%swap3A_54, %swap3A_55] : memref<1x16xf32, #tpu.memory_space<vmem>>, vector<1x16xf32>
      tpu.vector_store %arg3[%swap3A_54, %swap3A_55], %broadcast_in_dim3A_53 {strides = array<i32>} : memref<1x16xf32, #tpu.memory_space<vmem>>, vector<1x16xf32>,
    } else {
    }
    return
  }
  func.func @transform_0(%arg0: i32) -> (i32, i32) {
    %c0_i32 = arith.constant 0 : i32
    %c0_i32_0 = arith.constant 0 : i32
    return %arg0, %c0_i32 : i32, i32
  }
  func.func @transform_1(%arg0: i32) -> (i32, i32) {
    %c0_i32 = arith.constant 0 : i32
    %c0_i32_0 = arith.constant 0 : i32
    %c0_i32_1 = arith.constant 0 : i32
    return %c0_i32, %c0_i32_0 : i32, i32
  }
  func.func @transform_2(%arg0: i32) -> (i32, i32) {
    %c0_i32 = arith.constant 0 : i32
    %c0_i32_0 = arith.constant 0 : i32
    %c0_i32_1 = arith.constant 0 : i32
    return %c0_i32, %c0_i32_0 : i32, i32
  }
  func.func @transform_3(%arg0: i32) -> (i32, i32) {
    %c0_i32 = arith.constant 0 : i32
    %c0_i32_0 = arith.constant 0 : i32
    %c0_i32_1 = arith.constant 0 : i32
    return %c0_i32, %c0_i32_0 : i32, i32
  }
}

module attributes {stable_mosaic.version = 14 : i64} {
  func.func @_combine_body(%arg0: memref<32x32x16xf32, #tpu.memory_space<vmem>>, %arg1: memref<1xf32, #tpu.memory_space<smem>>) attributes {dimension_semantics = [], scalar_prefetch = 0 : i64, scratch_operands = 0 : i64, tpu.core_type = #tpu.core_type<tc>} {
    %get3A = arith.constant 0 : index
    %get3A_0 = arith.constant 0 : index
    %get3A_1 = arith.constant 0 : index
    %get3A_2 = vector.load %arg0[%get3A, %get3A_0, %get3A_1] : memref<32x32x16xf32, #tpu.memory_space<vmem>>, vector<32x32x16xf32>
    %reduce_sum3A = arith.constant dense<0.000000e+00> : vector<32x32xf32>
    %reduce_sum3A_3 = vector.multi_reduction <add>, %get3A_2, %reduce_sum3A [2] : vector<32x32x16xf32> to vector<32x32xf32>
    %reduce_sum3A_4 = arith.constant dense<0.000000e+00> : vector<32xf32>
    %reduce_sum3A_5 = vector.multi_reduction <add>, %reduce_sum3A_3, %reduce_sum3A_4 [0] : vector<32x32xf32> to vector<32xf32>
    %slice3A = vector.extract_strided_slice %reduce_sum3A_5 {offsets = [1], sizes = [30], strides = [1]} : vector<32xf32> to vector<30xf32>
    %reduce_sum3A_6 = vector.shape_cast %slice3A : vector<30xf32> to vector<1x30xf32>
    %reduce_sum3A_7 = arith.constant dense<0.000000e+00> : vector<1xf32>
    %reduce_sum3A_8 = vector.multi_reduction <add>, %reduce_sum3A_6, %reduce_sum3A_7 [1] : vector<1x30xf32> to vector<1xf32>
    %reduce_sum3A_9 = vector.shape_cast %reduce_sum3A_8 : vector<1xf32> to vector<1x1xf32>
    %reduce_sum3A_10 = vector.extract %reduce_sum3A_9[0, 0] : f32 from vector<1x1xf32>
    %add3A = arith.constant 9.99999993E-9 : f32
    %add3A_11 = arith.addf %reduce_sum3A_10, %add3A : f32
    %div3A = vector.broadcast %add3A_11 : f32 to vector<30xf32>
    %div3A_12 = arith.divf %slice3A, %div3A : vector<30xf32>
    %add3A_13 = arith.constant 9.99999993E-9 : f32
    %add3A_14 = vector.broadcast %add3A_13 : f32 to vector<30xf32>
    %add3A_15 = arith.addf %div3A_12, %add3A_14 : vector<30xf32>
    %log3A = math.log %add3A_15 : vector<30xf32>
    %mul3A = arith.mulf %div3A_12, %log3A : vector<30xf32>
    %reduce_sum3A_16 = vector.shape_cast %mul3A : vector<30xf32> to vector<1x30xf32>
    %reduce_sum3A_17 = arith.constant dense<0.000000e+00> : vector<1xf32>
    %reduce_sum3A_18 = vector.multi_reduction <add>, %reduce_sum3A_16, %reduce_sum3A_17 [1] : vector<1x30xf32> to vector<1xf32>
    %reduce_sum3A_19 = vector.shape_cast %reduce_sum3A_18 : vector<1xf32> to vector<1x1xf32>
    %reduce_sum3A_20 = vector.extract %reduce_sum3A_19[0, 0] : f32 from vector<1x1xf32>
    %mul3A_21 = arith.constant 0.00999999977 : f32
    %mul3A_22 = arith.mulf %mul3A_21, %reduce_sum3A_20 : f32
    %swap3A = arith.constant 0 : index
    %swap3A_23 = memref.load %arg1[%swap3A] : memref<1xf32, #tpu.memory_space<smem>>
    memref.store %mul3A_22, %arg1[%swap3A] : memref<1xf32, #tpu.memory_space<smem>>
    return
  }
}

</mosaic_0001>

<sc_bundles>
// kernel: kernel.5.cloned.1.call-start
scs
__scs_entry_jumppad:
0x0: {  	(pc) =	sbr.rel $0x88, $3  }
0x1: {  	(tag) =	ssettag $0x0;
	lr =	simm.s32 $0x1  }
0x2: {  	[smem:$0x3F9F] =	sst lr;
	_ =	strace $0xD0000000  }
0x3: {  	_ = 	snop  }
0x4: {  	_ = 	snop  }
0x5: {  	_ = 	snop  }
0x6: {  	_ = 	snop  }
0x7: {  	_ = 	snop  }
__scs_overlays_trampoline_lowered:
0x8: {  	[smem:$0x3FAE] =	sst s0  }
0x9: {  	[smem:$0x3FAF] =	sst s1  }
0xa: {  	[smem:$0x3FB0] =	sst s2  }
0xb: {  	[smem:$0x3FB1] =	sst s3  }
0xc: {  	[smem:$0x3FB2] =	sst s4  }
0xd: {  	[smem:$0x3FB3] =	sst s5  }
0xe: {  	[smem:$0x3FB4] =	sst s6  }
0xf: {  	[smem:$0x3FB5] =	sst s7  }
0x10: {  	[smem:$0x3FB6] =	sst s8  }
0x11: {  	[smem:$0x3FB7] =	sst s9;
	s0 =	simm.s32 @!p0 $0x0  }
0x12: {  	s1 =	sld [smem:$0x3F9D];
	s0 =	simm.s32 @p0 $0x1  }
0x13: {  	[smem:$0x3FB8] =	sst s0;
	s0 =	simm.s32 @!p1 $0x0  }
0x14: {  	s2 =	sld [smem:$0x3F9C];
	s0 =	simm.s32 @p1 $0x1  }
0x15: {  	[smem:$0x3FB9] =	sst s0;
	s0 =	simm.s32 @!p2 $0x0  }
0x16: {  	s3 =	sld [smem:$0x3FDB];
	s0 =	simm.s32 @p2 $0x1  }
0x17: {  	s4 =	simm.s32 $0x1BF5;
	[smem:$0x3FBB] =	sst s0  }
0x18: {  	s0 =	sld [smem:$0x3F9E];
	_ =	swait.ge [sflag:s4], $0x0  }
0x19: {  	s7 =	sld [smem:$0x3F9F]  }
0x1a: {  	s8 =	sadd.s32 $0xFFFFE003, lr  }
0x1b: {  	s9 =	sadd.s32 $0xFFFFFEF7, lr;
	s5 =	simm.s32 $0xFFFFFFFF;
	p2 =	slt.u32 s8, $0xFFFFF086  }
0x1c: {  	p1 =	slt.u32 s9, $0xF7A;
	s5 =	simm.s32 @!p2 $0x0  }
0x1d: {  	s5 =	simm.s32 @p1 $0x1;
	p0 =	seq.s32 s7, s2  }
0x1e: {  	s7 =	smul.u32 @!p0 $0xF7A, s2;
	p2 =	seq.s32 @!p0 s5, $0x0  }
0x1f: {  	s9 =	smul.u32 $0xF7A, s1;
	s8 =	simm.s32 @!p0 $0x1BF5;
	p2 =	por !p2, p0  }
0x20: {  	[sflag:s8] =	ssyncset.s32 @!p0 $0xFFFFF086;
	s6 =	sadd.s32 @!p0 s3, s7;
	s7 =	simm.s32 @!p0 $0x108  }
0x21: {  	s3 =	sadd.s32 s3, s9;
	s6 =	sadd.s32 @!p0 $0x88, s6;
	s7 =	simm.s32 @p2 $0x1082  }
0x22: {  	[simem:s7], [sflag:s8] =	dma.local @!p0 [hbm:s6], $0xF7A  }
0x23: {  	s9 =	sor.u32 $0xD0000000, s2;
	s6 =	simm.s32 $0x108;
	_ =	swait.ge @!p0 [sflag:s8], $0x0  }
0x24: {  	s3 =	sadd.s32 $0x88, s3;
	s6 =	simm.s32 @!p1 $0x1082;
	[sflag:s4] =	ssyncset.s32 $0xFFFFF086  }
0x25: {  	[simem:s6], [sflag:s4] =	dma.local [hbm:s3], $0xF7A  }
0x26: {  	[smem:$0x3F9F] =	sst s1;
	(tag) =	ssettag s2;
	_ =	strace s9  }
0x27: {  	s1 =	sld [smem:$0x3FAF]  }
0x28: {  	s2 =	sld [smem:$0x3FB0]  }
0x29: {  	s4 =	sld [smem:$0x3FB2]  }
0x2a: {  	p0 =	seq.s32 s5, $0x0;
	s5 =	sld [smem:$0x3FB3]  }
0x2b: {  	s6 =	sld [smem:$0x3FB4]  }
0x2c: {  	s7 =	sld [smem:$0x3FB5]  }
0x2d: {  	s3 =	simm.s32 $0x108;
	s8 =	sld [smem:$0x3FB6]  }
0x2e: {  	s3 =	simm.s32 @!p0 $0x1082;
	s9 =	sld [smem:$0x3FB7]  }
0x2f: {  	lr =	sadd.s32 s0, s3;
	s0 =	sld [smem:$0x3FAE]  }
0x30: {  	s3 =	sld [smem:$0x3FB1]  }
0x31: {  	[smem:$0x3FBA] =	sst s10  }
0x32: {  	s10 =	sld [smem:$0x3FB8];
	_ =	sdelay $0x3  }
0x33: {  	p0 =	seq.s32 s10, $0x1;
	s10 =	sld [smem:$0x3FBA];
	_ =	sdelay $0x3  }
0x34: {  	[smem:$0x3FBA] =	sst s10  }
0x35: {  	s10 =	sld [smem:$0x3FB9];
	_ =	sdelay $0x3  }
0x36: {  	p1 =	seq.s32 s10, $0x1;
	s10 =	sld [smem:$0x3FBA];
	_ =	sdelay $0x3  }
0x37: {  	[smem:$0x3FBA] =	sst s10  }
0x38: {  	s10 =	sld [smem:$0x3FBB]  }
0x39: {  	_ = 	snop;
	(pc) =	sbr.ind lr, $3  }
0x3a: {  	_ = 	snop  }
0x3b: {  	_ = 	snop  }
0x3c: {  	p2 =	seq.s32 s10, $0x1;
	s10 =	sld [smem:$0x3FBA]  }
0x3d: {  	_ =	shalt  }
0x3e: {  	_ =	shalt  }
0x3f: {  	_ =	shalt  }
0x40: {  	_ =	shalt  }
0x41: {  	_ =	shalt  }
0x42: {  	_ =	shalt  }
0x43: {  	_ =	shalt  }
0x44: {  	_ =	shalt  }
0x45: {  	_ =	shalt  }
0x46: {  	_ =	shalt  }
0x47: {  	_ =	shalt  }
0x48: {  	_ =	shalt  }
0x49: {  	_ =	shalt  }
0x4a: {  	_ =	shalt  }
0x4b: {  	_ =	shalt  }
0x4c: {  	_ =	shalt  }
0x4d: {  	_ =	shalt  }
0x4e: {  	_ =	shalt  }
0x4f: {  	_ =	shalt  }
0x50: {  	_ =	shalt  }
0x51: {  	_ =	shalt  }
0x52: {  	_ =	shalt  }
0x53: {  	_ =	shalt  }
0x54: {  	_ =	shalt  }
0x55: {  	_ =	shalt  }
0x56: {  	_ =	shalt  }
0x57: {  	_ =	shalt  }
0x58: {  	_ =	shalt  }
0x59: {  	_ =	shalt  }
0x5a: {  	_ =	shalt  }
0x5b: {  	_ =	shalt  }
0x5c: {  	_ =	shalt  }
0x5d: {  	_ =	shalt  }
0x5e: {  	_ =	shalt  }
0x5f: {  	_ =	shalt  }
0x60: {  	_ =	shalt  }
0x61: {  	_ =	shalt  }
0x62: {  	_ =	shalt  }
0x63: {  	_ =	shalt  }
0x64: {  	_ =	shalt  }
0x65: {  	_ =	shalt  }
0x66: {  	_ =	shalt  }
0x67: {  	_ =	shalt  }
0x68: {  	_ =	shalt  }
0x69: {  	_ =	shalt  }
0x6a: {  	_ =	shalt  }
0x6b: {  	_ =	shalt  }
0x6c: {  	_ =	shalt  }
0x6d: {  	_ =	shalt  }
0x6e: {  	_ =	shalt  }
0x6f: {  	_ =	shalt  }
0x70: {  	_ =	shalt  }
0x71: {  	_ =	shalt  }
0x72: {  	_ =	shalt  }
0x73: {  	_ =	shalt  }
0x74: {  	_ =	shalt  }
0x75: {  	_ =	shalt  }
0x76: {  	_ =	shalt  }
0x77: {  	_ =	shalt  }
0x78: {  	_ =	shalt  }
0x79: {  	_ =	shalt  }
0x7a: {  	_ =	shalt  }
0x7b: {  	_ =	shalt  }
0x7c: {  	_ =	shalt  }
0x7d: {  	_ =	shalt  }
0x7e: {  	_ =	shalt  }
0x7f: {  	_ =	shalt  }
0x80: {  	_ =	shalt  }
0x81: {  	_ =	shalt  }
0x82: {  	_ =	shalt  }
0x83: {  	_ =	shalt  }
0x84: {  	_ =	shalt  }
0x85: {  	_ =	shalt  }
0x86: {  	_ =	shalt  }
0x87: {  	_ =	shalt  }
.Lfunc_end0:
.L_simem_size_0:
called_computation_lowered:
.L_overlay_start_0:
0x88: {  	s2 =	sld [smem:$0x3FD9]  }
0x89: {  	s3 =	sld [smem:$0x3FFE];
	_ =	sdelay $0x1  }
0x8a: {  	s1 =	srdreg.scid  }
0x8b: {  	s0 =	sand.u32 $0x1, s1  }
0x8c: {  	s17 =	sshll.u32 s0, $0xA;
	s2 =	sadd.s32 s3, s2  }
0x8d: {  	s2 =	sadd.s32 s2, s17  }
0x8e: {  	[smem:$0x3FC6] =	sst s2  }
0x8f: {  	_ = 	snop  }
0x90: {  	s2 =	sld [smem:$0x3FC9]  }
0x91: {  	s18 =	sld [smem:$0x3FC8]  }
0x92: {  	s4 =	sld [smem:$0x3FD0];
	(tm) =	ssettm $0x1  }
0x93: {  	s5 =	sld [smem:$0x3FFB];
	_ =	sdelay $0x3  }
0x94: {  	_ =	strace s5  }
0x95: {  	s5 =	sld [smem:$0x3FFC];
	_ =	sdelay $0x3  }
0x96: {  	_ =	strace s5  }
0x97: {  	s5 =	sld [smem:$0x3FFD];
	_ =	sdelay $0x3  }
0x98: {  	_ =	strace s5  }
0x99: {  	_ =	strace $0x8FFFFFFF  }
0x9a: {  	s19 =	sld [smem:$0x3FDB];
	_ =	sdelay $0x1  }
0x9b: {  	s6 =	simm.s32 $_scs_section_size  }
0x9c: {  	s7 =	simm.s32 $_size__tile_overlayer_lowered;
	s8 =	simm.s32 $_tile_overlayer_lowered  }
0x9d: {  	s22 =	simm.s32 $0x1BFF;
	s21 =	sshll.u32 s8, $0x1;
	s5 =	sadd.s32 s6, s19  }
0x9e: {  	s9 =	simm.s32 $0x0;
	s20 =	sshll.u32 s7, $0x1;
	s7 =	sadd.s32 s21, s5  }
0x9f: {  	[timem:s9], [sflag:s22] =	dma.local [hbm:s7], s20  }
0xa0: {  	_ =	swait.ge [sflag:s22], s20  }
0xa1: {  	s6 =	ssub.s32 $0x0, s20;
	[sflag:s22] =	ssyncset.done $0x0  }
0xa2: {  	[sflag:s22] =	ssyncadd.s32 s6;
	_ =	sdelay $0x1  }
0xa3: {  	s23 =	simm.s32 $0x1B8B  }
0xa4: {  	_ =	swait.ge [sflag:s23], $0x1  }
0xa5: {  	[sflag:s23] =	ssyncset.done $0x0  }
0xa6: {  	s25 =	simm.s32 $0x1B8E;
	s24 =	sld [smem:$0x3FFE];
	[sflag:s23] =	ssyncadd.s32 $0xFFFFFFFF  }
0xa7: {  	s26 =	simm.s32 $execute0_lowered;
	[smem:$0x3FD2] =	sst s25  }
0xa8: {  	s7 =	sshll.u32 s26, $0x1;
	_ =	strace $0x80000046;
	[dreg:$0x1] =	wrdreg $0xFFFFFFFF  }
0xa9: {  	s28 =	simm.s32 $_size_execute0_lowered;
	s5 =	sadd.s32 s5, s7;
	[dreg:$0x0] =	wrdreg $0x0  }
0xaa: {  	s7 =	sshll.u32 s28, $0x1;
	[dreg:$0x2] =	wrdreg s5  }
0xab: {  	[dreg:$0x3] =	wrdreg s7  }
0xac: {  	[dreg:$0x4] =	wrdreg $0xC0  }
0xad: {  	_ =	task [dreg:s9], $0x5FFFF  }
0xae: {  	[dreg:$0x1] =	wrdreg $0xFFFFFFFF  }
0xaf: {  	[dreg:$0x0] =	wrdreg $0x60  }
0xb0: {  	[dreg:$0x2] =	wrdreg s2  }
0xb1: {  	[dreg:$0x3] =	wrdreg s18  }
0xb2: {  	[dreg:$0x4] =	wrdreg s4  }
0xb3: {  	[dreg:$0x5] =	wrdreg s24  }
0xb4: {  	[dreg:$0x6] =	wrdreg $0x9  }
0xb5: {  	_ =	task.clear_ibuf [dreg:s9], $0x7FFFF;
	_ =	strace $0x90000046  }
0xb6: {  	s29 =	simm.s32 $0x9;
	_ =	strace $0x80000048  }
0xb7: {  	_ =	swait.ge [sflag:s29], $0x1  }
0xb8: {  	[sflag:s29] =	ssyncadd.s32 $0xFFFFFFFF  }
0xb9: {  	_ =	strace $0x90000048  }
0xba: {  	_ =	sfence  }
0xbb: {  	s30 =	sld [smem:$0x0];
	_ =	sdelay $0x2  }
0xbc: {  	s31 =	sshll.u32 s1, $0xD;
	s1 =	sshrl.u32 s1, $0x2  }
0xbd: {  	s3 =	sand.u32 $0x4000, s31;
	s1 =	sadd.s32 s1, s30  }
0xbe: {  	s0 =	sor.u32 s3, s0;
	s1 =	sshll.u32 s1, $0x11  }
0xbf: {  	s0 =	sor.u32 s1, s0  }
0xc0: {  	s0 =	sadd.s32 $0x8F2B, s0  }
0xc1: {  	[sflag:s0] =	ssyncadd.remote.s32 $0x1  }
0xc2: {  	_ =	sfence.sel $0xFFFF  }
0xc3: {  	[dreg:$0x0] =	wrdreg $0xFFFFFFFF;
	(pc) =	sbr.abs _section_cstart, $3  }
0xc4: {  	[dreg:$0x1] =	wrdreg $0xFFFFFFFF  }
0xc5: {  	_ =	task.clear_ibuf [dreg:s9], $0x2FFFF;
	_ =	strace $0x9FFFFFFF  }
0xc6: {  	(tm) =	ssettm $0x7FFFFFFF  }
0xc7: {  	_ =	shalt  }
tec
execute0_lowered:
.L_overlay_start_1:
0x0: {  	(tag) =	ssettag $0x1  }
0x1: {  	s1 =	rddreg [dreg:$0x0]  }
0x2: {  	s2 =	rddreg [dreg:$0x1]  }
0x3: {  	s0 =	rddreg [dreg:$0x3];
	s5 =	simm.s32 $0x0  }
0x4: {  	s3 =	srdreg.scid;
	s4 =	stileid.u32;
	s16 =	simm.s32 $0x10000  }
0x5: {  	s17 =	simm.s32 $0x5;
	s20 =	simm.s32 $0x8000;
	s21 =	simm.s32 $0x4000  }
0x6: {  	s22 =	simm.s32 $0xC000;
	s23 =	simm.s32 $0x1;
	s24 =	simm.s32 $0x3  }
0x7: {  	s25 =	simm.s32 $0x10180;
	s26 =	simm.s32 $0x2;
	s28 =	simm.s32 $0x4  }
0x8: {  	s29 =	simm.s32 $0x0;
	[smem:$0x7FF] =	sst s5;
	s6 =	sadd.s32 $0xE00, s0  }
0x9: {  	s3 =	sand.u32 $0x1, s3;
	s4 =	sshll.u32 s4, $0x1;
	s7 =	sadd.s32 $0x1000, s0  }
0xa: {  	_ =	strace $0x80000047;
	s4 =	sor.u32 s3, s4;
	s3 =	ssub.s32 $0x2, s3  }
.Ltmp0:
0xb: {  	s8 =	sshll.u32 s4, $0x9;
	s9 =	sshrl.u32 s3, $0x1;
	(pc) =	sbr.rel .LBB2_1-.Ltmp0, $4  }
0xc: {  	s4 =	sshll.u32 s4, $0x10;
	s0 =	sadd.s32 s8, s0;
	s3 =	ssub.s32 s3, s9  }
0xd: {  	s11 =	sor.u32 $0x800, s4;
	s8 =	sadd.s32 s2, s4;
	s9 =	sadd.s32 s1, s4  }
0xe: {  	s12 =	sor.u32 $0x1000, s4;
	s13 =	sor.u32 $0x1800, s4;
	s10 =	sadd.s32 s2, s11  }
0xf: {  	v0 =	vimm.f32 $0.0e+00;
	v1 =	vimm.s32 $0x0;
	v2 =	vlaneseq.u32;
	s11 =	sadd.s32 s1, s11;
	s14 =	sadd.s32 $0x1200, s0;
	s15 =	smax.u32 s3, $0x1  }
.LBB2_36:
0x10: {  	s29 =	sadd.s32 $0x1, s29  }
0x11: {  	p0 =	sne.s32 s29, s15  }
.Ltmp1:
0x12: {  	_ = 	snop;
	(pc) =	sbr.rel @!p0 .LBB2_37-.Ltmp1, $4  }
0x13: {  	[hbm4b:s14+s5] =	stream.linear.scatter [tilespmem:s25], [sflag:$0x5], $0x1000, $0x38;
	[tilespmem:$0x11180] =	vst v63  }
0x14: {  	_ =	swait.ge [sflag:s17], $0x1000  }
0x15: {  	[sflag:s17] =	ssyncset.done $0x0  }
0x16: {  	[sflag:s17] =	ssyncadd.s32 $0xFFFFF000  }
.LBB2_1:
0x17: {  	s0 =	rddreg [dreg:$0x2]  }
0x18: {  	[tilespmem:s16], [sflag:$0x5] =	stream.linear.gather [hbm4b:s0+s5], $0x80, $0x38;
	[tilespmem:$0x11180] =	vst v63  }
0x19: {  	_ =	swait.ge [sflag:s17], $0x80  }
0x1a: {  	[sflag:s17] =	ssyncset.done $0x0  }
0x1b: {  	s19 =	simm.s32 $0x10080;
	[sflag:s17] =	ssyncadd.s32 $0xFFFFFF80  }
0x1c: {  	[tilespmem:s19], [sflag:$0x5] =	stream.linear.gather [hbm4b:s6+s5], $0x80, $0x38;
	[tilespmem:$0x11180] =	vst v63  }
0x1d: {  	_ =	swait.ge [sflag:s17], $0x80  }
0x1e: {  	[sflag:s17] =	ssyncset.done $0x0  }
0x1f: {  	s31 =	simm.s32 $0x10100;
	[sflag:s17] =	ssyncadd.s32 $0xFFFFFF80  }
0x20: {  	[tilespmem:s31], [sflag:$0x5] =	stream.linear.gather [hbm4b:s7+s5], $0x80, $0x38;
	[tilespmem:$0x11180] =	vst v63  }
0x21: {  	_ =	swait.ge [sflag:s17], $0x80  }
0x22: {  	[sflag:s17] =	ssyncset.done $0x0  }
0x23: {  	[sflag:s17] =	ssyncadd.s32 $0xFFFFFF80  }
0x24: {  	[tilespmem:$0x10180] =	vst v0  }
0x25: {  	[tilespmem:$0x10200] =	vst v0  }
0x26: {  	[tilespmem:$0x10280] =	vst v0  }
0x27: {  	[tilespmem:$0x10300] =	vst v0  }
0x28: {  	[tilespmem:$0x10380] =	vst v0  }
0x29: {  	[tilespmem:$0x10400] =	vst v0  }
0x2a: {  	[tilespmem:$0x10480] =	vst v0  }
0x2b: {  	[tilespmem:$0x10500] =	vst v0  }
0x2c: {  	[tilespmem:$0x10580] =	vst v0  }
0x2d: {  	[tilespmem:$0x10600] =	vst v0  }
0x2e: {  	[tilespmem:$0x10680] =	vst v0  }
0x2f: {  	[tilespmem:$0x10700] =	vst v0  }
0x30: {  	[tilespmem:$0x10780] =	vst v0  }
0x31: {  	[tilespmem:$0x10800] =	vst v0  }
0x32: {  	[tilespmem:$0x10880] =	vst v0  }
0x33: {  	[tilespmem:$0x10900] =	vst v0  }
0x34: {  	[tilespmem:$0x10980] =	vst v0  }
0x35: {  	[tilespmem:$0x10A00] =	vst v0  }
0x36: {  	[tilespmem:$0x10A80] =	vst v0  }
0x37: {  	[tilespmem:$0x10B00] =	vst v0  }
0x38: {  	[tilespmem:$0x10B80] =	vst v0  }
0x39: {  	[tilespmem:$0x10C00] =	vst v0  }
0x3a: {  	[tilespmem:$0x10C80] =	vst v0  }
0x3b: {  	[tilespmem:$0x10D00] =	vst v0  }
0x3c: {  	[tilespmem:$0x10D80] =	vst v0  }
0x3d: {  	[tilespmem:$0x10E00] =	vst v0  }
0x3e: {  	[tilespmem:$0x10E80] =	vst v0  }
0x3f: {  	[tilespmem:$0x10F00] =	vst v0  }
0x40: {  	[tilespmem:$0x10F80] =	vst v0  }
0x41: {  	[tilespmem:$0x11000] =	vst v0  }
0x42: {  	[tilespmem:$0x11080] =	vst v0  }
0x43: {  	v3 =	vld [tilespmem:$0x10080];
	[tilespmem:$0x11100] =	vst v0  }
0x44: {  	v4 =	vld [tilespmem:$0x10100];
	[tilespmem:s5], [sflag:$0x1] =	stream.linear.gather [hbm4b:s8+s5], $0x4000, $0x38  }
0x45: {  	_ = 	snop  }
0x46: {  	[tilespmem:s20], [sflag:$0x3] =	stream.linear.gather [hbm4b:s9+s5], $0x4000, $0x38;
	[tilespmem:$0x11180] =	vst v63  }
0x47: {  	_ = 	snop  }
0x48: {  	[tilespmem:s21], [sflag:$0x2] =	stream.linear.gather [hbm4b:s10+s5], $0x4000, $0x38;
	[tilespmem:$0x11180] =	vst v63  }
0x49: {  	s30 =	simm.s32 $0x0  }
0x4a: {  	[tilespmem:s22], [sflag:$0x4] =	stream.linear.gather [hbm4b:s11+s5], $0x4000, $0x38;
	[tilespmem:$0x11180] =	vst v63  }
.LBB2_2:
0x4b: {  	_ =	swait.ge [sflag:s23], $0x4000  }
0x4c: {  	[sflag:s23] =	ssyncset.done $0x0  }
0x4d: {  	[sflag:s23] =	ssyncadd.s32 $0xFFFFC000  }
0x4e: {  	_ =	swait.ge [sflag:s24], $0x4000  }
0x4f: {  	[sflag:s24] =	ssyncset.done $0x0  }
0x50: {  	s0 =	simm.s32 $0x400;
	[sflag:s24] =	ssyncadd.s32 $0xFFFFC000  }
0x51: {  	v12 =	vld [tilespmem:s0+$0xFFFFFC00]  }
0x52: {  	v15 =	vld [tilespmem:s0+$0x70]  }
0x53: {  	v16 =	vld [tilespmem:s0+$0x60]  }
0x54: {  	v17 =	vld [tilespmem:s0+$0x50]  }
0x55: {  	v18 =	vld [tilespmem:s0+$0x40]  }
0x56: {  	v21 =	vld [tilespmem:s0+$0x30]  }
0x57: {  	v24 =	vld [tilespmem:s0+$0x10]  }
0x58: {  	v11 =	vld [tilespmem:s0+$0xFFFFFC70]  }
0x59: {  	v10 =	vld [tilespmem:s0+$0xFFFFFC60]  }
0x5a: {  	v31 =	vld [tilespmem:s0+$0xFFFFFC50]  }
0x5b: {  	v33 =	vld [tilespmem:s0+$0xFFFFFC30];
	v5 =	vmul.f32 v12, v4  }
0x5c: {  	v35 =	vld [tilespmem:s0+$0xFFFFFC20];
	v6 =	vmul.f32 v15, v4;
	v7 =	vmul.f32 v16, v4  }
0x5d: {  	v8 =	vmul.f32 v17, v4;
	v9 =	vmul.f32 v18, v4  }
0x5e: {  	v13 =	vmul.f32 v21, v4;
	v20 =	vmul.f32 v24, v4  }
0x5f: {  	v27 =	vmul.f32 v11, v4;
	v30 =	vmul.f32 v10, v4  }
0x60: {  	v32 =	vmul.f32 v31, v4;
	v37 =	vmul.f32 v33, v4;
	v5 =	vadd.f32 v5, v3  }
0x61: {  	v42 =	vmul.f32 v35, v4;
	v6 =	vadd.f32 v6, v3;
	v8 =	vadd.f32 v8, v3  }
0x62: {  	v7 =	vadd.f32 v7, v3;
	v9 =	vadd.f32 v9, v3;
	v5 =	vtrunc.f32 v5  }
0x63: {  	v22 =	vld [tilespmem:s0+$0x20];
	v26 =	vadd.f32 v13, v3;
	v14 =	vtrunc.f32 v6;
	v8 =	vtrunc.f32 v8  }
0x64: {  	v25 =	vld [tilespmem:s0+$0x0];
	v32 =	vadd.f32 v32, v3;
	v7 =	vtrunc.f32 v7;
	v9 =	vtrunc.f32 v9  }
0x65: {  	s18 =	simm.s32 $0x8400;
	v29 =	vld [tilespmem:s0+$0xFFFFFC10];
	v20 =	vadd.f32 v20, v3;
	v26 =	vtrunc.f32 v26;
	v19 =	vcvt.f32.s32 v5  }
0x66: {  	v48 =	vld [tilespmem:s18+$0x10];
	v32 =	vtrunc.f32 v32;
	v23 =	vcvt.f32.s32 v14  }
0x67: {  	v55 =	vld [tilespmem:s18+$0xFFFFFC00];
	v20 =	vtrunc.f32 v20;
	v36 =	vcvt.f32.s32 v8  }
0x68: {  	v6 =	vld [tilespmem:s0+$0xFFFFFC40];
	v5 =	vmul.f32 v22, v4;
	v38 =	vcvt.f32.s32 v9  }
0x69: {  	v27 =	vadd.f32 v27, v3;
	v14 =	vmul.f32 v25, v4;
	v13 =	vcvt.f32.s32 v7;
	v7 =	vld [tilespmem:s18+$0xFFFFFC60]  }
0x6a: {  	v9 =	vmul.f32 v29, v4;
	v8 =	vld [tilespmem:s18+$0x0];
	v40 =	vcvt.f32.s32 v26;
	v26 =	vadd.f32 v37, v3  }
0x6b: {  	v27 =	vtrunc.f32 v27;
	v28 =	vadd.f32 v5, v3;
	v14 =	vadd.f32 v14, v3;
	v34 =	vld.idx.msk [tilespmem:v19+s16+$0x0], $0xffff  }
0x6c: {  	v63 =	vcvt.f32.s32 v20;
	v41 =	vadd.f32 v9, v3;
	v26 =	vtrunc.f32 v26;
	v39 =	vld.idx.msk [tilespmem:v23+s16+$0x0], $0xffff  }
0x6d: {  	v28 =	vtrunc.f32 v28;
	v14 =	vtrunc.f32 v14;
	v43 =	vld.idx.msk [tilespmem:v36+s16+$0x0], $0xffff  }
0x6e: {  	v50 =	vadd.f32 v42, v3;
	v20 =	vtrunc.f32 v41;
	v28 =	vcvt.f32.s32 v28;
	v45 =	vld.idx.msk [tilespmem:v38+s16+$0x0], $0xffff  }
0x6f: {  	v52 =	vmul.f32 v6, v4;
	v44 =	vcvt.f32.s32 v20;
	v62 =	vld.idx.msk [tilespmem:v13+s16+$0x0], $0xffff  }
0x70: {  	v30 =	vadd.f32 v30, v3;
	v14 =	vcvt.f32.s32 v14;
	v20 =	vtrunc.f32 v50;
	v46 =	vld.idx.msk [tilespmem:v40+s16+$0x0], $0xffff  }
0x71: {  	v37 =	vld [tilespmem:s18+$0xFFFFFC20];
	v47 =	vcvt.f32.s32 v20;
	v20 =	vcvt.f32.s32 v26;
	v26 =	vadd.f32 v52, v3  }
0x72: {  	v5 =	vld [tilespmem:s18+$0xFFFFFC40];
	vm0 =	vlt.f32 v34, v12;
	vm1 =	vlt.f32 v43, v17;
	v17 =	vcvt.f32.s32 v27  }
0x73: {  	v9 =	vld [tilespmem:s18+$0x30];
	vm2 =	vlt.f32 v45, v18;
	v51 =	vsel vm0, $0x1, v1;
	vm0 =	vlt.f32 v39, v15  }
0x74: {  	v15 =	vadd.s32 v19, v51;
	v19 =	vtrunc.f32 v30;
	v30 =	vld.idx.msk [tilespmem:v28+s16+$0x0], $0xffff;
	v39 =	vsel vm0, $0x1, v1  }
0x75: {  	v27 =	vld [tilespmem:s18+$0x50];
	vm0 =	vlt.f32 v62, v16;
	v16 =	vsel vm1, $0x1, v1;
	vm1 =	vlt.f32 v46, v21  }
0x76: {  	v53 =	vld.idx.msk [tilespmem:v63+s16+$0x0], $0xffff;
	v21 =	vsel vm2, $0x1, v1;
	v42 =	vshll.u32 v15, $0x7;
	v15 =	vcvt.f32.s32 v19  }
0x77: {  	v54 =	vld.idx.msk [tilespmem:v44+s16+$0x0], $0xffff;
	v19 =	vcvt.f32.s32 v32;
	v18 =	vadd.s32 v36, v16;
	v39 =	vadd.s32 v23, v39  }
0x78: {  	v12 =	vld [tilespmem:s18+$0x60];
	v16 =	vand.u32 $0x7FFFFFFF, v48;
	v21 =	vadd.s32 v38, v21;
	v23 =	vor.u32 v2, v42  }
0x79: {  	v56 =	vld.idx.msk [tilespmem:v14+s16+$0x0], $0xffff;
	v58 =	vshll.u32 v39, $0x7;
	v60 =	vshll.u32 v21, $0x7;
	vm2 =	vlt.f32 v30, v22  }
0x7a: {  	v62 =	vld.idx.msk [tilespmem:v20+s16+$0x0], $0xffff;
	v21 =	vshll.u32 v18, $0x7;
	v61 =	vand.u32 $0x7FFFFFFF, v27;
	v57 =	vsel vm2, $0x1, v1  }
0x7b: {  	v22 =	vld.idx.msk [tilespmem:v47+s16+$0x0], $0xffff;
	v30 =	vtrunc.f32 v26;
	vm2 =	vlt.f32 v53, v24;
	v24 =	vadd.s32 v28, v57  }
0x7c: {  	v32 =	vld [tilespmem:s18+$0xFFFFFC10];
	v28 =	vsel vm2, $0x1, v1;
	vm2 =	vlt.f32 v54, v29;
	v29 =	vand.u32 $0x7FFFFFFF, v55  }
0x7d: {  	v59 =	vld.idx.msk [tilespmem:v19+s16+$0x0], $0xffff;
	v63 =	vadd.s32 v63, v28;
	v28 =	vsel vm2, $0x1, v1;
	v27 =	vshll.u32 v24, $0x7  }
0x7e: {  	v18 =	vld [tilespmem:s18+$0xFFFFFC30];
	v24 =	vor.u32 v2, v21;
	vm2 =	vlt.f32 v56, v25;
	v21 =	vadd.s32 v44, v28  }
0x7f: {  	v34 =	vld.idx.msk [tilespmem:v17+s16+$0x0], $0xffff;
	v28 =	vsel vm2, $0x1, v1;
	v25 =	vshll.u32 v21, $0x7;
	v21 =	vcvt.f32.s32 v30  }
0x80: {  	v26 =	vld.idx.msk [tilespmem:v15+s16+$0x0], $0xffff;
	v39 =	vshll.u32 v63, $0x7;
	vm2 =	vlt.f32 v22, v35;
	v22 =	vsel vm1, $0x1, v1  }
0x81: {  	v30 =	vor.u32 v2, v25;
	v25 =	vld [tilespmem:s18+$0x70];
	v35 =	vsel vm2, $0x1, v1;
	v36 =	vadd.s32 v40, v22  }
0x82: {  	v22 =	vor.u32 v2, v58;
	vm1 =	vlt.f32 v59, v31;
	v31 =	vld [tilespmem:s18+$0x40];
	v35 =	vadd.s32 v47, v35  }
0x83: {  	s31 =	simm.s32 $0x0;
	v40 =	vsel vm0, $0x1, v1;
	v38 =	vsel vm1, $0x1, v1;
	[tilespmem:v24+s25+$0x0] =	vst.idx.add.f32.msk $0xffff, v61;
	v24 =	vshll.u32 v35, $0x7  }
0x84: {  	s4 =	simm.s32 $0x8480;
	s3 =	simm.s32 $0x480;
	s19 =	simm.s32 $0x8400;
	vm1 =	vlt.f32 v62, v33;
	v33 =	vor.u32 v2, v60;
	v35 =	vor.u32 v2, v24;
	v24 =	vld [tilespmem:s18+$0xFFFFFC50]  }
.LBB2_3:
0x85: {  	s31 =	sadd.s32 $0x100, s31;
	v41 =	vsel vm1, $0x1, v1;
	v42 =	vld.idx.msk [tilespmem:v21+s16+$0x0], $0xffff;
	vm0 =	vlt.f32 v34, v11;
	v11 =	vadd.s32 v13, v40;
	s18 =	sadd.s32 $0x800, s18;
	s0 =	sadd.s32 $0x800, s0  }
0x86: {  	vm1 =	vlt.f32 v26, v10;
	p0 =	slt.u32 s31, $0x700;
	v13 =	vadd.s32 v20, v41;
	v10 =	vld [tilespmem:s19+$0x20];
	v20 =	vshll.u32 v36, $0x7  }
0x87: {  	v26 =	vand.u32 $0x7FFFFFFF, v32;
	v19 =	vadd.s32 v19, v38;
	v34 =	vsel vm0, $0x1, v1;
	v32 =	vld [tilespmem:s19+$0xFFFFFC70];
	s19 =	smov.u32 s18  }
0x88: {  	v36 =	vor.u32 v2, v39;
	[tilespmem:v23+s25+$0x0] =	vst.idx.add.f32.msk $0xffff, v29;
	v23 =	vand.u32 $0x7FFFFFFF, v37;
	v29 =	vsel vm1, $0x1, v1  }
0x89: {  	v19 =	vshll.u32 v19, $0x7;
	v17 =	vadd.s32 v17, v34;
	[tilespmem:v35+s25+$0x0] =	vst.idx.add.f32.msk $0xffff, v23;
	v23 =	vor.u32 v2, v27  }
0x8a: {  	v13 =	vshll.u32 v13, $0x7;
	v17 =	vshll.u32 v17, $0x7;
	[tilespmem:v30+s25+$0x0] =	vst.idx.add.f32.msk $0xffff, v26;
	v26 =	vadd.s32 v14, v28  }
0x8b: {  	v15 =	vadd.s32 v15, v29;
	v17 =	vor.u32 v2, v17;
	v27 =	vand.u32 $0x7FFFFFFF, v31;
	v14 =	vld [tilespmem:s0+$0xFFFFFC00]  }
0x8c: {  	v19 =	vor.u32 v2, v19;
	v28 =	vshll.u32 v15, $0x7;
	v29 =	vand.u32 $0x7FFFFFFF, v32;
	[tilespmem:v33+s25+$0x0] =	vst.idx.add.f32.msk $0xffff, v27  }
0x8d: {  	v25 =	vand.u32 $0x7FFFFFFF, v25;
	v13 =	vor.u32 v2, v13;
	v27 =	vor.u32 v2, v28;
	v15 =	vld [tilespmem:s0+$0x70]  }
0x8e: {  	v11 =	vshll.u32 v11, $0x7;
	v26 =	vshll.u32 v26, $0x7;
	v10 =	vand.u32 $0x7FFFFFFF, v10;
	[tilespmem:v36+s25+$0x0] =	vst.idx.add.f32.msk $0xffff, v16  }
0x8f: {  	vm0 =	vlt.f32 v42, v6;
	v6 =	vand.u32 $0x7FFFFFFF, v24;
	v16 =	vor.u32 v2, v26;
	[tilespmem:v23+s25+$0x0] =	vst.idx.add.f32.msk $0xffff, v10  }
0x90: {  	v11 =	vor.u32 v2, v11;
	v10 =	vsel vm0, $0x1, v1;
	[tilespmem:v17+s25+$0x0] =	vst.idx.add.f32.msk $0xffff, v29;
	v17 =	vor.u32 v2, v20  }
0x91: {  	v18 =	vand.u32 $0x7FFFFFFF, v18;
	v10 =	vadd.s32 v21, v10;
	[tilespmem:v19+s25+$0x0] =	vst.idx.add.f32.msk $0xffff, v6  }
0x92: {  	v7 =	vand.u32 $0x7FFFFFFF, v7;
	v6 =	vshll.u32 v10, $0x7;
	[tilespmem:v13+s25+$0x0] =	vst.idx.add.f32.msk $0xffff, v18  }
0x93: {  	v6 =	vor.u32 v2, v6;
	[tilespmem:v27+s25+$0x0] =	vst.idx.add.f32.msk $0xffff, v7;
	v7 =	vand.u32 $0x7FFFFFFF, v12  }
0x94: {  	v9 =	vand.u32 $0x7FFFFFFF, v9;
	[tilespmem:v22+s25+$0x0] =	vst.idx.add.f32.msk $0xffff, v25  }
0x95: {  	v8 =	vand.u32 $0x7FFFFFFF, v8;
	[tilespmem:v17+s25+$0x0] =	vst.idx.add.f32.msk $0xffff, v9  }
0x96: {  	v5 =	vand.u32 $0x7FFFFFFF, v5;
	[tilespmem:v16+s25+$0x0] =	vst.idx.add.f32.msk $0xffff, v8  }
0x97: {  	[tilespmem:v11+s25+$0x0] =	vst.idx.add.f32.msk $0xffff, v7  }
0x98: {  	[tilespmem:v6+s25+$0x0] =	vst.idx.add.f32.msk $0xffff, v5  }
0x99: {  	v16 =	vld [tilespmem:s0+$0x60]  }
0x9a: {  	v17 =	vld [tilespmem:s0+$0x50]  }
0x9b: {  	v23 =	vld [tilespmem:s0+$0x40]  }
0x9c: {  	v5 =	vmul.f32 v14, v4;
	v27 =	vld [tilespmem:s0+$0x30]  }
0x9d: {  	v6 =	vmul.f32 v15, v4;
	v26 =	vld [tilespmem:s0+$0x20]  }
0x9e: {  	v5 =	vadd.f32 v5, v3;
	v18 =	vld [tilespmem:s0+$0x10];
	v7 =	vmul.f32 v16, v4  }
0x9f: {  	v6 =	vadd.f32 v6, v3;
	v21 =	vld [tilespmem:s0+$0x0];
	v8 =	vmul.f32 v17, v4  }
0xa0: {  	v5 =	vtrunc.f32 v5;
	v11 =	vld [tilespmem:s0+$0xFFFFFC70];
	v9 =	vmul.f32 v23, v4;
	v7 =	vadd.f32 v7, v3  }
0xa1: {  	v13 =	vtrunc.f32 v6;
	v10 =	vld [tilespmem:s0+$0xFFFFFC60];
	v12 =	vmul.f32 v27, v4;
	v8 =	vadd.f32 v8, v3  }
0xa2: {  	v19 =	vcvt.f32.s32 v5;
	v22 =	vld [tilespmem:s0+$0xFFFFFC50];
	v5 =	vmul.f32 v26, v4;
	v9 =	vadd.f32 v9, v3  }
0xa3: {  	v28 =	vcvt.f32.s32 v13;
	v6 =	vld [tilespmem:s0+$0xFFFFFC40];
	v20 =	vmul.f32 v18, v4;
	v12 =	vadd.f32 v12, v3  }
0xa4: {  	v8 =	vtrunc.f32 v8;
	v24 =	vld [tilespmem:s0+$0xFFFFFC30];
	v13 =	vmul.f32 v21, v4;
	v29 =	vadd.f32 v5, v3  }
0xa5: {  	v5 =	vtrunc.f32 v7;
	v25 =	vld [tilespmem:s0+$0xFFFFFC20];
	v30 =	vmul.f32 v11, v4;
	v20 =	vadd.f32 v20, v3  }
0xa6: {  	v31 =	vld [tilespmem:s0+$0xFFFFFC10];
	v7 =	vmul.f32 v10, v4;
	v32 =	vadd.f32 v13, v3;
	v13 =	vcvt.f32.s32 v5  }
0xa7: {  	v9 =	vtrunc.f32 v9;
	v5 =	vld [tilespmem:s18+$0xFFFFFC40];
	v33 =	vmul.f32 v22, v4;
	v30 =	vadd.f32 v30, v3  }
0xa8: {  	v36 =	vcvt.f32.s32 v8;
	v29 =	vtrunc.f32 v29;
	v34 =	vld.idx.msk [tilespmem:v19+s16+$0x0], $0xffff;
	v35 =	vadd.f32 v7, v3  }
0xa9: {  	v12 =	vtrunc.f32 v12;
	v32 =	vtrunc.f32 v32;
	v33 =	vadd.f32 v33, v3;
	v7 =	vld [tilespmem:s18+$0xFFFFFC60]  }
0xaa: {  	v38 =	vcvt.f32.s32 v9;
	v37 =	vmul.f32 v24, v4;
	v39 =	vld.idx.msk [tilespmem:v28+s16+$0x0], $0xffff  }
0xab: {  	v40 =	vcvt.f32.s32 v12;
	v9 =	vmul.f32 v31, v4;
	v8 =	vld [tilespmem:s18+$0x0]  }
0xac: {  	v29 =	vcvt.f32.s32 v29;
	v12 =	vadd.f32 v37, v3;
	v33 =	vtrunc.f32 v33;
	v37 =	vld.idx.msk [tilespmem:v13+s16+$0x0], $0xffff  }
0xad: {  	v20 =	vtrunc.f32 v20;
	v42 =	vmul.f32 v25, v4;
	v41 =	vadd.f32 v9, v3;
	v9 =	vld [tilespmem:s18+$0x30]  }
0xae: {  	v43 =	vcvt.f32.s32 v20;
	vm0 =	vlt.f32 v34, v14;
	v34 =	vtrunc.f32 v12;
	v44 =	vld.idx.msk [tilespmem:v36+s16+$0x0], $0xffff  }
0xaf: {  	v30 =	vtrunc.f32 v30;
	v20 =	vadd.f32 v42, v3;
	v14 =	vtrunc.f32 v41;
	v12 =	vld [tilespmem:s18+$0x60]  }
0xb0: {  	v41 =	vsel vm0, $0x1, v1;
	v42 =	vcvt.f32.s32 v14;
	v14 =	vcvt.f32.s32 v32;
	v32 =	vld.idx.msk [tilespmem:v38+s16+$0x0], $0xffff  }
0xb1: {  	v45 =	vmul.f32 v6, v4;
	v20 =	vtrunc.f32 v20;
	vm0 =	vlt.f32 v39, v15;
	v46 =	vld.idx.msk [tilespmem:v40+s16+$0x0], $0xffff  }
0xb2: {  	v15 =	vadd.s32 v19, v41;
	v19 =	vtrunc.f32 v35;
	v39 =	vsel vm0, $0x1, v1;
	v35 =	vld.idx.msk [tilespmem:v29+s16+$0x0], $0xffff  }
0xb3: {  	v47 =	vcvt.f32.s32 v20;
	v41 =	vshll.u32 v15, $0x7;
	vm0 =	vlt.f32 v37, v16;
	v48 =	vld [tilespmem:s18+$0x10]  }
0xb4: {  	v20 =	vcvt.f32.s32 v34;
	v15 =	vcvt.f32.s32 v19;
	vm1 =	vlt.f32 v44, v17;
	v34 =	vld.idx.msk [tilespmem:v43+s16+$0x0], $0xffff  }
0xb5: {  	v19 =	vcvt.f32.s32 v33;
	v17 =	vcvt.f32.s32 v30;
	v16 =	vsel vm1, $0x1, v1;
	v30 =	vld [tilespmem:s18+$0x50]  }
0xb6: {  	v37 =	vadd.f32 v45, v3;
	vm2 =	vlt.f32 v32, v23;
	v32 =	vadd.s32 v36, v16;
	v33 =	vld.idx.msk [tilespmem:v42+s16+$0x0], $0xffff  }
0xb7: {  	v28 =	vadd.s32 v28, v39;
	vm1 =	vlt.f32 v46, v27;
	v27 =	vsel vm2, $0x1, v1;
	v36 =	vld [tilespmem:s18+$0xFFFFFC00]  }
0xb8: {  	v23 =	vor.u32 v2, v41;
	vm2 =	vlt.f32 v35, v26;
	v39 =	vld.idx.msk [tilespmem:v14+s16+$0x0], $0xffff;
	v16 =	vand.u32 $0x7FFFFFFF, v48  }
0xb9: {  	v37 =	vtrunc.f32 v37;
	v27 =	vadd.s32 v38, v27;
	v41 =	vsel vm2, $0x1, v1;
	v35 =	vld.idx.msk [tilespmem:v47+s16+$0x0], $0xffff  }
0xba: {  	vm2 =	vlt.f32 v34, v18;
	v29 =	vadd.s32 v29, v41;
	v41 =	vshll.u32 v28, $0x7;
	v26 =	vld.idx.msk [tilespmem:v15+s16+$0x0], $0xffff  }
0xbb: {  	v44 =	vshll.u32 v27, $0x7;
	v18 =	vsel vm2, $0x1, v1;
	v45 =	vand.u32 $0x7FFFFFFF, v30;
	v38 =	vld.idx.msk [tilespmem:v19+s16+$0x0], $0xffff  }
0xbc: {  	v28 =	vshll.u32 v32, $0x7;
	vm2 =	vlt.f32 v33, v31;
	v43 =	vadd.s32 v43, v18;
	v33 =	vld.idx.msk [tilespmem:v20+s16+$0x0], $0xffff  }
0xbd: {  	v27 =	vshll.u32 v29, $0x7;
	v46 =	vor.u32 v2, v28;
	v30 =	vsel vm2, $0x1, v1;
	v18 =	vld [tilespmem:s18+$0xFFFFFC30]  }
0xbe: {  	v29 =	vand.u32 $0x7FFFFFFF, v36;
	v28 =	vadd.s32 v42, v30;
	vm2 =	vlt.f32 v39, v21;
	v32 =	vld [tilespmem:s18+$0xFFFFFC10]  }
0xbf: {  	v21 =	vcvt.f32.s32 v37;
	v30 =	vshll.u32 v28, $0x7;
	v28 =	vsel vm2, $0x1, v1;
	v34 =	vld.idx.msk [tilespmem:v17+s16+$0x0], $0xffff  }
.Ltmp2:
0xc0: {  	v31 =	vsel vm1, $0x1, v1;
	vm2 =	vlt.f32 v35, v25;
	v30 =	vor.u32 v2, v30;
	v25 =	vld [tilespmem:s18+$0x70];
	(pc) =	sbr.rel @p0 .LBB2_3-.Ltmp2, $4  }
0xc1: {  	v36 =	vadd.s32 v40, v31;
	v35 =	vsel vm2, $0x1, v1;
	vm1 =	vlt.f32 v38, v22;
	v31 =	vld [tilespmem:s18+$0x40]  }
0xc2: {  	v35 =	vadd.s32 v47, v35;
	v22 =	vor.u32 v2, v41;
	v38 =	vsel vm1, $0x1, v1;
	[tilespmem:v46+s25+$0x0] =	vst.idx.add.f32.msk $0xffff, v45  }
0xc3: {  	v40 =	vsel vm0, $0x1, v1;
	v35 =	vshll.u32 v35, $0x7;
	vm1 =	vlt.f32 v33, v24;
	v37 =	vld [tilespmem:s18+$0xFFFFFC20]  }
0xc4: {  	v39 =	vshll.u32 v43, $0x7;
	v33 =	vor.u32 v2, v44;
	v35 =	vor.u32 v2, v35;
	v24 =	vld [tilespmem:s18+$0xFFFFFC50]  }
0xc5: {  	_ =	sdelay $0x2  }
0xc6: {  	v41 =	vsel vm1, $0x1, v1;
	vm0 =	vlt.f32 v34, v11;
	v11 =	vadd.s32 v13, v40  }
0xc7: {  	v13 =	vld.idx.msk [tilespmem:v21+s16+$0x0], $0xffff;
	vm1 =	vlt.f32 v26, v10;
	v32 =	vand.u32 $0x7FFFFFFF, v32;
	v19 =	vadd.s32 v19, v38  }
0xc8: {  	v26 =	vld [tilespmem:s19+$0x20];
	v56 =	vor.u32 v2, v39;
	v27 =	vor.u32 v2, v27;
	v14 =	vadd.s32 v14, v28  }
0xc9: {  	[tilespmem:v23+s25+$0x0] =	vst.idx.add.f32.msk $0xffff, v29;
	v20 =	vadd.s32 v20, v41;
	v34 =	vsel vm0, $0x1, v1;
	v23 =	vsel vm1, $0x1, v1  }
0xca: {  	v55 =	vld [tilespmem:s19+$0xFFFFFC70];
	v19 =	vshll.u32 v19, $0x7;
	v14 =	vshll.u32 v14, $0x7;
	v17 =	vadd.s32 v17, v34  }
0xcb: {  	[tilespmem:v30+s25+$0x0] =	vst.idx.add.f32.msk $0xffff, v32;
	v15 =	vadd.s32 v15, v23;
	v23 =	vand.u32 $0x7FFFFFFF, v31;
	v19 =	vor.u32 v2, v19  }
0xcc: {  	v20 =	vshll.u32 v20, $0x7;
	v14 =	vor.u32 v2, v14;
	v37 =	vand.u32 $0x7FFFFFFF, v37;
	[tilespmem:v33+s25+$0x0] =	vst.idx.add.f32.msk $0xffff, v23  }
0xcd: {  	v10 =	vshll.u32 v36, $0x7;
	v17 =	vshll.u32 v17, $0x7;
	v20 =	vor.u32 v2, v20;
	[tilespmem:v35+s25+$0x0] =	vst.idx.add.f32.msk $0xffff, v37  }
0xce: {  	v15 =	vshll.u32 v15, $0x7;
	v17 =	vor.u32 v2, v17;
	[tilespmem:v56+s25+$0x0] =	vst.idx.add.f32.msk $0xffff, v16;
	v16 =	vand.u32 $0x7FFFFFFF, v26  }
0xcf: {  	v15 =	vor.u32 v2, v15;
	vm0 =	vlt.f32 v13, v6;
	v6 =	vand.u32 $0x7FFFFFFF, v24;
	[tilespmem:v27+s25+$0x0] =	vst.idx.add.f32.msk $0xffff, v16  }
0xd0: {  	v8 =	vand.u32 $0x7FFFFFFF, v8;
	v11 =	vshll.u32 v11, $0x7;
	v13 =	vsel vm0, $0x1, v1;
	[tilespmem:v19+s25+$0x0] =	vst.idx.add.f32.msk $0xffff, v6  }
0xd1: {  	v10 =	vor.u32 v2, v10;
	v16 =	vand.u32 $0x7FFFFFFF, v18;
	v13 =	vadd.s32 v21, v13;
	[tilespmem:v14+s25+$0x0] =	vst.idx.add.f32.msk $0xffff, v8  }
0xd2: {  	v23 =	vand.u32 $0x7FFFFFFF, v55;
	v6 =	vor.u32 v2, v11;
	[tilespmem:v20+s25+$0x0] =	vst.idx.add.f32.msk $0xffff, v16;
	v11 =	vshll.u32 v13, $0x7  }
0xd3: {  	v7 =	vand.u32 $0x7FFFFFFF, v7;
	[tilespmem:v17+s25+$0x0] =	vst.idx.add.f32.msk $0xffff, v23;
	v11 =	vor.u32 v2, v11  }
0xd4: {  	v13 =	vand.u32 $0x7FFFFFFF, v25;
	[tilespmem:v15+s25+$0x0] =	vst.idx.add.f32.msk $0xffff, v7  }
0xd5: {  	v7 =	vand.u32 $0x7FFFFFFF, v9;
	[tilespmem:v22+s25+$0x0] =	vst.idx.add.f32.msk $0xffff, v13  }
0xd6: {  	[tilespmem:v10+s25+$0x0] =	vst.idx.add.f32.msk $0xffff, v7;
	v7 =	vand.u32 $0x7FFFFFFF, v12  }
0xd7: {  	v5 =	vand.u32 $0x7FFFFFFF, v5;
	[tilespmem:v6+s25+$0x0] =	vst.idx.add.f32.msk $0xffff, v7  }
0xd8: {  	[tilespmem:v11+s25+$0x0] =	vst.idx.add.f32.msk $0xffff, v5  }
0xd9: {  	v13 =	vld [tilespmem:s3+$0xFFFFFC00]  }
0xda: {  	v22 =	vld [tilespmem:s3+$0x60]  }
0xdb: {  	v19 =	vld [tilespmem:s3+$0x70]  }
0xdc: {  	v20 =	vld [tilespmem:s3+$0x50]  }
0xdd: {  	v24 =	vld [tilespmem:s3+$0x40]  }
0xde: {  	v21 =	vld [tilespmem:s3+$0x20]  }
0xdf: {  	v23 =	vld [tilespmem:s3+$0x10]  }
0xe0: {  	v25 =	vld [tilespmem:s3+$0x0]  }
0xe1: {  	v27 =	vld [tilespmem:s3+$0xFFFFFC70]  }
0xe2: {  	v12 =	vld [tilespmem:s3+$0xFFFFFC60]  }
0xe3: {  	v32 =	vld [tilespmem:s3+$0xFFFFFC10];
	v5 =	vmul.f32 v13, v4  }
0xe4: {  	v30 =	vld [tilespmem:s3+$0xFFFFFC20];
	v6 =	vmul.f32 v22, v4;
	v7 =	vmul.f32 v19, v4  }
0xe5: {  	v10 =	vld [tilespmem:s3+$0xFFFFFC40];
	v8 =	vmul.f32 v20, v4;
	v9 =	vmul.f32 v24, v4  }
0xe6: {  	v14 =	vmul.f32 v21, v4;
	v15 =	vmul.f32 v23, v4  }
0xe7: {  	v26 =	vmul.f32 v25, v4;
	v29 =	vmul.f32 v27, v4  }
0xe8: {  	v59 =	vmul.f32 v32, v4;
	v60 =	vmul.f32 v12, v4  }
0xe9: {  	v62 =	vmul.f32 v30, v4;
	v5 =	vadd.f32 v5, v3;
	v6 =	vadd.f32 v6, v3  }
0xea: {  	v17 =	vld [tilespmem:s3+$0x30];
	v52 =	vmul.f32 v10, v4;
	v7 =	vadd.f32 v7, v3;
	v8 =	vadd.f32 v8, v3  }
0xeb: {  	v9 =	vadd.f32 v9, v3;
	v15 =	vadd.f32 v15, v3;
	v5 =	vtrunc.f32 v5  }
0xec: {  	v61 =	vadd.f32 v59, v3;
	v6 =	vtrunc.f32 v6;
	v16 =	vtrunc.f32 v7  }
0xed: {  	v11 =	vld [tilespmem:s3+$0xFFFFFC50];
	v8 =	vtrunc.f32 v8;
	v9 =	vtrunc.f32 v9  }
0xee: {  	v36 =	vadd.f32 v62, v3;
	v62 =	vld [tilespmem:s4+$0x20];
	v57 =	vtrunc.f32 v15;
	v34 =	vtrunc.f32 v61  }
0xef: {  	v14 =	vadd.f32 v14, v3;
	v7 =	vld [tilespmem:s3+$0xFFFFFC30];
	v18 =	vcvt.f32.s32 v5;
	v5 =	vmul.f32 v17, v4  }
0xf0: {  	v61 =	vld [tilespmem:s4+$0x0];
	v28 =	vcvt.f32.s32 v16;
	v42 =	vcvt.f32.s32 v6  }
0xf1: {  	v6 =	vld [tilespmem:s4+$0xFFFFFC40];
	v16 =	vadd.f32 v5, v3;
	v5 =	vtrunc.f32 v14;
	v14 =	vadd.f32 v26, v3  }
0xf2: {  	v15 =	vcvt.f32.s32 v8;
	v33 =	vcvt.f32.s32 v57;
	v8 =	vld [tilespmem:s4+$0x40]  }
0xf3: {  	v31 =	vcvt.f32.s32 v5;
	v5 =	vld [tilespmem:s4+$0xFFFFFC30];
	v14 =	vtrunc.f32 v14  }
0xf4: {  	v37 =	vadd.f32 v60, v3;
	v58 =	vtrunc.f32 v16;
	v16 =	vcvt.f32.s32 v9;
	v9 =	vld [tilespmem:s4+$0x50]  }
0xf5: {  	v43 =	vmul.f32 v11, v4;
	v38 =	vcvt.f32.s32 v14;
	v26 =	vld.idx.msk [tilespmem:v18+s16+$0x0], $0xffff  }
0xf6: {  	v29 =	vadd.f32 v29, v3;
	v37 =	vtrunc.f32 v37;
	v36 =	vtrunc.f32 v36;
	v35 =	vld.idx.msk [tilespmem:v28+s16+$0x0], $0xffff  }
0xf7: {  	v43 =	vadd.f32 v43, v3;
	v39 =	vcvt.f32.s32 v36;
	v14 =	vcvt.f32.s32 v58;
	v58 =	vld [tilespmem:s4+$0xFFFFFC00]  }
0xf8: {  	v40 =	vadd.f32 v52, v3;
	v29 =	vtrunc.f32 v29;
	v34 =	vcvt.f32.s32 v34;
	v45 =	vld.idx.msk [tilespmem:v33+s16+$0x0], $0xffff  }
0xf9: {  	v48 =	vcvt.f32.s32 v29;
	v29 =	vtrunc.f32 v43;
	v63 =	vld.idx.msk [tilespmem:v31+s16+$0x0], $0xffff  }
0xfa: {  	v54 =	vtrunc.f32 v40;
	v29 =	vcvt.f32.s32 v29;
	v53 =	vld.idx.msk [tilespmem:v15+s16+$0x0], $0xffff  }
0xfb: {  	vm0 =	vlt.f32 v26, v13;
	v26 =	vmul.f32 v7, v4;
	v47 =	vld.idx.msk [tilespmem:v38+s16+$0x0], $0xffff;
	vm1 =	vlt.f32 v35, v19  }
0xfc: {  	v41 =	vand.u32 $0x7FFFFFFF, v61;
	v55 =	vld.idx.msk [tilespmem:v42+s16+$0x0], $0xffff;
	v44 =	vsel vm0, $0x1, v1;
	v50 =	vsel vm1, $0x1, v1  }
0xfd: {  	v60 =	vld.idx.msk [tilespmem:v39+s16+$0x0], $0xffff;
	vm1 =	vlt.f32 v45, v23;
	v26 =	vadd.f32 v26, v3;
	v44 =	vadd.s32 v18, v44  }
0xfe: {  	v46 =	vld.idx.msk [tilespmem:v16+s16+$0x0], $0xffff;
	v40 =	vadd.s32 v28, v50;
	vm0 =	vlt.f32 v63, v21;
	v21 =	vcvt.f32.s32 v37  }
0xff: {  	v56 =	vld.idx.msk [tilespmem:v34+s16+$0x0], $0xffff;
	v19 =	vsel vm0, $0x1, v1;
	v57 =	vtrunc.f32 v26;
	vm0 =	vlt.f32 v53, v20  }
0x100: {  	v59 =	vld.idx.msk [tilespmem:v48+s16+$0x0], $0xffff;
	v20 =	vshll.u32 v44, $0x7;
	v19 =	vadd.s32 v31, v19;
	vm2 =	vlt.f32 v47, v25  }
0x101: {  	v13 =	vld [tilespmem:s4+$0x30];
	v44 =	vor.u32 v2, v20;
	v19 =	vshll.u32 v19, $0x7;
	v20 =	vsel vm2, $0x1, v1  }
0x102: {  	v49 =	vld.idx.msk [tilespmem:v14+s16+$0x0], $0xffff;
	vm2 =	vlt.f32 v60, v30;
	v23 =	vor.u32 v2, v19;
	v19 =	vsel vm1, $0x1, v1  }
0x103: {  	v25 =	vld [tilespmem:s4+$0x70];
	v20 =	vadd.s32 v38, v20;
	vm1 =	vlt.f32 v46, v24;
	v19 =	vadd.s32 v33, v19  }
0x104: {  	v35 =	vld [tilespmem:s4+$0x10];
	v24 =	vshll.u32 v20, $0x7;
	v31 =	vsel vm1, $0x1, v1;
	vm1 =	vlt.f32 v56, v32  }
0x105: {  	v18 =	vld [tilespmem:s4+$0xFFFFFC20];
	v32 =	vsel vm0, $0x1, v1;
	vm0 =	vlt.f32 v55, v22;
	v19 =	vshll.u32 v19, $0x7  }
0x106: {  	v30 =	vld.idx.msk [tilespmem:v29+s16+$0x0], $0xffff;
	v33 =	vor.u32 v2, v24;
	v22 =	vsel vm1, $0x1, v1;
	v24 =	vcvt.f32.s32 v54  }
0x107: {  	v38 =	vld [tilespmem:s4+$0xFFFFFC50];
	v51 =	vsel vm0, $0x1, v1;
	vm1 =	vlt.f32 v59, v27;
	vm0 =	vlt.f32 v49, v17  }
0x108: {  	v36 =	vld.idx.msk [tilespmem:v21+s16+$0x0], $0xffff;
	v27 =	vsel vm2, $0x1, v1;
	v20 =	vor.u32 v2, v19;
	v26 =	vand.u32 $0x7FFFFFFF, v25  }
0x109: {  	v19 =	vld [tilespmem:s4+$0xFFFFFC60];
	v25 =	vand.u32 $0x7FFFFFFF, v58;
	v22 =	vadd.s32 v34, v22;
	v17 =	vsel vm1, $0x1, v1  }
0x10a: {  	v34 =	vld [tilespmem:s4+$0xFFFFFC10];
	v22 =	vshll.u32 v22, $0x7;
	v63 =	vadd.s32 v48, v17;
	v17 =	vadd.s32 v39, v27  }
0x10b: {  	s19 =	simm.s32 $0x0;
	[tilespmem:v44+s25+$0x0] =	vst.idx.add.f32.msk $0xffff, v25;
	v25 =	vor.u32 v2, v22;
	v22 =	vcvt.f32.s32 v57;
	v27 =	vshll.u32 v63, $0x7  }
0x10c: {  	s31 =	simm.s32 $0x8500;
	s0 =	simm.s32 $0x500;
	s18 =	simm.s32 $0x8480;
	v39 =	vand.u32 $0x7FFFFFFF, v62;
	v28 =	vor.u32 v2, v27;
	v27 =	vadd.s32 v42, v51;
	v37 =	vld.idx.msk [tilespmem:v24+s16+$0x0], $0xffff  }
.LBB2_5:
0x10d: {  	s19 =	sadd.s32 $0x100, s19;
	v42 =	vshll.u32 v17, $0x7;
	[tilespmem:v33+s25+$0x0] =	vst.idx.add.f32.msk $0xffff, v41;
	v16 =	vadd.s32 v16, v31;
	v27 =	vshll.u32 v27, $0x7;
	s4 =	sadd.s32 $0x800, s4;
	s3 =	sadd.s32 $0x800, s3  }
0x10e: {  	v31 =	vand.u32 $0x7FFFFFFF, v35;
	v15 =	vadd.s32 v15, v32;
	v32 =	vshll.u32 v40, $0x7;
	v17 =	vld [tilespmem:s3+$0x60];
	p0 =	slt.u32 s19, $0x700  }
0x10f: {  	vm1 =	vlt.f32 v36, v12;
	v33 =	vor.u32 v2, v42;
	v32 =	vor.u32 v2, v32;
	v12 =	vld [tilespmem:s18+$0xFFFFFC70]  }
0x110: {  	v34 =	vand.u32 $0x7FFFFFFF, v34;
	vm2 =	vlt.f32 v30, v11;
	v11 =	vsel vm0, $0x1, v1;
	[tilespmem:v23+s25+$0x0] =	vst.idx.add.f32.msk $0xffff, v39  }
0x111: {  	v35 =	vand.u32 $0x7FFFFFFF, v38;
	v23 =	vsel vm2, $0x1, v1;
	v11 =	vadd.s32 v14, v11;
	v30 =	vld.idx.msk [tilespmem:v22+s16+$0x0], $0xffff  }
0x112: {  	v14 =	vsel vm1, $0x1, v1;
	vm0 =	vlt.f32 v37, v10;
	v10 =	vadd.s32 v29, v23;
	v29 =	vld [tilespmem:s18+$0x60];
	s18 =	smov.u32 s4  }
0x113: {  	v18 =	vand.u32 $0x7FFFFFFF, v18;
	v14 =	vadd.s32 v21, v14;
	v10 =	vshll.u32 v10, $0x7;
	v23 =	vld [tilespmem:s3+$0xFFFFFC00]  }
0x114: {  	v11 =	vshll.u32 v11, $0x7;
	v14 =	vshll.u32 v14, $0x7;
	v10 =	vor.u32 v2, v10;
	[tilespmem:v32+s25+$0x0] =	vst.idx.add.f32.msk $0xffff, v26  }
0x115: {  	v15 =	vshll.u32 v15, $0x7;
	v21 =	vsel vm0, $0x1, v1;
	v11 =	vor.u32 v2, v11;
	[tilespmem:v25+s25+$0x0] =	vst.idx.add.f32.msk $0xffff, v34  }
0x116: {  	v16 =	vshll.u32 v16, $0x7;
	v21 =	vadd.s32 v24, v21;
	v12 =	vand.u32 $0x7FFFFFFF, v12;
	[tilespmem:v20+s25+$0x0] =	vst.idx.add.f32.msk $0xffff, v31  }
0x117: {  	vm0 =	vlt.f32 v30, v7;
	v7 =	vshll.u32 v21, $0x7;
	[tilespmem:v28+s25+$0x0] =	vst.idx.add.f32.msk $0xffff, v12;
	v12 =	vor.u32 v2, v27  }
0x118: {  	v15 =	vor.u32 v2, v15;
	v14 =	vor.u32 v2, v14;
	[tilespmem:v33+s25+$0x0] =	vst.idx.add.f32.msk $0xffff, v18;
	v18 =	vsel vm0, $0x1, v1  }
0x119: {  	v18 =	vadd.s32 v22, v18;
	[tilespmem:v10+s25+$0x0] =	vst.idx.add.f32.msk $0xffff, v35;
	v10 =	vor.u32 v2, v16;
	v16 =	vand.u32 $0x7FFFFFFF, v29  }
0x11a: {  	v13 =	vand.u32 $0x7FFFFFFF, v13;
	v7 =	vor.u32 v2, v7;
	v20 =	vld [tilespmem:s3+$0x70];
	v18 =	vshll.u32 v18, $0x7  }
0x11b: {  	v19 =	vand.u32 $0x7FFFFFFF, v19;
	v18 =	vor.u32 v2, v18;
	[tilespmem:v11+s25+$0x0] =	vst.idx.add.f32.msk $0xffff, v13  }
0x11c: {  	v9 =	vand.u32 $0x7FFFFFFF, v9;
	[tilespmem:v12+s25+$0x0] =	vst.idx.add.f32.msk $0xffff, v16  }
0x11d: {  	[tilespmem:v14+s25+$0x0] =	vst.idx.add.f32.msk $0xffff, v19  }
0x11e: {  	v8 =	vand.u32 $0x7FFFFFFF, v8;
	[tilespmem:v15+s25+$0x0] =	vst.idx.add.f32.msk $0xffff, v9  }
0x11f: {  	v5 =	vand.u32 $0x7FFFFFFF, v5;
	v6 =	vand.u32 $0x7FFFFFFF, v6;
	[tilespmem:v10+s25+$0x0] =	vst.idx.add.f32.msk $0xffff, v8  }
0x120: {  	[tilespmem:v7+s25+$0x0] =	vst.idx.add.f32.msk $0xffff, v6  }
0x121: {  	[tilespmem:v18+s25+$0x0] =	vst.idx.add.f32.msk $0xffff, v5  }
0x122: {  	v21 =	vld [tilespmem:s3+$0x50]  }
0x123: {  	v19 =	vld [tilespmem:s3+$0x40]  }
0x124: {  	v5 =	vmul.f32 v23, v4;
	v22 =	vld [tilespmem:s3+$0x30]  }
0x125: {  	v6 =	vmul.f32 v20, v4;
	v24 =	vld [tilespmem:s3+$0x20]  }
0x126: {  	v7 =	vmul.f32 v17, v4;
	v5 =	vadd.f32 v5, v3;
	v26 =	vld [tilespmem:s3+$0x10]  }
0x127: {  	v6 =	vadd.f32 v6, v3;
	v29 =	vld [tilespmem:s3+$0x0];
	v8 =	vmul.f32 v21, v4  }
0x128: {  	v7 =	vadd.f32 v7, v3;
	v5 =	vtrunc.f32 v5;
	v25 =	vld [tilespmem:s3+$0xFFFFFC70];
	v9 =	vmul.f32 v19, v4  }
0x129: {  	v18 =	vcvt.f32.s32 v5;
	v12 =	vld [tilespmem:s3+$0xFFFFFC60];
	v5 =	vmul.f32 v22, v4;
	v8 =	vadd.f32 v8, v3  }
0x12a: {  	v14 =	vtrunc.f32 v7;
	v11 =	vld [tilespmem:s3+$0xFFFFFC50];
	v13 =	vmul.f32 v24, v4;
	v9 =	vadd.f32 v9, v3  }
0x12b: {  	v10 =	vld [tilespmem:s3+$0xFFFFFC40];
	v15 =	vmul.f32 v26, v4;
	v16 =	vadd.f32 v5, v3;
	v5 =	vtrunc.f32 v6  }
0x12c: {  	v7 =	vld [tilespmem:s3+$0xFFFFFC30];
	v6 =	vmul.f32 v29, v4;
	v13 =	vadd.f32 v13, v3;
	v28 =	vcvt.f32.s32 v5  }
0x12d: {  	v8 =	vtrunc.f32 v8;
	v30 =	vld [tilespmem:s3+$0xFFFFFC20];
	v5 =	vmul.f32 v25, v4;
	v15 =	vadd.f32 v15, v3  }
0x12e: {  	v27 =	vcvt.f32.s32 v14;
	v32 =	vld [tilespmem:s3+$0xFFFFFC10];
	v31 =	vadd.f32 v6, v3;
	v6 =	vtrunc.f32 v13  }
0x12f: {  	v9 =	vtrunc.f32 v9;
	v13 =	vld.idx.msk [tilespmem:v18+s16+$0x0], $0xffff;
	v33 =	vadd.f32 v5, v3;
	v34 =	vcvt.f32.s32 v6  }
0x130: {  	v14 =	vtrunc.f32 v15;
	v15 =	vcvt.f32.s32 v8;
	v5 =	vld [tilespmem:s4+$0xFFFFFC30]  }
0x131: {  	v35 =	vtrunc.f32 v16;
	v31 =	vtrunc.f32 v31;
	v6 =	vld [tilespmem:s4+$0xFFFFFC40]  }
0x132: {  	v16 =	vcvt.f32.s32 v9;
	v36 =	vcvt.f32.s32 v14;
	v37 =	vld.idx.msk [tilespmem:v28+s16+$0x0], $0xffff  }
0x133: {  	v39 =	vmul.f32 v12, v4;
	v38 =	vmul.f32 v32, v4;
	v8 =	vld [tilespmem:s4+$0x40]  }
0x134: {  	v14 =	vcvt.f32.s32 v35;
	v31 =	vcvt.f32.s32 v31;
	v9 =	vld [tilespmem:s4+$0x50]  }
0x135: {  	v39 =	vadd.f32 v39, v3;
	v35 =	vadd.f32 v38, v3;
	v38 =	vmul.f32 v30, v4;
	v40 =	vld.idx.msk [tilespmem:v34+s16+$0x0], $0xffff  }
0x136: {  	v41 =	vmul.f32 v10, v4;
	vm0 =	vlt.f32 v13, v23;
	v23 =	vmul.f32 v7, v4;
	v42 =	vld.idx.msk [tilespmem:v15+s16+$0x0], $0xffff  }
0x137: {  	v43 =	vmul.f32 v11, v4;
	v35 =	vtrunc.f32 v35;
	v38 =	vadd.f32 v38, v3;
	v13 =	vld [tilespmem:s4+$0x30]  }
0x138: {  	v44 =	vsel vm0, $0x1, v1;
	v45 =	vcvt.f32.s32 v35;
	v35 =	vtrunc.f32 v39;
	v39 =	vld.idx.msk [tilespmem:v36+s16+$0x0], $0xffff  }
0x139: {  	v41 =	vadd.f32 v41, v3;
	v23 =	vadd.f32 v23, v3;
	v38 =	vtrunc.f32 v38;
	v46 =	vld.idx.msk [tilespmem:v16+s16+$0x0], $0xffff  }
0x13a: {  	v43 =	vadd.f32 v43, v3;
	v33 =	vtrunc.f32 v33;
	v44 =	vadd.s32 v18, v44;
	v47 =	vld.idx.msk [tilespmem:v31+s16+$0x0], $0xffff  }
0x13b: {  	v48 =	vcvt.f32.s32 v33;
	vm1 =	vlt.f32 v37, v20;
	vm0 =	vlt.f32 v40, v24;
	v18 =	vld [tilespmem:s4+$0xFFFFFC20]  }
0x13c: {  	v37 =	vcvt.f32.s32 v38;
	v40 =	vsel vm1, $0x1, v1;
	v20 =	vsel vm0, $0x1, v1;
	v38 =	vld.idx.msk [tilespmem:v14+s16+$0x0], $0xffff  }
0x13d: {  	v33 =	vtrunc.f32 v43;
	v24 =	vtrunc.f32 v41;
	v20 =	vadd.s32 v34, v20;
	v34 =	vld.idx.msk [tilespmem:v27+s16+$0x0], $0xffff  }
0x13e: {  	v43 =	vtrunc.f32 v23;
	vm0 =	vlt.f32 v42, v21;
	v20 =	vshll.u32 v20, $0x7;
	v41 =	vld.idx.msk [tilespmem:v45+s16+$0x0], $0xffff  }
0x13f: {  	v21 =	vshll.u32 v44, $0x7;
	vm1 =	vlt.f32 v39, v26;
	v23 =	vor.u32 v2, v20;
	v42 =	vld [tilespmem:s4+$0xFFFFFC00]  }
0x140: {  	v39 =	vor.u32 v2, v21;
	v20 =	vsel vm1, $0x1, v1;
	vm2 =	vlt.f32 v47, v29;
	v26 =	vld [tilespmem:s4+$0x70]  }
0x141: {  	v21 =	vcvt.f32.s32 v35;
	v20 =	vadd.s32 v36, v20;
	v29 =	vsel vm2, $0x1, v1;
	v44 =	vld.idx.msk [tilespmem:v48+s16+$0x0], $0xffff  }
0x142: {  	vm1 =	vlt.f32 v46, v19;
	v20 =	vshll.u32 v20, $0x7;
	v29 =	vadd.s32 v31, v29;
	v47 =	vld.idx.msk [tilespmem:v37+s16+$0x0], $0xffff  }
0x143: {  	v20 =	vor.u32 v2, v20;
	v31 =	vsel vm1, $0x1, v1;
	v19 =	vshll.u32 v29, $0x7;
	v46 =	vld [tilespmem:s4+$0x0]  }
0x144: {  	v29 =	vcvt.f32.s32 v33;
	vm1 =	vlt.f32 v41, v32;
	v33 =	vor.u32 v2, v19;
	v41 =	vld [tilespmem:s4+$0x20]  }
0x145: {  	v32 =	vsel vm0, $0x1, v1;
	vm0 =	vlt.f32 v34, v17;
	v19 =	vld [tilespmem:s4+$0xFFFFFC60];
	v26 =	vand.u32 $0x7FFFFFFF, v26  }
0x146: {  	v24 =	vcvt.f32.s32 v24;
	v17 =	vsel vm1, $0x1, v1;
	v49 =	vsel vm0, $0x1, v1;
	v35 =	vld [tilespmem:s4+$0x10]  }
0x147: {  	v42 =	vand.u32 $0x7FFFFFFF, v42;
	v17 =	vadd.s32 v45, v17;
	vm1 =	vlt.f32 v44, v25;
	v36 =	vld.idx.msk [tilespmem:v21+s16+$0x0], $0xffff  }
.Ltmp3:
0x148: {  	vm0 =	vlt.f32 v38, v22;
	v17 =	vshll.u32 v17, $0x7;
	vm2 =	vlt.f32 v47, v30;
	v34 =	vld [tilespmem:s4+$0xFFFFFC10];
	(pc) =	sbr.rel @p0 .LBB2_5-.Ltmp3, $4  }
0x149: {  	v22 =	vcvt.f32.s32 v43;
	v25 =	vor.u32 v2, v17;
	v17 =	vsel vm1, $0x1, v1;
	[tilespmem:v39+s25+$0x0] =	vst.idx.add.f32.msk $0xffff, v42  }
0x14a: {  	v40 =	vadd.s32 v28, v40;
	v38 =	vsel vm2, $0x1, v1;
	v39 =	vadd.s32 v48, v17;
	v30 =	vld.idx.msk [tilespmem:v29+s16+$0x0], $0xffff  }
0x14b: {  	v17 =	vadd.s32 v37, v38;
	v28 =	vshll.u32 v39, $0x7;
	v39 =	vand.u32 $0x7FFFFFFF, v41;
	v38 =	vld [tilespmem:s4+$0xFFFFFC50]  }
0x14c: {  	v27 =	vadd.s32 v27, v49;
	v41 =	vand.u32 $0x7FFFFFFF, v46;
	v28 =	vor.u32 v2, v28;
	v37 =	vld.idx.msk [tilespmem:v24+s16+$0x0], $0xffff  }
0x14d: {  	_ =	sdelay $0x2  }
0x14e: {  	v17 =	vshll.u32 v17, $0x7;
	v16 =	vadd.s32 v16, v31;
	v27 =	vshll.u32 v27, $0x7  }
0x14f: {  	[tilespmem:v33+s25+$0x0] =	vst.idx.add.f32.msk $0xffff, v41;
	v31 =	vand.u32 $0x7FFFFFFF, v35;
	v15 =	vadd.s32 v15, v32;
	v53 =	vshll.u32 v40, $0x7  }
0x150: {  	vm1 =	vlt.f32 v36, v12;
	v54 =	vld [tilespmem:s18+$0xFFFFFC70];
	v55 =	vand.u32 $0x7FFFFFFF, v34;
	v18 =	vand.u32 $0x7FFFFFFF, v18  }
0x151: {  	[tilespmem:v23+s25+$0x0] =	vst.idx.add.f32.msk $0xffff, v39;
	v9 =	vand.u32 $0x7FFFFFFF, v9;
	v17 =	vor.u32 v2, v17;
	v12 =	vor.u32 v2, v53  }
0x152: {  	v15 =	vshll.u32 v15, $0x7;
	[tilespmem:v20+s25+$0x0] =	vst.idx.add.f32.msk $0xffff, v31;
	vm2 =	vlt.f32 v30, v11;
	v11 =	vsel vm0, $0x1, v1  }
0x153: {  	v20 =	vor.u32 v2, v27;
	v30 =	vsel vm2, $0x1, v1;
	v11 =	vadd.s32 v14, v11;
	v14 =	vld.idx.msk [tilespmem:v22+s16+$0x0], $0xffff  }
0x154: {  	v15 =	vor.u32 v2, v15;
	vm0 =	vlt.f32 v37, v10;
	v10 =	vadd.s32 v29, v30  }
0x155: {  	[tilespmem:v25+s25+$0x0] =	vst.idx.add.f32.msk $0xffff, v55;
	v16 =	vshll.u32 v16, $0x7;
	v29 =	vsel vm1, $0x1, v1;
	v10 =	vshll.u32 v10, $0x7  }
0x156: {  	v30 =	vld [tilespmem:s18+$0x60];
	v11 =	vshll.u32 v11, $0x7;
	v21 =	vadd.s32 v21, v29;
	v10 =	vor.u32 v2, v10  }
0x157: {  	v11 =	vor.u32 v2, v11;
	v21 =	vshll.u32 v21, $0x7;
	[tilespmem:v12+s25+$0x0] =	vst.idx.add.f32.msk $0xffff, v26;
	v12 =	vsel vm0, $0x1, v1  }
0x158: {  	[tilespmem:v17+s25+$0x0] =	vst.idx.add.f32.msk $0xffff, v18;
	v12 =	vadd.s32 v24, v12;
	v24 =	vand.u32 $0x7FFFFFFF, v54;
	vm0 =	vlt.f32 v14, v7  }
0x159: {  	[tilespmem:v15+s25+$0x0] =	vst.idx.add.f32.msk $0xffff, v9;
	v7 =	vor.u32 v2, v21;
	v12 =	vshll.u32 v12, $0x7;
	v14 =	vsel vm0, $0x1, v1  }
0x15a: {  	v23 =	vand.u32 $0x7FFFFFFF, v38;
	[tilespmem:v28+s25+$0x0] =	vst.idx.add.f32.msk $0xffff, v24;
	v12 =	vor.u32 v2, v12;
	v14 =	vadd.s32 v22, v14  }
0x15b: {  	v13 =	vand.u32 $0x7FFFFFFF, v13;
	[tilespmem:v10+s25+$0x0] =	vst.idx.add.f32.msk $0xffff, v23;
	v10 =	vor.u32 v2, v16;
	v14 =	vshll.u32 v14, $0x7  }
0x15c: {  	[tilespmem:v11+s25+$0x0] =	vst.idx.add.f32.msk $0xffff, v13;
	v16 =	vand.u32 $0x7FFFFFFF, v30;
	v11 =	vor.u32 v2, v14  }
0x15d: {  	v13 =	vand.u32 $0x7FFFFFFF, v19;
	[tilespmem:v20+s25+$0x0] =	vst.idx.add.f32.msk $0xffff, v16  }
0x15e: {  	v6 =	vand.u32 $0x7FFFFFFF, v6;
	[tilespmem:v7+s25+$0x0] =	vst.idx.add.f32.msk $0xffff, v13  }
0x15f: {  	v7 =	vand.u32 $0x7FFFFFFF, v8;
	[tilespmem:v12+s25+$0x0] =	vst.idx.add.f32.msk $0xffff, v6  }
0x160: {  	v5 =	vand.u32 $0x7FFFFFFF, v5;
	[tilespmem:v10+s25+$0x0] =	vst.idx.add.f32.msk $0xffff, v7  }
0x161: {  	[tilespmem:v11+s25+$0x0] =	vst.idx.add.f32.msk $0xffff, v5  }
0x162: {  	v12 =	vld [tilespmem:s0+$0xFFFFFC00]  }
0x163: {  	v15 =	vld [tilespmem:s0+$0x70]  }
0x164: {  	v16 =	vld [tilespmem:s0+$0x60]  }
0x165: {  	v17 =	vld [tilespmem:s0+$0x50]  }
0x166: {  	v18 =	vld [tilespmem:s0+$0x40]  }
0x167: {  	v21 =	vld [tilespmem:s0+$0x30]  }
0x168: {  	v24 =	vld [tilespmem:s0+$0x10]  }
0x169: {  	v11 =	vld [tilespmem:s0+$0xFFFFFC70]  }
0x16a: {  	v10 =	vld [tilespmem:s0+$0xFFFFFC60]  }
0x16b: {  	v31 =	vld [tilespmem:s0+$0xFFFFFC50]  }
0x16c: {  	v33 =	vld [tilespmem:s0+$0xFFFFFC30];
	v5 =	vmul.f32 v12, v4  }
0x16d: {  	v35 =	vld [tilespmem:s0+$0xFFFFFC20];
	v6 =	vmul.f32 v15, v4;
	v7 =	vmul.f32 v16, v4  }
0x16e: {  	v8 =	vmul.f32 v17, v4;
	v9 =	vmul.f32 v18, v4  }
0x16f: {  	v13 =	vmul.f32 v21, v4;
	v20 =	vmul.f32 v24, v4  }
0x170: {  	v27 =	vmul.f32 v11, v4;
	v30 =	vmul.f32 v10, v4  }
0x171: {  	v56 =	vmul.f32 v31, v4;
	v59 =	vmul.f32 v33, v4;
	v5 =	vadd.f32 v5, v3  }
0x172: {  	v42 =	vmul.f32 v35, v4;
	v6 =	vadd.f32 v6, v3;
	v8 =	vadd.f32 v8, v3  }
0x173: {  	v7 =	vadd.f32 v7, v3;
	v9 =	vadd.f32 v9, v3;
	v5 =	vtrunc.f32 v5  }
0x174: {  	v22 =	vld [tilespmem:s0+$0x20];
	v26 =	vadd.f32 v13, v3;
	v14 =	vtrunc.f32 v6;
	v8 =	vtrunc.f32 v8  }
0x175: {  	v25 =	vld [tilespmem:s0+$0x0];
	v32 =	vadd.f32 v56, v3;
	v7 =	vtrunc.f32 v7;
	v9 =	vtrunc.f32 v9  }
0x176: {  	v29 =	vld [tilespmem:s0+$0xFFFFFC10];
	v20 =	vadd.f32 v20, v3;
	v26 =	vtrunc.f32 v26;
	v19 =	vcvt.f32.s32 v5  }
0x177: {  	v48 =	vld [tilespmem:s31+$0x10];
	v32 =	vtrunc.f32 v32;
	v23 =	vcvt.f32.s32 v14  }
0x178: {  	v55 =	vld [tilespmem:s31+$0xFFFFFC00];
	v20 =	vtrunc.f32 v20;
	v58 =	vcvt.f32.s32 v8  }
0x179: {  	v37 =	vld [tilespmem:s31+$0xFFFFFC20];
	v5 =	vmul.f32 v22, v4;
	v60 =	vcvt.f32.s32 v9  }
0x17a: {  	v27 =	vadd.f32 v27, v3;
	v6 =	vld [tilespmem:s0+$0xFFFFFC40];
	v14 =	vmul.f32 v25, v4;
	v13 =	vcvt.f32.s32 v7  }
0x17b: {  	v7 =	vld [tilespmem:s31+$0xFFFFFC60];
	v9 =	vmul.f32 v29, v4;
	v40 =	vcvt.f32.s32 v26;
	v26 =	vadd.f32 v59, v3  }
0x17c: {  	v27 =	vtrunc.f32 v27;
	v28 =	vadd.f32 v5, v3;
	v14 =	vadd.f32 v14, v3;
	v57 =	vld.idx.msk [tilespmem:v19+s16+$0x0], $0xffff  }
0x17d: {  	v63 =	vcvt.f32.s32 v20;
	v62 =	vadd.f32 v9, v3;
	v26 =	vtrunc.f32 v26;
	v39 =	vld.idx.msk [tilespmem:v23+s16+$0x0], $0xffff  }
0x17e: {  	v28 =	vtrunc.f32 v28;
	v14 =	vtrunc.f32 v14;
	v43 =	vld.idx.msk [tilespmem:v58+s16+$0x0], $0xffff  }
0x17f: {  	v50 =	vadd.f32 v42, v3;
	v20 =	vtrunc.f32 v62;
	v28 =	vcvt.f32.s32 v28;
	v45 =	vld.idx.msk [tilespmem:v60+s16+$0x0], $0xffff  }
0x180: {  	v52 =	vmul.f32 v6, v4;
	v44 =	vcvt.f32.s32 v20;
	v61 =	vld.idx.msk [tilespmem:v13+s16+$0x0], $0xffff  }
0x181: {  	v30 =	vadd.f32 v30, v3;
	v14 =	vcvt.f32.s32 v14;
	v20 =	vtrunc.f32 v50;
	v46 =	vld.idx.msk [tilespmem:v40+s16+$0x0], $0xffff  }
0x182: {  	v8 =	vld [tilespmem:s31+$0x0];
	v47 =	vcvt.f32.s32 v20;
	v20 =	vcvt.f32.s32 v26;
	v26 =	vadd.f32 v52, v3  }
0x183: {  	v5 =	vld [tilespmem:s31+$0xFFFFFC40];
	vm0 =	vlt.f32 v57, v12;
	vm1 =	vlt.f32 v43, v17;
	v17 =	vcvt.f32.s32 v27  }
0x184: {  	v9 =	vld [tilespmem:s31+$0x30];
	vm2 =	vlt.f32 v45, v18;
	v51 =	vsel vm0, $0x1, v1;
	vm0 =	vlt.f32 v39, v15  }
0x185: {  	v15 =	vadd.s32 v19, v51;
	v19 =	vtrunc.f32 v30;
	v30 =	vld.idx.msk [tilespmem:v28+s16+$0x0], $0xffff;
	v39 =	vsel vm0, $0x1, v1  }
0x186: {  	v27 =	vld [tilespmem:s31+$0x50];
	vm0 =	vlt.f32 v61, v16;
	v16 =	vsel vm1, $0x1, v1;
	vm1 =	vlt.f32 v46, v21  }
0x187: {  	v53 =	vld.idx.msk [tilespmem:v63+s16+$0x0], $0xffff;
	v21 =	vsel vm2, $0x1, v1;
	v42 =	vshll.u32 v15, $0x7;
	v15 =	vcvt.f32.s32 v19  }
0x188: {  	v54 =	vld.idx.msk [tilespmem:v44+s16+$0x0], $0xffff;
	v19 =	vcvt.f32.s32 v32;
	v18 =	vadd.s32 v58, v16;
	v39 =	vadd.s32 v23, v39  }
0x189: {  	v12 =	vld [tilespmem:s31+$0x60];
	v16 =	vand.u32 $0x7FFFFFFF, v48;
	v21 =	vadd.s32 v60, v21;
	v23 =	vor.u32 v2, v42  }
0x18a: {  	v56 =	vld.idx.msk [tilespmem:v14+s16+$0x0], $0xffff;
	v58 =	vshll.u32 v39, $0x7;
	v60 =	vshll.u32 v21, $0x7;
	vm2 =	vlt.f32 v30, v22  }
0x18b: {  	v62 =	vld.idx.msk [tilespmem:v20+s16+$0x0], $0xffff;
	v21 =	vshll.u32 v18, $0x7;
	v61 =	vand.u32 $0x7FFFFFFF, v27;
	v57 =	vsel vm2, $0x1, v1  }
0x18c: {  	v22 =	vld.idx.msk [tilespmem:v47+s16+$0x0], $0xffff;
	v30 =	vtrunc.f32 v26;
	vm2 =	vlt.f32 v53, v24;
	v24 =	vadd.s32 v28, v57  }
0x18d: {  	v32 =	vld [tilespmem:s31+$0xFFFFFC10];
	v28 =	vsel vm2, $0x1, v1;
	vm2 =	vlt.f32 v54, v29;
	v29 =	vand.u32 $0x7FFFFFFF, v55  }
0x18e: {  	v59 =	vld.idx.msk [tilespmem:v19+s16+$0x0], $0xffff;
	v63 =	vadd.s32 v63, v28;
	v28 =	vsel vm2, $0x1, v1;
	v27 =	vshll.u32 v24, $0x7  }
0x18f: {  	v18 =	vld [tilespmem:s31+$0xFFFFFC30];
	v24 =	vor.u32 v2, v21;
	vm2 =	vlt.f32 v56, v25;
	v21 =	vadd.s32 v44, v28  }
0x190: {  	v34 =	vld.idx.msk [tilespmem:v17+s16+$0x0], $0xffff;
	v28 =	vsel vm2, $0x1, v1;
	v25 =	vshll.u32 v21, $0x7;
	v21 =	vcvt.f32.s32 v30  }
0x191: {  	v26 =	vld.idx.msk [tilespmem:v15+s16+$0x0], $0xffff;
	v39 =	vshll.u32 v63, $0x7;
	vm2 =	vlt.f32 v22, v35;
	v22 =	vsel vm1, $0x1, v1  }
0x192: {  	v30 =	vor.u32 v2, v25;
	v25 =	vld [tilespmem:s31+$0x70];
	v35 =	vsel vm2, $0x1, v1;
	v36 =	vadd.s32 v40, v22  }
0x193: {  	v22 =	vor.u32 v2, v58;
	vm1 =	vlt.f32 v59, v31;
	v31 =	vld [tilespmem:s31+$0x40];
	v35 =	vadd.s32 v47, v35  }
0x194: {  	s4 =	simm.s32 $0x8580;
	v40 =	vsel vm0, $0x1, v1;
	v38 =	vsel vm1, $0x1, v1;
	[tilespmem:v24+s25+$0x0] =	vst.idx.add.f32.msk $0xffff, v61;
	v24 =	vshll.u32 v35, $0x7  }
0x195: {  	s3 =	simm.s32 $0x580;
	s19 =	simm.s32 $0x8500;
	s18 =	simm.s32 $0x0;
	vm1 =	vlt.f32 v62, v33;
	v33 =	vor.u32 v2, v60;
	v35 =	vor.u32 v2, v24;
	v24 =	vld [tilespmem:s31+$0xFFFFFC50]  }
.LBB2_7:
0x196: {  	s18 =	sadd.s32 $0x100, s18;
	v41 =	vsel vm1, $0x1, v1;
	v42 =	vld.idx.msk [tilespmem:v21+s16+$0x0], $0xffff;
	vm0 =	vlt.f32 v34, v11;
	v11 =	vadd.s32 v13, v40;
	s31 =	sadd.s32 $0x800, s31;
	s0 =	sadd.s32 $0x800, s0  }
0x197: {  	vm1 =	vlt.f32 v26, v10;
	p0 =	slt.u32 s18, $0x700;
	v13 =	vadd.s32 v20, v41;
	v10 =	vld [tilespmem:s19+$0x20];
	v20 =	vshll.u32 v36, $0x7  }
0x198: {  	v26 =	vand.u32 $0x7FFFFFFF, v32;
	v19 =	vadd.s32 v19, v38;
	v34 =	vsel vm0, $0x1, v1;
	v32 =	vld [tilespmem:s19+$0xFFFFFC70];
	s19 =	smov.u32 s31  }
0x199: {  	v36 =	vor.u32 v2, v39;
	[tilespmem:v23+s25+$0x0] =	vst.idx.add.f32.msk $0xffff, v29;
	v23 =	vand.u32 $0x7FFFFFFF, v37;
	v29 =	vsel vm1, $0x1, v1  }
0x19a: {  	v19 =	vshll.u32 v19, $0x7;
	v17 =	vadd.s32 v17, v34;
	[tilespmem:v35+s25+$0x0] =	vst.idx.add.f32.msk $0xffff, v23;
	v23 =	vor.u32 v2, v27  }
0x19b: {  	v13 =	vshll.u32 v13, $0x7;
	v17 =	vshll.u32 v17, $0x7;
	[tilespmem:v30+s25+$0x0] =	vst.idx.add.f32.msk $0xffff, v26;
	v26 =	vadd.s32 v14, v28  }
0x19c: {  	v15 =	vadd.s32 v15, v29;
	v17 =	vor.u32 v2, v17;
	v27 =	vand.u32 $0x7FFFFFFF, v31;
	v14 =	vld [tilespmem:s0+$0xFFFFFC00]  }
0x19d: {  	v19 =	vor.u32 v2, v19;
	v28 =	vshll.u32 v15, $0x7;
	v29 =	vand.u32 $0x7FFFFFFF, v32;
	[tilespmem:v33+s25+$0x0] =	vst.idx.add.f32.msk $0xffff, v27  }
0x19e: {  	v25 =	vand.u32 $0x7FFFFFFF, v25;
	v13 =	vor.u32 v2, v13;
	v27 =	vor.u32 v2, v28;
	v15 =	vld [tilespmem:s0+$0x70]  }
0x19f: {  	v11 =	vshll.u32 v11, $0x7;
	v26 =	vshll.u32 v26, $0x7;
	v10 =	vand.u32 $0x7FFFFFFF, v10;
	[tilespmem:v36+s25+$0x0] =	vst.idx.add.f32.msk $0xffff, v16  }
0x1a0: {  	vm0 =	vlt.f32 v42, v6;
	v6 =	vand.u32 $0x7FFFFFFF, v24;
	v16 =	vor.u32 v2, v26;
	[tilespmem:v23+s25+$0x0] =	vst.idx.add.f32.msk $0xffff, v10  }
0x1a1: {  	v11 =	vor.u32 v2, v11;
	v10 =	vsel vm0, $0x1, v1;
	[tilespmem:v17+s25+$0x0] =	vst.idx.add.f32.msk $0xffff, v29;
	v17 =	vor.u32 v2, v20  }
0x1a2: {  	v18 =	vand.u32 $0x7FFFFFFF, v18;
	v10 =	vadd.s32 v21, v10;
	[tilespmem:v19+s25+$0x0] =	vst.idx.add.f32.msk $0xffff, v6  }
0x1a3: {  	v7 =	vand.u32 $0x7FFFFFFF, v7;
	v6 =	vshll.u32 v10, $0x7;
	[tilespmem:v13+s25+$0x0] =	vst.idx.add.f32.msk $0xffff, v18  }
0x1a4: {  	v6 =	vor.u32 v2, v6;
	[tilespmem:v27+s25+$0x0] =	vst.idx.add.f32.msk $0xffff, v7;
	v7 =	vand.u32 $0x7FFFFFFF, v12  }
0x1a5: {  	v9 =	vand.u32 $0x7FFFFFFF, v9;
	[tilespmem:v22+s25+$0x0] =	vst.idx.add.f32.msk $0xffff, v25  }
0x1a6: {  	v8 =	vand.u32 $0x7FFFFFFF, v8;
	[tilespmem:v17+s25+$0x0] =	vst.idx.add.f32.msk $0xffff, v9  }
0x1a7: {  	v5 =	vand.u32 $0x7FFFFFFF, v5;
	[tilespmem:v16+s25+$0x0] =	vst.idx.add.f32.msk $0xffff, v8  }
0x1a8: {  	[tilespmem:v11+s25+$0x0] =	vst.idx.add.f32.msk $0xffff, v7  }
0x1a9: {  	[tilespmem:v6+s25+$0x0] =	vst.idx.add.f32.msk $0xffff, v5  }
0x1aa: {  	v16 =	vld [tilespmem:s0+$0x60]  }
0x1ab: {  	v17 =	vld [tilespmem:s0+$0x50]  }
0x1ac: {  	v23 =	vld [tilespmem:s0+$0x40]  }
0x1ad: {  	v5 =	vmul.f32 v14, v4;
	v27 =	vld [tilespmem:s0+$0x30]  }
0x1ae: {  	v6 =	vmul.f32 v15, v4;
	v26 =	vld [tilespmem:s0+$0x20]  }
0x1af: {  	v5 =	vadd.f32 v5, v3;
	v18 =	vld [tilespmem:s0+$0x10];
	v7 =	vmul.f32 v16, v4  }
0x1b0: {  	v6 =	vadd.f32 v6, v3;
	v21 =	vld [tilespmem:s0+$0x0];
	v8 =	vmul.f32 v17, v4  }
0x1b1: {  	v5 =	vtrunc.f32 v5;
	v11 =	vld [tilespmem:s0+$0xFFFFFC70];
	v9 =	vmul.f32 v23, v4;
	v7 =	vadd.f32 v7, v3  }
0x1b2: {  	v13 =	vtrunc.f32 v6;
	v10 =	vld [tilespmem:s0+$0xFFFFFC60];
	v12 =	vmul.f32 v27, v4;
	v8 =	vadd.f32 v8, v3  }
0x1b3: {  	v19 =	vcvt.f32.s32 v5;
	v22 =	vld [tilespmem:s0+$0xFFFFFC50];
	v5 =	vmul.f32 v26, v4;
	v9 =	vadd.f32 v9, v3  }
0x1b4: {  	v28 =	vcvt.f32.s32 v13;
	v6 =	vld [tilespmem:s0+$0xFFFFFC40];
	v20 =	vmul.f32 v18, v4;
	v12 =	vadd.f32 v12, v3  }
0x1b5: {  	v8 =	vtrunc.f32 v8;
	v24 =	vld [tilespmem:s0+$0xFFFFFC30];
	v13 =	vmul.f32 v21, v4;
	v29 =	vadd.f32 v5, v3  }
0x1b6: {  	v5 =	vtrunc.f32 v7;
	v25 =	vld [tilespmem:s0+$0xFFFFFC20];
	v30 =	vmul.f32 v11, v4;
	v20 =	vadd.f32 v20, v3  }
0x1b7: {  	v31 =	vld [tilespmem:s0+$0xFFFFFC10];
	v7 =	vmul.f32 v10, v4;
	v32 =	vadd.f32 v13, v3;
	v13 =	vcvt.f32.s32 v5  }
0x1b8: {  	v9 =	vtrunc.f32 v9;
	v5 =	vld [tilespmem:s31+$0xFFFFFC40];
	v33 =	vmul.f32 v22, v4;
	v30 =	vadd.f32 v30, v3  }
0x1b9: {  	v36 =	vcvt.f32.s32 v8;
	v29 =	vtrunc.f32 v29;
	v34 =	vld.idx.msk [tilespmem:v19+s16+$0x0], $0xffff;
	v35 =	vadd.f32 v7, v3  }
0x1ba: {  	v12 =	vtrunc.f32 v12;
	v32 =	vtrunc.f32 v32;
	v33 =	vadd.f32 v33, v3;
	v7 =	vld [tilespmem:s31+$0xFFFFFC60]  }
0x1bb: {  	v38 =	vcvt.f32.s32 v9;
	v37 =	vmul.f32 v24, v4;
	v39 =	vld.idx.msk [tilespmem:v28+s16+$0x0], $0xffff  }
0x1bc: {  	v40 =	vcvt.f32.s32 v12;
	v9 =	vmul.f32 v31, v4;
	v8 =	vld [tilespmem:s31+$0x0]  }
0x1bd: {  	v29 =	vcvt.f32.s32 v29;
	v12 =	vadd.f32 v37, v3;
	v33 =	vtrunc.f32 v33;
	v37 =	vld.idx.msk [tilespmem:v13+s16+$0x0], $0xffff  }
0x1be: {  	v20 =	vtrunc.f32 v20;
	v42 =	vmul.f32 v25, v4;
	v41 =	vadd.f32 v9, v3;
	v9 =	vld [tilespmem:s31+$0x30]  }
0x1bf: {  	v43 =	vcvt.f32.s32 v20;
	vm0 =	vlt.f32 v34, v14;
	v34 =	vtrunc.f32 v12;
	v44 =	vld.idx.msk [tilespmem:v36+s16+$0x0], $0xffff  }
0x1c0: {  	v30 =	vtrunc.f32 v30;
	v20 =	vadd.f32 v42, v3;
	v14 =	vtrunc.f32 v41;
	v12 =	vld [tilespmem:s31+$0x60]  }
0x1c1: {  	v41 =	vsel vm0, $0x1, v1;
	v42 =	vcvt.f32.s32 v14;
	v14 =	vcvt.f32.s32 v32;
	v32 =	vld.idx.msk [tilespmem:v38+s16+$0x0], $0xffff  }
0x1c2: {  	v45 =	vmul.f32 v6, v4;
	v20 =	vtrunc.f32 v20;
	vm0 =	vlt.f32 v39, v15;
	v46 =	vld.idx.msk [tilespmem:v40+s16+$0x0], $0xffff  }
0x1c3: {  	v15 =	vadd.s32 v19, v41;
	v19 =	vtrunc.f32 v35;
	v39 =	vsel vm0, $0x1, v1;
	v35 =	vld.idx.msk [tilespmem:v29+s16+$0x0], $0xffff  }
0x1c4: {  	v47 =	vcvt.f32.s32 v20;
	v41 =	vshll.u32 v15, $0x7;
	vm0 =	vlt.f32 v37, v16;
	v48 =	vld [tilespmem:s31+$0x10]  }
0x1c5: {  	v20 =	vcvt.f32.s32 v34;
	v15 =	vcvt.f32.s32 v19;
	vm1 =	vlt.f32 v44, v17;
	v34 =	vld.idx.msk [tilespmem:v43+s16+$0x0], $0xffff  }
0x1c6: {  	v19 =	vcvt.f32.s32 v33;
	v17 =	vcvt.f32.s32 v30;
	v16 =	vsel vm1, $0x1, v1;
	v30 =	vld [tilespmem:s31+$0x50]  }
0x1c7: {  	v37 =	vadd.f32 v45, v3;
	vm2 =	vlt.f32 v32, v23;
	v32 =	vadd.s32 v36, v16;
	v33 =	vld.idx.msk [tilespmem:v42+s16+$0x0], $0xffff  }
0x1c8: {  	v28 =	vadd.s32 v28, v39;
	vm1 =	vlt.f32 v46, v27;
	v27 =	vsel vm2, $0x1, v1;
	v36 =	vld [tilespmem:s31+$0xFFFFFC00]  }
0x1c9: {  	v23 =	vor.u32 v2, v41;
	vm2 =	vlt.f32 v35, v26;
	v39 =	vld.idx.msk [tilespmem:v14+s16+$0x0], $0xffff;
	v16 =	vand.u32 $0x7FFFFFFF, v48  }
0x1ca: {  	v37 =	vtrunc.f32 v37;
	v27 =	vadd.s32 v38, v27;
	v41 =	vsel vm2, $0x1, v1;
	v35 =	vld.idx.msk [tilespmem:v47+s16+$0x0], $0xffff  }
0x1cb: {  	vm2 =	vlt.f32 v34, v18;
	v29 =	vadd.s32 v29, v41;
	v41 =	vshll.u32 v28, $0x7;
	v26 =	vld.idx.msk [tilespmem:v15+s16+$0x0], $0xffff  }
0x1cc: {  	v44 =	vshll.u32 v27, $0x7;
	v18 =	vsel vm2, $0x1, v1;
	v45 =	vand.u32 $0x7FFFFFFF, v30;
	v38 =	vld.idx.msk [tilespmem:v19+s16+$0x0], $0xffff  }
0x1cd: {  	v28 =	vshll.u32 v32, $0x7;
	vm2 =	vlt.f32 v33, v31;
	v43 =	vadd.s32 v43, v18;
	v33 =	vld.idx.msk [tilespmem:v20+s16+$0x0], $0xffff  }
0x1ce: {  	v27 =	vshll.u32 v29, $0x7;
	v46 =	vor.u32 v2, v28;
	v30 =	vsel vm2, $0x1, v1;
	v18 =	vld [tilespmem:s31+$0xFFFFFC30]  }
0x1cf: {  	v29 =	vand.u32 $0x7FFFFFFF, v36;
	v28 =	vadd.s32 v42, v30;
	vm2 =	vlt.f32 v39, v21;
	v32 =	vld [tilespmem:s31+$0xFFFFFC10]  }
0x1d0: {  	v21 =	vcvt.f32.s32 v37;
	v30 =	vshll.u32 v28, $0x7;
	v28 =	vsel vm2, $0x1, v1;
	v34 =	vld.idx.msk [tilespmem:v17+s16+$0x0], $0xffff  }
.Ltmp4:
0x1d1: {  	v31 =	vsel vm1, $0x1, v1;
	vm2 =	vlt.f32 v35, v25;
	v30 =	vor.u32 v2, v30;
	v25 =	vld [tilespmem:s31+$0x70];
	(pc) =	sbr.rel @p0 .LBB2_7-.Ltmp4, $4  }
0x1d2: {  	v36 =	vadd.s32 v40, v31;
	v35 =	vsel vm2, $0x1, v1;
	vm1 =	vlt.f32 v38, v22;
	v31 =	vld [tilespmem:s31+$0x40]  }
0x1d3: {  	v35 =	vadd.s32 v47, v35;
	v22 =	vor.u32 v2, v41;
	v38 =	vsel vm1, $0x1, v1;
	[tilespmem:v46+s25+$0x0] =	vst.idx.add.f32.msk $0xffff, v45  }
0x1d4: {  	v40 =	vsel vm0, $0x1, v1;
	v35 =	vshll.u32 v35, $0x7;
	vm1 =	vlt.f32 v33, v24;
	v37 =	vld [tilespmem:s31+$0xFFFFFC20]  }
0x1d5: {  	v39 =	vshll.u32 v43, $0x7;
	v33 =	vor.u32 v2, v44;
	v35 =	vor.u32 v2, v35;
	v24 =	vld [tilespmem:s31+$0xFFFFFC50]  }
0x1d6: {  	_ =	sdelay $0x2  }
0x1d7: {  	v41 =	vsel vm1, $0x1, v1;
	vm0 =	vlt.f32 v34, v11;
	v11 =	vadd.s32 v13, v40  }
0x1d8: {  	v13 =	vld.idx.msk [tilespmem:v21+s16+$0x0], $0xffff;
	vm1 =	vlt.f32 v26, v10;
	v32 =	vand.u32 $0x7FFFFFFF, v32;
	v19 =	vadd.s32 v19, v38  }
0x1d9: {  	v26 =	vld [tilespmem:s19+$0x20];
	v56 =	vor.u32 v2, v39;
	v27 =	vor.u32 v2, v27;
	v14 =	vadd.s32 v14, v28  }
0x1da: {  	[tilespmem:v23+s25+$0x0] =	vst.idx.add.f32.msk $0xffff, v29;
	v20 =	vadd.s32 v20, v41;
	v34 =	vsel vm0, $0x1, v1;
	v23 =	vsel vm1, $0x1, v1  }
0x1db: {  	v55 =	vld [tilespmem:s19+$0xFFFFFC70];
	v19 =	vshll.u32 v19, $0x7;
	v14 =	vshll.u32 v14, $0x7;
	v17 =	vadd.s32 v17, v34  }
0x1dc: {  	[tilespmem:v30+s25+$0x0] =	vst.idx.add.f32.msk $0xffff, v32;
	v15 =	vadd.s32 v15, v23;
	v23 =	vand.u32 $0x7FFFFFFF, v31;
	v19 =	vor.u32 v2, v19  }
0x1dd: {  	v20 =	vshll.u32 v20, $0x7;
	v14 =	vor.u32 v2, v14;
	v37 =	vand.u32 $0x7FFFFFFF, v37;
	[tilespmem:v33+s25+$0x0] =	vst.idx.add.f32.msk $0xffff, v23  }
0x1de: {  	v10 =	vshll.u32 v36, $0x7;
	v17 =	vshll.u32 v17, $0x7;
	v20 =	vor.u32 v2, v20;
	[tilespmem:v35+s25+$0x0] =	vst.idx.add.f32.msk $0xffff, v37  }
0x1df: {  	v15 =	vshll.u32 v15, $0x7;
	v17 =	vor.u32 v2, v17;
	[tilespmem:v56+s25+$0x0] =	vst.idx.add.f32.msk $0xffff, v16;
	v16 =	vand.u32 $0x7FFFFFFF, v26  }
0x1e0: {  	v15 =	vor.u32 v2, v15;
	vm0 =	vlt.f32 v13, v6;
	v6 =	vand.u32 $0x7FFFFFFF, v24;
	[tilespmem:v27+s25+$0x0] =	vst.idx.add.f32.msk $0xffff, v16  }
0x1e1: {  	v8 =	vand.u32 $0x7FFFFFFF, v8;
	v11 =	vshll.u32 v11, $0x7;
	v13 =	vsel vm0, $0x1, v1;
	[tilespmem:v19+s25+$0x0] =	vst.idx.add.f32.msk $0xffff, v6  }
0x1e2: {  	v10 =	vor.u32 v2, v10;
	v16 =	vand.u32 $0x7FFFFFFF, v18;
	v13 =	vadd.s32 v21, v13;
	[tilespmem:v14+s25+$0x0] =	vst.idx.add.f32.msk $0xffff, v8  }
0x1e3: {  	v23 =	vand.u32 $0x7FFFFFFF, v55;
	v6 =	vor.u32 v2, v11;
	[tilespmem:v20+s25+$0x0] =	vst.idx.add.f32.msk $0xffff, v16;
	v11 =	vshll.u32 v13, $0x7  }
0x1e4: {  	v7 =	vand.u32 $0x7FFFFFFF, v7;
	[tilespmem:v17+s25+$0x0] =	vst.idx.add.f32.msk $0xffff, v23;
	v11 =	vor.u32 v2, v11  }
0x1e5: {  	v13 =	vand.u32 $0x7FFFFFFF, v25;
	[tilespmem:v15+s25+$0x0] =	vst.idx.add.f32.msk $0xffff, v7  }
0x1e6: {  	v7 =	vand.u32 $0x7FFFFFFF, v9;
	[tilespmem:v22+s25+$0x0] =	vst.idx.add.f32.msk $0xffff, v13  }
0x1e7: {  	[tilespmem:v10+s25+$0x0] =	vst.idx.add.f32.msk $0xffff, v7;
	v7 =	vand.u32 $0x7FFFFFFF, v12  }
0x1e8: {  	v5 =	vand.u32 $0x7FFFFFFF, v5;
	[tilespmem:v6+s25+$0x0] =	vst.idx.add.f32.msk $0xffff, v7  }
0x1e9: {  	[tilespmem:v11+s25+$0x0] =	vst.idx.add.f32.msk $0xffff, v5  }
0x1ea: {  	v13 =	vld [tilespmem:s3+$0xFFFFFC00]  }
0x1eb: {  	v22 =	vld [tilespmem:s3+$0x60]  }
0x1ec: {  	v19 =	vld [tilespmem:s3+$0x70]  }
0x1ed: {  	v20 =	vld [tilespmem:s3+$0x50]  }
0x1ee: {  	v24 =	vld [tilespmem:s3+$0x40]  }
0x1ef: {  	v21 =	vld [tilespmem:s3+$0x20]  }
0x1f0: {  	v23 =	vld [tilespmem:s3+$0x10]  }
0x1f1: {  	v25 =	vld [tilespmem:s3+$0x0]  }
0x1f2: {  	v27 =	vld [tilespmem:s3+$0xFFFFFC70]  }
0x1f3: {  	v12 =	vld [tilespmem:s3+$0xFFFFFC60]  }
0x1f4: {  	v32 =	vld [tilespmem:s3+$0xFFFFFC10];
	v5 =	vmul.f32 v13, v4  }
0x1f5: {  	v30 =	vld [tilespmem:s3+$0xFFFFFC20];
	v6 =	vmul.f32 v22, v4;
	v7 =	vmul.f32 v19, v4  }
0x1f6: {  	v10 =	vld [tilespmem:s3+$0xFFFFFC40];
	v8 =	vmul.f32 v20, v4;
	v9 =	vmul.f32 v24, v4  }
0x1f7: {  	v14 =	vmul.f32 v21, v4;
	v15 =	vmul.f32 v23, v4  }
0x1f8: {  	v26 =	vmul.f32 v25, v4;
	v29 =	vmul.f32 v27, v4  }
0x1f9: {  	v59 =	vmul.f32 v32, v4;
	v60 =	vmul.f32 v12, v4  }
0x1fa: {  	v62 =	vmul.f32 v30, v4;
	v5 =	vadd.f32 v5, v3;
	v6 =	vadd.f32 v6, v3  }
0x1fb: {  	v17 =	vld [tilespmem:s3+$0x30];
	v52 =	vmul.f32 v10, v4;
	v7 =	vadd.f32 v7, v3;
	v8 =	vadd.f32 v8, v3  }
0x1fc: {  	v9 =	vadd.f32 v9, v3;
	v15 =	vadd.f32 v15, v3;
	v5 =	vtrunc.f32 v5  }
0x1fd: {  	v61 =	vadd.f32 v59, v3;
	v6 =	vtrunc.f32 v6;
	v16 =	vtrunc.f32 v7  }
0x1fe: {  	v11 =	vld [tilespmem:s3+$0xFFFFFC50];
	v8 =	vtrunc.f32 v8;
	v9 =	vtrunc.f32 v9  }
0x1ff: {  	v36 =	vadd.f32 v62, v3;
	v62 =	vld [tilespmem:s4+$0x20];
	v57 =	vtrunc.f32 v15;
	v34 =	vtrunc.f32 v61  }
0x200: {  	v14 =	vadd.f32 v14, v3;
	v7 =	vld [tilespmem:s3+$0xFFFFFC30];
	v18 =	vcvt.f32.s32 v5;
	v5 =	vmul.f32 v17, v4  }
0x201: {  	v61 =	vld [tilespmem:s4+$0x0];
	v28 =	vcvt.f32.s32 v16;
	v42 =	vcvt.f32.s32 v6  }
0x202: {  	v6 =	vld [tilespmem:s4+$0xFFFFFC40];
	v16 =	vadd.f32 v5, v3;
	v5 =	vtrunc.f32 v14;
	v14 =	vadd.f32 v26, v3  }
0x203: {  	v15 =	vcvt.f32.s32 v8;
	v33 =	vcvt.f32.s32 v57;
	v8 =	vld [tilespmem:s4+$0x40]  }
0x204: {  	v31 =	vcvt.f32.s32 v5;
	v5 =	vld [tilespmem:s4+$0xFFFFFC30];
	v14 =	vtrunc.f32 v14  }
0x205: {  	v37 =	vadd.f32 v60, v3;
	v58 =	vtrunc.f32 v16;
	v16 =	vcvt.f32.s32 v9;
	v9 =	vld [tilespmem:s4+$0x50]  }
0x206: {  	v43 =	vmul.f32 v11, v4;
	v38 =	vcvt.f32.s32 v14;
	v26 =	vld.idx.msk [tilespmem:v18+s16+$0x0], $0xffff  }
0x207: {  	v29 =	vadd.f32 v29, v3;
	v37 =	vtrunc.f32 v37;
	v36 =	vtrunc.f32 v36;
	v35 =	vld.idx.msk [tilespmem:v28+s16+$0x0], $0xffff  }
0x208: {  	v43 =	vadd.f32 v43, v3;
	v39 =	vcvt.f32.s32 v36;
	v14 =	vcvt.f32.s32 v58;
	v58 =	vld [tilespmem:s4+$0xFFFFFC00]  }
0x209: {  	v40 =	vadd.f32 v52, v3;
	v29 =	vtrunc.f32 v29;
	v34 =	vcvt.f32.s32 v34;
	v45 =	vld.idx.msk [tilespmem:v33+s16+$0x0], $0xffff  }
0x20a: {  	v48 =	vcvt.f32.s32 v29;
	v29 =	vtrunc.f32 v43;
	v63 =	vld.idx.msk [tilespmem:v31+s16+$0x0], $0xffff  }
0x20b: {  	v54 =	vtrunc.f32 v40;
	v29 =	vcvt.f32.s32 v29;
	v53 =	vld.idx.msk [tilespmem:v15+s16+$0x0], $0xffff  }
0x20c: {  	vm0 =	vlt.f32 v26, v13;
	v26 =	vmul.f32 v7, v4;
	v47 =	vld.idx.msk [tilespmem:v38+s16+$0x0], $0xffff;
	vm1 =	vlt.f32 v35, v19  }
0x20d: {  	v41 =	vand.u32 $0x7FFFFFFF, v61;
	v55 =	vld.idx.msk [tilespmem:v42+s16+$0x0], $0xffff;
	v44 =	vsel vm0, $0x1, v1;
	v50 =	vsel vm1, $0x1, v1  }
0x20e: {  	v60 =	vld.idx.msk [tilespmem:v39+s16+$0x0], $0xffff;
	vm1 =	vlt.f32 v45, v23;
	v26 =	vadd.f32 v26, v3;
	v44 =	vadd.s32 v18, v44  }
0x20f: {  	v46 =	vld.idx.msk [tilespmem:v16+s16+$0x0], $0xffff;
	v40 =	vadd.s32 v28, v50;
	vm0 =	vlt.f32 v63, v21;
	v21 =	vcvt.f32.s32 v37  }
0x210: {  	v56 =	vld.idx.msk [tilespmem:v34+s16+$0x0], $0xffff;
	v19 =	vsel vm0, $0x1, v1;
	v57 =	vtrunc.f32 v26;
	vm0 =	vlt.f32 v53, v20  }
0x211: {  	v59 =	vld.idx.msk [tilespmem:v48+s16+$0x0], $0xffff;
	v20 =	vshll.u32 v44, $0x7;
	v19 =	vadd.s32 v31, v19;
	vm2 =	vlt.f32 v47, v25  }
0x212: {  	v13 =	vld [tilespmem:s4+$0x30];
	v44 =	vor.u32 v2, v20;
	v19 =	vshll.u32 v19, $0x7;
	v20 =	vsel vm2, $0x1, v1  }
0x213: {  	v49 =	vld.idx.msk [tilespmem:v14+s16+$0x0], $0xffff;
	vm2 =	vlt.f32 v60, v30;
	v23 =	vor.u32 v2, v19;
	v19 =	vsel vm1, $0x1, v1  }
0x214: {  	v25 =	vld [tilespmem:s4+$0x70];
	v20 =	vadd.s32 v38, v20;
	vm1 =	vlt.f32 v46, v24;
	v19 =	vadd.s32 v33, v19  }
0x215: {  	v35 =	vld [tilespmem:s4+$0x10];
	v24 =	vshll.u32 v20, $0x7;
	v31 =	vsel vm1, $0x1, v1;
	vm1 =	vlt.f32 v56, v32  }
0x216: {  	v18 =	vld [tilespmem:s4+$0xFFFFFC20];
	v32 =	vsel vm0, $0x1, v1;
	vm0 =	vlt.f32 v55, v22;
	v19 =	vshll.u32 v19, $0x7  }
0x217: {  	v30 =	vld.idx.msk [tilespmem:v29+s16+$0x0], $0xffff;
	v33 =	vor.u32 v2, v24;
	v22 =	vsel vm1, $0x1, v1;
	v24 =	vcvt.f32.s32 v54  }
0x218: {  	v38 =	vld [tilespmem:s4+$0xFFFFFC50];
	v51 =	vsel vm0, $0x1, v1;
	vm1 =	vlt.f32 v59, v27;
	vm0 =	vlt.f32 v49, v17  }
0x219: {  	v36 =	vld.idx.msk [tilespmem:v21+s16+$0x0], $0xffff;
	v27 =	vsel vm2, $0x1, v1;
	v20 =	vor.u32 v2, v19;
	v26 =	vand.u32 $0x7FFFFFFF, v25  }
0x21a: {  	v19 =	vld [tilespmem:s4+$0xFFFFFC60];
	v25 =	vand.u32 $0x7FFFFFFF, v58;
	v22 =	vadd.s32 v34, v22;
	v17 =	vsel vm1, $0x1, v1  }
0x21b: {  	v34 =	vld [tilespmem:s4+$0xFFFFFC10];
	v22 =	vshll.u32 v22, $0x7;
	v63 =	vadd.s32 v48, v17;
	v17 =	vadd.s32 v39, v27  }
0x21c: {  	s19 =	simm.s32 $0x0;
	[tilespmem:v44+s25+$0x0] =	vst.idx.add.f32.msk $0xffff, v25;
	v25 =	vor.u32 v2, v22;
	v22 =	vcvt.f32.s32 v57;
	v27 =	vshll.u32 v63, $0x7  }
0x21d: {  	s31 =	simm.s32 $0x8600;
	s0 =	simm.s32 $0x600;
	s18 =	simm.s32 $0x8580;
	v39 =	vand.u32 $0x7FFFFFFF, v62;
	v28 =	vor.u32 v2, v27;
	v27 =	vadd.s32 v42, v51;
	v37 =	vld.idx.msk [tilespmem:v24+s16+$0x0], $0xffff  }
.LBB2_9:
0x21e: {  	s19 =	sadd.s32 $0x100, s19;
	v42 =	vshll.u32 v17, $0x7;
	[tilespmem:v33+s25+$0x0] =	vst.idx.add.f32.msk $0xffff, v41;
	v16 =	vadd.s32 v16, v31;
	v27 =	vshll.u32 v27, $0x7;
	s4 =	sadd.s32 $0x800, s4;
	s3 =	sadd.s32 $0x800, s3  }
0x21f: {  	v31 =	vand.u32 $0x7FFFFFFF, v35;
	v15 =	vadd.s32 v15, v32;
	v32 =	vshll.u32 v40, $0x7;
	v17 =	vld [tilespmem:s3+$0x60];
	p0 =	slt.u32 s19, $0x700  }
0x220: {  	vm1 =	vlt.f32 v36, v12;
	v33 =	vor.u32 v2, v42;
	v32 =	vor.u32 v2, v32;
	v12 =	vld [tilespmem:s18+$0xFFFFFC70]  }
0x221: {  	v34 =	vand.u32 $0x7FFFFFFF, v34;
	vm2 =	vlt.f32 v30, v11;
	v11 =	vsel vm0, $0x1, v1;
	[tilespmem:v23+s25+$0x0] =	vst.idx.add.f32.msk $0xffff, v39  }
0x222: {  	v35 =	vand.u32 $0x7FFFFFFF, v38;
	v23 =	vsel vm2, $0x1, v1;
	v11 =	vadd.s32 v14, v11;
	v30 =	vld.idx.msk [tilespmem:v22+s16+$0x0], $0xffff  }
0x223: {  	v14 =	vsel vm1, $0x1, v1;
	vm0 =	vlt.f32 v37, v10;
	v10 =	vadd.s32 v29, v23;
	v29 =	vld [tilespmem:s18+$0x60];
	s18 =	smov.u32 s4  }
0x224: {  	v18 =	vand.u32 $0x7FFFFFFF, v18;
	v14 =	vadd.s32 v21, v14;
	v10 =	vshll.u32 v10, $0x7;
	v23 =	vld [tilespmem:s3+$0xFFFFFC00]  }
0x225: {  	v11 =	vshll.u32 v11, $0x7;
	v14 =	vshll.u32 v14, $0x7;
	v10 =	vor.u32 v2, v10;
	[tilespmem:v32+s25+$0x0] =	vst.idx.add.f32.msk $0xffff, v26  }
0x226: {  	v15 =	vshll.u32 v15, $0x7;
	v21 =	vsel vm0, $0x1, v1;
	v11 =	vor.u32 v2, v11;
	[tilespmem:v25+s25+$0x0] =	vst.idx.add.f32.msk $0xffff, v34  }
0x227: {  	v16 =	vshll.u32 v16, $0x7;
	v21 =	vadd.s32 v24, v21;
	v12 =	vand.u32 $0x7FFFFFFF, v12;
	[tilespmem:v20+s25+$0x0] =	vst.idx.add.f32.msk $0xffff, v31  }
0x228: {  	vm0 =	vlt.f32 v30, v7;
	v7 =	vshll.u32 v21, $0x7;
	[tilespmem:v28+s25+$0x0] =	vst.idx.add.f32.msk $0xffff, v12;
	v12 =	vor.u32 v2, v27  }
0x229: {  	v15 =	vor.u32 v2, v15;
	v14 =	vor.u32 v2, v14;
	[tilespmem:v33+s25+$0x0] =	vst.idx.add.f32.msk $0xffff, v18;
	v18 =	vsel vm0, $0x1, v1  }
0x22a: {  	v18 =	vadd.s32 v22, v18;
	[tilespmem:v10+s25+$0x0] =	vst.idx.add.f32.msk $0xffff, v35;
	v10 =	vor.u32 v2, v16;
	v16 =	vand.u32 $0x7FFFFFFF, v29  }
0x22b: {  	v13 =	vand.u32 $0x7FFFFFFF, v13;
	v7 =	vor.u32 v2, v7;
	v20 =	vld [tilespmem:s3+$0x70];
	v18 =	vshll.u32 v18, $0x7  }
0x22c: {  	v19 =	vand.u32 $0x7FFFFFFF, v19;
	v18 =	vor.u32 v2, v18;
	[tilespmem:v11+s25+$0x0] =	vst.idx.add.f32.msk $0xffff, v13  }
0x22d: {  	v9 =	vand.u32 $0x7FFFFFFF, v9;
	[tilespmem:v12+s25+$0x0] =	vst.idx.add.f32.msk $0xffff, v16  }
0x22e: {  	[tilespmem:v14+s25+$0x0] =	vst.idx.add.f32.msk $0xffff, v19  }
0x22f: {  	v8 =	vand.u32 $0x7FFFFFFF, v8;
	[tilespmem:v15+s25+$0x0] =	vst.idx.add.f32.msk $0xffff, v9  }
0x230: {  	v5 =	vand.u32 $0x7FFFFFFF, v5;
	v6 =	vand.u32 $0x7FFFFFFF, v6;
	[tilespmem:v10+s25+$0x0] =	vst.idx.add.f32.msk $0xffff, v8  }
0x231: {  	[tilespmem:v7+s25+$0x0] =	vst.idx.add.f32.msk $0xffff, v6  }
0x232: {  	[tilespmem:v18+s25+$0x0] =	vst.idx.add.f32.msk $0xffff, v5  }
0x233: {  	v21 =	vld [tilespmem:s3+$0x50]  }
0x234: {  	v19 =	vld [tilespmem:s3+$0x40]  }
0x235: {  	v5 =	vmul.f32 v23, v4;
	v22 =	vld [tilespmem:s3+$0x30]  }
0x236: {  	v6 =	vmul.f32 v20, v4;
	v24 =	vld [tilespmem:s3+$0x20]  }
0x237: {  	v7 =	vmul.f32 v17, v4;
	v5 =	vadd.f32 v5, v3;
	v26 =	vld [tilespmem:s3+$0x10]  }
0x238: {  	v6 =	vadd.f32 v6, v3;
	v29 =	vld [tilespmem:s3+$0x0];
	v8 =	vmul.f32 v21, v4  }
0x239: {  	v7 =	vadd.f32 v7, v3;
	v5 =	vtrunc.f32 v5;
	v25 =	vld [tilespmem:s3+$0xFFFFFC70];
	v9 =	vmul.f32 v19, v4  }
0x23a: {  	v18 =	vcvt.f32.s32 v5;
	v12 =	vld [tilespmem:s3+$0xFFFFFC60];
	v5 =	vmul.f32 v22, v4;
	v8 =	vadd.f32 v8, v3  }
0x23b: {  	v14 =	vtrunc.f32 v7;
	v11 =	vld [tilespmem:s3+$0xFFFFFC50];
	v13 =	vmul.f32 v24, v4;
	v9 =	vadd.f32 v9, v3  }
0x23c: {  	v10 =	vld [tilespmem:s3+$0xFFFFFC40];
	v15 =	vmul.f32 v26, v4;
	v16 =	vadd.f32 v5, v3;
	v5 =	vtrunc.f32 v6  }
0x23d: {  	v7 =	vld [tilespmem:s3+$0xFFFFFC30];
	v6 =	vmul.f32 v29, v4;
	v13 =	vadd.f32 v13, v3;
	v28 =	vcvt.f32.s32 v5  }
0x23e: {  	v8 =	vtrunc.f32 v8;
	v30 =	vld [tilespmem:s3+$0xFFFFFC20];
	v5 =	vmul.f32 v25, v4;
	v15 =	vadd.f32 v15, v3  }
0x23f: {  	v27 =	vcvt.f32.s32 v14;
	v32 =	vld [tilespmem:s3+$0xFFFFFC10];
	v31 =	vadd.f32 v6, v3;
	v6 =	vtrunc.f32 v13  }
0x240: {  	v9 =	vtrunc.f32 v9;
	v13 =	vld.idx.msk [tilespmem:v18+s16+$0x0], $0xffff;
	v33 =	vadd.f32 v5, v3;
	v34 =	vcvt.f32.s32 v6  }
0x241: {  	v14 =	vtrunc.f32 v15;
	v15 =	vcvt.f32.s32 v8;
	v5 =	vld [tilespmem:s4+$0xFFFFFC30]  }
0x242: {  	v35 =	vtrunc.f32 v16;
	v31 =	vtrunc.f32 v31;
	v6 =	vld [tilespmem:s4+$0xFFFFFC40]  }
0x243: {  	v16 =	vcvt.f32.s32 v9;
	v36 =	vcvt.f32.s32 v14;
	v37 =	vld.idx.msk [tilespmem:v28+s16+$0x0], $0xffff  }
0x244: {  	v39 =	vmul.f32 v12, v4;
	v38 =	vmul.f32 v32, v4;
	v8 =	vld [tilespmem:s4+$0x40]  }
0x245: {  	v14 =	vcvt.f32.s32 v35;
	v31 =	vcvt.f32.s32 v31;
	v9 =	vld [tilespmem:s4+$0x50]  }
0x246: {  	v39 =	vadd.f32 v39, v3;
	v35 =	vadd.f32 v38, v3;
	v38 =	vmul.f32 v30, v4;
	v40 =	vld.idx.msk [tilespmem:v34+s16+$0x0], $0xffff  }
0x247: {  	v41 =	vmul.f32 v10, v4;
	vm0 =	vlt.f32 v13, v23;
	v23 =	vmul.f32 v7, v4;
	v42 =	vld.idx.msk [tilespmem:v15+s16+$0x0], $0xffff  }
0x248: {  	v43 =	vmul.f32 v11, v4;
	v35 =	vtrunc.f32 v35;
	v38 =	vadd.f32 v38, v3;
	v13 =	vld [tilespmem:s4+$0x30]  }
0x249: {  	v44 =	vsel vm0, $0x1, v1;
	v45 =	vcvt.f32.s32 v35;
	v35 =	vtrunc.f32 v39;
	v39 =	vld.idx.msk [tilespmem:v36+s16+$0x0], $0xffff  }
0x24a: {  	v41 =	vadd.f32 v41, v3;
	v23 =	vadd.f32 v23, v3;
	v38 =	vtrunc.f32 v38;
	v46 =	vld.idx.msk [tilespmem:v16+s16+$0x0], $0xffff  }
0x24b: {  	v43 =	vadd.f32 v43, v3;
	v33 =	vtrunc.f32 v33;
	v44 =	vadd.s32 v18, v44;
	v47 =	vld.idx.msk [tilespmem:v31+s16+$0x0], $0xffff  }
0x24c: {  	v48 =	vcvt.f32.s32 v33;
	vm1 =	vlt.f32 v37, v20;
	vm0 =	vlt.f32 v40, v24;
	v18 =	vld [tilespmem:s4+$0xFFFFFC20]  }
0x24d: {  	v37 =	vcvt.f32.s32 v38;
	v40 =	vsel vm1, $0x1, v1;
	v20 =	vsel vm0, $0x1, v1;
	v38 =	vld.idx.msk [tilespmem:v14+s16+$0x0], $0xffff  }
0x24e: {  	v33 =	vtrunc.f32 v43;
	v24 =	vtrunc.f32 v41;
	v20 =	vadd.s32 v34, v20;
	v34 =	vld.idx.msk [tilespmem:v27+s16+$0x0], $0xffff  }
0x24f: {  	v43 =	vtrunc.f32 v23;
	vm0 =	vlt.f32 v42, v21;
	v20 =	vshll.u32 v20, $0x7;
	v41 =	vld.idx.msk [tilespmem:v45+s16+$0x0], $0xffff  }
0x250: {  	v21 =	vshll.u32 v44, $0x7;
	vm1 =	vlt.f32 v39, v26;
	v23 =	vor.u32 v2, v20;
	v42 =	vld [tilespmem:s4+$0xFFFFFC00]  }
0x251: {  	v39 =	vor.u32 v2, v21;
	v20 =	vsel vm1, $0x1, v1;
	vm2 =	vlt.f32 v47, v29;
	v26 =	vld [tilespmem:s4+$0x70]  }
0x252: {  	v21 =	vcvt.f32.s32 v35;
	v20 =	vadd.s32 v36, v20;
	v29 =	vsel vm2, $0x1, v1;
	v44 =	vld.idx.msk [tilespmem:v48+s16+$0x0], $0xffff  }
0x253: {  	vm1 =	vlt.f32 v46, v19;
	v20 =	vshll.u32 v20, $0x7;
	v29 =	vadd.s32 v31, v29;
	v47 =	vld.idx.msk [tilespmem:v37+s16+$0x0], $0xffff  }
0x254: {  	v20 =	vor.u32 v2, v20;
	v31 =	vsel vm1, $0x1, v1;
	v19 =	vshll.u32 v29, $0x7;
	v46 =	vld [tilespmem:s4+$0x0]  }
0x255: {  	v29 =	vcvt.f32.s32 v33;
	vm1 =	vlt.f32 v41, v32;
	v33 =	vor.u32 v2, v19;
	v41 =	vld [tilespmem:s4+$0x20]  }
0x256: {  	v32 =	vsel vm0, $0x1, v1;
	vm0 =	vlt.f32 v34, v17;
	v19 =	vld [tilespmem:s4+$0xFFFFFC60];
	v26 =	vand.u32 $0x7FFFFFFF, v26  }
0x257: {  	v24 =	vcvt.f32.s32 v24;
	v17 =	vsel vm1, $0x1, v1;
	v49 =	vsel vm0, $0x1, v1;
	v35 =	vld [tilespmem:s4+$0x10]  }
0x258: {  	v42 =	vand.u32 $0x7FFFFFFF, v42;
	v17 =	vadd.s32 v45, v17;
	vm1 =	vlt.f32 v44, v25;
	v36 =	vld.idx.msk [tilespmem:v21+s16+$0x0], $0xffff  }
.Ltmp5:
0x259: {  	vm0 =	vlt.f32 v38, v22;
	v17 =	vshll.u32 v17, $0x7;
	vm2 =	vlt.f32 v47, v30;
	v34 =	vld [tilespmem:s4+$0xFFFFFC10];
	(pc) =	sbr.rel @p0 .LBB2_9-.Ltmp5, $4  }
0x25a: {  	v22 =	vcvt.f32.s32 v43;
	v25 =	vor.u32 v2, v17;
	v17 =	vsel vm1, $0x1, v1;
	[tilespmem:v39+s25+$0x0] =	vst.idx.add.f32.msk $0xffff, v42  }
0x25b: {  	v40 =	vadd.s32 v28, v40;
	v38 =	vsel vm2, $0x1, v1;
	v39 =	vadd.s32 v48, v17;
	v30 =	vld.idx.msk [tilespmem:v29+s16+$0x0], $0xffff  }
0x25c: {  	v17 =	vadd.s32 v37, v38;
	v28 =	vshll.u32 v39, $0x7;
	v39 =	vand.u32 $0x7FFFFFFF, v41;
	v38 =	vld [tilespmem:s4+$0xFFFFFC50]  }
0x25d: {  	v27 =	vadd.s32 v27, v49;
	v41 =	vand.u32 $0x7FFFFFFF, v46;
	v28 =	vor.u32 v2, v28;
	v37 =	vld.idx.msk [tilespmem:v24+s16+$0x0], $0xffff  }
0x25e: {  	_ =	sdelay $0x2  }
0x25f: {  	v17 =	vshll.u32 v17, $0x7;
	v16 =	vadd.s32 v16, v31;
	v27 =	vshll.u32 v27, $0x7  }
0x260: {  	[tilespmem:v33+s25+$0x0] =	vst.idx.add.f32.msk $0xffff, v41;
	v31 =	vand.u32 $0x7FFFFFFF, v35;
	v15 =	vadd.s32 v15, v32;
	v53 =	vshll.u32 v40, $0x7  }
0x261: {  	vm1 =	vlt.f32 v36, v12;
	v54 =	vld [tilespmem:s18+$0xFFFFFC70];
	v55 =	vand.u32 $0x7FFFFFFF, v34;
	v18 =	vand.u32 $0x7FFFFFFF, v18  }
0x262: {  	[tilespmem:v23+s25+$0x0] =	vst.idx.add.f32.msk $0xffff, v39;
	v9 =	vand.u32 $0x7FFFFFFF, v9;
	v17 =	vor.u32 v2, v17;
	v12 =	vor.u32 v2, v53  }
0x263: {  	v15 =	vshll.u32 v15, $0x7;
	[tilespmem:v20+s25+$0x0] =	vst.idx.add.f32.msk $0xffff, v31;
	vm2 =	vlt.f32 v30, v11;
	v11 =	vsel vm0, $0x1, v1  }
0x264: {  	v20 =	vor.u32 v2, v27;
	v30 =	vsel vm2, $0x1, v1;
	v11 =	vadd.s32 v14, v11;
	v14 =	vld.idx.msk [tilespmem:v22+s16+$0x0], $0xffff  }
0x265: {  	v15 =	vor.u32 v2, v15;
	vm0 =	vlt.f32 v37, v10;
	v10 =	vadd.s32 v29, v30  }
0x266: {  	[tilespmem:v25+s25+$0x0] =	vst.idx.add.f32.msk $0xffff, v55;
	v16 =	vshll.u32 v16, $0x7;
	v29 =	vsel vm1, $0x1, v1;
	v10 =	vshll.u32 v10, $0x7  }
0x267: {  	v30 =	vld [tilespmem:s18+$0x60];
	v11 =	vshll.u32 v11, $0x7;
	v21 =	vadd.s32 v21, v29;
	v10 =	vor.u32 v2, v10  }
0x268: {  	v11 =	vor.u32 v2, v11;
	v21 =	vshll.u32 v21, $0x7;
	[tilespmem:v12+s25+$0x0] =	vst.idx.add.f32.msk $0xffff, v26;
	v12 =	vsel vm0, $0x1, v1  }
0x269: {  	[tilespmem:v17+s25+$0x0] =	vst.idx.add.f32.msk $0xffff, v18;
	v12 =	vadd.s32 v24, v12;
	v24 =	vand.u32 $0x7FFFFFFF, v54;
	vm0 =	vlt.f32 v14, v7  }
0x26a: {  	[tilespmem:v15+s25+$0x0] =	vst.idx.add.f32.msk $0xffff, v9;
	v7 =	vor.u32 v2, v21;
	v12 =	vshll.u32 v12, $0x7;
	v14 =	vsel vm0, $0x1, v1  }
0x26b: {  	v23 =	vand.u32 $0x7FFFFFFF, v38;
	[tilespmem:v28+s25+$0x0] =	vst.idx.add.f32.msk $0xffff, v24;
	v12 =	vor.u32 v2, v12;
	v14 =	vadd.s32 v22, v14  }
0x26c: {  	v13 =	vand.u32 $0x7FFFFFFF, v13;
	[tilespmem:v10+s25+$0x0] =	vst.idx.add.f32.msk $0xffff, v23;
	v10 =	vor.u32 v2, v16;
	v14 =	vshll.u32 v14, $0x7  }
0x26d: {  	[tilespmem:v11+s25+$0x0] =	vst.idx.add.f32.msk $0xffff, v13;
	v16 =	vand.u32 $0x7FFFFFFF, v30;
	v11 =	vor.u32 v2, v14  }
0x26e: {  	v13 =	vand.u32 $0x7FFFFFFF, v19;
	[tilespmem:v20+s25+$0x0] =	vst.idx.add.f32.msk $0xffff, v16  }
0x26f: {  	v6 =	vand.u32 $0x7FFFFFFF, v6;
	[tilespmem:v7+s25+$0x0] =	vst.idx.add.f32.msk $0xffff, v13  }
0x270: {  	v7 =	vand.u32 $0x7FFFFFFF, v8;
	[tilespmem:v12+s25+$0x0] =	vst.idx.add.f32.msk $0xffff, v6  }
0x271: {  	v5 =	vand.u32 $0x7FFFFFFF, v5;
	[tilespmem:v10+s25+$0x0] =	vst.idx.add.f32.msk $0xffff, v7  }
0x272: {  	[tilespmem:v11+s25+$0x0] =	vst.idx.add.f32.msk $0xffff, v5  }
0x273: {  	v12 =	vld [tilespmem:s0+$0xFFFFFC00]  }
0x274: {  	v15 =	vld [tilespmem:s0+$0x70]  }
0x275: {  	v16 =	vld [tilespmem:s0+$0x60]  }
0x276: {  	v17 =	vld [tilespmem:s0+$0x50]  }
0x277: {  	v18 =	vld [tilespmem:s0+$0x40]  }
0x278: {  	v21 =	vld [tilespmem:s0+$0x30]  }
0x279: {  	v24 =	vld [tilespmem:s0+$0x10]  }
0x27a: {  	v11 =	vld [tilespmem:s0+$0xFFFFFC70]  }
0x27b: {  	v10 =	vld [tilespmem:s0+$0xFFFFFC60]  }
0x27c: {  	v31 =	vld [tilespmem:s0+$0xFFFFFC50]  }
0x27d: {  	v33 =	vld [tilespmem:s0+$0xFFFFFC30];
	v5 =	vmul.f32 v12, v4  }
0x27e: {  	v35 =	vld [tilespmem:s0+$0xFFFFFC20];
	v6 =	vmul.f32 v15, v4;
	v7 =	vmul.f32 v16, v4  }
0x27f: {  	v8 =	vmul.f32 v17, v4;
	v9 =	vmul.f32 v18, v4  }
0x280: {  	v13 =	vmul.f32 v21, v4;
	v20 =	vmul.f32 v24, v4  }
0x281: {  	v27 =	vmul.f32 v11, v4;
	v30 =	vmul.f32 v10, v4  }
0x282: {  	v56 =	vmul.f32 v31, v4;
	v59 =	vmul.f32 v33, v4;
	v5 =	vadd.f32 v5, v3  }
0x283: {  	v42 =	vmul.f32 v35, v4;
	v6 =	vadd.f32 v6, v3;
	v8 =	vadd.f32 v8, v3  }
0x284: {  	v7 =	vadd.f32 v7, v3;
	v9 =	vadd.f32 v9, v3;
	v5 =	vtrunc.f32 v5  }
0x285: {  	v22 =	vld [tilespmem:s0+$0x20];
	v26 =	vadd.f32 v13, v3;
	v14 =	vtrunc.f32 v6;
	v8 =	vtrunc.f32 v8  }
0x286: {  	v25 =	vld [tilespmem:s0+$0x0];
	v32 =	vadd.f32 v56, v3;
	v7 =	vtrunc.f32 v7;
	v9 =	vtrunc.f32 v9  }
0x287: {  	v29 =	vld [tilespmem:s0+$0xFFFFFC10];
	v20 =	vadd.f32 v20, v3;
	v26 =	vtrunc.f32 v26;
	v19 =	vcvt.f32.s32 v5  }
0x288: {  	v48 =	vld [tilespmem:s31+$0x10];
	v32 =	vtrunc.f32 v32;
	v23 =	vcvt.f32.s32 v14  }
0x289: {  	v55 =	vld [tilespmem:s31+$0xFFFFFC00];
	v20 =	vtrunc.f32 v20;
	v58 =	vcvt.f32.s32 v8  }
0x28a: {  	v37 =	vld [tilespmem:s31+$0xFFFFFC20];
	v5 =	vmul.f32 v22, v4;
	v60 =	vcvt.f32.s32 v9  }
0x28b: {  	v27 =	vadd.f32 v27, v3;
	v6 =	vld [tilespmem:s0+$0xFFFFFC40];
	v14 =	vmul.f32 v25, v4;
	v13 =	vcvt.f32.s32 v7  }
0x28c: {  	v7 =	vld [tilespmem:s31+$0xFFFFFC60];
	v9 =	vmul.f32 v29, v4;
	v40 =	vcvt.f32.s32 v26;
	v26 =	vadd.f32 v59, v3  }
0x28d: {  	v27 =	vtrunc.f32 v27;
	v28 =	vadd.f32 v5, v3;
	v14 =	vadd.f32 v14, v3;
	v57 =	vld.idx.msk [tilespmem:v19+s16+$0x0], $0xffff  }
0x28e: {  	v63 =	vcvt.f32.s32 v20;
	v62 =	vadd.f32 v9, v3;
	v26 =	vtrunc.f32 v26;
	v39 =	vld.idx.msk [tilespmem:v23+s16+$0x0], $0xffff  }
0x28f: {  	v28 =	vtrunc.f32 v28;
	v14 =	vtrunc.f32 v14;
	v43 =	vld.idx.msk [tilespmem:v58+s16+$0x0], $0xffff  }
0x290: {  	v50 =	vadd.f32 v42, v3;
	v20 =	vtrunc.f32 v62;
	v28 =	vcvt.f32.s32 v28;
	v45 =	vld.idx.msk [tilespmem:v60+s16+$0x0], $0xffff  }
0x291: {  	v52 =	vmul.f32 v6, v4;
	v44 =	vcvt.f32.s32 v20;
	v61 =	vld.idx.msk [tilespmem:v13+s16+$0x0], $0xffff  }
0x292: {  	v30 =	vadd.f32 v30, v3;
	v14 =	vcvt.f32.s32 v14;
	v20 =	vtrunc.f32 v50;
	v46 =	vld.idx.msk [tilespmem:v40+s16+$0x0], $0xffff  }
0x293: {  	v8 =	vld [tilespmem:s31+$0x0];
	v47 =	vcvt.f32.s32 v20;
	v20 =	vcvt.f32.s32 v26;
	v26 =	vadd.f32 v52, v3  }
0x294: {  	v5 =	vld [tilespmem:s31+$0xFFFFFC40];
	vm0 =	vlt.f32 v57, v12;
	vm1 =	vlt.f32 v43, v17;
	v17 =	vcvt.f32.s32 v27  }
0x295: {  	v9 =	vld [tilespmem:s31+$0x30];
	vm2 =	vlt.f32 v45, v18;
	v51 =	vsel vm0, $0x1, v1;
	vm0 =	vlt.f32 v39, v15  }
0x296: {  	v15 =	vadd.s32 v19, v51;
	v19 =	vtrunc.f32 v30;
	v30 =	vld.idx.msk [tilespmem:v28+s16+$0x0], $0xffff;
	v39 =	vsel vm0, $0x1, v1  }
0x297: {  	v27 =	vld [tilespmem:s31+$0x50];
	vm0 =	vlt.f32 v61, v16;
	v16 =	vsel vm1, $0x1, v1;
	vm1 =	vlt.f32 v46, v21  }
0x298: {  	v53 =	vld.idx.msk [tilespmem:v63+s16+$0x0], $0xffff;
	v21 =	vsel vm2, $0x1, v1;
	v42 =	vshll.u32 v15, $0x7;
	v15 =	vcvt.f32.s32 v19  }
0x299: {  	v54 =	vld.idx.msk [tilespmem:v44+s16+$0x0], $0xffff;
	v19 =	vcvt.f32.s32 v32;
	v18 =	vadd.s32 v58, v16;
	v39 =	vadd.s32 v23, v39  }
0x29a: {  	v12 =	vld [tilespmem:s31+$0x60];
	v16 =	vand.u32 $0x7FFFFFFF, v48;
	v21 =	vadd.s32 v60, v21;
	v23 =	vor.u32 v2, v42  }
0x29b: {  	v56 =	vld.idx.msk [tilespmem:v14+s16+$0x0], $0xffff;
	v58 =	vshll.u32 v39, $0x7;
	v60 =	vshll.u32 v21, $0x7;
	vm2 =	vlt.f32 v30, v22  }
0x29c: {  	v62 =	vld.idx.msk [tilespmem:v20+s16+$0x0], $0xffff;
	v21 =	vshll.u32 v18, $0x7;
	v61 =	vand.u32 $0x7FFFFFFF, v27;
	v57 =	vsel vm2, $0x1, v1  }
0x29d: {  	v22 =	vld.idx.msk [tilespmem:v47+s16+$0x0], $0xffff;
	v30 =	vtrunc.f32 v26;
	vm2 =	vlt.f32 v53, v24;
	v24 =	vadd.s32 v28, v57  }
0x29e: {  	v32 =	vld [tilespmem:s31+$0xFFFFFC10];
	v28 =	vsel vm2, $0x1, v1;
	vm2 =	vlt.f32 v54, v29;
	v29 =	vand.u32 $0x7FFFFFFF, v55  }
0x29f: {  	v59 =	vld.idx.msk [tilespmem:v19+s16+$0x0], $0xffff;
	v63 =	vadd.s32 v63, v28;
	v28 =	vsel vm2, $0x1, v1;
	v27 =	vshll.u32 v24, $0x7  }
0x2a0: {  	v18 =	vld [tilespmem:s31+$0xFFFFFC30];
	v24 =	vor.u32 v2, v21;
	vm2 =	vlt.f32 v56, v25;
	v21 =	vadd.s32 v44, v28  }
0x2a1: {  	v34 =	vld.idx.msk [tilespmem:v17+s16+$0x0], $0xffff;
	v28 =	vsel vm2, $0x1, v1;
	v25 =	vshll.u32 v21, $0x7;
	v21 =	vcvt.f32.s32 v30  }
0x2a2: {  	v26 =	vld.idx.msk [tilespmem:v15+s16+$0x0], $0xffff;
	v39 =	vshll.u32 v63, $0x7;
	vm2 =	vlt.f32 v22, v35;
	v22 =	vsel vm1, $0x1, v1  }
0x2a3: {  	v30 =	vor.u32 v2, v25;
	v25 =	vld [tilespmem:s31+$0x70];
	v35 =	vsel vm2, $0x1, v1;
	v36 =	vadd.s32 v40, v22  }
0x2a4: {  	v22 =	vor.u32 v2, v58;
	vm1 =	vlt.f32 v59, v31;
	v31 =	vld [tilespmem:s31+$0x40];
	v35 =	vadd.s32 v47, v35  }
0x2a5: {  	s4 =	simm.s32 $0x0;
	v40 =	vsel vm0, $0x1, v1;
	v38 =	vsel vm1, $0x1, v1;
	[tilespmem:v24+s25+$0x0] =	vst.idx.add.f32.msk $0xffff, v61;
	v24 =	vshll.u32 v35, $0x7  }
0x2a6: {  	s3 =	simm.s32 $0x8680;
	s19 =	simm.s32 $0x8600;
	s18 =	simm.s32 $0x680;
	vm1 =	vlt.f32 v62, v33;
	v33 =	vor.u32 v2, v60;
	v35 =	vor.u32 v2, v24;
	v24 =	vld [tilespmem:s31+$0xFFFFFC50]  }
.LBB2_11:
0x2a7: {  	s4 =	sadd.s32 $0x100, s4;
	v41 =	vsel vm1, $0x1, v1;
	v42 =	vld.idx.msk [tilespmem:v21+s16+$0x0], $0xffff;
	vm0 =	vlt.f32 v34, v11;
	v11 =	vadd.s32 v13, v40;
	s31 =	sadd.s32 $0x800, s31;
	s0 =	sadd.s32 $0x800, s0  }
0x2a8: {  	vm1 =	vlt.f32 v26, v10;
	p0 =	slt.u32 s4, $0x700;
	v13 =	vadd.s32 v20, v41;
	v10 =	vld [tilespmem:s19+$0x20];
	v20 =	vshll.u32 v36, $0x7  }
0x2a9: {  	v26 =	vand.u32 $0x7FFFFFFF, v32;
	v19 =	vadd.s32 v19, v38;
	v34 =	vsel vm0, $0x1, v1;
	v32 =	vld [tilespmem:s19+$0xFFFFFC70];
	s19 =	smov.u32 s31  }
0x2aa: {  	v36 =	vor.u32 v2, v39;
	[tilespmem:v23+s25+$0x0] =	vst.idx.add.f32.msk $0xffff, v29;
	v23 =	vand.u32 $0x7FFFFFFF, v37;
	v29 =	vsel vm1, $0x1, v1  }
0x2ab: {  	v19 =	vshll.u32 v19, $0x7;
	v17 =	vadd.s32 v17, v34;
	[tilespmem:v35+s25+$0x0] =	vst.idx.add.f32.msk $0xffff, v23;
	v23 =	vor.u32 v2, v27  }
0x2ac: {  	v13 =	vshll.u32 v13, $0x7;
	v17 =	vshll.u32 v17, $0x7;
	[tilespmem:v30+s25+$0x0] =	vst.idx.add.f32.msk $0xffff, v26;
	v26 =	vadd.s32 v14, v28  }
0x2ad: {  	v15 =	vadd.s32 v15, v29;
	v17 =	vor.u32 v2, v17;
	v27 =	vand.u32 $0x7FFFFFFF, v31;
	v14 =	vld [tilespmem:s0+$0xFFFFFC00]  }
0x2ae: {  	v19 =	vor.u32 v2, v19;
	v28 =	vshll.u32 v15, $0x7;
	v29 =	vand.u32 $0x7FFFFFFF, v32;
	[tilespmem:v33+s25+$0x0] =	vst.idx.add.f32.msk $0xffff, v27  }
0x2af: {  	v25 =	vand.u32 $0x7FFFFFFF, v25;
	v13 =	vor.u32 v2, v13;
	v27 =	vor.u32 v2, v28;
	v15 =	vld [tilespmem:s0+$0x70]  }
0x2b0: {  	v11 =	vshll.u32 v11, $0x7;
	v26 =	vshll.u32 v26, $0x7;
	v10 =	vand.u32 $0x7FFFFFFF, v10;
	[tilespmem:v36+s25+$0x0] =	vst.idx.add.f32.msk $0xffff, v16  }
0x2b1: {  	vm0 =	vlt.f32 v42, v6;
	v6 =	vand.u32 $0x7FFFFFFF, v24;
	v16 =	vor.u32 v2, v26;
	[tilespmem:v23+s25+$0x0] =	vst.idx.add.f32.msk $0xffff, v10  }
0x2b2: {  	v11 =	vor.u32 v2, v11;
	v10 =	vsel vm0, $0x1, v1;
	[tilespmem:v17+s25+$0x0] =	vst.idx.add.f32.msk $0xffff, v29;
	v17 =	vor.u32 v2, v20  }
0x2b3: {  	v18 =	vand.u32 $0x7FFFFFFF, v18;
	v10 =	vadd.s32 v21, v10;
	[tilespmem:v19+s25+$0x0] =	vst.idx.add.f32.msk $0xffff, v6  }
0x2b4: {  	v7 =	vand.u32 $0x7FFFFFFF, v7;
	v6 =	vshll.u32 v10, $0x7;
	[tilespmem:v13+s25+$0x0] =	vst.idx.add.f32.msk $0xffff, v18  }
0x2b5: {  	v6 =	vor.u32 v2, v6;
	[tilespmem:v27+s25+$0x0] =	vst.idx.add.f32.msk $0xffff, v7;
	v7 =	vand.u32 $0x7FFFFFFF, v12  }
0x2b6: {  	v9 =	vand.u32 $0x7FFFFFFF, v9;
	[tilespmem:v22+s25+$0x0] =	vst.idx.add.f32.msk $0xffff, v25  }
0x2b7: {  	v8 =	vand.u32 $0x7FFFFFFF, v8;
	[tilespmem:v17+s25+$0x0] =	vst.idx.add.f32.msk $0xffff, v9  }
0x2b8: {  	v5 =	vand.u32 $0x7FFFFFFF, v5;
	[tilespmem:v16+s25+$0x0] =	vst.idx.add.f32.msk $0xffff, v8  }
0x2b9: {  	[tilespmem:v11+s25+$0x0] =	vst.idx.add.f32.msk $0xffff, v7  }
0x2ba: {  	[tilespmem:v6+s25+$0x0] =	vst.idx.add.f32.msk $0xffff, v5  }
0x2bb: {  	v16 =	vld [tilespmem:s0+$0x60]  }
0x2bc: {  	v17 =	vld [tilespmem:s0+$0x50]  }
0x2bd: {  	v23 =	vld [tilespmem:s0+$0x40]  }
0x2be: {  	v5 =	vmul.f32 v14, v4;
	v27 =	vld [tilespmem:s0+$0x30]  }
0x2bf: {  	v6 =	vmul.f32 v15, v4;
	v26 =	vld [tilespmem:s0+$0x20]  }
0x2c0: {  	v5 =	vadd.f32 v5, v3;
	v18 =	vld [tilespmem:s0+$0x10];
	v7 =	vmul.f32 v16, v4  }
0x2c1: {  	v6 =	vadd.f32 v6, v3;
	v21 =	vld [tilespmem:s0+$0x0];
	v8 =	vmul.f32 v17, v4  }
0x2c2: {  	v5 =	vtrunc.f32 v5;
	v11 =	vld [tilespmem:s0+$0xFFFFFC70];
	v9 =	vmul.f32 v23, v4;
	v7 =	vadd.f32 v7, v3  }
0x2c3: {  	v13 =	vtrunc.f32 v6;
	v10 =	vld [tilespmem:s0+$0xFFFFFC60];
	v12 =	vmul.f32 v27, v4;
	v8 =	vadd.f32 v8, v3  }
0x2c4: {  	v19 =	vcvt.f32.s32 v5;
	v22 =	vld [tilespmem:s0+$0xFFFFFC50];
	v5 =	vmul.f32 v26, v4;
	v9 =	vadd.f32 v9, v3  }
0x2c5: {  	v28 =	vcvt.f32.s32 v13;
	v6 =	vld [tilespmem:s0+$0xFFFFFC40];
	v20 =	vmul.f32 v18, v4;
	v12 =	vadd.f32 v12, v3  }
0x2c6: {  	v8 =	vtrunc.f32 v8;
	v24 =	vld [tilespmem:s0+$0xFFFFFC30];
	v13 =	vmul.f32 v21, v4;
	v29 =	vadd.f32 v5, v3  }
0x2c7: {  	v5 =	vtrunc.f32 v7;
	v25 =	vld [tilespmem:s0+$0xFFFFFC20];
	v30 =	vmul.f32 v11, v4;
	v20 =	vadd.f32 v20, v3  }
0x2c8: {  	v31 =	vld [tilespmem:s0+$0xFFFFFC10];
	v7 =	vmul.f32 v10, v4;
	v32 =	vadd.f32 v13, v3;
	v13 =	vcvt.f32.s32 v5  }
0x2c9: {  	v9 =	vtrunc.f32 v9;
	v5 =	vld [tilespmem:s31+$0xFFFFFC40];
	v33 =	vmul.f32 v22, v4;
	v30 =	vadd.f32 v30, v3  }
0x2ca: {  	v36 =	vcvt.f32.s32 v8;
	v29 =	vtrunc.f32 v29;
	v34 =	vld.idx.msk [tilespmem:v19+s16+$0x0], $0xffff;
	v35 =	vadd.f32 v7, v3  }
0x2cb: {  	v12 =	vtrunc.f32 v12;
	v32 =	vtrunc.f32 v32;
	v33 =	vadd.f32 v33, v3;
	v7 =	vld [tilespmem:s31+$0xFFFFFC60]  }
0x2cc: {  	v38 =	vcvt.f32.s32 v9;
	v37 =	vmul.f32 v24, v4;
	v39 =	vld.idx.msk [tilespmem:v28+s16+$0x0], $0xffff  }
0x2cd: {  	v40 =	vcvt.f32.s32 v12;
	v9 =	vmul.f32 v31, v4;
	v8 =	vld [tilespmem:s31+$0x0]  }
0x2ce: {  	v29 =	vcvt.f32.s32 v29;
	v12 =	vadd.f32 v37, v3;
	v33 =	vtrunc.f32 v33;
	v37 =	vld.idx.msk [tilespmem:v13+s16+$0x0], $0xffff  }
0x2cf: {  	v20 =	vtrunc.f32 v20;
	v42 =	vmul.f32 v25, v4;
	v41 =	vadd.f32 v9, v3;
	v9 =	vld [tilespmem:s31+$0x30]  }
0x2d0: {  	v43 =	vcvt.f32.s32 v20;
	vm0 =	vlt.f32 v34, v14;
	v34 =	vtrunc.f32 v12;
	v44 =	vld.idx.msk [tilespmem:v36+s16+$0x0], $0xffff  }
0x2d1: {  	v30 =	vtrunc.f32 v30;
	v20 =	vadd.f32 v42, v3;
	v14 =	vtrunc.f32 v41;
	v12 =	vld [tilespmem:s31+$0x60]  }
0x2d2: {  	v41 =	vsel vm0, $0x1, v1;
	v42 =	vcvt.f32.s32 v14;
	v14 =	vcvt.f32.s32 v32;
	v32 =	vld.idx.msk [tilespmem:v38+s16+$0x0], $0xffff  }
0x2d3: {  	v45 =	vmul.f32 v6, v4;
	v20 =	vtrunc.f32 v20;
	vm0 =	vlt.f32 v39, v15;
	v46 =	vld.idx.msk [tilespmem:v40+s16+$0x0], $0xffff  }
0x2d4: {  	v15 =	vadd.s32 v19, v41;
	v19 =	vtrunc.f32 v35;
	v39 =	vsel vm0, $0x1, v1;
	v35 =	vld.idx.msk [tilespmem:v29+s16+$0x0], $0xffff  }
0x2d5: {  	v47 =	vcvt.f32.s32 v20;
	v41 =	vshll.u32 v15, $0x7;
	vm0 =	vlt.f32 v37, v16;
	v48 =	vld [tilespmem:s31+$0x10]  }
0x2d6: {  	v20 =	vcvt.f32.s32 v34;
	v15 =	vcvt.f32.s32 v19;
	vm1 =	vlt.f32 v44, v17;
	v34 =	vld.idx.msk [tilespmem:v43+s16+$0x0], $0xffff  }
0x2d7: {  	v19 =	vcvt.f32.s32 v33;
	v17 =	vcvt.f32.s32 v30;
	v16 =	vsel vm1, $0x1, v1;
	v30 =	vld [tilespmem:s31+$0x50]  }
0x2d8: {  	v37 =	vadd.f32 v45, v3;
	vm2 =	vlt.f32 v32, v23;
	v32 =	vadd.s32 v36, v16;
	v33 =	vld.idx.msk [tilespmem:v42+s16+$0x0], $0xffff  }
0x2d9: {  	v28 =	vadd.s32 v28, v39;
	vm1 =	vlt.f32 v46, v27;
	v27 =	vsel vm2, $0x1, v1;
	v36 =	vld [tilespmem:s31+$0xFFFFFC00]  }
0x2da: {  	v23 =	vor.u32 v2, v41;
	vm2 =	vlt.f32 v35, v26;
	v39 =	vld.idx.msk [tilespmem:v14+s16+$0x0], $0xffff;
	v16 =	vand.u32 $0x7FFFFFFF, v48  }
0x2db: {  	v37 =	vtrunc.f32 v37;
	v27 =	vadd.s32 v38, v27;
	v41 =	vsel vm2, $0x1, v1;
	v35 =	vld.idx.msk [tilespmem:v47+s16+$0x0], $0xffff  }
0x2dc: {  	vm2 =	vlt.f32 v34, v18;
	v29 =	vadd.s32 v29, v41;
	v41 =	vshll.u32 v28, $0x7;
	v26 =	vld.idx.msk [tilespmem:v15+s16+$0x0], $0xffff  }
0x2dd: {  	v44 =	vshll.u32 v27, $0x7;
	v18 =	vsel vm2, $0x1, v1;
	v45 =	vand.u32 $0x7FFFFFFF, v30;
	v38 =	vld.idx.msk [tilespmem:v19+s16+$0x0], $0xffff  }
0x2de: {  	v28 =	vshll.u32 v32, $0x7;
	vm2 =	vlt.f32 v33, v31;
	v43 =	vadd.s32 v43, v18;
	v33 =	vld.idx.msk [tilespmem:v20+s16+$0x0], $0xffff  }
0x2df: {  	v27 =	vshll.u32 v29, $0x7;
	v46 =	vor.u32 v2, v28;
	v30 =	vsel vm2, $0x1, v1;
	v18 =	vld [tilespmem:s31+$0xFFFFFC30]  }
0x2e0: {  	v29 =	vand.u32 $0x7FFFFFFF, v36;
	v28 =	vadd.s32 v42, v30;
	vm2 =	vlt.f32 v39, v21;
	v32 =	vld [tilespmem:s31+$0xFFFFFC10]  }
0x2e1: {  	v21 =	vcvt.f32.s32 v37;
	v30 =	vshll.u32 v28, $0x7;
	v28 =	vsel vm2, $0x1, v1;
	v34 =	vld.idx.msk [tilespmem:v17+s16+$0x0], $0xffff  }
.Ltmp6:
0x2e2: {  	v31 =	vsel vm1, $0x1, v1;
	vm2 =	vlt.f32 v35, v25;
	v30 =	vor.u32 v2, v30;
	v25 =	vld [tilespmem:s31+$0x70];
	(pc) =	sbr.rel @p0 .LBB2_11-.Ltmp6, $4  }
0x2e3: {  	v36 =	vadd.s32 v40, v31;
	v35 =	vsel vm2, $0x1, v1;
	vm1 =	vlt.f32 v38, v22;
	v31 =	vld [tilespmem:s31+$0x40]  }
0x2e4: {  	v35 =	vadd.s32 v47, v35;
	v22 =	vor.u32 v2, v41;
	v38 =	vsel vm1, $0x1, v1;
	[tilespmem:v46+s25+$0x0] =	vst.idx.add.f32.msk $0xffff, v45  }
0x2e5: {  	v40 =	vsel vm0, $0x1, v1;
	v35 =	vshll.u32 v35, $0x7;
	vm1 =	vlt.f32 v33, v24;
	v37 =	vld [tilespmem:s31+$0xFFFFFC20]  }
0x2e6: {  	v39 =	vshll.u32 v43, $0x7;
	v33 =	vor.u32 v2, v44;
	v35 =	vor.u32 v2, v35;
	v24 =	vld [tilespmem:s31+$0xFFFFFC50]  }
0x2e7: {  	_ =	sdelay $0x2  }
0x2e8: {  	v41 =	vsel vm1, $0x1, v1;
	vm0 =	vlt.f32 v34, v11;
	v11 =	vadd.s32 v13, v40  }
0x2e9: {  	v13 =	vld.idx.msk [tilespmem:v21+s16+$0x0], $0xffff;
	vm1 =	vlt.f32 v26, v10;
	v32 =	vand.u32 $0x7FFFFFFF, v32;
	v19 =	vadd.s32 v19, v38  }
0x2ea: {  	v26 =	vld [tilespmem:s19+$0x20];
	v56 =	vor.u32 v2, v39;
	v27 =	vor.u32 v2, v27;
	v14 =	vadd.s32 v14, v28  }
0x2eb: {  	[tilespmem:v23+s25+$0x0] =	vst.idx.add.f32.msk $0xffff, v29;
	v20 =	vadd.s32 v20, v41;
	v34 =	vsel vm0, $0x1, v1;
	v23 =	vsel vm1, $0x1, v1  }
0x2ec: {  	v55 =	vld [tilespmem:s19+$0xFFFFFC70];
	v19 =	vshll.u32 v19, $0x7;
	v14 =	vshll.u32 v14, $0x7;
	v17 =	vadd.s32 v17, v34  }
0x2ed: {  	[tilespmem:v30+s25+$0x0] =	vst.idx.add.f32.msk $0xffff, v32;
	v15 =	vadd.s32 v15, v23;
	v23 =	vand.u32 $0x7FFFFFFF, v31;
	v19 =	vor.u32 v2, v19  }
0x2ee: {  	v20 =	vshll.u32 v20, $0x7;
	v14 =	vor.u32 v2, v14;
	v37 =	vand.u32 $0x7FFFFFFF, v37;
	[tilespmem:v33+s25+$0x0] =	vst.idx.add.f32.msk $0xffff, v23  }
0x2ef: {  	v10 =	vshll.u32 v36, $0x7;
	v17 =	vshll.u32 v17, $0x7;
	v20 =	vor.u32 v2, v20;
	[tilespmem:v35+s25+$0x0] =	vst.idx.add.f32.msk $0xffff, v37  }
0x2f0: {  	v15 =	vshll.u32 v15, $0x7;
	v17 =	vor.u32 v2, v17;
	[tilespmem:v56+s25+$0x0] =	vst.idx.add.f32.msk $0xffff, v16;
	v16 =	vand.u32 $0x7FFFFFFF, v26  }
0x2f1: {  	v15 =	vor.u32 v2, v15;
	vm0 =	vlt.f32 v13, v6;
	v6 =	vand.u32 $0x7FFFFFFF, v24;
	[tilespmem:v27+s25+$0x0] =	vst.idx.add.f32.msk $0xffff, v16  }
0x2f2: {  	v8 =	vand.u32 $0x7FFFFFFF, v8;
	v11 =	vshll.u32 v11, $0x7;
	v13 =	vsel vm0, $0x1, v1;
	[tilespmem:v19+s25+$0x0] =	vst.idx.add.f32.msk $0xffff, v6  }
0x2f3: {  	v10 =	vor.u32 v2, v10;
	v16 =	vand.u32 $0x7FFFFFFF, v18;
	v13 =	vadd.s32 v21, v13;
	[tilespmem:v14+s25+$0x0] =	vst.idx.add.f32.msk $0xffff, v8  }
0x2f4: {  	v23 =	vand.u32 $0x7FFFFFFF, v55;
	v6 =	vor.u32 v2, v11;
	[tilespmem:v20+s25+$0x0] =	vst.idx.add.f32.msk $0xffff, v16;
	v11 =	vshll.u32 v13, $0x7  }
0x2f5: {  	v7 =	vand.u32 $0x7FFFFFFF, v7;
	[tilespmem:v17+s25+$0x0] =	vst.idx.add.f32.msk $0xffff, v23;
	v11 =	vor.u32 v2, v11  }
0x2f6: {  	v13 =	vand.u32 $0x7FFFFFFF, v25;
	[tilespmem:v15+s25+$0x0] =	vst.idx.add.f32.msk $0xffff, v7  }
0x2f7: {  	v7 =	vand.u32 $0x7FFFFFFF, v9;
	[tilespmem:v22+s25+$0x0] =	vst.idx.add.f32.msk $0xffff, v13  }
0x2f8: {  	[tilespmem:v10+s25+$0x0] =	vst.idx.add.f32.msk $0xffff, v7;
	v7 =	vand.u32 $0x7FFFFFFF, v12  }
0x2f9: {  	v5 =	vand.u32 $0x7FFFFFFF, v5;
	[tilespmem:v6+s25+$0x0] =	vst.idx.add.f32.msk $0xffff, v7  }
0x2fa: {  	[tilespmem:v11+s25+$0x0] =	vst.idx.add.f32.msk $0xffff, v5  }
0x2fb: {  	v13 =	vld [tilespmem:s18+$0xFFFFFC00]  }
0x2fc: {  	v22 =	vld [tilespmem:s18+$0x60]  }
0x2fd: {  	v19 =	vld [tilespmem:s18+$0x70]  }
0x2fe: {  	v20 =	vld [tilespmem:s18+$0x50]  }
0x2ff: {  	v24 =	vld [tilespmem:s18+$0x40]  }
0x300: {  	v21 =	vld [tilespmem:s18+$0x20]  }
0x301: {  	v23 =	vld [tilespmem:s18+$0x10]  }
0x302: {  	v25 =	vld [tilespmem:s18+$0x0]  }
0x303: {  	v27 =	vld [tilespmem:s18+$0xFFFFFC70]  }
0x304: {  	v12 =	vld [tilespmem:s18+$0xFFFFFC60]  }
0x305: {  	v32 =	vld [tilespmem:s18+$0xFFFFFC10];
	v5 =	vmul.f32 v13, v4  }
0x306: {  	v30 =	vld [tilespmem:s18+$0xFFFFFC20];
	v6 =	vmul.f32 v22, v4;
	v7 =	vmul.f32 v19, v4  }
0x307: {  	v10 =	vld [tilespmem:s18+$0xFFFFFC40];
	v8 =	vmul.f32 v20, v4;
	v9 =	vmul.f32 v24, v4  }
0x308: {  	v14 =	vmul.f32 v21, v4;
	v15 =	vmul.f32 v23, v4  }
0x309: {  	v26 =	vmul.f32 v25, v4;
	v29 =	vmul.f32 v27, v4  }
0x30a: {  	v59 =	vmul.f32 v32, v4;
	v60 =	vmul.f32 v12, v4  }
0x30b: {  	v62 =	vmul.f32 v30, v4;
	v5 =	vadd.f32 v5, v3;
	v6 =	vadd.f32 v6, v3  }
0x30c: {  	v17 =	vld [tilespmem:s18+$0x30];
	v52 =	vmul.f32 v10, v4;
	v7 =	vadd.f32 v7, v3;
	v8 =	vadd.f32 v8, v3  }
0x30d: {  	v9 =	vadd.f32 v9, v3;
	v15 =	vadd.f32 v15, v3;
	v5 =	vtrunc.f32 v5  }
0x30e: {  	v61 =	vadd.f32 v59, v3;
	v6 =	vtrunc.f32 v6;
	v16 =	vtrunc.f32 v7  }
0x30f: {  	v11 =	vld [tilespmem:s18+$0xFFFFFC50];
	v8 =	vtrunc.f32 v8;
	v9 =	vtrunc.f32 v9  }
0x310: {  	v36 =	vadd.f32 v62, v3;
	v62 =	vld [tilespmem:s3+$0x20];
	v57 =	vtrunc.f32 v15;
	v34 =	vtrunc.f32 v61  }
0x311: {  	v14 =	vadd.f32 v14, v3;
	v7 =	vld [tilespmem:s18+$0xFFFFFC30];
	v18 =	vcvt.f32.s32 v5;
	v5 =	vmul.f32 v17, v4  }
0x312: {  	v61 =	vld [tilespmem:s3+$0x0];
	v28 =	vcvt.f32.s32 v16;
	v42 =	vcvt.f32.s32 v6  }
0x313: {  	v6 =	vld [tilespmem:s3+$0xFFFFFC40];
	v16 =	vadd.f32 v5, v3;
	v5 =	vtrunc.f32 v14;
	v14 =	vadd.f32 v26, v3  }
0x314: {  	v15 =	vcvt.f32.s32 v8;
	v33 =	vcvt.f32.s32 v57;
	v8 =	vld [tilespmem:s3+$0x40]  }
0x315: {  	v31 =	vcvt.f32.s32 v5;
	v5 =	vld [tilespmem:s3+$0xFFFFFC30];
	v14 =	vtrunc.f32 v14  }
0x316: {  	v37 =	vadd.f32 v60, v3;
	v58 =	vtrunc.f32 v16;
	v16 =	vcvt.f32.s32 v9;
	v9 =	vld [tilespmem:s3+$0x50]  }
0x317: {  	v43 =	vmul.f32 v11, v4;
	v38 =	vcvt.f32.s32 v14;
	v26 =	vld.idx.msk [tilespmem:v18+s16+$0x0], $0xffff  }
0x318: {  	v29 =	vadd.f32 v29, v3;
	v37 =	vtrunc.f32 v37;
	v36 =	vtrunc.f32 v36;
	v35 =	vld.idx.msk [tilespmem:v28+s16+$0x0], $0xffff  }
0x319: {  	v43 =	vadd.f32 v43, v3;
	v39 =	vcvt.f32.s32 v36;
	v14 =	vcvt.f32.s32 v58;
	v58 =	vld [tilespmem:s3+$0xFFFFFC00]  }
0x31a: {  	v40 =	vadd.f32 v52, v3;
	v29 =	vtrunc.f32 v29;
	v34 =	vcvt.f32.s32 v34;
	v45 =	vld.idx.msk [tilespmem:v33+s16+$0x0], $0xffff  }
0x31b: {  	v48 =	vcvt.f32.s32 v29;
	v29 =	vtrunc.f32 v43;
	v63 =	vld.idx.msk [tilespmem:v31+s16+$0x0], $0xffff  }
0x31c: {  	v54 =	vtrunc.f32 v40;
	v29 =	vcvt.f32.s32 v29;
	v53 =	vld.idx.msk [tilespmem:v15+s16+$0x0], $0xffff  }
0x31d: {  	vm0 =	vlt.f32 v26, v13;
	v26 =	vmul.f32 v7, v4;
	v47 =	vld.idx.msk [tilespmem:v38+s16+$0x0], $0xffff;
	vm1 =	vlt.f32 v35, v19  }
0x31e: {  	v41 =	vand.u32 $0x7FFFFFFF, v61;
	v55 =	vld.idx.msk [tilespmem:v42+s16+$0x0], $0xffff;
	v44 =	vsel vm0, $0x1, v1;
	v50 =	vsel vm1, $0x1, v1  }
0x31f: {  	v60 =	vld.idx.msk [tilespmem:v39+s16+$0x0], $0xffff;
	vm1 =	vlt.f32 v45, v23;
	v26 =	vadd.f32 v26, v3;
	v44 =	vadd.s32 v18, v44  }
0x320: {  	v46 =	vld.idx.msk [tilespmem:v16+s16+$0x0], $0xffff;
	v40 =	vadd.s32 v28, v50;
	vm0 =	vlt.f32 v63, v21;
	v21 =	vcvt.f32.s32 v37  }
0x321: {  	v56 =	vld.idx.msk [tilespmem:v34+s16+$0x0], $0xffff;
	v19 =	vsel vm0, $0x1, v1;
	v57 =	vtrunc.f32 v26;
	vm0 =	vlt.f32 v53, v20  }
0x322: {  	v59 =	vld.idx.msk [tilespmem:v48+s16+$0x0], $0xffff;
	v20 =	vshll.u32 v44, $0x7;
	v19 =	vadd.s32 v31, v19;
	vm2 =	vlt.f32 v47, v25  }
0x323: {  	v13 =	vld [tilespmem:s3+$0x30];
	v44 =	vor.u32 v2, v20;
	v19 =	vshll.u32 v19, $0x7;
	v20 =	vsel vm2, $0x1, v1  }
0x324: {  	v49 =	vld.idx.msk [tilespmem:v14+s16+$0x0], $0xffff;
	vm2 =	vlt.f32 v60, v30;
	v23 =	vor.u32 v2, v19;
	v19 =	vsel vm1, $0x1, v1  }
0x325: {  	v25 =	vld [tilespmem:s3+$0x70];
	v20 =	vadd.s32 v38, v20;
	vm1 =	vlt.f32 v46, v24;
	v19 =	vadd.s32 v33, v19  }
0x326: {  	v35 =	vld [tilespmem:s3+$0x10];
	v24 =	vshll.u32 v20, $0x7;
	v31 =	vsel vm1, $0x1, v1;
	vm1 =	vlt.f32 v56, v32  }
0x327: {  	v18 =	vld [tilespmem:s3+$0xFFFFFC20];
	v32 =	vsel vm0, $0x1, v1;
	vm0 =	vlt.f32 v55, v22;
	v19 =	vshll.u32 v19, $0x7  }
0x328: {  	v30 =	vld.idx.msk [tilespmem:v29+s16+$0x0], $0xffff;
	v33 =	vor.u32 v2, v24;
	v22 =	vsel vm1, $0x1, v1;
	v24 =	vcvt.f32.s32 v54  }
0x329: {  	v38 =	vld [tilespmem:s3+$0xFFFFFC50];
	v51 =	vsel vm0, $0x1, v1;
	vm1 =	vlt.f32 v59, v27;
	vm0 =	vlt.f32 v49, v17  }
0x32a: {  	v36 =	vld.idx.msk [tilespmem:v21+s16+$0x0], $0xffff;
	v27 =	vsel vm2, $0x1, v1;
	v20 =	vor.u32 v2, v19;
	v26 =	vand.u32 $0x7FFFFFFF, v25  }
0x32b: {  	v19 =	vld [tilespmem:s3+$0xFFFFFC60];
	v25 =	vand.u32 $0x7FFFFFFF, v58;
	v22 =	vadd.s32 v34, v22;
	v17 =	vsel vm1, $0x1, v1  }
0x32c: {  	v34 =	vld [tilespmem:s3+$0xFFFFFC10];
	v22 =	vshll.u32 v22, $0x7;
	v63 =	vadd.s32 v48, v17;
	v17 =	vadd.s32 v39, v27  }
0x32d: {  	s19 =	simm.s32 $0x0;
	[tilespmem:v44+s25+$0x0] =	vst.idx.add.f32.msk $0xffff, v25;
	v25 =	vor.u32 v2, v22;
	v22 =	vcvt.f32.s32 v57;
	v27 =	vshll.u32 v63, $0x7  }
0x32e: {  	s0 =	simm.s32 $0x8700;
	s4 =	simm.s32 $0x700;
	s31 =	simm.s32 $0x8680;
	v39 =	vand.u32 $0x7FFFFFFF, v62;
	v28 =	vor.u32 v2, v27;
	v27 =	vadd.s32 v42, v51;
	v37 =	vld.idx.msk [tilespmem:v24+s16+$0x0], $0xffff  }
.LBB2_13:
0x32f: {  	s19 =	sadd.s32 $0x100, s19;
	v42 =	vshll.u32 v17, $0x7;
	[tilespmem:v33+s25+$0x0] =	vst.idx.add.f32.msk $0xffff, v41;
	v16 =	vadd.s32 v16, v31;
	v27 =	vshll.u32 v27, $0x7;
	s3 =	sadd.s32 $0x800, s3;
	s18 =	sadd.s32 $0x800, s18  }
0x330: {  	v31 =	vand.u32 $0x7FFFFFFF, v35;
	v15 =	vadd.s32 v15, v32;
	v32 =	vshll.u32 v40, $0x7;
	v17 =	vld [tilespmem:s18+$0x60];
	p0 =	slt.u32 s19, $0x700  }
0x331: {  	vm1 =	vlt.f32 v36, v12;
	v33 =	vor.u32 v2, v42;
	v32 =	vor.u32 v2, v32;
	v12 =	vld [tilespmem:s31+$0xFFFFFC70]  }
0x332: {  	v34 =	vand.u32 $0x7FFFFFFF, v34;
	vm2 =	vlt.f32 v30, v11;
	v11 =	vsel vm0, $0x1, v1;
	[tilespmem:v23+s25+$0x0] =	vst.idx.add.f32.msk $0xffff, v39  }
0x333: {  	v35 =	vand.u32 $0x7FFFFFFF, v38;
	v23 =	vsel vm2, $0x1, v1;
	v11 =	vadd.s32 v14, v11;
	v30 =	vld.idx.msk [tilespmem:v22+s16+$0x0], $0xffff  }
0x334: {  	v14 =	vsel vm1, $0x1, v1;
	vm0 =	vlt.f32 v37, v10;
	v10 =	vadd.s32 v29, v23;
	v29 =	vld [tilespmem:s31+$0x60];
	s31 =	smov.u32 s3  }
0x335: {  	v18 =	vand.u32 $0x7FFFFFFF, v18;
	v14 =	vadd.s32 v21, v14;
	v10 =	vshll.u32 v10, $0x7;
	v23 =	vld [tilespmem:s18+$0xFFFFFC00]  }
0x336: {  	v11 =	vshll.u32 v11, $0x7;
	v14 =	vshll.u32 v14, $0x7;
	v10 =	vor.u32 v2, v10;
	[tilespmem:v32+s25+$0x0] =	vst.idx.add.f32.msk $0xffff, v26  }
0x337: {  	v15 =	vshll.u32 v15, $0x7;
	v21 =	vsel vm0, $0x1, v1;
	v11 =	vor.u32 v2, v11;
	[tilespmem:v25+s25+$0x0] =	vst.idx.add.f32.msk $0xffff, v34  }
0x338: {  	v16 =	vshll.u32 v16, $0x7;
	v21 =	vadd.s32 v24, v21;
	v12 =	vand.u32 $0x7FFFFFFF, v12;
	[tilespmem:v20+s25+$0x0] =	vst.idx.add.f32.msk $0xffff, v31  }
0x339: {  	vm0 =	vlt.f32 v30, v7;
	v7 =	vshll.u32 v21, $0x7;
	[tilespmem:v28+s25+$0x0] =	vst.idx.add.f32.msk $0xffff, v12;
	v12 =	vor.u32 v2, v27  }
0x33a: {  	v15 =	vor.u32 v2, v15;
	v14 =	vor.u32 v2, v14;
	[tilespmem:v33+s25+$0x0] =	vst.idx.add.f32.msk $0xffff, v18;
	v18 =	vsel vm0, $0x1, v1  }
0x33b: {  	v18 =	vadd.s32 v22, v18;
	[tilespmem:v10+s25+$0x0] =	vst.idx.add.f32.msk $0xffff, v35;
	v10 =	vor.u32 v2, v16;
	v16 =	vand.u32 $0x7FFFFFFF, v29  }
0x33c: {  	v13 =	vand.u32 $0x7FFFFFFF, v13;
	v7 =	vor.u32 v2, v7;
	v20 =	vld [tilespmem:s18+$0x70];
	v18 =	vshll.u32 v18, $0x7  }
0x33d: {  	v19 =	vand.u32 $0x7FFFFFFF, v19;
	v18 =	vor.u32 v2, v18;
	[tilespmem:v11+s25+$0x0] =	vst.idx.add.f32.msk $0xffff, v13  }
0x33e: {  	v9 =	vand.u32 $0x7FFFFFFF, v9;
	[tilespmem:v12+s25+$0x0] =	vst.idx.add.f32.msk $0xffff, v16  }
0x33f: {  	[tilespmem:v14+s25+$0x0] =	vst.idx.add.f32.msk $0xffff, v19  }
0x340: {  	v8 =	vand.u32 $0x7FFFFFFF, v8;
	[tilespmem:v15+s25+$0x0] =	vst.idx.add.f32.msk $0xffff, v9  }
0x341: {  	v5 =	vand.u32 $0x7FFFFFFF, v5;
	v6 =	vand.u32 $0x7FFFFFFF, v6;
	[tilespmem:v10+s25+$0x0] =	vst.idx.add.f32.msk $0xffff, v8  }
0x342: {  	[tilespmem:v7+s25+$0x0] =	vst.idx.add.f32.msk $0xffff, v6  }
0x343: {  	[tilespmem:v18+s25+$0x0] =	vst.idx.add.f32.msk $0xffff, v5  }
0x344: {  	v21 =	vld [tilespmem:s18+$0x50]  }
0x345: {  	v19 =	vld [tilespmem:s18+$0x40]  }
0x346: {  	v5 =	vmul.f32 v23, v4;
	v22 =	vld [tilespmem:s18+$0x30]  }
0x347: {  	v6 =	vmul.f32 v20, v4;
	v24 =	vld [tilespmem:s18+$0x20]  }
0x348: {  	v7 =	vmul.f32 v17, v4;
	v5 =	vadd.f32 v5, v3;
	v26 =	vld [tilespmem:s18+$0x10]  }
0x349: {  	v6 =	vadd.f32 v6, v3;
	v29 =	vld [tilespmem:s18+$0x0];
	v8 =	vmul.f32 v21, v4  }
0x34a: {  	v7 =	vadd.f32 v7, v3;
	v5 =	vtrunc.f32 v5;
	v25 =	vld [tilespmem:s18+$0xFFFFFC70];
	v9 =	vmul.f32 v19, v4  }
0x34b: {  	v18 =	vcvt.f32.s32 v5;
	v12 =	vld [tilespmem:s18+$0xFFFFFC60];
	v5 =	vmul.f32 v22, v4;
	v8 =	vadd.f32 v8, v3  }
0x34c: {  	v14 =	vtrunc.f32 v7;
	v11 =	vld [tilespmem:s18+$0xFFFFFC50];
	v13 =	vmul.f32 v24, v4;
	v9 =	vadd.f32 v9, v3  }
0x34d: {  	v10 =	vld [tilespmem:s18+$0xFFFFFC40];
	v15 =	vmul.f32 v26, v4;
	v16 =	vadd.f32 v5, v3;
	v5 =	vtrunc.f32 v6  }
0x34e: {  	v7 =	vld [tilespmem:s18+$0xFFFFFC30];
	v6 =	vmul.f32 v29, v4;
	v13 =	vadd.f32 v13, v3;
	v28 =	vcvt.f32.s32 v5  }
0x34f: {  	v8 =	vtrunc.f32 v8;
	v30 =	vld [tilespmem:s18+$0xFFFFFC20];
	v5 =	vmul.f32 v25, v4;
	v15 =	vadd.f32 v15, v3  }
0x350: {  	v27 =	vcvt.f32.s32 v14;
	v32 =	vld [tilespmem:s18+$0xFFFFFC10];
	v31 =	vadd.f32 v6, v3;
	v6 =	vtrunc.f32 v13  }
0x351: {  	v9 =	vtrunc.f32 v9;
	v13 =	vld.idx.msk [tilespmem:v18+s16+$0x0], $0xffff;
	v33 =	vadd.f32 v5, v3;
	v34 =	vcvt.f32.s32 v6  }
0x352: {  	v14 =	vtrunc.f32 v15;
	v15 =	vcvt.f32.s32 v8;
	v5 =	vld [tilespmem:s3+$0xFFFFFC30]  }
0x353: {  	v35 =	vtrunc.f32 v16;
	v31 =	vtrunc.f32 v31;
	v6 =	vld [tilespmem:s3+$0xFFFFFC40]  }
0x354: {  	v16 =	vcvt.f32.s32 v9;
	v36 =	vcvt.f32.s32 v14;
	v37 =	vld.idx.msk [tilespmem:v28+s16+$0x0], $0xffff  }
0x355: {  	v39 =	vmul.f32 v12, v4;
	v38 =	vmul.f32 v32, v4;
	v8 =	vld [tilespmem:s3+$0x40]  }
0x356: {  	v14 =	vcvt.f32.s32 v35;
	v31 =	vcvt.f32.s32 v31;
	v9 =	vld [tilespmem:s3+$0x50]  }
0x357: {  	v39 =	vadd.f32 v39, v3;
	v35 =	vadd.f32 v38, v3;
	v38 =	vmul.f32 v30, v4;
	v40 =	vld.idx.msk [tilespmem:v34+s16+$0x0], $0xffff  }
0x358: {  	v41 =	vmul.f32 v10, v4;
	vm0 =	vlt.f32 v13, v23;
	v23 =	vmul.f32 v7, v4;
	v42 =	vld.idx.msk [tilespmem:v15+s16+$0x0], $0xffff  }
0x359: {  	v43 =	vmul.f32 v11, v4;
	v35 =	vtrunc.f32 v35;
	v38 =	vadd.f32 v38, v3;
	v13 =	vld [tilespmem:s3+$0x30]  }
0x35a: {  	v44 =	vsel vm0, $0x1, v1;
	v45 =	vcvt.f32.s32 v35;
	v35 =	vtrunc.f32 v39;
	v39 =	vld.idx.msk [tilespmem:v36+s16+$0x0], $0xffff  }
0x35b: {  	v41 =	vadd.f32 v41, v3;
	v23 =	vadd.f32 v23, v3;
	v38 =	vtrunc.f32 v38;
	v46 =	vld.idx.msk [tilespmem:v16+s16+$0x0], $0xffff  }
0x35c: {  	v43 =	vadd.f32 v43, v3;
	v33 =	vtrunc.f32 v33;
	v44 =	vadd.s32 v18, v44;
	v47 =	vld.idx.msk [tilespmem:v31+s16+$0x0], $0xffff  }
0x35d: {  	v48 =	vcvt.f32.s32 v33;
	vm1 =	vlt.f32 v37, v20;
	vm0 =	vlt.f32 v40, v24;
	v18 =	vld [tilespmem:s3+$0xFFFFFC20]  }
0x35e: {  	v37 =	vcvt.f32.s32 v38;
	v40 =	vsel vm1, $0x1, v1;
	v20 =	vsel vm0, $0x1, v1;
	v38 =	vld.idx.msk [tilespmem:v14+s16+$0x0], $0xffff  }
0x35f: {  	v33 =	vtrunc.f32 v43;
	v24 =	vtrunc.f32 v41;
	v20 =	vadd.s32 v34, v20;
	v34 =	vld.idx.msk [tilespmem:v27+s16+$0x0], $0xffff  }
0x360: {  	v43 =	vtrunc.f32 v23;
	vm0 =	vlt.f32 v42, v21;
	v20 =	vshll.u32 v20, $0x7;
	v41 =	vld.idx.msk [tilespmem:v45+s16+$0x0], $0xffff  }
0x361: {  	v21 =	vshll.u32 v44, $0x7;
	vm1 =	vlt.f32 v39, v26;
	v23 =	vor.u32 v2, v20;
	v42 =	vld [tilespmem:s3+$0xFFFFFC00]  }
0x362: {  	v39 =	vor.u32 v2, v21;
	v20 =	vsel vm1, $0x1, v1;
	vm2 =	vlt.f32 v47, v29;
	v26 =	vld [tilespmem:s3+$0x70]  }
0x363: {  	v21 =	vcvt.f32.s32 v35;
	v20 =	vadd.s32 v36, v20;
	v29 =	vsel vm2, $0x1, v1;
	v44 =	vld.idx.msk [tilespmem:v48+s16+$0x0], $0xffff  }
0x364: {  	vm1 =	vlt.f32 v46, v19;
	v20 =	vshll.u32 v20, $0x7;
	v29 =	vadd.s32 v31, v29;
	v47 =	vld.idx.msk [tilespmem:v37+s16+$0x0], $0xffff  }
0x365: {  	v20 =	vor.u32 v2, v20;
	v31 =	vsel vm1, $0x1, v1;
	v19 =	vshll.u32 v29, $0x7;
	v46 =	vld [tilespmem:s3+$0x0]  }
0x366: {  	v29 =	vcvt.f32.s32 v33;
	vm1 =	vlt.f32 v41, v32;
	v33 =	vor.u32 v2, v19;
	v41 =	vld [tilespmem:s3+$0x20]  }
0x367: {  	v32 =	vsel vm0, $0x1, v1;
	vm0 =	vlt.f32 v34, v17;
	v19 =	vld [tilespmem:s3+$0xFFFFFC60];
	v26 =	vand.u32 $0x7FFFFFFF, v26  }
0x368: {  	v24 =	vcvt.f32.s32 v24;
	v17 =	vsel vm1, $0x1, v1;
	v49 =	vsel vm0, $0x1, v1;
	v35 =	vld [tilespmem:s3+$0x10]  }
0x369: {  	v42 =	vand.u32 $0x7FFFFFFF, v42;
	v17 =	vadd.s32 v45, v17;
	vm1 =	vlt.f32 v44, v25;
	v36 =	vld.idx.msk [tilespmem:v21+s16+$0x0], $0xffff  }
.Ltmp7:
0x36a: {  	vm0 =	vlt.f32 v38, v22;
	v17 =	vshll.u32 v17, $0x7;
	vm2 =	vlt.f32 v47, v30;
	v34 =	vld [tilespmem:s3+$0xFFFFFC10];
	(pc) =	sbr.rel @p0 .LBB2_13-.Ltmp7, $4  }
0x36b: {  	v22 =	vcvt.f32.s32 v43;
	v25 =	vor.u32 v2, v17;
	v17 =	vsel vm1, $0x1, v1;
	[tilespmem:v39+s25+$0x0] =	vst.idx.add.f32.msk $0xffff, v42  }
0x36c: {  	v40 =	vadd.s32 v28, v40;
	v38 =	vsel vm2, $0x1, v1;
	v39 =	vadd.s32 v48, v17;
	v30 =	vld.idx.msk [tilespmem:v29+s16+$0x0], $0xffff  }
0x36d: {  	v17 =	vadd.s32 v37, v38;
	v28 =	vshll.u32 v39, $0x7;
	v39 =	vand.u32 $0x7FFFFFFF, v41;
	v38 =	vld [tilespmem:s3+$0xFFFFFC50]  }
0x36e: {  	v27 =	vadd.s32 v27, v49;
	v41 =	vand.u32 $0x7FFFFFFF, v46;
	v28 =	vor.u32 v2, v28;
	v37 =	vld.idx.msk [tilespmem:v24+s16+$0x0], $0xffff  }
0x36f: {  	_ =	sdelay $0x2  }
0x370: {  	v17 =	vshll.u32 v17, $0x7;
	v16 =	vadd.s32 v16, v31;
	v27 =	vshll.u32 v27, $0x7  }
0x371: {  	[tilespmem:v33+s25+$0x0] =	vst.idx.add.f32.msk $0xffff, v41;
	v31 =	vand.u32 $0x7FFFFFFF, v35;
	v15 =	vadd.s32 v15, v32;
	v53 =	vshll.u32 v40, $0x7  }
0x372: {  	vm1 =	vlt.f32 v36, v12;
	v54 =	vld [tilespmem:s31+$0xFFFFFC70];
	v55 =	vand.u32 $0x7FFFFFFF, v34;
	v18 =	vand.u32 $0x7FFFFFFF, v18  }
0x373: {  	[tilespmem:v23+s25+$0x0] =	vst.idx.add.f32.msk $0xffff, v39;
	v9 =	vand.u32 $0x7FFFFFFF, v9;
	v17 =	vor.u32 v2, v17;
	v12 =	vor.u32 v2, v53  }
0x374: {  	v15 =	vshll.u32 v15, $0x7;
	[tilespmem:v20+s25+$0x0] =	vst.idx.add.f32.msk $0xffff, v31;
	vm2 =	vlt.f32 v30, v11;
	v11 =	vsel vm0, $0x1, v1  }
0x375: {  	v20 =	vor.u32 v2, v27;
	v30 =	vsel vm2, $0x1, v1;
	v11 =	vadd.s32 v14, v11;
	v14 =	vld.idx.msk [tilespmem:v22+s16+$0x0], $0xffff  }
0x376: {  	v15 =	vor.u32 v2, v15;
	vm0 =	vlt.f32 v37, v10;
	v10 =	vadd.s32 v29, v30  }
0x377: {  	[tilespmem:v25+s25+$0x0] =	vst.idx.add.f32.msk $0xffff, v55;
	v16 =	vshll.u32 v16, $0x7;
	v29 =	vsel vm1, $0x1, v1;
	v10 =	vshll.u32 v10, $0x7  }
0x378: {  	v30 =	vld [tilespmem:s31+$0x60];
	v11 =	vshll.u32 v11, $0x7;
	v21 =	vadd.s32 v21, v29;
	v10 =	vor.u32 v2, v10  }
0x379: {  	v11 =	vor.u32 v2, v11;
	v21 =	vshll.u32 v21, $0x7;
	[tilespmem:v12+s25+$0x0] =	vst.idx.add.f32.msk $0xffff, v26;
	v12 =	vsel vm0, $0x1, v1  }
0x37a: {  	[tilespmem:v17+s25+$0x0] =	vst.idx.add.f32.msk $0xffff, v18;
	v12 =	vadd.s32 v24, v12;
	v24 =	vand.u32 $0x7FFFFFFF, v54;
	vm0 =	vlt.f32 v14, v7  }
0x37b: {  	[tilespmem:v15+s25+$0x0] =	vst.idx.add.f32.msk $0xffff, v9;
	v7 =	vor.u32 v2, v21;
	v12 =	vshll.u32 v12, $0x7;
	v14 =	vsel vm0, $0x1, v1  }
0x37c: {  	v23 =	vand.u32 $0x7FFFFFFF, v38;
	[tilespmem:v28+s25+$0x0] =	vst.idx.add.f32.msk $0xffff, v24;
	v12 =	vor.u32 v2, v12;
	v14 =	vadd.s32 v22, v14  }
0x37d: {  	v13 =	vand.u32 $0x7FFFFFFF, v13;
	[tilespmem:v10+s25+$0x0] =	vst.idx.add.f32.msk $0xffff, v23;
	v10 =	vor.u32 v2, v16;
	v14 =	vshll.u32 v14, $0x7  }
0x37e: {  	[tilespmem:v11+s25+$0x0] =	vst.idx.add.f32.msk $0xffff, v13;
	v16 =	vand.u32 $0x7FFFFFFF, v30;
	v11 =	vor.u32 v2, v14  }
0x37f: {  	v13 =	vand.u32 $0x7FFFFFFF, v19;
	[tilespmem:v20+s25+$0x0] =	vst.idx.add.f32.msk $0xffff, v16  }
0x380: {  	v6 =	vand.u32 $0x7FFFFFFF, v6;
	[tilespmem:v7+s25+$0x0] =	vst.idx.add.f32.msk $0xffff, v13  }
0x381: {  	v7 =	vand.u32 $0x7FFFFFFF, v8;
	[tilespmem:v12+s25+$0x0] =	vst.idx.add.f32.msk $0xffff, v6  }
0x382: {  	v5 =	vand.u32 $0x7FFFFFFF, v5;
	[tilespmem:v10+s25+$0x0] =	vst.idx.add.f32.msk $0xffff, v7  }
0x383: {  	[tilespmem:v11+s25+$0x0] =	vst.idx.add.f32.msk $0xffff, v5  }
0x384: {  	v12 =	vld [tilespmem:s4+$0xFFFFFC00]  }
0x385: {  	v15 =	vld [tilespmem:s4+$0x70]  }
0x386: {  	v16 =	vld [tilespmem:s4+$0x60]  }
0x387: {  	v17 =	vld [tilespmem:s4+$0x50]  }
0x388: {  	v18 =	vld [tilespmem:s4+$0x40]  }
0x389: {  	v21 =	vld [tilespmem:s4+$0x30]  }
0x38a: {  	v24 =	vld [tilespmem:s4+$0x10]  }
0x38b: {  	v11 =	vld [tilespmem:s4+$0xFFFFFC70]  }
0x38c: {  	v10 =	vld [tilespmem:s4+$0xFFFFFC60]  }
0x38d: {  	v31 =	vld [tilespmem:s4+$0xFFFFFC50]  }
0x38e: {  	v33 =	vld [tilespmem:s4+$0xFFFFFC30];
	v5 =	vmul.f32 v12, v4  }
0x38f: {  	v35 =	vld [tilespmem:s4+$0xFFFFFC20];
	v6 =	vmul.f32 v15, v4;
	v7 =	vmul.f32 v16, v4  }
0x390: {  	v8 =	vmul.f32 v17, v4;
	v9 =	vmul.f32 v18, v4  }
0x391: {  	v13 =	vmul.f32 v21, v4;
	v20 =	vmul.f32 v24, v4  }
0x392: {  	v27 =	vmul.f32 v11, v4;
	v30 =	vmul.f32 v10, v4  }
0x393: {  	v56 =	vmul.f32 v31, v4;
	v59 =	vmul.f32 v33, v4;
	v5 =	vadd.f32 v5, v3  }
0x394: {  	v42 =	vmul.f32 v35, v4;
	v6 =	vadd.f32 v6, v3;
	v8 =	vadd.f32 v8, v3  }
0x395: {  	v7 =	vadd.f32 v7, v3;
	v9 =	vadd.f32 v9, v3;
	v5 =	vtrunc.f32 v5  }
0x396: {  	v22 =	vld [tilespmem:s4+$0x20];
	v26 =	vadd.f32 v13, v3;
	v14 =	vtrunc.f32 v6;
	v8 =	vtrunc.f32 v8  }
0x397: {  	v25 =	vld [tilespmem:s4+$0x0];
	v32 =	vadd.f32 v56, v3;
	v7 =	vtrunc.f32 v7;
	v9 =	vtrunc.f32 v9  }
0x398: {  	v29 =	vld [tilespmem:s4+$0xFFFFFC10];
	v20 =	vadd.f32 v20, v3;
	v26 =	vtrunc.f32 v26;
	v19 =	vcvt.f32.s32 v5  }
0x399: {  	v48 =	vld [tilespmem:s0+$0x10];
	v32 =	vtrunc.f32 v32;
	v23 =	vcvt.f32.s32 v14  }
0x39a: {  	v55 =	vld [tilespmem:s0+$0xFFFFFC00];
	v20 =	vtrunc.f32 v20;
	v58 =	vcvt.f32.s32 v8  }
0x39b: {  	v37 =	vld [tilespmem:s0+$0xFFFFFC20];
	v5 =	vmul.f32 v22, v4;
	v60 =	vcvt.f32.s32 v9  }
0x39c: {  	v27 =	vadd.f32 v27, v3;
	v6 =	vld [tilespmem:s4+$0xFFFFFC40];
	v14 =	vmul.f32 v25, v4;
	v13 =	vcvt.f32.s32 v7  }
0x39d: {  	v7 =	vld [tilespmem:s0+$0xFFFFFC60];
	v9 =	vmul.f32 v29, v4;
	v40 =	vcvt.f32.s32 v26;
	v26 =	vadd.f32 v59, v3  }
0x39e: {  	v27 =	vtrunc.f32 v27;
	v28 =	vadd.f32 v5, v3;
	v14 =	vadd.f32 v14, v3;
	v57 =	vld.idx.msk [tilespmem:v19+s16+$0x0], $0xffff  }
0x39f: {  	v63 =	vcvt.f32.s32 v20;
	v62 =	vadd.f32 v9, v3;
	v26 =	vtrunc.f32 v26;
	v39 =	vld.idx.msk [tilespmem:v23+s16+$0x0], $0xffff  }
0x3a0: {  	v28 =	vtrunc.f32 v28;
	v14 =	vtrunc.f32 v14;
	v43 =	vld.idx.msk [tilespmem:v58+s16+$0x0], $0xffff  }
0x3a1: {  	v50 =	vadd.f32 v42, v3;
	v20 =	vtrunc.f32 v62;
	v28 =	vcvt.f32.s32 v28;
	v45 =	vld.idx.msk [tilespmem:v60+s16+$0x0], $0xffff  }
0x3a2: {  	v52 =	vmul.f32 v6, v4;
	v44 =	vcvt.f32.s32 v20;
	v61 =	vld.idx.msk [tilespmem:v13+s16+$0x0], $0xffff  }
0x3a3: {  	v30 =	vadd.f32 v30, v3;
	v14 =	vcvt.f32.s32 v14;
	v20 =	vtrunc.f32 v50;
	v46 =	vld.idx.msk [tilespmem:v40+s16+$0x0], $0xffff  }
0x3a4: {  	v8 =	vld [tilespmem:s0+$0x0];
	v47 =	vcvt.f32.s32 v20;
	v20 =	vcvt.f32.s32 v26;
	v26 =	vadd.f32 v52, v3  }
0x3a5: {  	v5 =	vld [tilespmem:s0+$0xFFFFFC40];
	vm0 =	vlt.f32 v57, v12;
	vm1 =	vlt.f32 v43, v17;
	v17 =	vcvt.f32.s32 v27  }
0x3a6: {  	v9 =	vld [tilespmem:s0+$0x30];
	vm2 =	vlt.f32 v45, v18;
	v51 =	vsel vm0, $0x1, v1;
	vm0 =	vlt.f32 v39, v15  }
0x3a7: {  	v15 =	vadd.s32 v19, v51;
	v19 =	vtrunc.f32 v30;
	v30 =	vld.idx.msk [tilespmem:v28+s16+$0x0], $0xffff;
	v39 =	vsel vm0, $0x1, v1  }
0x3a8: {  	v27 =	vld [tilespmem:s0+$0x50];
	vm0 =	vlt.f32 v61, v16;
	v16 =	vsel vm1, $0x1, v1;
	vm1 =	vlt.f32 v46, v21  }
0x3a9: {  	v53 =	vld.idx.msk [tilespmem:v63+s16+$0x0], $0xffff;
	v21 =	vsel vm2, $0x1, v1;
	v42 =	vshll.u32 v15, $0x7;
	v15 =	vcvt.f32.s32 v19  }
0x3aa: {  	v54 =	vld.idx.msk [tilespmem:v44+s16+$0x0], $0xffff;
	v19 =	vcvt.f32.s32 v32;
	v18 =	vadd.s32 v58, v16;
	v39 =	vadd.s32 v23, v39  }
0x3ab: {  	v12 =	vld [tilespmem:s0+$0x60];
	v16 =	vand.u32 $0x7FFFFFFF, v48;
	v21 =	vadd.s32 v60, v21;
	v23 =	vor.u32 v2, v42  }
0x3ac: {  	v56 =	vld.idx.msk [tilespmem:v14+s16+$0x0], $0xffff;
	v58 =	vshll.u32 v39, $0x7;
	v60 =	vshll.u32 v21, $0x7;
	vm2 =	vlt.f32 v30, v22  }
0x3ad: {  	v62 =	vld.idx.msk [tilespmem:v20+s16+$0x0], $0xffff;
	v21 =	vshll.u32 v18, $0x7;
	v61 =	vand.u32 $0x7FFFFFFF, v27;
	v57 =	vsel vm2, $0x1, v1  }
0x3ae: {  	v22 =	vld.idx.msk [tilespmem:v47+s16+$0x0], $0xffff;
	v30 =	vtrunc.f32 v26;
	vm2 =	vlt.f32 v53, v24;
	v24 =	vadd.s32 v28, v57  }
0x3af: {  	v32 =	vld [tilespmem:s0+$0xFFFFFC10];
	v28 =	vsel vm2, $0x1, v1;
	vm2 =	vlt.f32 v54, v29;
	v29 =	vand.u32 $0x7FFFFFFF, v55  }
0x3b0: {  	v59 =	vld.idx.msk [tilespmem:v19+s16+$0x0], $0xffff;
	v63 =	vadd.s32 v63, v28;
	v28 =	vsel vm2, $0x1, v1;
	v27 =	vshll.u32 v24, $0x7  }
0x3b1: {  	v18 =	vld [tilespmem:s0+$0xFFFFFC30];
	v24 =	vor.u32 v2, v21;
	vm2 =	vlt.f32 v56, v25;
	v21 =	vadd.s32 v44, v28  }
0x3b2: {  	v34 =	vld.idx.msk [tilespmem:v17+s16+$0x0], $0xffff;
	v28 =	vsel vm2, $0x1, v1;
	v25 =	vshll.u32 v21, $0x7;
	v21 =	vcvt.f32.s32 v30  }
0x3b3: {  	v26 =	vld.idx.msk [tilespmem:v15+s16+$0x0], $0xffff;
	v39 =	vshll.u32 v63, $0x7;
	vm2 =	vlt.f32 v22, v35;
	v22 =	vsel vm1, $0x1, v1  }
0x3b4: {  	v30 =	vor.u32 v2, v25;
	v25 =	vld [tilespmem:s0+$0x70];
	v35 =	vsel vm2, $0x1, v1;
	v36 =	vadd.s32 v40, v22  }
0x3b5: {  	v22 =	vor.u32 v2, v58;
	vm1 =	vlt.f32 v59, v31;
	v31 =	vld [tilespmem:s0+$0x40];
	v35 =	vadd.s32 v47, v35  }
0x3b6: {  	s18 =	simm.s32 $0x0;
	v40 =	vsel vm0, $0x1, v1;
	v38 =	vsel vm1, $0x1, v1;
	[tilespmem:v24+s25+$0x0] =	vst.idx.add.f32.msk $0xffff, v61;
	v24 =	vshll.u32 v35, $0x7  }
0x3b7: {  	s3 =	simm.s32 $0x780;
	s19 =	simm.s32 $0x8700;
	s31 =	simm.s32 $0x8780;
	vm1 =	vlt.f32 v62, v33;
	v33 =	vor.u32 v2, v60;
	v35 =	vor.u32 v2, v24;
	v24 =	vld [tilespmem:s0+$0xFFFFFC50]  }
.LBB2_15:
0x3b8: {  	s18 =	sadd.s32 $0x100, s18;
	v41 =	vsel vm1, $0x1, v1;
	v42 =	vld.idx.msk [tilespmem:v21+s16+$0x0], $0xffff;
	vm0 =	vlt.f32 v34, v11;
	v11 =	vadd.s32 v13, v40;
	s0 =	sadd.s32 $0x800, s0;
	s4 =	sadd.s32 $0x800, s4  }
0x3b9: {  	vm1 =	vlt.f32 v26, v10;
	p0 =	slt.u32 s18, $0x700;
	v13 =	vadd.s32 v20, v41;
	v10 =	vld [tilespmem:s19+$0x20];
	v20 =	vshll.u32 v36, $0x7  }
0x3ba: {  	v26 =	vand.u32 $0x7FFFFFFF, v32;
	v19 =	vadd.s32 v19, v38;
	v34 =	vsel vm0, $0x1, v1;
	v32 =	vld [tilespmem:s19+$0xFFFFFC70];
	s19 =	smov.u32 s0  }
0x3bb: {  	v36 =	vor.u32 v2, v39;
	[tilespmem:v23+s25+$0x0] =	vst.idx.add.f32.msk $0xffff, v29;
	v23 =	vand.u32 $0x7FFFFFFF, v37;
	v29 =	vsel vm1, $0x1, v1  }
0x3bc: {  	v19 =	vshll.u32 v19, $0x7;
	v17 =	vadd.s32 v17, v34;
	[tilespmem:v35+s25+$0x0] =	vst.idx.add.f32.msk $0xffff, v23;
	v23 =	vor.u32 v2, v27  }
0x3bd: {  	v13 =	vshll.u32 v13, $0x7;
	v17 =	vshll.u32 v17, $0x7;
	[tilespmem:v30+s25+$0x0] =	vst.idx.add.f32.msk $0xffff, v26;
	v26 =	vadd.s32 v14, v28  }
0x3be: {  	v15 =	vadd.s32 v15, v29;
	v17 =	vor.u32 v2, v17;
	v27 =	vand.u32 $0x7FFFFFFF, v31;
	v14 =	vld [tilespmem:s4+$0xFFFFFC00]  }
0x3bf: {  	v19 =	vor.u32 v2, v19;
	v28 =	vshll.u32 v15, $0x7;
	v29 =	vand.u32 $0x7FFFFFFF, v32;
	[tilespmem:v33+s25+$0x0] =	vst.idx.add.f32.msk $0xffff, v27  }
0x3c0: {  	v25 =	vand.u32 $0x7FFFFFFF, v25;
	v13 =	vor.u32 v2, v13;
	v27 =	vor.u32 v2, v28;
	v15 =	vld [tilespmem:s4+$0x70]  }
0x3c1: {  	v11 =	vshll.u32 v11, $0x7;
	v26 =	vshll.u32 v26, $0x7;
	v10 =	vand.u32 $0x7FFFFFFF, v10;
	[tilespmem:v36+s25+$0x0] =	vst.idx.add.f32.msk $0xffff, v16  }
0x3c2: {  	vm0 =	vlt.f32 v42, v6;
	v6 =	vand.u32 $0x7FFFFFFF, v24;
	v16 =	vor.u32 v2, v26;
	[tilespmem:v23+s25+$0x0] =	vst.idx.add.f32.msk $0xffff, v10  }
0x3c3: {  	v11 =	vor.u32 v2, v11;
	v10 =	vsel vm0, $0x1, v1;
	[tilespmem:v17+s25+$0x0] =	vst.idx.add.f32.msk $0xffff, v29;
	v17 =	vor.u32 v2, v20  }
0x3c4: {  	v18 =	vand.u32 $0x7FFFFFFF, v18;
	v10 =	vadd.s32 v21, v10;
	[tilespmem:v19+s25+$0x0] =	vst.idx.add.f32.msk $0xffff, v6  }
0x3c5: {  	v7 =	vand.u32 $0x7FFFFFFF, v7;
	v6 =	vshll.u32 v10, $0x7;
	[tilespmem:v13+s25+$0x0] =	vst.idx.add.f32.msk $0xffff, v18  }
0x3c6: {  	v6 =	vor.u32 v2, v6;
	[tilespmem:v27+s25+$0x0] =	vst.idx.add.f32.msk $0xffff, v7;
	v7 =	vand.u32 $0x7FFFFFFF, v12  }
0x3c7: {  	v9 =	vand.u32 $0x7FFFFFFF, v9;
	[tilespmem:v22+s25+$0x0] =	vst.idx.add.f32.msk $0xffff, v25  }
0x3c8: {  	v8 =	vand.u32 $0x7FFFFFFF, v8;
	[tilespmem:v17+s25+$0x0] =	vst.idx.add.f32.msk $0xffff, v9  }
0x3c9: {  	v5 =	vand.u32 $0x7FFFFFFF, v5;
	[tilespmem:v16+s25+$0x0] =	vst.idx.add.f32.msk $0xffff, v8  }
0x3ca: {  	[tilespmem:v11+s25+$0x0] =	vst.idx.add.f32.msk $0xffff, v7  }
0x3cb: {  	[tilespmem:v6+s25+$0x0] =	vst.idx.add.f32.msk $0xffff, v5  }
0x3cc: {  	v16 =	vld [tilespmem:s4+$0x60]  }
0x3cd: {  	v17 =	vld [tilespmem:s4+$0x50]  }
0x3ce: {  	v23 =	vld [tilespmem:s4+$0x40]  }
0x3cf: {  	v5 =	vmul.f32 v14, v4;
	v27 =	vld [tilespmem:s4+$0x30]  }
0x3d0: {  	v6 =	vmul.f32 v15, v4;
	v26 =	vld [tilespmem:s4+$0x20]  }
0x3d1: {  	v5 =	vadd.f32 v5, v3;
	v18 =	vld [tilespmem:s4+$0x10];
	v7 =	vmul.f32 v16, v4  }
0x3d2: {  	v6 =	vadd.f32 v6, v3;
	v21 =	vld [tilespmem:s4+$0x0];
	v8 =	vmul.f32 v17, v4  }
0x3d3: {  	v5 =	vtrunc.f32 v5;
	v11 =	vld [tilespmem:s4+$0xFFFFFC70];
	v9 =	vmul.f32 v23, v4;
	v7 =	vadd.f32 v7, v3  }
0x3d4: {  	v13 =	vtrunc.f32 v6;
	v10 =	vld [tilespmem:s4+$0xFFFFFC60];
	v12 =	vmul.f32 v27, v4;
	v8 =	vadd.f32 v8, v3  }
0x3d5: {  	v19 =	vcvt.f32.s32 v5;
	v22 =	vld [tilespmem:s4+$0xFFFFFC50];
	v5 =	vmul.f32 v26, v4;
	v9 =	vadd.f32 v9, v3  }
0x3d6: {  	v28 =	vcvt.f32.s32 v13;
	v6 =	vld [tilespmem:s4+$0xFFFFFC40];
	v20 =	vmul.f32 v18, v4;
	v12 =	vadd.f32 v12, v3  }
0x3d7: {  	v8 =	vtrunc.f32 v8;
	v24 =	vld [tilespmem:s4+$0xFFFFFC30];
	v13 =	vmul.f32 v21, v4;
	v29 =	vadd.f32 v5, v3  }
0x3d8: {  	v5 =	vtrunc.f32 v7;
	v25 =	vld [tilespmem:s4+$0xFFFFFC20];
	v30 =	vmul.f32 v11, v4;
	v20 =	vadd.f32 v20, v3  }
0x3d9: {  	v31 =	vld [tilespmem:s4+$0xFFFFFC10];
	v7 =	vmul.f32 v10, v4;
	v32 =	vadd.f32 v13, v3;
	v13 =	vcvt.f32.s32 v5  }
0x3da: {  	v9 =	vtrunc.f32 v9;
	v5 =	vld [tilespmem:s0+$0xFFFFFC40];
	v33 =	vmul.f32 v22, v4;
	v30 =	vadd.f32 v30, v3  }
0x3db: {  	v36 =	vcvt.f32.s32 v8;
	v29 =	vtrunc.f32 v29;
	v34 =	vld.idx.msk [tilespmem:v19+s16+$0x0], $0xffff;
	v35 =	vadd.f32 v7, v3  }
0x3dc: {  	v12 =	vtrunc.f32 v12;
	v32 =	vtrunc.f32 v32;
	v33 =	vadd.f32 v33, v3;
	v7 =	vld [tilespmem:s0+$0xFFFFFC60]  }
0x3dd: {  	v38 =	vcvt.f32.s32 v9;
	v37 =	vmul.f32 v24, v4;
	v39 =	vld.idx.msk [tilespmem:v28+s16+$0x0], $0xffff  }
0x3de: {  	v40 =	vcvt.f32.s32 v12;
	v9 =	vmul.f32 v31, v4;
	v8 =	vld [tilespmem:s0+$0x0]  }
0x3df: {  	v29 =	vcvt.f32.s32 v29;
	v12 =	vadd.f32 v37, v3;
	v33 =	vtrunc.f32 v33;
	v37 =	vld.idx.msk [tilespmem:v13+s16+$0x0], $0xffff  }
0x3e0: {  	v20 =	vtrunc.f32 v20;
	v42 =	vmul.f32 v25, v4;
	v41 =	vadd.f32 v9, v3;
	v9 =	vld [tilespmem:s0+$0x30]  }
0x3e1: {  	v43 =	vcvt.f32.s32 v20;
	vm0 =	vlt.f32 v34, v14;
	v34 =	vtrunc.f32 v12;
	v44 =	vld.idx.msk [tilespmem:v36+s16+$0x0], $0xffff  }
0x3e2: {  	v30 =	vtrunc.f32 v30;
	v20 =	vadd.f32 v42, v3;
	v14 =	vtrunc.f32 v41;
	v12 =	vld [tilespmem:s0+$0x60]  }
0x3e3: {  	v41 =	vsel vm0, $0x1, v1;
	v42 =	vcvt.f32.s32 v14;
	v14 =	vcvt.f32.s32 v32;
	v32 =	vld.idx.msk [tilespmem:v38+s16+$0x0], $0xffff  }
0x3e4: {  	v45 =	vmul.f32 v6, v4;
	v20 =	vtrunc.f32 v20;
	vm0 =	vlt.f32 v39, v15;
	v46 =	vld.idx.msk [tilespmem:v40+s16+$0x0], $0xffff  }
0x3e5: {  	v15 =	vadd.s32 v19, v41;
	v19 =	vtrunc.f32 v35;
	v39 =	vsel vm0, $0x1, v1;
	v35 =	vld.idx.msk [tilespmem:v29+s16+$0x0], $0xffff  }
0x3e6: {  	v47 =	vcvt.f32.s32 v20;
	v41 =	vshll.u32 v15, $0x7;
	vm0 =	vlt.f32 v37, v16;
	v48 =	vld [tilespmem:s0+$0x10]  }
0x3e7: {  	v20 =	vcvt.f32.s32 v34;
	v15 =	vcvt.f32.s32 v19;
	vm1 =	vlt.f32 v44, v17;
	v34 =	vld.idx.msk [tilespmem:v43+s16+$0x0], $0xffff  }
0x3e8: {  	v19 =	vcvt.f32.s32 v33;
	v17 =	vcvt.f32.s32 v30;
	v16 =	vsel vm1, $0x1, v1;
	v30 =	vld [tilespmem:s0+$0x50]  }
0x3e9: {  	v37 =	vadd.f32 v45, v3;
	vm2 =	vlt.f32 v32, v23;
	v32 =	vadd.s32 v36, v16;
	v33 =	vld.idx.msk [tilespmem:v42+s16+$0x0], $0xffff  }
0x3ea: {  	v28 =	vadd.s32 v28, v39;
	vm1 =	vlt.f32 v46, v27;
	v27 =	vsel vm2, $0x1, v1;
	v36 =	vld [tilespmem:s0+$0xFFFFFC00]  }
0x3eb: {  	v23 =	vor.u32 v2, v41;
	vm2 =	vlt.f32 v35, v26;
	v39 =	vld.idx.msk [tilespmem:v14+s16+$0x0], $0xffff;
	v16 =	vand.u32 $0x7FFFFFFF, v48  }
0x3ec: {  	v37 =	vtrunc.f32 v37;
	v27 =	vadd.s32 v38, v27;
	v41 =	vsel vm2, $0x1, v1;
	v35 =	vld.idx.msk [tilespmem:v47+s16+$0x0], $0xffff  }
0x3ed: {  	vm2 =	vlt.f32 v34, v18;
	v29 =	vadd.s32 v29, v41;
	v41 =	vshll.u32 v28, $0x7;
	v26 =	vld.idx.msk [tilespmem:v15+s16+$0x0], $0xffff  }
0x3ee: {  	v44 =	vshll.u32 v27, $0x7;
	v18 =	vsel vm2, $0x1, v1;
	v45 =	vand.u32 $0x7FFFFFFF, v30;
	v38 =	vld.idx.msk [tilespmem:v19+s16+$0x0], $0xffff  }
0x3ef: {  	v28 =	vshll.u32 v32, $0x7;
	vm2 =	vlt.f32 v33, v31;
	v43 =	vadd.s32 v43, v18;
	v33 =	vld.idx.msk [tilespmem:v20+s16+$0x0], $0xffff  }
0x3f0: {  	v27 =	vshll.u32 v29, $0x7;
	v46 =	vor.u32 v2, v28;
	v30 =	vsel vm2, $0x1, v1;
	v18 =	vld [tilespmem:s0+$0xFFFFFC30]  }
0x3f1: {  	v29 =	vand.u32 $0x7FFFFFFF, v36;
	v28 =	vadd.s32 v42, v30;
	vm2 =	vlt.f32 v39, v21;
	v32 =	vld [tilespmem:s0+$0xFFFFFC10]  }
0x3f2: {  	v21 =	vcvt.f32.s32 v37;
	v30 =	vshll.u32 v28, $0x7;
	v28 =	vsel vm2, $0x1, v1;
	v34 =	vld.idx.msk [tilespmem:v17+s16+$0x0], $0xffff  }
.Ltmp8:
0x3f3: {  	v31 =	vsel vm1, $0x1, v1;
	vm2 =	vlt.f32 v35, v25;
	v30 =	vor.u32 v2, v30;
	v25 =	vld [tilespmem:s0+$0x70];
	(pc) =	sbr.rel @p0 .LBB2_15-.Ltmp8, $4  }
0x3f4: {  	v36 =	vadd.s32 v40, v31;
	v35 =	vsel vm2, $0x1, v1;
	vm1 =	vlt.f32 v38, v22;
	v31 =	vld [tilespmem:s0+$0x40]  }
0x3f5: {  	v35 =	vadd.s32 v47, v35;
	v22 =	vor.u32 v2, v41;
	v38 =	vsel vm1, $0x1, v1;
	[tilespmem:v46+s25+$0x0] =	vst.idx.add.f32.msk $0xffff, v45  }
0x3f6: {  	v40 =	vsel vm0, $0x1, v1;
	v35 =	vshll.u32 v35, $0x7;
	vm1 =	vlt.f32 v33, v24;
	v37 =	vld [tilespmem:s0+$0xFFFFFC20]  }
0x3f7: {  	v39 =	vshll.u32 v43, $0x7;
	v33 =	vor.u32 v2, v44;
	v35 =	vor.u32 v2, v35;
	v24 =	vld [tilespmem:s0+$0xFFFFFC50]  }
0x3f8: {  	_ =	sdelay $0x2  }
0x3f9: {  	v41 =	vsel vm1, $0x1, v1;
	vm0 =	vlt.f32 v34, v11;
	v11 =	vadd.s32 v13, v40  }
0x3fa: {  	v13 =	vld.idx.msk [tilespmem:v21+s16+$0x0], $0xffff;
	vm1 =	vlt.f32 v26, v10;
	v32 =	vand.u32 $0x7FFFFFFF, v32;
	v19 =	vadd.s32 v19, v38  }
0x3fb: {  	v26 =	vld [tilespmem:s19+$0x20];
	v53 =	vor.u32 v2, v39;
	v27 =	vor.u32 v2, v27;
	v14 =	vadd.s32 v14, v28  }
0x3fc: {  	[tilespmem:v23+s25+$0x0] =	vst.idx.add.f32.msk $0xffff, v29;
	v20 =	vadd.s32 v20, v41;
	v34 =	vsel vm0, $0x1, v1;
	v23 =	vsel vm1, $0x1, v1  }
0x3fd: {  	v52 =	vld [tilespmem:s19+$0xFFFFFC70];
	v19 =	vshll.u32 v19, $0x7;
	v14 =	vshll.u32 v14, $0x7;
	v17 =	vadd.s32 v17, v34  }
0x3fe: {  	[tilespmem:v30+s25+$0x0] =	vst.idx.add.f32.msk $0xffff, v32;
	v15 =	vadd.s32 v15, v23;
	v23 =	vand.u32 $0x7FFFFFFF, v31;
	v19 =	vor.u32 v2, v19  }
0x3ff: {  	v20 =	vshll.u32 v20, $0x7;
	v14 =	vor.u32 v2, v14;
	v37 =	vand.u32 $0x7FFFFFFF, v37;
	[tilespmem:v33+s25+$0x0] =	vst.idx.add.f32.msk $0xffff, v23  }
0x400: {  	v10 =	vshll.u32 v36, $0x7;
	v17 =	vshll.u32 v17, $0x7;
	v20 =	vor.u32 v2, v20;
	[tilespmem:v35+s25+$0x0] =	vst.idx.add.f32.msk $0xffff, v37  }
0x401: {  	v15 =	vshll.u32 v15, $0x7;
	v17 =	vor.u32 v2, v17;
	[tilespmem:v53+s25+$0x0] =	vst.idx.add.f32.msk $0xffff, v16;
	v16 =	vand.u32 $0x7FFFFFFF, v26  }
0x402: {  	v15 =	vor.u32 v2, v15;
	vm0 =	vlt.f32 v13, v6;
	v6 =	vand.u32 $0x7FFFFFFF, v24;
	[tilespmem:v27+s25+$0x0] =	vst.idx.add.f32.msk $0xffff, v16  }
0x403: {  	v8 =	vand.u32 $0x7FFFFFFF, v8;
	v11 =	vshll.u32 v11, $0x7;
	v13 =	vsel vm0, $0x1, v1;
	[tilespmem:v19+s25+$0x0] =	vst.idx.add.f32.msk $0xffff, v6  }
0x404: {  	v10 =	vor.u32 v2, v10;
	v16 =	vand.u32 $0x7FFFFFFF, v18;
	v13 =	vadd.s32 v21, v13;
	[tilespmem:v14+s25+$0x0] =	vst.idx.add.f32.msk $0xffff, v8  }
0x405: {  	v23 =	vand.u32 $0x7FFFFFFF, v52;
	v6 =	vor.u32 v2, v11;
	[tilespmem:v20+s25+$0x0] =	vst.idx.add.f32.msk $0xffff, v16;
	v11 =	vshll.u32 v13, $0x7  }
0x406: {  	v7 =	vand.u32 $0x7FFFFFFF, v7;
	[tilespmem:v17+s25+$0x0] =	vst.idx.add.f32.msk $0xffff, v23;
	v11 =	vor.u32 v2, v11  }
0x407: {  	v13 =	vand.u32 $0x7FFFFFFF, v25;
	[tilespmem:v15+s25+$0x0] =	vst.idx.add.f32.msk $0xffff, v7  }
0x408: {  	v7 =	vand.u32 $0x7FFFFFFF, v9;
	[tilespmem:v22+s25+$0x0] =	vst.idx.add.f32.msk $0xffff, v13  }
0x409: {  	[tilespmem:v10+s25+$0x0] =	vst.idx.add.f32.msk $0xffff, v7;
	v7 =	vand.u32 $0x7FFFFFFF, v12  }
0x40a: {  	v5 =	vand.u32 $0x7FFFFFFF, v5;
	[tilespmem:v6+s25+$0x0] =	vst.idx.add.f32.msk $0xffff, v7  }
0x40b: {  	[tilespmem:v11+s25+$0x0] =	vst.idx.add.f32.msk $0xffff, v5  }
0x40c: {  	v18 =	vld [tilespmem:s3+$0xFFFFFC00]  }
0x40d: {  	v16 =	vld [tilespmem:s3+$0x70]  }
0x40e: {  	v20 =	vld [tilespmem:s3+$0x60]  }
0x40f: {  	v24 =	vld [tilespmem:s3+$0x50]  }
0x410: {  	v19 =	vld [tilespmem:s3+$0x40]  }
0x411: {  	v25 =	vld [tilespmem:s3+$0x30]  }
0x412: {  	v21 =	vld [tilespmem:s3+$0x20]  }
0x413: {  	v26 =	vld [tilespmem:s3+$0xFFFFFC70]  }
0x414: {  	v13 =	vld [tilespmem:s3+$0xFFFFFC60]  }
0x415: {  	v30 =	vld [tilespmem:s3+$0xFFFFFC10]  }
0x416: {  	v10 =	vld [tilespmem:s3+$0xFFFFFC40];
	v5 =	vmul.f32 v18, v4  }
0x417: {  	v34 =	vld [tilespmem:s3+$0xFFFFFC20];
	v6 =	vmul.f32 v16, v4;
	v7 =	vmul.f32 v20, v4  }
0x418: {  	v8 =	vmul.f32 v24, v4;
	v9 =	vmul.f32 v19, v4  }
0x419: {  	v14 =	vmul.f32 v25, v4;
	v17 =	vmul.f32 v21, v4  }
0x41a: {  	v28 =	vmul.f32 v26, v4;
	v55 =	vmul.f32 v30, v4  }
0x41b: {  	v22 =	vld [tilespmem:s3+$0x10];
	v56 =	vmul.f32 v13, v4;
	v5 =	vadd.f32 v5, v3;
	v6 =	vadd.f32 v6, v3  }
0x41c: {  	v58 =	vmul.f32 v34, v4;
	v43 =	vmul.f32 v10, v4;
	v17 =	vadd.f32 v17, v3  }
0x41d: {  	v11 =	vld [tilespmem:s3+$0x0];
	v12 =	vadd.f32 v7, v3;
	v5 =	vtrunc.f32 v5;
	v6 =	vtrunc.f32 v6  }
0x41e: {  	v63 =	vld [tilespmem:s31+$0x70];
	v15 =	vadd.f32 v8, v3;
	v17 =	vtrunc.f32 v17;
	v23 =	vcvt.f32.s32 v6  }
0x41f: {  	v52 =	vld [tilespmem:s31+$0x20];
	v14 =	vadd.f32 v14, v3;
	v12 =	vtrunc.f32 v12;
	v54 =	vcvt.f32.s32 v17  }
0x420: {  	v32 =	vld [tilespmem:s31+$0xFFFFFC70];
	v28 =	vadd.f32 v28, v3;
	v27 =	vcvt.f32.s32 v5;
	v5 =	vmul.f32 v22, v4  }
0x421: {  	v7 =	vld [tilespmem:s3+$0xFFFFFC50];
	v61 =	vadd.f32 v43, v3;
	v15 =	vtrunc.f32 v15;
	v31 =	vcvt.f32.s32 v12  }
0x422: {  	v8 =	vld [tilespmem:s3+$0xFFFFFC30];
	v14 =	vtrunc.f32 v14;
	v28 =	vtrunc.f32 v28;
	v29 =	vadd.f32 v5, v3  }
0x423: {  	v37 =	vadd.f32 v56, v3;
	v41 =	vtrunc.f32 v61;
	v61 =	vld [tilespmem:s31+$0xFFFFFC00];
	v6 =	vmul.f32 v11, v4  }
0x424: {  	v35 =	vcvt.f32.s32 v15;
	v15 =	vtrunc.f32 v29;
	v17 =	vld.idx.msk [tilespmem:v23+s16+$0x0], $0xffff  }
0x425: {  	v9 =	vadd.f32 v9, v3;
	v37 =	vtrunc.f32 v37;
	v33 =	vcvt.f32.s32 v15;
	v59 =	vld.idx.msk [tilespmem:v54+s16+$0x0], $0xffff  }
0x426: {  	v38 =	vcvt.f32.s32 v14;
	v14 =	vld [tilespmem:s31+$0x0];
	v28 =	vcvt.f32.s32 v28;
	v12 =	vadd.f32 v6, v3  }
0x427: {  	v36 =	vadd.f32 v55, v3;
	v42 =	vmul.f32 v8, v4;
	v60 =	vmul.f32 v7, v4;
	v57 =	vld.idx.msk [tilespmem:v31+s16+$0x0], $0xffff  }
0x428: {  	v5 =	vld [tilespmem:s31+$0xFFFFFC30];
	v29 =	vtrunc.f32 v12;
	v12 =	vtrunc.f32 v9  }
0x429: {  	v6 =	vld [tilespmem:s31+$0xFFFFFC50];
	v15 =	vcvt.f32.s32 v12;
	vm0 =	vlt.f32 v17, v16;
	v16 =	vtrunc.f32 v36  }
0x42a: {  	v9 =	vld [tilespmem:s31+$0xFFFFFC40];
	v17 =	vadd.f32 v58, v3;
	v36 =	vadd.f32 v60, v3;
	vm1 =	vlt.f32 v59, v21  }
0x42b: {  	v62 =	vld.idx.msk [tilespmem:v33+s16+$0x0], $0xffff;
	v58 =	vand.u32 $0x7FFFFFFF, v63;
	v44 =	vcvt.f32.s32 v16;
	v16 =	vadd.f32 v42, v3  }
0x42c: {  	v12 =	vld [tilespmem:s31+$0xFFFFFC10];
	v46 =	vsel vm0, $0x1, v1;
	vm0 =	vlt.f32 v57, v20;
	v17 =	vtrunc.f32 v17  }
0x42d: {  	v45 =	vld.idx.msk [tilespmem:v27+s16+$0x0], $0xffff;
	v20 =	vadd.s32 v23, v46;
	v53 =	vsel vm0, $0x1, v1;
	v17 =	vcvt.f32.s32 v17  }
0x42e: {  	v47 =	vld.idx.msk [tilespmem:v38+s16+$0x0], $0xffff;
	v23 =	vtrunc.f32 v16;
	v16 =	vsel vm1, $0x1, v1;
	v20 =	vshll.u32 v20, $0x7  }
0x42f: {  	v40 =	vld.idx.msk [tilespmem:v35+s16+$0x0], $0xffff;
	v31 =	vadd.s32 v31, v53;
	v21 =	vadd.s32 v54, v16;
	v16 =	vcvt.f32.s32 v29  }
0x430: {  	v39 =	vld.idx.msk [tilespmem:v15+s16+$0x0], $0xffff;
	v60 =	vor.u32 v2, v20;
	vm0 =	vlt.f32 v62, v22;
	v22 =	vshll.u32 v21, $0x7  }
0x431: {  	v29 =	vld [tilespmem:s31+$0x10];
	v21 =	vcvt.f32.s32 v37;
	v62 =	vshll.u32 v31, $0x7;
	v54 =	vsel vm0, $0x1, v1  }
0x432: {  	v55 =	vor.u32 v2, v22;
	vm0 =	vlt.f32 v45, v18;
	v48 =	vld.idx.msk [tilespmem:v44+s16+$0x0], $0xffff;
	v18 =	vadd.s32 v33, v54  }
0x433: {  	v57 =	vld.idx.msk [tilespmem:v28+s16+$0x0], $0xffff;
	v22 =	vsel vm0, $0x1, v1;
	vm0 =	vlt.f32 v47, v25;
	v18 =	vshll.u32 v18, $0x7  }
0x434: {  	v20 =	vld [tilespmem:s31+$0x50];
	v27 =	vadd.s32 v27, v22;
	v25 =	vsel vm0, $0x1, v1;
	vm0 =	vlt.f32 v40, v24  }
0x435: {  	v22 =	vld [tilespmem:s31+$0x60];
	v24 =	vand.u32 $0x7FFFFFFF, v52;
	v59 =	vor.u32 v2, v18;
	v18 =	vshll.u32 v27, $0x7  }
0x436: {  	v56 =	vld.idx.msk [tilespmem:v17+s16+$0x0], $0xffff;
	v27 =	vtrunc.f32 v36;
	v38 =	vadd.s32 v38, v25;
	v25 =	vor.u32 v2, v62  }
0x437: {  	v29 =	vand.u32 $0x7FFFFFFF, v29;
	[tilespmem:v60+s25+$0x0] =	vst.idx.add.f32.msk $0xffff, v58;
	v36 =	vand.u32 $0x7FFFFFFF, v61;
	vm1 =	vlt.f32 v48, v30  }
0x438: {  	v63 =	vor.u32 v2, v18;
	v31 =	vld.idx.msk [tilespmem:v21+s16+$0x0], $0xffff;
	v18 =	vsel vm1, $0x1, v1;
	vm1 =	vlt.f32 v57, v26  }
0x439: {  	[tilespmem:v55+s25+$0x0] =	vst.idx.add.f32.msk $0xffff, v24;
	v26 =	vcvt.f32.s32 v41;
	v18 =	vadd.s32 v44, v18;
	v24 =	vsel vm1, $0x1, v1  }
0x43a: {  	[tilespmem:v59+s25+$0x0] =	vst.idx.add.f32.msk $0xffff, v29;
	v29 =	vshll.u32 v38, $0x7;
	vm1 =	vlt.f32 v39, v19;
	v19 =	vcvt.f32.s32 v27  }
0x43b: {  	v30 =	vld.idx.msk [tilespmem:v16+s16+$0x0], $0xffff;
	v27 =	vsel vm0, $0x1, v1;
	vm0 =	vlt.f32 v56, v34;
	v18 =	vshll.u32 v18, $0x7  }
0x43c: {  	v24 =	vadd.s32 v28, v24;
	v29 =	vor.u32 v2, v29;
	v28 =	vld [tilespmem:s31+$0x40];
	v33 =	vsel vm1, $0x1, v1  }
0x43d: {  	s0 =	simm.s32 $0x0;
	s4 =	simm.s32 $0x8780;
	[tilespmem:v63+s25+$0x0] =	vst.idx.add.f32.msk $0xffff, v36;
	v18 =	vor.u32 v2, v18;
	v34 =	vshll.u32 v24, $0x7;
	v24 =	vadd.s32 v35, v27  }
.LBB2_17:
0x43e: {  	s0 =	sadd.s32 $0x100, s0;
	v27 =	vsel vm0, $0x1, v1;
	v23 =	vcvt.f32.s32 v23;
	v34 =	vor.u32 v2, v34;
	v35 =	vld [tilespmem:s31+$0x30];
	s4 =	sadd.s32 $0x800, s4;
	s3 =	sadd.s32 $0x800, s3  }
0x43f: {  	v15 =	vadd.s32 v15, v33;
	v24 =	vshll.u32 v24, $0x7;
	p0 =	slt.u32 s0, $0x700;
	v36 =	vld [tilespmem:s31+$0xFFFFFC20];
	v17 =	vadd.s32 v17, v27  }
0x440: {  	vm0 =	vlt.f32 v31, v13;
	vm1 =	vlt.f32 v30, v11;
	v17 =	vshll.u32 v17, $0x7;
	v27 =	vld.idx.msk [tilespmem:v26+s16+$0x0], $0xffff  }
0x441: {  	v24 =	vor.u32 v2, v24;
	v11 =	vor.u32 v2, v17;
	v13 =	vld [tilespmem:s31+$0xFFFFFC60];
	v17 =	vsel vm0, $0x1, v1;
	s31 =	smov.u32 s4  }
0x442: {  	v15 =	vshll.u32 v15, $0x7;
	v30 =	vld.idx.msk [tilespmem:v19+s16+$0x0], $0xffff;
	v17 =	vadd.s32 v21, v17;
	v21 =	vand.u32 $0x7FFFFFFF, v32  }
0x443: {  	v15 =	vor.u32 v2, v15;
	v17 =	vshll.u32 v17, $0x7;
	[tilespmem:v34+s25+$0x0] =	vst.idx.add.f32.msk $0xffff, v21;
	v21 =	vsel vm1, $0x1, v1  }
0x444: {  	v31 =	vld.idx.msk [tilespmem:v23+s16+$0x0], $0xffff;
	v17 =	vor.u32 v2, v17;
	v16 =	vadd.s32 v16, v21;
	v21 =	vand.u32 $0x7FFFFFFF, v35  }
0x445: {  	v32 =	vand.u32 $0x7FFFFFFF, v36;
	v16 =	vshll.u32 v16, $0x7;
	[tilespmem:v29+s25+$0x0] =	vst.idx.add.f32.msk $0xffff, v21;
	v21 =	vand.u32 $0x7FFFFFFF, v22  }
0x446: {  	vm0 =	vlt.f32 v27, v10;
	[tilespmem:v11+s25+$0x0] =	vst.idx.add.f32.msk $0xffff, v32;
	v10 =	vor.u32 v2, v16;
	v11 =	vand.u32 $0x7FFFFFFF, v28  }
0x447: {  	v20 =	vand.u32 $0x7FFFFFFF, v20;
	v16 =	vsel vm0, $0x1, v1;
	[tilespmem:v25+s25+$0x0] =	vst.idx.add.f32.msk $0xffff, v21  }
0x448: {  	v16 =	vadd.s32 v26, v16;
	vm0 =	vlt.f32 v30, v7;
	[tilespmem:v24+s25+$0x0] =	vst.idx.add.f32.msk $0xffff, v20  }
0x449: {  	v13 =	vand.u32 $0x7FFFFFFF, v13;
	v7 =	vshll.u32 v16, $0x7;
	v16 =	vsel vm0, $0x1, v1;
	[tilespmem:v15+s25+$0x0] =	vst.idx.add.f32.msk $0xffff, v11  }
0x44a: {  	vm0 =	vlt.f32 v31, v8;
	v7 =	vor.u32 v2, v7;
	v8 =	vand.u32 $0x7FFFFFFF, v14;
	[tilespmem:v17+s25+$0x0] =	vst.idx.add.f32.msk $0xffff, v13  }
0x44b: {  	v11 =	vand.u32 $0x7FFFFFFF, v12;
	v12 =	vsel vm0, $0x1, v1;
	v13 =	vadd.s32 v19, v16;
	[tilespmem:v10+s25+$0x0] =	vst.idx.add.f32.msk $0xffff, v8  }
0x44c: {  	v8 =	vadd.s32 v23, v12;
	v10 =	vshll.u32 v13, $0x7;
	[tilespmem:v18+s25+$0x0] =	vst.idx.add.f32.msk $0xffff, v11  }
0x44d: {  	v8 =	vshll.u32 v8, $0x7;
	v10 =	vor.u32 v2, v10;
	v16 =	vld [tilespmem:s3+$0x70]  }
0x44e: {  	v9 =	vand.u32 $0x7FFFFFFF, v9;
	v8 =	vor.u32 v2, v8;
	v20 =	vld [tilespmem:s3+$0xFFFFFC00]  }
0x44f: {  	[tilespmem:v7+s25+$0x0] =	vst.idx.add.f32.msk $0xffff, v9  }
0x450: {  	v21 =	vld [tilespmem:s3+$0x60]  }
0x451: {  	v6 =	vand.u32 $0x7FFFFFFF, v6;
	v18 =	vld [tilespmem:s3+$0x50]  }
0x452: {  	v5 =	vand.u32 $0x7FFFFFFF, v5;
	[tilespmem:v10+s25+$0x0] =	vst.idx.add.f32.msk $0xffff, v6  }
0x453: {  	[tilespmem:v8+s25+$0x0] =	vst.idx.add.f32.msk $0xffff, v5  }
0x454: {  	v19 =	vld [tilespmem:s3+$0x40]  }
0x455: {  	v5 =	vmul.f32 v20, v4;
	v26 =	vld [tilespmem:s3+$0x30]  }
0x456: {  	v6 =	vmul.f32 v16, v4;
	v22 =	vld [tilespmem:s3+$0x20]  }
0x457: {  	v5 =	vadd.f32 v5, v3;
	v7 =	vmul.f32 v21, v4;
	v28 =	vld [tilespmem:s3+$0x10]  }
0x458: {  	v6 =	vadd.f32 v6, v3;
	v8 =	vmul.f32 v18, v4;
	v11 =	vld [tilespmem:s3+$0x0]  }
0x459: {  	v5 =	vtrunc.f32 v5;
	v12 =	vadd.f32 v7, v3;
	v25 =	vld [tilespmem:s3+$0xFFFFFC70];
	v9 =	vmul.f32 v19, v4  }
0x45a: {  	v6 =	vtrunc.f32 v6;
	v15 =	vadd.f32 v8, v3;
	v13 =	vld [tilespmem:s3+$0xFFFFFC60];
	v14 =	vmul.f32 v26, v4  }
0x45b: {  	v23 =	vcvt.f32.s32 v6;
	v7 =	vld [tilespmem:s3+$0xFFFFFC50];
	v17 =	vmul.f32 v22, v4;
	v9 =	vadd.f32 v9, v3  }
0x45c: {  	v29 =	vcvt.f32.s32 v5;
	v10 =	vld [tilespmem:s3+$0xFFFFFC40];
	v5 =	vmul.f32 v28, v4;
	v6 =	vadd.f32 v14, v3  }
0x45d: {  	v15 =	vtrunc.f32 v15;
	v8 =	vld [tilespmem:s3+$0xFFFFFC30];
	v14 =	vmul.f32 v11, v4;
	v17 =	vadd.f32 v17, v3  }
0x45e: {  	v24 =	vld [tilespmem:s3+$0xFFFFFC20];
	v27 =	vmul.f32 v25, v4;
	v30 =	vadd.f32 v5, v3;
	v5 =	vtrunc.f32 v12  }
0x45f: {  	v31 =	vld [tilespmem:s3+$0xFFFFFC10];
	v12 =	vadd.f32 v14, v3;
	v14 =	vtrunc.f32 v17;
	v32 =	vcvt.f32.s32 v5  }
0x460: {  	v5 =	vld [tilespmem:s4+$0xFFFFFC30];
	v17 =	vadd.f32 v27, v3;
	v33 =	vcvt.f32.s32 v14;
	v27 =	vcvt.f32.s32 v15  }
0x461: {  	v14 =	vtrunc.f32 v30;
	v30 =	vtrunc.f32 v6;
	v34 =	vld.idx.msk [tilespmem:v23+s16+$0x0], $0xffff  }
0x462: {  	v35 =	vtrunc.f32 v12;
	v12 =	vtrunc.f32 v9;
	v6 =	vld [tilespmem:s4+$0xFFFFFC50]  }
0x463: {  	v36 =	vcvt.f32.s32 v14;
	v15 =	vcvt.f32.s32 v12;
	v9 =	vld [tilespmem:s4+$0xFFFFFC40]  }
0x464: {  	v37 =	vmul.f32 v13, v4;
	v12 =	vld [tilespmem:s4+$0xFFFFFC10];
	v14 =	vmul.f32 v31, v4  }
0x465: {  	v39 =	vcvt.f32.s32 v30;
	v38 =	vtrunc.f32 v17;
	v30 =	vld.idx.msk [tilespmem:v32+s16+$0x0], $0xffff  }
0x466: {  	v37 =	vadd.f32 v37, v3;
	v40 =	vmul.f32 v24, v4;
	v17 =	vadd.f32 v14, v3;
	v41 =	vld.idx.msk [tilespmem:v33+s16+$0x0], $0xffff  }
0x467: {  	v43 =	vmul.f32 v10, v4;
	v42 =	vmul.f32 v8, v4;
	vm0 =	vlt.f32 v34, v16;
	v14 =	vld [tilespmem:s4+$0x0]  }
0x468: {  	v34 =	vmul.f32 v7, v4;
	v16 =	vtrunc.f32 v17;
	v17 =	vadd.f32 v40, v3;
	v40 =	vld.idx.msk [tilespmem:v27+s16+$0x0], $0xffff  }
0x469: {  	v44 =	vcvt.f32.s32 v16;
	v16 =	vadd.f32 v42, v3;
	v42 =	vadd.f32 v43, v3;
	v43 =	vld.idx.msk [tilespmem:v36+s16+$0x0], $0xffff  }
0x46a: {  	v46 =	vsel vm0, $0x1, v1;
	v34 =	vadd.f32 v34, v3;
	v45 =	vld.idx.msk [tilespmem:v29+s16+$0x0], $0xffff;
	v17 =	vtrunc.f32 v17  }
0x46b: {  	vm0 =	vlt.f32 v30, v21;
	v21 =	vadd.s32 v23, v46;
	v17 =	vcvt.f32.s32 v17;
	v47 =	vld.idx.msk [tilespmem:v39+s16+$0x0], $0xffff  }
0x46c: {  	v30 =	vtrunc.f32 v37;
	v37 =	vcvt.f32.s32 v38;
	vm1 =	vlt.f32 v41, v22;
	v38 =	vld.idx.msk [tilespmem:v15+s16+$0x0], $0xffff  }
0x46d: {  	v23 =	vtrunc.f32 v16;
	v41 =	vtrunc.f32 v42;
	v16 =	vsel vm1, $0x1, v1;
	v22 =	vld [tilespmem:s4+$0x70]  }
0x46e: {  	v46 =	vsel vm0, $0x1, v1;
	v48 =	vshll.u32 v21, $0x7;
	v33 =	vadd.s32 v33, v16;
	v42 =	vld [tilespmem:s4+$0x20]  }
0x46f: {  	v16 =	vcvt.f32.s32 v35;
	vm0 =	vlt.f32 v43, v28;
	v28 =	vshll.u32 v33, $0x7;
	v49 =	vld.idx.msk [tilespmem:v44+s16+$0x0], $0xffff  }
0x470: {  	v21 =	vcvt.f32.s32 v30;
	v30 =	vsel vm0, $0x1, v1;
	v28 =	vor.u32 v2, v28;
	v33 =	vld [tilespmem:s4+$0x10]  }
0x471: {  	vm0 =	vlt.f32 v45, v20;
	v20 =	vadd.s32 v36, v30;
	v30 =	vadd.s32 v32, v46;
	v35 =	vld.idx.msk [tilespmem:v17+s16+$0x0], $0xffff  }
0x472: {  	v32 =	vsel vm0, $0x1, v1;
	v20 =	vshll.u32 v20, $0x7;
	v36 =	vld.idx.msk [tilespmem:v37+s16+$0x0], $0xffff;
	v43 =	vand.u32 $0x7FFFFFFF, v22  }
0x473: {  	v45 =	vor.u32 v2, v48;
	v29 =	vadd.s32 v29, v32;
	v32 =	vor.u32 v2, v20;
	v22 =	vld [tilespmem:s4+$0x60]  }
0x474: {  	v34 =	vtrunc.f32 v34;
	vm0 =	vlt.f32 v47, v26;
	v29 =	vshll.u32 v29, $0x7;
	v20 =	vld [tilespmem:s4+$0x50]  }
0x475: {  	v26 =	vsel vm0, $0x1, v1;
	v47 =	vshll.u32 v30, $0x7;
	vm1 =	vlt.f32 v49, v31;
	v46 =	vld [tilespmem:s4+$0xFFFFFC00]  }
0x476: {  	vm0 =	vlt.f32 v40, v18;
	v48 =	vor.u32 v2, v29;
	v29 =	vsel vm1, $0x1, v1;
	v30 =	vld.idx.msk [tilespmem:v16+s16+$0x0], $0xffff  }
0x477: {  	v39 =	vadd.s32 v39, v26;
	v18 =	vadd.s32 v44, v29;
	v29 =	vand.u32 $0x7FFFFFFF, v42;
	v31 =	vld.idx.msk [tilespmem:v21+s16+$0x0], $0xffff  }
0x478: {  	v18 =	vshll.u32 v18, $0x7;
	vm1 =	vlt.f32 v36, v25;
	v25 =	vor.u32 v2, v47;
	[tilespmem:v28+s25+$0x0] =	vst.idx.add.f32.msk $0xffff, v29  }
.Ltmp9:
0x479: {  	v18 =	vor.u32 v2, v18;
	v28 =	vsel vm1, $0x1, v1;
	v29 =	vand.u32 $0x7FFFFFFF, v33;
	[tilespmem:v45+s25+$0x0] =	vst.idx.add.f32.msk $0xffff, v43;
	(pc) =	sbr.rel @p0 .LBB2_17-.Ltmp9, $4  }
0x47a: {  	v26 =	vcvt.f32.s32 v41;
	vm1 =	vlt.f32 v38, v19;
	[tilespmem:v32+s25+$0x0] =	vst.idx.add.f32.msk $0xffff, v29;
	v29 =	vshll.u32 v39, $0x7  }
0x47b: {  	v37 =	vadd.s32 v37, v28;
	v36 =	vand.u32 $0x7FFFFFFF, v46;
	v29 =	vor.u32 v2, v29;
	v28 =	vld [tilespmem:s4+$0x40]  }
0x47c: {  	v19 =	vcvt.f32.s32 v34;
	v38 =	vsel vm0, $0x1, v1;
	v33 =	vsel vm1, $0x1, v1;
	v32 =	vld [tilespmem:s4+$0xFFFFFC70]  }
0x47d: {  	vm0 =	vlt.f32 v35, v24;
	v24 =	vadd.s32 v27, v38;
	v34 =	vshll.u32 v37, $0x7;
	[tilespmem:v48+s25+$0x0] =	vst.idx.add.f32.msk $0xffff, v36  }
0x47e: {  	_ = 	snop  }
0x47f: {  	v23 =	vcvt.f32.s32 v23  }
0x480: {  	v27 =	vsel vm0, $0x1, v1;
	v34 =	vor.u32 v2, v34  }
0x481: {  	v35 =	vld [tilespmem:s31+$0x30];
	v15 =	vadd.s32 v15, v33;
	v24 =	vshll.u32 v24, $0x7;
	vm0 =	vlt.f32 v31, v13  }
0x482: {  	vm1 =	vlt.f32 v30, v11;
	v11 =	vld.idx.msk [tilespmem:v26+s16+$0x0], $0xffff;
	v22 =	vand.u32 $0x7FFFFFFF, v22;
	v12 =	vand.u32 $0x7FFFFFFF, v12  }
0x483: {  	v30 =	vld.idx.msk [tilespmem:v19+s16+$0x0], $0xffff;
	v17 =	vadd.s32 v17, v27;
	v24 =	vor.u32 v2, v24;
	v15 =	vshll.u32 v15, $0x7  }
0x484: {  	v27 =	vld [tilespmem:s31+$0xFFFFFC20];
	v31 =	vsel vm1, $0x1, v1;
	v17 =	vshll.u32 v17, $0x7;
	v15 =	vor.u32 v2, v15  }
0x485: {  	v16 =	vadd.s32 v16, v31;
	v13 =	vor.u32 v2, v17;
	v17 =	vsel vm0, $0x1, v1;
	v58 =	vld.idx.msk [tilespmem:v23+s16+$0x0], $0xffff  }
0x486: {  	v16 =	vshll.u32 v16, $0x7;
	v17 =	vadd.s32 v21, v17;
	v21 =	vand.u32 $0x7FFFFFFF, v32  }
0x487: {  	v59 =	vld [tilespmem:s31+$0xFFFFFC60];
	v17 =	vshll.u32 v17, $0x7;
	v31 =	vand.u32 $0x7FFFFFFF, v35;
	vm0 =	vlt.f32 v11, v10  }
0x488: {  	[tilespmem:v25+s25+$0x0] =	vst.idx.add.f32.msk $0xffff, v22;
	v10 =	vor.u32 v2, v16;
	v11 =	vand.u32 $0x7FFFFFFF, v28;
	v17 =	vor.u32 v2, v17  }
0x489: {  	[tilespmem:v18+s25+$0x0] =	vst.idx.add.f32.msk $0xffff, v12;
	v27 =	vand.u32 $0x7FFFFFFF, v27;
	v16 =	vsel vm0, $0x1, v1;
	vm0 =	vlt.f32 v30, v7  }
0x48a: {  	v7 =	vadd.s32 v26, v16;
	[tilespmem:v13+s25+$0x0] =	vst.idx.add.f32.msk $0xffff, v27;
	v13 =	vsel vm0, $0x1, v1;
	vm0 =	vlt.f32 v58, v8  }
0x48b: {  	[tilespmem:v34+s25+$0x0] =	vst.idx.add.f32.msk $0xffff, v21;
	v7 =	vshll.u32 v7, $0x7;
	v13 =	vadd.s32 v19, v13;
	v8 =	vsel vm0, $0x1, v1  }
0x48c: {  	[tilespmem:v29+s25+$0x0] =	vst.idx.add.f32.msk $0xffff, v31;
	v7 =	vor.u32 v2, v7;
	v13 =	vshll.u32 v13, $0x7;
	v8 =	vadd.s32 v23, v8  }
0x48d: {  	v20 =	vand.u32 $0x7FFFFFFF, v20;
	[tilespmem:v15+s25+$0x0] =	vst.idx.add.f32.msk $0xffff, v11;
	v11 =	vor.u32 v2, v13;
	v8 =	vshll.u32 v8, $0x7  }
0x48e: {  	[tilespmem:v24+s25+$0x0] =	vst.idx.add.f32.msk $0xffff, v20;
	v16 =	vand.u32 $0x7FFFFFFF, v59;
	v8 =	vor.u32 v2, v8  }
0x48f: {  	[tilespmem:v17+s25+$0x0] =	vst.idx.add.f32.msk $0xffff, v16;
	v13 =	vand.u32 $0x7FFFFFFF, v14  }
0x490: {  	v9 =	vand.u32 $0x7FFFFFFF, v9;
	p0 =	seq.s32 s30, $0xF;
	[tilespmem:v10+s25+$0x0] =	vst.idx.add.f32.msk $0xffff, v13  }
0x491: {  	v6 =	vand.u32 $0x7FFFFFFF, v6;
	s0 =	sshll.u32 @!p0 s30, $0xC;
	[tilespmem:v7+s25+$0x0] =	vst.idx.add.f32.msk $0xffff, v9  }
0x492: {  	v5 =	vand.u32 $0x7FFFFFFF, v5;
	s0 =	sadd.s32 @!p0 s0, s12;
	[tilespmem:v11+s25+$0x0] =	vst.idx.add.f32.msk $0xffff, v6  }
0x493: {  	s4 =	simm.s32 @!p0 $0x0;
	s3 =	sadd.s32 @!p0 s2, s0;
	[tilespmem:v8+s25+$0x0] =	vst.idx.add.f32.msk $0xffff, v5  }
0x494: {  	[tilespmem:s4], [sflag:$0x1] =	stream.linear.gather @!p0 [hbm4b:s3+s4], $0x4000, $0x38;
	[tilespmem:$0x11180] =	vst v63  }
0x495: {  	s0 =	sadd.s32 @!p0 s1, s0;
	s3 =	simm.s32 @!p0 $0x8000  }
0x496: {  	[tilespmem:s3], [sflag:$0x3] =	stream.linear.gather @!p0 [hbm4b:s0+s4], $0x4000, $0x38;
	[tilespmem:$0x11180] =	vst v63  }
0x497: {  	_ =	swait.ge [sflag:s26], $0x4000  }
0x498: {  	[sflag:s26] =	ssyncset.done $0x0  }
0x499: {  	[sflag:s26] =	ssyncadd.s32 $0xFFFFC000  }
0x49a: {  	_ =	swait.ge [sflag:s28], $0x4000  }
0x49b: {  	[sflag:s28] =	ssyncset.done $0x0  }
0x49c: {  	s0 =	simm.s32 $0x4400;
	[sflag:s28] =	ssyncadd.s32 $0xFFFFC000  }
0x49d: {  	v12 =	vld [tilespmem:s0+$0xFFFFFC00]  }
0x49e: {  	v15 =	vld [tilespmem:s0+$0x70]  }
0x49f: {  	v16 =	vld [tilespmem:s0+$0x60]  }
0x4a0: {  	v17 =	vld [tilespmem:s0+$0x50]  }
0x4a1: {  	v18 =	vld [tilespmem:s0+$0x40]  }
0x4a2: {  	v21 =	vld [tilespmem:s0+$0x30]  }
0x4a3: {  	v24 =	vld [tilespmem:s0+$0x10]  }
0x4a4: {  	v11 =	vld [tilespmem:s0+$0xFFFFFC70]  }
0x4a5: {  	v10 =	vld [tilespmem:s0+$0xFFFFFC60]  }
0x4a6: {  	v31 =	vld [tilespmem:s0+$0xFFFFFC50]  }
0x4a7: {  	v33 =	vld [tilespmem:s0+$0xFFFFFC30];
	v5 =	vmul.f32 v12, v4  }
0x4a8: {  	v35 =	vld [tilespmem:s0+$0xFFFFFC20];
	v6 =	vmul.f32 v15, v4;
	v7 =	vmul.f32 v16, v4  }
0x4a9: {  	v8 =	vmul.f32 v17, v4;
	v9 =	vmul.f32 v18, v4  }
0x4aa: {  	v13 =	vmul.f32 v21, v4;
	v20 =	vmul.f32 v24, v4  }
0x4ab: {  	v27 =	vmul.f32 v11, v4;
	v30 =	vmul.f32 v10, v4  }
0x4ac: {  	v60 =	vmul.f32 v31, v4;
	v37 =	vmul.f32 v33, v4;
	v5 =	vadd.f32 v5, v3  }
0x4ad: {  	v42 =	vmul.f32 v35, v4;
	v6 =	vadd.f32 v6, v3;
	v8 =	vadd.f32 v8, v3  }
0x4ae: {  	v7 =	vadd.f32 v7, v3;
	v9 =	vadd.f32 v9, v3;
	v5 =	vtrunc.f32 v5  }
0x4af: {  	v22 =	vld [tilespmem:s0+$0x20];
	v26 =	vadd.f32 v13, v3;
	v14 =	vtrunc.f32 v6;
	v8 =	vtrunc.f32 v8  }
0x4b0: {  	v25 =	vld [tilespmem:s0+$0x0];
	v32 =	vadd.f32 v60, v3;
	v7 =	vtrunc.f32 v7;
	v9 =	vtrunc.f32 v9  }
0x4b1: {  	s4 =	simm.s32 $0xC400;
	v29 =	vld [tilespmem:s0+$0xFFFFFC10];
	v20 =	vadd.f32 v20, v3;
	v26 =	vtrunc.f32 v26;
	v19 =	vcvt.f32.s32 v5  }
0x4b2: {  	v48 =	vld [tilespmem:s4+$0x10];
	v32 =	vtrunc.f32 v32;
	v23 =	vcvt.f32.s32 v14  }
0x4b3: {  	v55 =	vld [tilespmem:s4+$0xFFFFFC00];
	v20 =	vtrunc.f32 v20;
	v36 =	vcvt.f32.s32 v8  }
0x4b4: {  	v6 =	vld [tilespmem:s0+$0xFFFFFC40];
	v5 =	vmul.f32 v22, v4;
	v38 =	vcvt.f32.s32 v9  }
0x4b5: {  	v27 =	vadd.f32 v27, v3;
	v14 =	vmul.f32 v25, v4;
	v13 =	vcvt.f32.s32 v7;
	v7 =	vld [tilespmem:s4+$0xFFFFFC60]  }
0x4b6: {  	v9 =	vmul.f32 v29, v4;
	v8 =	vld [tilespmem:s4+$0x0];
	v40 =	vcvt.f32.s32 v26;
	v26 =	vadd.f32 v37, v3  }
0x4b7: {  	v27 =	vtrunc.f32 v27;
	v28 =	vadd.f32 v5, v3;
	v14 =	vadd.f32 v14, v3;
	v61 =	vld.idx.msk [tilespmem:v19+s16+$0x0], $0xffff  }
0x4b8: {  	v63 =	vcvt.f32.s32 v20;
	v41 =	vadd.f32 v9, v3;
	v26 =	vtrunc.f32 v26;
	v39 =	vld.idx.msk [tilespmem:v23+s16+$0x0], $0xffff  }
0x4b9: {  	v28 =	vtrunc.f32 v28;
	v14 =	vtrunc.f32 v14;
	v43 =	vld.idx.msk [tilespmem:v36+s16+$0x0], $0xffff  }
0x4ba: {  	v50 =	vadd.f32 v42, v3;
	v20 =	vtrunc.f32 v41;
	v28 =	vcvt.f32.s32 v28;
	v45 =	vld.idx.msk [tilespmem:v38+s16+$0x0], $0xffff  }
0x4bb: {  	v52 =	vmul.f32 v6, v4;
	v44 =	vcvt.f32.s32 v20;
	v62 =	vld.idx.msk [tilespmem:v13+s16+$0x0], $0xffff  }
0x4bc: {  	v30 =	vadd.f32 v30, v3;
	v14 =	vcvt.f32.s32 v14;
	v20 =	vtrunc.f32 v50;
	v46 =	vld.idx.msk [tilespmem:v40+s16+$0x0], $0xffff  }
0x4bd: {  	v37 =	vld [tilespmem:s4+$0xFFFFFC20];
	v47 =	vcvt.f32.s32 v20;
	v20 =	vcvt.f32.s32 v26;
	v26 =	vadd.f32 v52, v3  }
0x4be: {  	v5 =	vld [tilespmem:s4+$0xFFFFFC40];
	vm0 =	vlt.f32 v61, v12;
	vm1 =	vlt.f32 v43, v17;
	v17 =	vcvt.f32.s32 v27  }
0x4bf: {  	v9 =	vld [tilespmem:s4+$0x30];
	vm2 =	vlt.f32 v45, v18;
	v51 =	vsel vm0, $0x1, v1;
	vm0 =	vlt.f32 v39, v15  }
0x4c0: {  	v15 =	vadd.s32 v19, v51;
	v19 =	vtrunc.f32 v30;
	v30 =	vld.idx.msk [tilespmem:v28+s16+$0x0], $0xffff;
	v39 =	vsel vm0, $0x1, v1  }
0x4c1: {  	v27 =	vld [tilespmem:s4+$0x50];
	vm0 =	vlt.f32 v62, v16;
	v16 =	vsel vm1, $0x1, v1;
	vm1 =	vlt.f32 v46, v21  }
0x4c2: {  	v53 =	vld.idx.msk [tilespmem:v63+s16+$0x0], $0xffff;
	v21 =	vsel vm2, $0x1, v1;
	v42 =	vshll.u32 v15, $0x7;
	v15 =	vcvt.f32.s32 v19  }
0x4c3: {  	v54 =	vld.idx.msk [tilespmem:v44+s16+$0x0], $0xffff;
	v19 =	vcvt.f32.s32 v32;
	v18 =	vadd.s32 v36, v16;
	v39 =	vadd.s32 v23, v39  }
0x4c4: {  	v12 =	vld [tilespmem:s4+$0x60];
	v16 =	vand.u32 $0x7FFFFFFF, v48;
	v21 =	vadd.s32 v38, v21;
	v23 =	vor.u32 v2, v42  }
0x4c5: {  	v56 =	vld.idx.msk [tilespmem:v14+s16+$0x0], $0xffff;
	v58 =	vshll.u32 v39, $0x7;
	v60 =	vshll.u32 v21, $0x7;
	vm2 =	vlt.f32 v30, v22  }
0x4c6: {  	v62 =	vld.idx.msk [tilespmem:v20+s16+$0x0], $0xffff;
	v21 =	vshll.u32 v18, $0x7;
	v61 =	vand.u32 $0x7FFFFFFF, v27;
	v57 =	vsel vm2, $0x1, v1  }
0x4c7: {  	v22 =	vld.idx.msk [tilespmem:v47+s16+$0x0], $0xffff;
	v30 =	vtrunc.f32 v26;
	vm2 =	vlt.f32 v53, v24;
	v24 =	vadd.s32 v28, v57  }
0x4c8: {  	v32 =	vld [tilespmem:s4+$0xFFFFFC10];
	v28 =	vsel vm2, $0x1, v1;
	vm2 =	vlt.f32 v54, v29;
	v29 =	vand.u32 $0x7FFFFFFF, v55  }
0x4c9: {  	v59 =	vld.idx.msk [tilespmem:v19+s16+$0x0], $0xffff;
	v63 =	vadd.s32 v63, v28;
	v28 =	vsel vm2, $0x1, v1;
	v27 =	vshll.u32 v24, $0x7  }
0x4ca: {  	v18 =	vld [tilespmem:s4+$0xFFFFFC30];
	v24 =	vor.u32 v2, v21;
	vm2 =	vlt.f32 v56, v25;
	v21 =	vadd.s32 v44, v28  }
0x4cb: {  	v34 =	vld.idx.msk [tilespmem:v17+s16+$0x0], $0xffff;
	v28 =	vsel vm2, $0x1, v1;
	v25 =	vshll.u32 v21, $0x7;
	v21 =	vcvt.f32.s32 v30  }
0x4cc: {  	v26 =	vld.idx.msk [tilespmem:v15+s16+$0x0], $0xffff;
	v39 =	vshll.u32 v63, $0x7;
	vm2 =	vlt.f32 v22, v35;
	v22 =	vsel vm1, $0x1, v1  }
0x4cd: {  	v30 =	vor.u32 v2, v25;
	v25 =	vld [tilespmem:s4+$0x70];
	v35 =	vsel vm2, $0x1, v1;
	v36 =	vadd.s32 v40, v22  }
0x4ce: {  	v22 =	vor.u32 v2, v58;
	vm1 =	vlt.f32 v59, v31;
	v31 =	vld [tilespmem:s4+$0x40];
	v35 =	vadd.s32 v47, v35  }
0x4cf: {  	s19 =	simm.s32 $0x0;
	v40 =	vsel vm0, $0x1, v1;
	v38 =	vsel vm1, $0x1, v1;
	[tilespmem:v24+s25+$0x0] =	vst.idx.add.f32.msk $0xffff, v61;
	v24 =	vshll.u32 v35, $0x7  }
0x4d0: {  	s18 =	simm.s32 $0x4480;
	s31 =	simm.s32 $0xC400;
	s3 =	simm.s32 $0xC480;
	vm1 =	vlt.f32 v62, v33;
	v33 =	vor.u32 v2, v60;
	v35 =	vor.u32 v2, v24;
	v24 =	vld [tilespmem:s4+$0xFFFFFC50]  }
.LBB2_19:
0x4d1: {  	s19 =	sadd.s32 $0x100, s19;
	v41 =	vsel vm1, $0x1, v1;
	v42 =	vld.idx.msk [tilespmem:v21+s16+$0x0], $0xffff;
	vm0 =	vlt.f32 v34, v11;
	v11 =	vadd.s32 v13, v40;
	s4 =	sadd.s32 $0x800, s4;
	s0 =	sadd.s32 $0x800, s0  }
0x4d2: {  	vm1 =	vlt.f32 v26, v10;
	p1 =	slt.u32 s19, $0x700;
	v13 =	vadd.s32 v20, v41;
	v10 =	vld [tilespmem:s31+$0x20];
	v20 =	vshll.u32 v36, $0x7  }
0x4d3: {  	v26 =	vand.u32 $0x7FFFFFFF, v32;
	v19 =	vadd.s32 v19, v38;
	v34 =	vsel vm0, $0x1, v1;
	v32 =	vld [tilespmem:s31+$0xFFFFFC70];
	s31 =	smov.u32 s4  }
0x4d4: {  	v36 =	vor.u32 v2, v39;
	[tilespmem:v23+s25+$0x0] =	vst.idx.add.f32.msk $0xffff, v29;
	v23 =	vand.u32 $0x7FFFFFFF, v37;
	v29 =	vsel vm1, $0x1, v1  }
0x4d5: {  	v19 =	vshll.u32 v19, $0x7;
	v17 =	vadd.s32 v17, v34;
	[tilespmem:v35+s25+$0x0] =	vst.idx.add.f32.msk $0xffff, v23;
	v23 =	vor.u32 v2, v27  }
0x4d6: {  	v13 =	vshll.u32 v13, $0x7;
	v17 =	vshll.u32 v17, $0x7;
	[tilespmem:v30+s25+$0x0] =	vst.idx.add.f32.msk $0xffff, v26;
	v26 =	vadd.s32 v14, v28  }
0x4d7: {  	v15 =	vadd.s32 v15, v29;
	v17 =	vor.u32 v2, v17;
	v27 =	vand.u32 $0x7FFFFFFF, v31;
	v14 =	vld [tilespmem:s0+$0xFFFFFC00]  }
0x4d8: {  	v19 =	vor.u32 v2, v19;
	v28 =	vshll.u32 v15, $0x7;
	v29 =	vand.u32 $0x7FFFFFFF, v32;
	[tilespmem:v33+s25+$0x0] =	vst.idx.add.f32.msk $0xffff, v27  }
0x4d9: {  	v25 =	vand.u32 $0x7FFFFFFF, v25;
	v13 =	vor.u32 v2, v13;
	v27 =	vor.u32 v2, v28;
	v15 =	vld [tilespmem:s0+$0x70]  }
0x4da: {  	v11 =	vshll.u32 v11, $0x7;
	v26 =	vshll.u32 v26, $0x7;
	v10 =	vand.u32 $0x7FFFFFFF, v10;
	[tilespmem:v36+s25+$0x0] =	vst.idx.add.f32.msk $0xffff, v16  }
0x4db: {  	vm0 =	vlt.f32 v42, v6;
	v6 =	vand.u32 $0x7FFFFFFF, v24;
	v16 =	vor.u32 v2, v26;
	[tilespmem:v23+s25+$0x0] =	vst.idx.add.f32.msk $0xffff, v10  }
0x4dc: {  	v11 =	vor.u32 v2, v11;
	v10 =	vsel vm0, $0x1, v1;
	[tilespmem:v17+s25+$0x0] =	vst.idx.add.f32.msk $0xffff, v29;
	v17 =	vor.u32 v2, v20  }
0x4dd: {  	v18 =	vand.u32 $0x7FFFFFFF, v18;
	v10 =	vadd.s32 v21, v10;
	[tilespmem:v19+s25+$0x0] =	vst.idx.add.f32.msk $0xffff, v6  }
0x4de: {  	v7 =	vand.u32 $0x7FFFFFFF, v7;
	v6 =	vshll.u32 v10, $0x7;
	[tilespmem:v13+s25+$0x0] =	vst.idx.add.f32.msk $0xffff, v18  }
0x4df: {  	v6 =	vor.u32 v2, v6;
	[tilespmem:v27+s25+$0x0] =	vst.idx.add.f32.msk $0xffff, v7;
	v7 =	vand.u32 $0x7FFFFFFF, v12  }
0x4e0: {  	v9 =	vand.u32 $0x7FFFFFFF, v9;
	[tilespmem:v22+s25+$0x0] =	vst.idx.add.f32.msk $0xffff, v25  }
0x4e1: {  	v8 =	vand.u32 $0x7FFFFFFF, v8;
	[tilespmem:v17+s25+$0x0] =	vst.idx.add.f32.msk $0xffff, v9  }
0x4e2: {  	v5 =	vand.u32 $0x7FFFFFFF, v5;
	[tilespmem:v16+s25+$0x0] =	vst.idx.add.f32.msk $0xffff, v8  }
0x4e3: {  	[tilespmem:v11+s25+$0x0] =	vst.idx.add.f32.msk $0xffff, v7  }
0x4e4: {  	[tilespmem:v6+s25+$0x0] =	vst.idx.add.f32.msk $0xffff, v5  }
0x4e5: {  	v16 =	vld [tilespmem:s0+$0x60]  }
0x4e6: {  	v17 =	vld [tilespmem:s0+$0x50]  }
0x4e7: {  	v23 =	vld [tilespmem:s0+$0x40]  }
0x4e8: {  	v5 =	vmul.f32 v14, v4;
	v27 =	vld [tilespmem:s0+$0x30]  }
0x4e9: {  	v6 =	vmul.f32 v15, v4;
	v26 =	vld [tilespmem:s0+$0x20]  }
0x4ea: {  	v5 =	vadd.f32 v5, v3;
	v18 =	vld [tilespmem:s0+$0x10];
	v7 =	vmul.f32 v16, v4  }
0x4eb: {  	v6 =	vadd.f32 v6, v3;
	v21 =	vld [tilespmem:s0+$0x0];
	v8 =	vmul.f32 v17, v4  }
0x4ec: {  	v5 =	vtrunc.f32 v5;
	v11 =	vld [tilespmem:s0+$0xFFFFFC70];
	v9 =	vmul.f32 v23, v4;
	v7 =	vadd.f32 v7, v3  }
0x4ed: {  	v13 =	vtrunc.f32 v6;
	v10 =	vld [tilespmem:s0+$0xFFFFFC60];
	v12 =	vmul.f32 v27, v4;
	v8 =	vadd.f32 v8, v3  }
0x4ee: {  	v19 =	vcvt.f32.s32 v5;
	v22 =	vld [tilespmem:s0+$0xFFFFFC50];
	v5 =	vmul.f32 v26, v4;
	v9 =	vadd.f32 v9, v3  }
0x4ef: {  	v28 =	vcvt.f32.s32 v13;
	v6 =	vld [tilespmem:s0+$0xFFFFFC40];
	v20 =	vmul.f32 v18, v4;
	v12 =	vadd.f32 v12, v3  }
0x4f0: {  	v8 =	vtrunc.f32 v8;
	v24 =	vld [tilespmem:s0+$0xFFFFFC30];
	v13 =	vmul.f32 v21, v4;
	v29 =	vadd.f32 v5, v3  }
0x4f1: {  	v5 =	vtrunc.f32 v7;
	v25 =	vld [tilespmem:s0+$0xFFFFFC20];
	v30 =	vmul.f32 v11, v4;
	v20 =	vadd.f32 v20, v3  }
0x4f2: {  	v31 =	vld [tilespmem:s0+$0xFFFFFC10];
	v7 =	vmul.f32 v10, v4;
	v32 =	vadd.f32 v13, v3;
	v13 =	vcvt.f32.s32 v5  }
0x4f3: {  	v9 =	vtrunc.f32 v9;
	v5 =	vld [tilespmem:s4+$0xFFFFFC40];
	v33 =	vmul.f32 v22, v4;
	v30 =	vadd.f32 v30, v3  }
0x4f4: {  	v36 =	vcvt.f32.s32 v8;
	v29 =	vtrunc.f32 v29;
	v34 =	vld.idx.msk [tilespmem:v19+s16+$0x0], $0xffff;
	v35 =	vadd.f32 v7, v3  }
0x4f5: {  	v12 =	vtrunc.f32 v12;
	v32 =	vtrunc.f32 v32;
	v33 =	vadd.f32 v33, v3;
	v7 =	vld [tilespmem:s4+$0xFFFFFC60]  }
0x4f6: {  	v38 =	vcvt.f32.s32 v9;
	v37 =	vmul.f32 v24, v4;
	v39 =	vld.idx.msk [tilespmem:v28+s16+$0x0], $0xffff  }
0x4f7: {  	v40 =	vcvt.f32.s32 v12;
	v9 =	vmul.f32 v31, v4;
	v8 =	vld [tilespmem:s4+$0x0]  }
0x4f8: {  	v29 =	vcvt.f32.s32 v29;
	v12 =	vadd.f32 v37, v3;
	v33 =	vtrunc.f32 v33;
	v37 =	vld.idx.msk [tilespmem:v13+s16+$0x0], $0xffff  }
0x4f9: {  	v20 =	vtrunc.f32 v20;
	v42 =	vmul.f32 v25, v4;
	v41 =	vadd.f32 v9, v3;
	v9 =	vld [tilespmem:s4+$0x30]  }
0x4fa: {  	v43 =	vcvt.f32.s32 v20;
	vm0 =	vlt.f32 v34, v14;
	v34 =	vtrunc.f32 v12;
	v44 =	vld.idx.msk [tilespmem:v36+s16+$0x0], $0xffff  }
0x4fb: {  	v30 =	vtrunc.f32 v30;
	v20 =	vadd.f32 v42, v3;
	v14 =	vtrunc.f32 v41;
	v12 =	vld [tilespmem:s4+$0x60]  }
0x4fc: {  	v41 =	vsel vm0, $0x1, v1;
	v42 =	vcvt.f32.s32 v14;
	v14 =	vcvt.f32.s32 v32;
	v32 =	vld.idx.msk [tilespmem:v38+s16+$0x0], $0xffff  }
0x4fd: {  	v45 =	vmul.f32 v6, v4;
	v20 =	vtrunc.f32 v20;
	vm0 =	vlt.f32 v39, v15;
	v46 =	vld.idx.msk [tilespmem:v40+s16+$0x0], $0xffff  }
0x4fe: {  	v15 =	vadd.s32 v19, v41;
	v19 =	vtrunc.f32 v35;
	v39 =	vsel vm0, $0x1, v1;
	v35 =	vld.idx.msk [tilespmem:v29+s16+$0x0], $0xffff  }
0x4ff: {  	v47 =	vcvt.f32.s32 v20;
	v41 =	vshll.u32 v15, $0x7;
	vm0 =	vlt.f32 v37, v16;
	v48 =	vld [tilespmem:s4+$0x10]  }
0x500: {  	v20 =	vcvt.f32.s32 v34;
	v15 =	vcvt.f32.s32 v19;
	vm1 =	vlt.f32 v44, v17;
	v34 =	vld.idx.msk [tilespmem:v43+s16+$0x0], $0xffff  }
0x501: {  	v19 =	vcvt.f32.s32 v33;
	v17 =	vcvt.f32.s32 v30;
	v16 =	vsel vm1, $0x1, v1;
	v30 =	vld [tilespmem:s4+$0x50]  }
0x502: {  	v37 =	vadd.f32 v45, v3;
	vm2 =	vlt.f32 v32, v23;
	v32 =	vadd.s32 v36, v16;
	v33 =	vld.idx.msk [tilespmem:v42+s16+$0x0], $0xffff  }
0x503: {  	v28 =	vadd.s32 v28, v39;
	vm1 =	vlt.f32 v46, v27;
	v27 =	vsel vm2, $0x1, v1;
	v36 =	vld [tilespmem:s4+$0xFFFFFC00]  }
0x504: {  	v23 =	vor.u32 v2, v41;
	vm2 =	vlt.f32 v35, v26;
	v39 =	vld.idx.msk [tilespmem:v14+s16+$0x0], $0xffff;
	v16 =	vand.u32 $0x7FFFFFFF, v48  }
0x505: {  	v37 =	vtrunc.f32 v37;
	v27 =	vadd.s32 v38, v27;
	v41 =	vsel vm2, $0x1, v1;
	v35 =	vld.idx.msk [tilespmem:v47+s16+$0x0], $0xffff  }
0x506: {  	vm2 =	vlt.f32 v34, v18;
	v29 =	vadd.s32 v29, v41;
	v41 =	vshll.u32 v28, $0x7;
	v26 =	vld.idx.msk [tilespmem:v15+s16+$0x0], $0xffff  }
0x507: {  	v44 =	vshll.u32 v27, $0x7;
	v18 =	vsel vm2, $0x1, v1;
	v45 =	vand.u32 $0x7FFFFFFF, v30;
	v38 =	vld.idx.msk [tilespmem:v19+s16+$0x0], $0xffff  }
0x508: {  	v28 =	vshll.u32 v32, $0x7;
	vm2 =	vlt.f32 v33, v31;
	v43 =	vadd.s32 v43, v18;
	v33 =	vld.idx.msk [tilespmem:v20+s16+$0x0], $0xffff  }
0x509: {  	v27 =	vshll.u32 v29, $0x7;
	v46 =	vor.u32 v2, v28;
	v30 =	vsel vm2, $0x1, v1;
	v18 =	vld [tilespmem:s4+$0xFFFFFC30]  }
0x50a: {  	v29 =	vand.u32 $0x7FFFFFFF, v36;
	v28 =	vadd.s32 v42, v30;
	vm2 =	vlt.f32 v39, v21;
	v32 =	vld [tilespmem:s4+$0xFFFFFC10]  }
0x50b: {  	v21 =	vcvt.f32.s32 v37;
	v30 =	vshll.u32 v28, $0x7;
	v28 =	vsel vm2, $0x1, v1;
	v34 =	vld.idx.msk [tilespmem:v17+s16+$0x0], $0xffff  }
.Ltmp10:
0x50c: {  	v31 =	vsel vm1, $0x1, v1;
	vm2 =	vlt.f32 v35, v25;
	v30 =	vor.u32 v2, v30;
	v25 =	vld [tilespmem:s4+$0x70];
	(pc) =	sbr.rel @p1 .LBB2_19-.Ltmp10, $4  }
0x50d: {  	v36 =	vadd.s32 v40, v31;
	v35 =	vsel vm2, $0x1, v1;
	vm1 =	vlt.f32 v38, v22;
	v31 =	vld [tilespmem:s4+$0x40]  }
0x50e: {  	v35 =	vadd.s32 v47, v35;
	v22 =	vor.u32 v2, v41;
	v38 =	vsel vm1, $0x1, v1;
	[tilespmem:v46+s25+$0x0] =	vst.idx.add.f32.msk $0xffff, v45  }
0x50f: {  	v40 =	vsel vm0, $0x1, v1;
	v35 =	vshll.u32 v35, $0x7;
	vm1 =	vlt.f32 v33, v24;
	v37 =	vld [tilespmem:s4+$0xFFFFFC20]  }
0x510: {  	v39 =	vshll.u32 v43, $0x7;
	v33 =	vor.u32 v2, v44;
	v35 =	vor.u32 v2, v35;
	v24 =	vld [tilespmem:s4+$0xFFFFFC50]  }
0x511: {  	_ =	sdelay $0x2  }
0x512: {  	v41 =	vsel vm1, $0x1, v1;
	vm0 =	vlt.f32 v34, v11;
	v11 =	vadd.s32 v13, v40  }
0x513: {  	v13 =	vld.idx.msk [tilespmem:v21+s16+$0x0], $0xffff;
	vm1 =	vlt.f32 v26, v10;
	v32 =	vand.u32 $0x7FFFFFFF, v32;
	v19 =	vadd.s32 v19, v38  }
0x514: {  	v26 =	vld [tilespmem:s31+$0x20];
	v56 =	vor.u32 v2, v39;
	v27 =	vor.u32 v2, v27;
	v14 =	vadd.s32 v14, v28  }
0x515: {  	[tilespmem:v23+s25+$0x0] =	vst.idx.add.f32.msk $0xffff, v29;
	v20 =	vadd.s32 v20, v41;
	v34 =	vsel vm0, $0x1, v1;
	v23 =	vsel vm1, $0x1, v1  }
0x516: {  	v55 =	vld [tilespmem:s31+$0xFFFFFC70];
	v19 =	vshll.u32 v19, $0x7;
	v14 =	vshll.u32 v14, $0x7;
	v17 =	vadd.s32 v17, v34  }
0x517: {  	[tilespmem:v30+s25+$0x0] =	vst.idx.add.f32.msk $0xffff, v32;
	v15 =	vadd.s32 v15, v23;
	v23 =	vand.u32 $0x7FFFFFFF, v31;
	v19 =	vor.u32 v2, v19  }
0x518: {  	v20 =	vshll.u32 v20, $0x7;
	v14 =	vor.u32 v2, v14;
	v37 =	vand.u32 $0x7FFFFFFF, v37;
	[tilespmem:v33+s25+$0x0] =	vst.idx.add.f32.msk $0xffff, v23  }
0x519: {  	v10 =	vshll.u32 v36, $0x7;
	v17 =	vshll.u32 v17, $0x7;
	v20 =	vor.u32 v2, v20;
	[tilespmem:v35+s25+$0x0] =	vst.idx.add.f32.msk $0xffff, v37  }
0x51a: {  	v15 =	vshll.u32 v15, $0x7;
	v17 =	vor.u32 v2, v17;
	[tilespmem:v56+s25+$0x0] =	vst.idx.add.f32.msk $0xffff, v16;
	v16 =	vand.u32 $0x7FFFFFFF, v26  }
0x51b: {  	v15 =	vor.u32 v2, v15;
	vm0 =	vlt.f32 v13, v6;
	v6 =	vand.u32 $0x7FFFFFFF, v24;
	[tilespmem:v27+s25+$0x0] =	vst.idx.add.f32.msk $0xffff, v16  }
0x51c: {  	v8 =	vand.u32 $0x7FFFFFFF, v8;
	v11 =	vshll.u32 v11, $0x7;
	v13 =	vsel vm0, $0x1, v1;
	[tilespmem:v19+s25+$0x0] =	vst.idx.add.f32.msk $0xffff, v6  }
0x51d: {  	v10 =	vor.u32 v2, v10;
	v16 =	vand.u32 $0x7FFFFFFF, v18;
	v13 =	vadd.s32 v21, v13;
	[tilespmem:v14+s25+$0x0] =	vst.idx.add.f32.msk $0xffff, v8  }
0x51e: {  	v23 =	vand.u32 $0x7FFFFFFF, v55;
	v6 =	vor.u32 v2, v11;
	[tilespmem:v20+s25+$0x0] =	vst.idx.add.f32.msk $0xffff, v16;
	v11 =	vshll.u32 v13, $0x7  }
0x51f: {  	v7 =	vand.u32 $0x7FFFFFFF, v7;
	[tilespmem:v17+s25+$0x0] =	vst.idx.add.f32.msk $0xffff, v23;
	v11 =	vor.u32 v2, v11  }
0x520: {  	v13 =	vand.u32 $0x7FFFFFFF, v25;
	[tilespmem:v15+s25+$0x0] =	vst.idx.add.f32.msk $0xffff, v7  }
0x521: {  	v7 =	vand.u32 $0x7FFFFFFF, v9;
	[tilespmem:v22+s25+$0x0] =	vst.idx.add.f32.msk $0xffff, v13  }
0x522: {  	[tilespmem:v10+s25+$0x0] =	vst.idx.add.f32.msk $0xffff, v7;
	v7 =	vand.u32 $0x7FFFFFFF, v12  }
0x523: {  	v5 =	vand.u32 $0x7FFFFFFF, v5;
	[tilespmem:v6+s25+$0x0] =	vst.idx.add.f32.msk $0xffff, v7  }
0x524: {  	[tilespmem:v11+s25+$0x0] =	vst.idx.add.f32.msk $0xffff, v5  }
0x525: {  	v13 =	vld [tilespmem:s18+$0xFFFFFC00]  }
0x526: {  	v22 =	vld [tilespmem:s18+$0x60]  }
0x527: {  	v19 =	vld [tilespmem:s18+$0x70]  }
0x528: {  	v20 =	vld [tilespmem:s18+$0x50]  }
0x529: {  	v24 =	vld [tilespmem:s18+$0x40]  }
0x52a: {  	v21 =	vld [tilespmem:s18+$0x20]  }
0x52b: {  	v23 =	vld [tilespmem:s18+$0x10]  }
0x52c: {  	v25 =	vld [tilespmem:s18+$0x0]  }
0x52d: {  	v27 =	vld [tilespmem:s18+$0xFFFFFC70]  }
0x52e: {  	v12 =	vld [tilespmem:s18+$0xFFFFFC60]  }
0x52f: {  	v32 =	vld [tilespmem:s18+$0xFFFFFC10];
	v5 =	vmul.f32 v13, v4  }
0x530: {  	v30 =	vld [tilespmem:s18+$0xFFFFFC20];
	v6 =	vmul.f32 v22, v4;
	v7 =	vmul.f32 v19, v4  }
0x531: {  	v10 =	vld [tilespmem:s18+$0xFFFFFC40];
	v8 =	vmul.f32 v20, v4;
	v9 =	vmul.f32 v24, v4  }
0x532: {  	v14 =	vmul.f32 v21, v4;
	v15 =	vmul.f32 v23, v4  }
0x533: {  	v26 =	vmul.f32 v25, v4;
	v29 =	vmul.f32 v27, v4  }
0x534: {  	v59 =	vmul.f32 v32, v4;
	v60 =	vmul.f32 v12, v4  }
0x535: {  	v62 =	vmul.f32 v30, v4;
	v5 =	vadd.f32 v5, v3;
	v6 =	vadd.f32 v6, v3  }
0x536: {  	v17 =	vld [tilespmem:s18+$0x30];
	v52 =	vmul.f32 v10, v4;
	v7 =	vadd.f32 v7, v3;
	v8 =	vadd.f32 v8, v3  }
0x537: {  	v9 =	vadd.f32 v9, v3;
	v15 =	vadd.f32 v15, v3;
	v5 =	vtrunc.f32 v5  }
0x538: {  	v61 =	vadd.f32 v59, v3;
	v6 =	vtrunc.f32 v6;
	v16 =	vtrunc.f32 v7  }
0x539: {  	v11 =	vld [tilespmem:s18+$0xFFFFFC50];
	v8 =	vtrunc.f32 v8;
	v9 =	vtrunc.f32 v9  }
0x53a: {  	v36 =	vadd.f32 v62, v3;
	v62 =	vld [tilespmem:s3+$0x20];
	v57 =	vtrunc.f32 v15;
	v34 =	vtrunc.f32 v61  }
0x53b: {  	v14 =	vadd.f32 v14, v3;
	v7 =	vld [tilespmem:s18+$0xFFFFFC30];
	v18 =	vcvt.f32.s32 v5;
	v5 =	vmul.f32 v17, v4  }
0x53c: {  	v61 =	vld [tilespmem:s3+$0x0];
	v28 =	vcvt.f32.s32 v16;
	v42 =	vcvt.f32.s32 v6  }
0x53d: {  	v6 =	vld [tilespmem:s3+$0xFFFFFC40];
	v16 =	vadd.f32 v5, v3;
	v5 =	vtrunc.f32 v14;
	v14 =	vadd.f32 v26, v3  }
0x53e: {  	v15 =	vcvt.f32.s32 v8;
	v33 =	vcvt.f32.s32 v57;
	v8 =	vld [tilespmem:s3+$0x40]  }
0x53f: {  	v31 =	vcvt.f32.s32 v5;
	v5 =	vld [tilespmem:s3+$0xFFFFFC30];
	v14 =	vtrunc.f32 v14  }
0x540: {  	v37 =	vadd.f32 v60, v3;
	v58 =	vtrunc.f32 v16;
	v16 =	vcvt.f32.s32 v9;
	v9 =	vld [tilespmem:s3+$0x50]  }
0x541: {  	v43 =	vmul.f32 v11, v4;
	v38 =	vcvt.f32.s32 v14;
	v26 =	vld.idx.msk [tilespmem:v18+s16+$0x0], $0xffff  }
0x542: {  	v29 =	vadd.f32 v29, v3;
	v37 =	vtrunc.f32 v37;
	v36 =	vtrunc.f32 v36;
	v35 =	vld.idx.msk [tilespmem:v28+s16+$0x0], $0xffff  }
0x543: {  	v43 =	vadd.f32 v43, v3;
	v39 =	vcvt.f32.s32 v36;
	v14 =	vcvt.f32.s32 v58;
	v58 =	vld [tilespmem:s3+$0xFFFFFC00]  }
0x544: {  	v40 =	vadd.f32 v52, v3;
	v29 =	vtrunc.f32 v29;
	v34 =	vcvt.f32.s32 v34;
	v45 =	vld.idx.msk [tilespmem:v33+s16+$0x0], $0xffff  }
0x545: {  	v48 =	vcvt.f32.s32 v29;
	v29 =	vtrunc.f32 v43;
	v63 =	vld.idx.msk [tilespmem:v31+s16+$0x0], $0xffff  }
0x546: {  	v54 =	vtrunc.f32 v40;
	v29 =	vcvt.f32.s32 v29;
	v53 =	vld.idx.msk [tilespmem:v15+s16+$0x0], $0xffff  }
0x547: {  	vm0 =	vlt.f32 v26, v13;
	v26 =	vmul.f32 v7, v4;
	v47 =	vld.idx.msk [tilespmem:v38+s16+$0x0], $0xffff;
	vm1 =	vlt.f32 v35, v19  }
0x548: {  	v41 =	vand.u32 $0x7FFFFFFF, v61;
	v55 =	vld.idx.msk [tilespmem:v42+s16+$0x0], $0xffff;
	v44 =	vsel vm0, $0x1, v1;
	v50 =	vsel vm1, $0x1, v1  }
0x549: {  	v60 =	vld.idx.msk [tilespmem:v39+s16+$0x0], $0xffff;
	vm1 =	vlt.f32 v45, v23;
	v26 =	vadd.f32 v26, v3;
	v44 =	vadd.s32 v18, v44  }
0x54a: {  	v46 =	vld.idx.msk [tilespmem:v16+s16+$0x0], $0xffff;
	v40 =	vadd.s32 v28, v50;
	vm0 =	vlt.f32 v63, v21;
	v21 =	vcvt.f32.s32 v37  }
0x54b: {  	v56 =	vld.idx.msk [tilespmem:v34+s16+$0x0], $0xffff;
	v19 =	vsel vm0, $0x1, v1;
	v57 =	vtrunc.f32 v26;
	vm0 =	vlt.f32 v53, v20  }
0x54c: {  	v59 =	vld.idx.msk [tilespmem:v48+s16+$0x0], $0xffff;
	v20 =	vshll.u32 v44, $0x7;
	v19 =	vadd.s32 v31, v19;
	vm2 =	vlt.f32 v47, v25  }
0x54d: {  	v13 =	vld [tilespmem:s3+$0x30];
	v44 =	vor.u32 v2, v20;
	v19 =	vshll.u32 v19, $0x7;
	v20 =	vsel vm2, $0x1, v1  }
0x54e: {  	v49 =	vld.idx.msk [tilespmem:v14+s16+$0x0], $0xffff;
	vm2 =	vlt.f32 v60, v30;
	v23 =	vor.u32 v2, v19;
	v19 =	vsel vm1, $0x1, v1  }
0x54f: {  	v25 =	vld [tilespmem:s3+$0x70];
	v20 =	vadd.s32 v38, v20;
	vm1 =	vlt.f32 v46, v24;
	v19 =	vadd.s32 v33, v19  }
0x550: {  	v35 =	vld [tilespmem:s3+$0x10];
	v24 =	vshll.u32 v20, $0x7;
	v31 =	vsel vm1, $0x1, v1;
	vm1 =	vlt.f32 v56, v32  }
0x551: {  	v18 =	vld [tilespmem:s3+$0xFFFFFC20];
	v32 =	vsel vm0, $0x1, v1;
	vm0 =	vlt.f32 v55, v22;
	v19 =	vshll.u32 v19, $0x7  }
0x552: {  	v30 =	vld.idx.msk [tilespmem:v29+s16+$0x0], $0xffff;
	v33 =	vor.u32 v2, v24;
	v22 =	vsel vm1, $0x1, v1;
	v24 =	vcvt.f32.s32 v54  }
0x553: {  	v38 =	vld [tilespmem:s3+$0xFFFFFC50];
	v51 =	vsel vm0, $0x1, v1;
	vm1 =	vlt.f32 v59, v27;
	vm0 =	vlt.f32 v49, v17  }
0x554: {  	v36 =	vld.idx.msk [tilespmem:v21+s16+$0x0], $0xffff;
	v27 =	vsel vm2, $0x1, v1;
	v20 =	vor.u32 v2, v19;
	v26 =	vand.u32 $0x7FFFFFFF, v25  }
0x555: {  	v19 =	vld [tilespmem:s3+$0xFFFFFC60];
	v25 =	vand.u32 $0x7FFFFFFF, v58;
	v22 =	vadd.s32 v34, v22;
	v17 =	vsel vm1, $0x1, v1  }
0x556: {  	v34 =	vld [tilespmem:s3+$0xFFFFFC10];
	v22 =	vshll.u32 v22, $0x7;
	v63 =	vadd.s32 v48, v17;
	v17 =	vadd.s32 v39, v27  }
0x557: {  	s19 =	simm.s32 $0x0;
	[tilespmem:v44+s25+$0x0] =	vst.idx.add.f32.msk $0xffff, v25;
	v25 =	vor.u32 v2, v22;
	v22 =	vcvt.f32.s32 v57;
	v27 =	vshll.u32 v63, $0x7  }
0x558: {  	s0 =	simm.s32 $0xC500;
	s4 =	simm.s32 $0x4500;
	s31 =	simm.s32 $0xC480;
	v39 =	vand.u32 $0x7FFFFFFF, v62;
	v28 =	vor.u32 v2, v27;
	v27 =	vadd.s32 v42, v51;
	v37 =	vld.idx.msk [tilespmem:v24+s16+$0x0], $0xffff  }
.LBB2_21:
0x559: {  	s19 =	sadd.s32 $0x100, s19;
	v42 =	vshll.u32 v17, $0x7;
	[tilespmem:v33+s25+$0x0] =	vst.idx.add.f32.msk $0xffff, v41;
	v16 =	vadd.s32 v16, v31;
	v27 =	vshll.u32 v27, $0x7;
	s3 =	sadd.s32 $0x800, s3;
	s18 =	sadd.s32 $0x800, s18  }
0x55a: {  	v31 =	vand.u32 $0x7FFFFFFF, v35;
	v15 =	vadd.s32 v15, v32;
	v32 =	vshll.u32 v40, $0x7;
	v17 =	vld [tilespmem:s18+$0x60];
	p1 =	slt.u32 s19, $0x700  }
0x55b: {  	vm1 =	vlt.f32 v36, v12;
	v33 =	vor.u32 v2, v42;
	v32 =	vor.u32 v2, v32;
	v12 =	vld [tilespmem:s31+$0xFFFFFC70]  }
0x55c: {  	v34 =	vand.u32 $0x7FFFFFFF, v34;
	vm2 =	vlt.f32 v30, v11;
	v11 =	vsel vm0, $0x1, v1;
	[tilespmem:v23+s25+$0x0] =	vst.idx.add.f32.msk $0xffff, v39  }
0x55d: {  	v35 =	vand.u32 $0x7FFFFFFF, v38;
	v23 =	vsel vm2, $0x1, v1;
	v11 =	vadd.s32 v14, v11;
	v30 =	vld.idx.msk [tilespmem:v22+s16+$0x0], $0xffff  }
0x55e: {  	v14 =	vsel vm1, $0x1, v1;
	vm0 =	vlt.f32 v37, v10;
	v10 =	vadd.s32 v29, v23;
	v29 =	vld [tilespmem:s31+$0x60];
	s31 =	smov.u32 s3  }
0x55f: {  	v18 =	vand.u32 $0x7FFFFFFF, v18;
	v14 =	vadd.s32 v21, v14;
	v10 =	vshll.u32 v10, $0x7;
	v23 =	vld [tilespmem:s18+$0xFFFFFC00]  }
0x560: {  	v11 =	vshll.u32 v11, $0x7;
	v14 =	vshll.u32 v14, $0x7;
	v10 =	vor.u32 v2, v10;
	[tilespmem:v32+s25+$0x0] =	vst.idx.add.f32.msk $0xffff, v26  }
0x561: {  	v15 =	vshll.u32 v15, $0x7;
	v21 =	vsel vm0, $0x1, v1;
	v11 =	vor.u32 v2, v11;
	[tilespmem:v25+s25+$0x0] =	vst.idx.add.f32.msk $0xffff, v34  }
0x562: {  	v16 =	vshll.u32 v16, $0x7;
	v21 =	vadd.s32 v24, v21;
	v12 =	vand.u32 $0x7FFFFFFF, v12;
	[tilespmem:v20+s25+$0x0] =	vst.idx.add.f32.msk $0xffff, v31  }
0x563: {  	vm0 =	vlt.f32 v30, v7;
	v7 =	vshll.u32 v21, $0x7;
	[tilespmem:v28+s25+$0x0] =	vst.idx.add.f32.msk $0xffff, v12;
	v12 =	vor.u32 v2, v27  }
0x564: {  	v15 =	vor.u32 v2, v15;
	v14 =	vor.u32 v2, v14;
	[tilespmem:v33+s25+$0x0] =	vst.idx.add.f32.msk $0xffff, v18;
	v18 =	vsel vm0, $0x1, v1  }
0x565: {  	v18 =	vadd.s32 v22, v18;
	[tilespmem:v10+s25+$0x0] =	vst.idx.add.f32.msk $0xffff, v35;
	v10 =	vor.u32 v2, v16;
	v16 =	vand.u32 $0x7FFFFFFF, v29  }
0x566: {  	v13 =	vand.u32 $0x7FFFFFFF, v13;
	v7 =	vor.u32 v2, v7;
	v20 =	vld [tilespmem:s18+$0x70];
	v18 =	vshll.u32 v18, $0x7  }
0x567: {  	v19 =	vand.u32 $0x7FFFFFFF, v19;
	v18 =	vor.u32 v2, v18;
	[tilespmem:v11+s25+$0x0] =	vst.idx.add.f32.msk $0xffff, v13  }
0x568: {  	v9 =	vand.u32 $0x7FFFFFFF, v9;
	[tilespmem:v12+s25+$0x0] =	vst.idx.add.f32.msk $0xffff, v16  }
0x569: {  	[tilespmem:v14+s25+$0x0] =	vst.idx.add.f32.msk $0xffff, v19  }
0x56a: {  	v8 =	vand.u32 $0x7FFFFFFF, v8;
	[tilespmem:v15+s25+$0x0] =	vst.idx.add.f32.msk $0xffff, v9  }
0x56b: {  	v5 =	vand.u32 $0x7FFFFFFF, v5;
	v6 =	vand.u32 $0x7FFFFFFF, v6;
	[tilespmem:v10+s25+$0x0] =	vst.idx.add.f32.msk $0xffff, v8  }
0x56c: {  	[tilespmem:v7+s25+$0x0] =	vst.idx.add.f32.msk $0xffff, v6  }
0x56d: {  	[tilespmem:v18+s25+$0x0] =	vst.idx.add.f32.msk $0xffff, v5  }
0x56e: {  	v21 =	vld [tilespmem:s18+$0x50]  }
0x56f: {  	v19 =	vld [tilespmem:s18+$0x40]  }
0x570: {  	v5 =	vmul.f32 v23, v4;
	v22 =	vld [tilespmem:s18+$0x30]  }
0x571: {  	v6 =	vmul.f32 v20, v4;
	v24 =	vld [tilespmem:s18+$0x20]  }
0x572: {  	v7 =	vmul.f32 v17, v4;
	v5 =	vadd.f32 v5, v3;
	v26 =	vld [tilespmem:s18+$0x10]  }
0x573: {  	v6 =	vadd.f32 v6, v3;
	v29 =	vld [tilespmem:s18+$0x0];
	v8 =	vmul.f32 v21, v4  }
0x574: {  	v7 =	vadd.f32 v7, v3;
	v5 =	vtrunc.f32 v5;
	v25 =	vld [tilespmem:s18+$0xFFFFFC70];
	v9 =	vmul.f32 v19, v4  }
0x575: {  	v18 =	vcvt.f32.s32 v5;
	v12 =	vld [tilespmem:s18+$0xFFFFFC60];
	v5 =	vmul.f32 v22, v4;
	v8 =	vadd.f32 v8, v3  }
0x576: {  	v14 =	vtrunc.f32 v7;
	v11 =	vld [tilespmem:s18+$0xFFFFFC50];
	v13 =	vmul.f32 v24, v4;
	v9 =	vadd.f32 v9, v3  }
0x577: {  	v10 =	vld [tilespmem:s18+$0xFFFFFC40];
	v15 =	vmul.f32 v26, v4;
	v16 =	vadd.f32 v5, v3;
	v5 =	vtrunc.f32 v6  }
0x578: {  	v7 =	vld [tilespmem:s18+$0xFFFFFC30];
	v6 =	vmul.f32 v29, v4;
	v13 =	vadd.f32 v13, v3;
	v28 =	vcvt.f32.s32 v5  }
0x579: {  	v8 =	vtrunc.f32 v8;
	v30 =	vld [tilespmem:s18+$0xFFFFFC20];
	v5 =	vmul.f32 v25, v4;
	v15 =	vadd.f32 v15, v3  }
0x57a: {  	v27 =	vcvt.f32.s32 v14;
	v32 =	vld [tilespmem:s18+$0xFFFFFC10];
	v31 =	vadd.f32 v6, v3;
	v6 =	vtrunc.f32 v13  }
0x57b: {  	v9 =	vtrunc.f32 v9;
	v13 =	vld.idx.msk [tilespmem:v18+s16+$0x0], $0xffff;
	v33 =	vadd.f32 v5, v3;
	v34 =	vcvt.f32.s32 v6  }
0x57c: {  	v14 =	vtrunc.f32 v15;
	v15 =	vcvt.f32.s32 v8;
	v5 =	vld [tilespmem:s3+$0xFFFFFC30]  }
0x57d: {  	v35 =	vtrunc.f32 v16;
	v31 =	vtrunc.f32 v31;
	v6 =	vld [tilespmem:s3+$0xFFFFFC40]  }
0x57e: {  	v16 =	vcvt.f32.s32 v9;
	v36 =	vcvt.f32.s32 v14;
	v37 =	vld.idx.msk [tilespmem:v28+s16+$0x0], $0xffff  }
0x57f: {  	v39 =	vmul.f32 v12, v4;
	v38 =	vmul.f32 v32, v4;
	v8 =	vld [tilespmem:s3+$0x40]  }
0x580: {  	v14 =	vcvt.f32.s32 v35;
	v31 =	vcvt.f32.s32 v31;
	v9 =	vld [tilespmem:s3+$0x50]  }
0x581: {  	v39 =	vadd.f32 v39, v3;
	v35 =	vadd.f32 v38, v3;
	v38 =	vmul.f32 v30, v4;
	v40 =	vld.idx.msk [tilespmem:v34+s16+$0x0], $0xffff  }
0x582: {  	v41 =	vmul.f32 v10, v4;
	vm0 =	vlt.f32 v13, v23;
	v23 =	vmul.f32 v7, v4;
	v42 =	vld.idx.msk [tilespmem:v15+s16+$0x0], $0xffff  }
0x583: {  	v43 =	vmul.f32 v11, v4;
	v35 =	vtrunc.f32 v35;
	v38 =	vadd.f32 v38, v3;
	v13 =	vld [tilespmem:s3+$0x30]  }
0x584: {  	v44 =	vsel vm0, $0x1, v1;
	v45 =	vcvt.f32.s32 v35;
	v35 =	vtrunc.f32 v39;
	v39 =	vld.idx.msk [tilespmem:v36+s16+$0x0], $0xffff  }
0x585: {  	v41 =	vadd.f32 v41, v3;
	v23 =	vadd.f32 v23, v3;
	v38 =	vtrunc.f32 v38;
	v46 =	vld.idx.msk [tilespmem:v16+s16+$0x0], $0xffff  }
0x586: {  	v43 =	vadd.f32 v43, v3;
	v33 =	vtrunc.f32 v33;
	v44 =	vadd.s32 v18, v44;
	v47 =	vld.idx.msk [tilespmem:v31+s16+$0x0], $0xffff  }
0x587: {  	v48 =	vcvt.f32.s32 v33;
	vm1 =	vlt.f32 v37, v20;
	vm0 =	vlt.f32 v40, v24;
	v18 =	vld [tilespmem:s3+$0xFFFFFC20]  }
0x588: {  	v37 =	vcvt.f32.s32 v38;
	v40 =	vsel vm1, $0x1, v1;
	v20 =	vsel vm0, $0x1, v1;
	v38 =	vld.idx.msk [tilespmem:v14+s16+$0x0], $0xffff  }
0x589: {  	v33 =	vtrunc.f32 v43;
	v24 =	vtrunc.f32 v41;
	v20 =	vadd.s32 v34, v20;
	v34 =	vld.idx.msk [tilespmem:v27+s16+$0x0], $0xffff  }
0x58a: {  	v43 =	vtrunc.f32 v23;
	vm0 =	vlt.f32 v42, v21;
	v20 =	vshll.u32 v20, $0x7;
	v41 =	vld.idx.msk [tilespmem:v45+s16+$0x0], $0xffff  }
0x58b: {  	v21 =	vshll.u32 v44, $0x7;
	vm1 =	vlt.f32 v39, v26;
	v23 =	vor.u32 v2, v20;
	v42 =	vld [tilespmem:s3+$0xFFFFFC00]  }
0x58c: {  	v39 =	vor.u32 v2, v21;
	v20 =	vsel vm1, $0x1, v1;
	vm2 =	vlt.f32 v47, v29;
	v26 =	vld [tilespmem:s3+$0x70]  }
0x58d: {  	v21 =	vcvt.f32.s32 v35;
	v20 =	vadd.s32 v36, v20;
	v29 =	vsel vm2, $0x1, v1;
	v44 =	vld.idx.msk [tilespmem:v48+s16+$0x0], $0xffff  }
0x58e: {  	vm1 =	vlt.f32 v46, v19;
	v20 =	vshll.u32 v20, $0x7;
	v29 =	vadd.s32 v31, v29;
	v47 =	vld.idx.msk [tilespmem:v37+s16+$0x0], $0xffff  }
0x58f: {  	v20 =	vor.u32 v2, v20;
	v31 =	vsel vm1, $0x1, v1;
	v19 =	vshll.u32 v29, $0x7;
	v46 =	vld [tilespmem:s3+$0x0]  }
0x590: {  	v29 =	vcvt.f32.s32 v33;
	vm1 =	vlt.f32 v41, v32;
	v33 =	vor.u32 v2, v19;
	v41 =	vld [tilespmem:s3+$0x20]  }
0x591: {  	v32 =	vsel vm0, $0x1, v1;
	vm0 =	vlt.f32 v34, v17;
	v19 =	vld [tilespmem:s3+$0xFFFFFC60];
	v26 =	vand.u32 $0x7FFFFFFF, v26  }
0x592: {  	v24 =	vcvt.f32.s32 v24;
	v17 =	vsel vm1, $0x1, v1;
	v49 =	vsel vm0, $0x1, v1;
	v35 =	vld [tilespmem:s3+$0x10]  }
0x593: {  	v42 =	vand.u32 $0x7FFFFFFF, v42;
	v17 =	vadd.s32 v45, v17;
	vm1 =	vlt.f32 v44, v25;
	v36 =	vld.idx.msk [tilespmem:v21+s16+$0x0], $0xffff  }
.Ltmp11:
0x594: {  	vm0 =	vlt.f32 v38, v22;
	v17 =	vshll.u32 v17, $0x7;
	vm2 =	vlt.f32 v47, v30;
	v34 =	vld [tilespmem:s3+$0xFFFFFC10];
	(pc) =	sbr.rel @p1 .LBB2_21-.Ltmp11, $4  }
0x595: {  	v22 =	vcvt.f32.s32 v43;
	v25 =	vor.u32 v2, v17;
	v17 =	vsel vm1, $0x1, v1;
	[tilespmem:v39+s25+$0x0] =	vst.idx.add.f32.msk $0xffff, v42  }
0x596: {  	v40 =	vadd.s32 v28, v40;
	v38 =	vsel vm2, $0x1, v1;
	v39 =	vadd.s32 v48, v17;
	v30 =	vld.idx.msk [tilespmem:v29+s16+$0x0], $0xffff  }
0x597: {  	v17 =	vadd.s32 v37, v38;
	v28 =	vshll.u32 v39, $0x7;
	v39 =	vand.u32 $0x7FFFFFFF, v41;
	v38 =	vld [tilespmem:s3+$0xFFFFFC50]  }
0x598: {  	v27 =	vadd.s32 v27, v49;
	v41 =	vand.u32 $0x7FFFFFFF, v46;
	v28 =	vor.u32 v2, v28;
	v37 =	vld.idx.msk [tilespmem:v24+s16+$0x0], $0xffff  }
0x599: {  	_ =	sdelay $0x2  }
0x59a: {  	v17 =	vshll.u32 v17, $0x7;
	v16 =	vadd.s32 v16, v31;
	v27 =	vshll.u32 v27, $0x7  }
0x59b: {  	[tilespmem:v33+s25+$0x0] =	vst.idx.add.f32.msk $0xffff, v41;
	v31 =	vand.u32 $0x7FFFFFFF, v35;
	v15 =	vadd.s32 v15, v32;
	v53 =	vshll.u32 v40, $0x7  }
0x59c: {  	vm1 =	vlt.f32 v36, v12;
	v54 =	vld [tilespmem:s31+$0xFFFFFC70];
	v55 =	vand.u32 $0x7FFFFFFF, v34;
	v18 =	vand.u32 $0x7FFFFFFF, v18  }
0x59d: {  	[tilespmem:v23+s25+$0x0] =	vst.idx.add.f32.msk $0xffff, v39;
	v9 =	vand.u32 $0x7FFFFFFF, v9;
	v17 =	vor.u32 v2, v17;
	v12 =	vor.u32 v2, v53  }
0x59e: {  	v15 =	vshll.u32 v15, $0x7;
	[tilespmem:v20+s25+$0x0] =	vst.idx.add.f32.msk $0xffff, v31;
	vm2 =	vlt.f32 v30, v11;
	v11 =	vsel vm0, $0x1, v1  }
0x59f: {  	v20 =	vor.u32 v2, v27;
	v30 =	vsel vm2, $0x1, v1;
	v11 =	vadd.s32 v14, v11;
	v14 =	vld.idx.msk [tilespmem:v22+s16+$0x0], $0xffff  }
0x5a0: {  	v15 =	vor.u32 v2, v15;
	vm0 =	vlt.f32 v37, v10;
	v10 =	vadd.s32 v29, v30  }
0x5a1: {  	[tilespmem:v25+s25+$0x0] =	vst.idx.add.f32.msk $0xffff, v55;
	v16 =	vshll.u32 v16, $0x7;
	v29 =	vsel vm1, $0x1, v1;
	v10 =	vshll.u32 v10, $0x7  }
0x5a2: {  	v30 =	vld [tilespmem:s31+$0x60];
	v11 =	vshll.u32 v11, $0x7;
	v21 =	vadd.s32 v21, v29;
	v10 =	vor.u32 v2, v10  }
0x5a3: {  	v11 =	vor.u32 v2, v11;
	v21 =	vshll.u32 v21, $0x7;
	[tilespmem:v12+s25+$0x0] =	vst.idx.add.f32.msk $0xffff, v26;
	v12 =	vsel vm0, $0x1, v1  }
0x5a4: {  	[tilespmem:v17+s25+$0x0] =	vst.idx.add.f32.msk $0xffff, v18;
	v12 =	vadd.s32 v24, v12;
	v24 =	vand.u32 $0x7FFFFFFF, v54;
	vm0 =	vlt.f32 v14, v7  }
0x5a5: {  	[tilespmem:v15+s25+$0x0] =	vst.idx.add.f32.msk $0xffff, v9;
	v7 =	vor.u32 v2, v21;
	v12 =	vshll.u32 v12, $0x7;
	v14 =	vsel vm0, $0x1, v1  }
0x5a6: {  	v23 =	vand.u32 $0x7FFFFFFF, v38;
	[tilespmem:v28+s25+$0x0] =	vst.idx.add.f32.msk $0xffff, v24;
	v12 =	vor.u32 v2, v12;
	v14 =	vadd.s32 v22, v14  }
0x5a7: {  	v13 =	vand.u32 $0x7FFFFFFF, v13;
	[tilespmem:v10+s25+$0x0] =	vst.idx.add.f32.msk $0xffff, v23;
	v10 =	vor.u32 v2, v16;
	v14 =	vshll.u32 v14, $0x7  }
0x5a8: {  	[tilespmem:v11+s25+$0x0] =	vst.idx.add.f32.msk $0xffff, v13;
	v16 =	vand.u32 $0x7FFFFFFF, v30;
	v11 =	vor.u32 v2, v14  }
0x5a9: {  	v13 =	vand.u32 $0x7FFFFFFF, v19;
	[tilespmem:v20+s25+$0x0] =	vst.idx.add.f32.msk $0xffff, v16  }
0x5aa: {  	v6 =	vand.u32 $0x7FFFFFFF, v6;
	[tilespmem:v7+s25+$0x0] =	vst.idx.add.f32.msk $0xffff, v13  }
0x5ab: {  	v7 =	vand.u32 $0x7FFFFFFF, v8;
	[tilespmem:v12+s25+$0x0] =	vst.idx.add.f32.msk $0xffff, v6  }
0x5ac: {  	v5 =	vand.u32 $0x7FFFFFFF, v5;
	[tilespmem:v10+s25+$0x0] =	vst.idx.add.f32.msk $0xffff, v7  }
0x5ad: {  	[tilespmem:v11+s25+$0x0] =	vst.idx.add.f32.msk $0xffff, v5  }
0x5ae: {  	v12 =	vld [tilespmem:s4+$0xFFFFFC00]  }
0x5af: {  	v15 =	vld [tilespmem:s4+$0x70]  }
0x5b0: {  	v16 =	vld [tilespmem:s4+$0x60]  }
0x5b1: {  	v17 =	vld [tilespmem:s4+$0x50]  }
0x5b2: {  	v18 =	vld [tilespmem:s4+$0x40]  }
0x5b3: {  	v21 =	vld [tilespmem:s4+$0x30]  }
0x5b4: {  	v24 =	vld [tilespmem:s4+$0x10]  }
0x5b5: {  	v11 =	vld [tilespmem:s4+$0xFFFFFC70]  }
0x5b6: {  	v10 =	vld [tilespmem:s4+$0xFFFFFC60]  }
0x5b7: {  	v31 =	vld [tilespmem:s4+$0xFFFFFC50]  }
0x5b8: {  	v33 =	vld [tilespmem:s4+$0xFFFFFC30];
	v5 =	vmul.f32 v12, v4  }
0x5b9: {  	v35 =	vld [tilespmem:s4+$0xFFFFFC20];
	v6 =	vmul.f32 v15, v4;
	v7 =	vmul.f32 v16, v4  }
0x5ba: {  	v8 =	vmul.f32 v17, v4;
	v9 =	vmul.f32 v18, v4  }
0x5bb: {  	v13 =	vmul.f32 v21, v4;
	v20 =	vmul.f32 v24, v4  }
0x5bc: {  	v27 =	vmul.f32 v11, v4;
	v30 =	vmul.f32 v10, v4  }
0x5bd: {  	v56 =	vmul.f32 v31, v4;
	v59 =	vmul.f32 v33, v4;
	v5 =	vadd.f32 v5, v3  }
0x5be: {  	v42 =	vmul.f32 v35, v4;
	v6 =	vadd.f32 v6, v3;
	v8 =	vadd.f32 v8, v3  }
0x5bf: {  	v7 =	vadd.f32 v7, v3;
	v9 =	vadd.f32 v9, v3;
	v5 =	vtrunc.f32 v5  }
0x5c0: {  	v22 =	vld [tilespmem:s4+$0x20];
	v26 =	vadd.f32 v13, v3;
	v14 =	vtrunc.f32 v6;
	v8 =	vtrunc.f32 v8  }
0x5c1: {  	v25 =	vld [tilespmem:s4+$0x0];
	v32 =	vadd.f32 v56, v3;
	v7 =	vtrunc.f32 v7;
	v9 =	vtrunc.f32 v9  }
0x5c2: {  	v29 =	vld [tilespmem:s4+$0xFFFFFC10];
	v20 =	vadd.f32 v20, v3;
	v26 =	vtrunc.f32 v26;
	v19 =	vcvt.f32.s32 v5  }
0x5c3: {  	v48 =	vld [tilespmem:s0+$0x10];
	v32 =	vtrunc.f32 v32;
	v23 =	vcvt.f32.s32 v14  }
0x5c4: {  	v55 =	vld [tilespmem:s0+$0xFFFFFC00];
	v20 =	vtrunc.f32 v20;
	v58 =	vcvt.f32.s32 v8  }
0x5c5: {  	v37 =	vld [tilespmem:s0+$0xFFFFFC20];
	v5 =	vmul.f32 v22, v4;
	v60 =	vcvt.f32.s32 v9  }
0x5c6: {  	v27 =	vadd.f32 v27, v3;
	v6 =	vld [tilespmem:s4+$0xFFFFFC40];
	v14 =	vmul.f32 v25, v4;
	v13 =	vcvt.f32.s32 v7  }
0x5c7: {  	v7 =	vld [tilespmem:s0+$0xFFFFFC60];
	v9 =	vmul.f32 v29, v4;
	v40 =	vcvt.f32.s32 v26;
	v26 =	vadd.f32 v59, v3  }
0x5c8: {  	v27 =	vtrunc.f32 v27;
	v28 =	vadd.f32 v5, v3;
	v14 =	vadd.f32 v14, v3;
	v57 =	vld.idx.msk [tilespmem:v19+s16+$0x0], $0xffff  }
0x5c9: {  	v63 =	vcvt.f32.s32 v20;
	v62 =	vadd.f32 v9, v3;
	v26 =	vtrunc.f32 v26;
	v39 =	vld.idx.msk [tilespmem:v23+s16+$0x0], $0xffff  }
0x5ca: {  	v28 =	vtrunc.f32 v28;
	v14 =	vtrunc.f32 v14;
	v43 =	vld.idx.msk [tilespmem:v58+s16+$0x0], $0xffff  }
0x5cb: {  	v50 =	vadd.f32 v42, v3;
	v20 =	vtrunc.f32 v62;
	v28 =	vcvt.f32.s32 v28;
	v45 =	vld.idx.msk [tilespmem:v60+s16+$0x0], $0xffff  }
0x5cc: {  	v52 =	vmul.f32 v6, v4;
	v44 =	vcvt.f32.s32 v20;
	v61 =	vld.idx.msk [tilespmem:v13+s16+$0x0], $0xffff  }
0x5cd: {  	v30 =	vadd.f32 v30, v3;
	v14 =	vcvt.f32.s32 v14;
	v20 =	vtrunc.f32 v50;
	v46 =	vld.idx.msk [tilespmem:v40+s16+$0x0], $0xffff  }
0x5ce: {  	v8 =	vld [tilespmem:s0+$0x0];
	v47 =	vcvt.f32.s32 v20;
	v20 =	vcvt.f32.s32 v26;
	v26 =	vadd.f32 v52, v3  }
0x5cf: {  	v5 =	vld [tilespmem:s0+$0xFFFFFC40];
	vm0 =	vlt.f32 v57, v12;
	vm1 =	vlt.f32 v43, v17;
	v17 =	vcvt.f32.s32 v27  }
0x5d0: {  	v9 =	vld [tilespmem:s0+$0x30];
	vm2 =	vlt.f32 v45, v18;
	v51 =	vsel vm0, $0x1, v1;
	vm0 =	vlt.f32 v39, v15  }
0x5d1: {  	v15 =	vadd.s32 v19, v51;
	v19 =	vtrunc.f32 v30;
	v30 =	vld.idx.msk [tilespmem:v28+s16+$0x0], $0xffff;
	v39 =	vsel vm0, $0x1, v1  }
0x5d2: {  	v27 =	vld [tilespmem:s0+$0x50];
	vm0 =	vlt.f32 v61, v16;
	v16 =	vsel vm1, $0x1, v1;
	vm1 =	vlt.f32 v46, v21  }
0x5d3: {  	v53 =	vld.idx.msk [tilespmem:v63+s16+$0x0], $0xffff;
	v21 =	vsel vm2, $0x1, v1;
	v42 =	vshll.u32 v15, $0x7;
	v15 =	vcvt.f32.s32 v19  }
0x5d4: {  	v54 =	vld.idx.msk [tilespmem:v44+s16+$0x0], $0xffff;
	v19 =	vcvt.f32.s32 v32;
	v18 =	vadd.s32 v58, v16;
	v39 =	vadd.s32 v23, v39  }
0x5d5: {  	v12 =	vld [tilespmem:s0+$0x60];
	v16 =	vand.u32 $0x7FFFFFFF, v48;
	v21 =	vadd.s32 v60, v21;
	v23 =	vor.u32 v2, v42  }
0x5d6: {  	v56 =	vld.idx.msk [tilespmem:v14+s16+$0x0], $0xffff;
	v58 =	vshll.u32 v39, $0x7;
	v60 =	vshll.u32 v21, $0x7;
	vm2 =	vlt.f32 v30, v22  }
0x5d7: {  	v62 =	vld.idx.msk [tilespmem:v20+s16+$0x0], $0xffff;
	v21 =	vshll.u32 v18, $0x7;
	v61 =	vand.u32 $0x7FFFFFFF, v27;
	v57 =	vsel vm2, $0x1, v1  }
0x5d8: {  	v22 =	vld.idx.msk [tilespmem:v47+s16+$0x0], $0xffff;
	v30 =	vtrunc.f32 v26;
	vm2 =	vlt.f32 v53, v24;
	v24 =	vadd.s32 v28, v57  }
0x5d9: {  	v32 =	vld [tilespmem:s0+$0xFFFFFC10];
	v28 =	vsel vm2, $0x1, v1;
	vm2 =	vlt.f32 v54, v29;
	v29 =	vand.u32 $0x7FFFFFFF, v55  }
0x5da: {  	v59 =	vld.idx.msk [tilespmem:v19+s16+$0x0], $0xffff;
	v63 =	vadd.s32 v63, v28;
	v28 =	vsel vm2, $0x1, v1;
	v27 =	vshll.u32 v24, $0x7  }
0x5db: {  	v18 =	vld [tilespmem:s0+$0xFFFFFC30];
	v24 =	vor.u32 v2, v21;
	vm2 =	vlt.f32 v56, v25;
	v21 =	vadd.s32 v44, v28  }
0x5dc: {  	v34 =	vld.idx.msk [tilespmem:v17+s16+$0x0], $0xffff;
	v28 =	vsel vm2, $0x1, v1;
	v25 =	vshll.u32 v21, $0x7;
	v21 =	vcvt.f32.s32 v30  }
0x5dd: {  	v26 =	vld.idx.msk [tilespmem:v15+s16+$0x0], $0xffff;
	v39 =	vshll.u32 v63, $0x7;
	vm2 =	vlt.f32 v22, v35;
	v22 =	vsel vm1, $0x1, v1  }
0x5de: {  	v30 =	vor.u32 v2, v25;
	v25 =	vld [tilespmem:s0+$0x70];
	v35 =	vsel vm2, $0x1, v1;
	v36 =	vadd.s32 v40, v22  }
0x5df: {  	v22 =	vor.u32 v2, v58;
	vm1 =	vlt.f32 v59, v31;
	v31 =	vld [tilespmem:s0+$0x40];
	v35 =	vadd.s32 v47, v35  }
0x5e0: {  	s19 =	simm.s32 $0x0;
	v40 =	vsel vm0, $0x1, v1;
	v38 =	vsel vm1, $0x1, v1;
	[tilespmem:v24+s25+$0x0] =	vst.idx.add.f32.msk $0xffff, v61;
	v24 =	vshll.u32 v35, $0x7  }
0x5e1: {  	s3 =	simm.s32 $0xC580;
	s18 =	simm.s32 $0x4580;
	s31 =	simm.s32 $0xC500;
	vm1 =	vlt.f32 v62, v33;
	v33 =	vor.u32 v2, v60;
	v35 =	vor.u32 v2, v24;
	v24 =	vld [tilespmem:s0+$0xFFFFFC50]  }
.LBB2_23:
0x5e2: {  	s19 =	sadd.s32 $0x100, s19;
	v41 =	vsel vm1, $0x1, v1;
	v42 =	vld.idx.msk [tilespmem:v21+s16+$0x0], $0xffff;
	vm0 =	vlt.f32 v34, v11;
	v11 =	vadd.s32 v13, v40;
	s0 =	sadd.s32 $0x800, s0;
	s4 =	sadd.s32 $0x800, s4  }
0x5e3: {  	vm1 =	vlt.f32 v26, v10;
	p1 =	slt.u32 s19, $0x700;
	v13 =	vadd.s32 v20, v41;
	v10 =	vld [tilespmem:s31+$0x20];
	v20 =	vshll.u32 v36, $0x7  }
0x5e4: {  	v26 =	vand.u32 $0x7FFFFFFF, v32;
	v19 =	vadd.s32 v19, v38;
	v34 =	vsel vm0, $0x1, v1;
	v32 =	vld [tilespmem:s31+$0xFFFFFC70];
	s31 =	smov.u32 s0  }
0x5e5: {  	v36 =	vor.u32 v2, v39;
	[tilespmem:v23+s25+$0x0] =	vst.idx.add.f32.msk $0xffff, v29;
	v23 =	vand.u32 $0x7FFFFFFF, v37;
	v29 =	vsel vm1, $0x1, v1  }
0x5e6: {  	v19 =	vshll.u32 v19, $0x7;
	v17 =	vadd.s32 v17, v34;
	[tilespmem:v35+s25+$0x0] =	vst.idx.add.f32.msk $0xffff, v23;
	v23 =	vor.u32 v2, v27  }
0x5e7: {  	v13 =	vshll.u32 v13, $0x7;
	v17 =	vshll.u32 v17, $0x7;
	[tilespmem:v30+s25+$0x0] =	vst.idx.add.f32.msk $0xffff, v26;
	v26 =	vadd.s32 v14, v28  }
0x5e8: {  	v15 =	vadd.s32 v15, v29;
	v17 =	vor.u32 v2, v17;
	v27 =	vand.u32 $0x7FFFFFFF, v31;
	v14 =	vld [tilespmem:s4+$0xFFFFFC00]  }
0x5e9: {  	v19 =	vor.u32 v2, v19;
	v28 =	vshll.u32 v15, $0x7;
	v29 =	vand.u32 $0x7FFFFFFF, v32;
	[tilespmem:v33+s25+$0x0] =	vst.idx.add.f32.msk $0xffff, v27  }
0x5ea: {  	v25 =	vand.u32 $0x7FFFFFFF, v25;
	v13 =	vor.u32 v2, v13;
	v27 =	vor.u32 v2, v28;
	v15 =	vld [tilespmem:s4+$0x70]  }
0x5eb: {  	v11 =	vshll.u32 v11, $0x7;
	v26 =	vshll.u32 v26, $0x7;
	v10 =	vand.u32 $0x7FFFFFFF, v10;
	[tilespmem:v36+s25+$0x0] =	vst.idx.add.f32.msk $0xffff, v16  }
0x5ec: {  	vm0 =	vlt.f32 v42, v6;
	v6 =	vand.u32 $0x7FFFFFFF, v24;
	v16 =	vor.u32 v2, v26;
	[tilespmem:v23+s25+$0x0] =	vst.idx.add.f32.msk $0xffff, v10  }
0x5ed: {  	v11 =	vor.u32 v2, v11;
	v10 =	vsel vm0, $0x1, v1;
	[tilespmem:v17+s25+$0x0] =	vst.idx.add.f32.msk $0xffff, v29;
	v17 =	vor.u32 v2, v20  }
0x5ee: {  	v18 =	vand.u32 $0x7FFFFFFF, v18;
	v10 =	vadd.s32 v21, v10;
	[tilespmem:v19+s25+$0x0] =	vst.idx.add.f32.msk $0xffff, v6  }
0x5ef: {  	v7 =	vand.u32 $0x7FFFFFFF, v7;
	v6 =	vshll.u32 v10, $0x7;
	[tilespmem:v13+s25+$0x0] =	vst.idx.add.f32.msk $0xffff, v18  }
0x5f0: {  	v6 =	vor.u32 v2, v6;
	[tilespmem:v27+s25+$0x0] =	vst.idx.add.f32.msk $0xffff, v7;
	v7 =	vand.u32 $0x7FFFFFFF, v12  }
0x5f1: {  	v9 =	vand.u32 $0x7FFFFFFF, v9;
	[tilespmem:v22+s25+$0x0] =	vst.idx.add.f32.msk $0xffff, v25  }
0x5f2: {  	v8 =	vand.u32 $0x7FFFFFFF, v8;
	[tilespmem:v17+s25+$0x0] =	vst.idx.add.f32.msk $0xffff, v9  }
0x5f3: {  	v5 =	vand.u32 $0x7FFFFFFF, v5;
	[tilespmem:v16+s25+$0x0] =	vst.idx.add.f32.msk $0xffff, v8  }
0x5f4: {  	[tilespmem:v11+s25+$0x0] =	vst.idx.add.f32.msk $0xffff, v7  }
0x5f5: {  	[tilespmem:v6+s25+$0x0] =	vst.idx.add.f32.msk $0xffff, v5  }
0x5f6: {  	v16 =	vld [tilespmem:s4+$0x60]  }
0x5f7: {  	v17 =	vld [tilespmem:s4+$0x50]  }
0x5f8: {  	v23 =	vld [tilespmem:s4+$0x40]  }
0x5f9: {  	v5 =	vmul.f32 v14, v4;
	v27 =	vld [tilespmem:s4+$0x30]  }
0x5fa: {  	v6 =	vmul.f32 v15, v4;
	v26 =	vld [tilespmem:s4+$0x20]  }
0x5fb: {  	v5 =	vadd.f32 v5, v3;
	v18 =	vld [tilespmem:s4+$0x10];
	v7 =	vmul.f32 v16, v4  }
0x5fc: {  	v6 =	vadd.f32 v6, v3;
	v21 =	vld [tilespmem:s4+$0x0];
	v8 =	vmul.f32 v17, v4  }
0x5fd: {  	v5 =	vtrunc.f32 v5;
	v11 =	vld [tilespmem:s4+$0xFFFFFC70];
	v9 =	vmul.f32 v23, v4;
	v7 =	vadd.f32 v7, v3  }
0x5fe: {  	v13 =	vtrunc.f32 v6;
	v10 =	vld [tilespmem:s4+$0xFFFFFC60];
	v12 =	vmul.f32 v27, v4;
	v8 =	vadd.f32 v8, v3  }
0x5ff: {  	v19 =	vcvt.f32.s32 v5;
	v22 =	vld [tilespmem:s4+$0xFFFFFC50];
	v5 =	vmul.f32 v26, v4;
	v9 =	vadd.f32 v9, v3  }
0x600: {  	v28 =	vcvt.f32.s32 v13;
	v6 =	vld [tilespmem:s4+$0xFFFFFC40];
	v20 =	vmul.f32 v18, v4;
	v12 =	vadd.f32 v12, v3  }
0x601: {  	v8 =	vtrunc.f32 v8;
	v24 =	vld [tilespmem:s4+$0xFFFFFC30];
	v13 =	vmul.f32 v21, v4;
	v29 =	vadd.f32 v5, v3  }
0x602: {  	v5 =	vtrunc.f32 v7;
	v25 =	vld [tilespmem:s4+$0xFFFFFC20];
	v30 =	vmul.f32 v11, v4;
	v20 =	vadd.f32 v20, v3  }
0x603: {  	v31 =	vld [tilespmem:s4+$0xFFFFFC10];
	v7 =	vmul.f32 v10, v4;
	v32 =	vadd.f32 v13, v3;
	v13 =	vcvt.f32.s32 v5  }
0x604: {  	v9 =	vtrunc.f32 v9;
	v5 =	vld [tilespmem:s0+$0xFFFFFC40];
	v33 =	vmul.f32 v22, v4;
	v30 =	vadd.f32 v30, v3  }
0x605: {  	v36 =	vcvt.f32.s32 v8;
	v29 =	vtrunc.f32 v29;
	v34 =	vld.idx.msk [tilespmem:v19+s16+$0x0], $0xffff;
	v35 =	vadd.f32 v7, v3  }
0x606: {  	v12 =	vtrunc.f32 v12;
	v32 =	vtrunc.f32 v32;
	v33 =	vadd.f32 v33, v3;
	v7 =	vld [tilespmem:s0+$0xFFFFFC60]  }
0x607: {  	v38 =	vcvt.f32.s32 v9;
	v37 =	vmul.f32 v24, v4;
	v39 =	vld.idx.msk [tilespmem:v28+s16+$0x0], $0xffff  }
0x608: {  	v40 =	vcvt.f32.s32 v12;
	v9 =	vmul.f32 v31, v4;
	v8 =	vld [tilespmem:s0+$0x0]  }
0x609: {  	v29 =	vcvt.f32.s32 v29;
	v12 =	vadd.f32 v37, v3;
	v33 =	vtrunc.f32 v33;
	v37 =	vld.idx.msk [tilespmem:v13+s16+$0x0], $0xffff  }
0x60a: {  	v20 =	vtrunc.f32 v20;
	v42 =	vmul.f32 v25, v4;
	v41 =	vadd.f32 v9, v3;
	v9 =	vld [tilespmem:s0+$0x30]  }
0x60b: {  	v43 =	vcvt.f32.s32 v20;
	vm0 =	vlt.f32 v34, v14;
	v34 =	vtrunc.f32 v12;
	v44 =	vld.idx.msk [tilespmem:v36+s16+$0x0], $0xffff  }
0x60c: {  	v30 =	vtrunc.f32 v30;
	v20 =	vadd.f32 v42, v3;
	v14 =	vtrunc.f32 v41;
	v12 =	vld [tilespmem:s0+$0x60]  }
0x60d: {  	v41 =	vsel vm0, $0x1, v1;
	v42 =	vcvt.f32.s32 v14;
	v14 =	vcvt.f32.s32 v32;
	v32 =	vld.idx.msk [tilespmem:v38+s16+$0x0], $0xffff  }
0x60e: {  	v45 =	vmul.f32 v6, v4;
	v20 =	vtrunc.f32 v20;
	vm0 =	vlt.f32 v39, v15;
	v46 =	vld.idx.msk [tilespmem:v40+s16+$0x0], $0xffff  }
0x60f: {  	v15 =	vadd.s32 v19, v41;
	v19 =	vtrunc.f32 v35;
	v39 =	vsel vm0, $0x1, v1;
	v35 =	vld.idx.msk [tilespmem:v29+s16+$0x0], $0xffff  }
0x610: {  	v47 =	vcvt.f32.s32 v20;
	v41 =	vshll.u32 v15, $0x7;
	vm0 =	vlt.f32 v37, v16;
	v48 =	vld [tilespmem:s0+$0x10]  }
0x611: {  	v20 =	vcvt.f32.s32 v34;
	v15 =	vcvt.f32.s32 v19;
	vm1 =	vlt.f32 v44, v17;
	v34 =	vld.idx.msk [tilespmem:v43+s16+$0x0], $0xffff  }
0x612: {  	v19 =	vcvt.f32.s32 v33;
	v17 =	vcvt.f32.s32 v30;
	v16 =	vsel vm1, $0x1, v1;
	v30 =	vld [tilespmem:s0+$0x50]  }
0x613: {  	v37 =	vadd.f32 v45, v3;
	vm2 =	vlt.f32 v32, v23;
	v32 =	vadd.s32 v36, v16;
	v33 =	vld.idx.msk [tilespmem:v42+s16+$0x0], $0xffff  }
0x614: {  	v28 =	vadd.s32 v28, v39;
	vm1 =	vlt.f32 v46, v27;
	v27 =	vsel vm2, $0x1, v1;
	v36 =	vld [tilespmem:s0+$0xFFFFFC00]  }
0x615: {  	v23 =	vor.u32 v2, v41;
	vm2 =	vlt.f32 v35, v26;
	v39 =	vld.idx.msk [tilespmem:v14+s16+$0x0], $0xffff;
	v16 =	vand.u32 $0x7FFFFFFF, v48  }
0x616: {  	v37 =	vtrunc.f32 v37;
	v27 =	vadd.s32 v38, v27;
	v41 =	vsel vm2, $0x1, v1;
	v35 =	vld.idx.msk [tilespmem:v47+s16+$0x0], $0xffff  }
0x617: {  	vm2 =	vlt.f32 v34, v18;
	v29 =	vadd.s32 v29, v41;
	v41 =	vshll.u32 v28, $0x7;
	v26 =	vld.idx.msk [tilespmem:v15+s16+$0x0], $0xffff  }
0x618: {  	v44 =	vshll.u32 v27, $0x7;
	v18 =	vsel vm2, $0x1, v1;
	v45 =	vand.u32 $0x7FFFFFFF, v30;
	v38 =	vld.idx.msk [tilespmem:v19+s16+$0x0], $0xffff  }
0x619: {  	v28 =	vshll.u32 v32, $0x7;
	vm2 =	vlt.f32 v33, v31;
	v43 =	vadd.s32 v43, v18;
	v33 =	vld.idx.msk [tilespmem:v20+s16+$0x0], $0xffff  }
0x61a: {  	v27 =	vshll.u32 v29, $0x7;
	v46 =	vor.u32 v2, v28;
	v30 =	vsel vm2, $0x1, v1;
	v18 =	vld [tilespmem:s0+$0xFFFFFC30]  }
0x61b: {  	v29 =	vand.u32 $0x7FFFFFFF, v36;
	v28 =	vadd.s32 v42, v30;
	vm2 =	vlt.f32 v39, v21;
	v32 =	vld [tilespmem:s0+$0xFFFFFC10]  }
0x61c: {  	v21 =	vcvt.f32.s32 v37;
	v30 =	vshll.u32 v28, $0x7;
	v28 =	vsel vm2, $0x1, v1;
	v34 =	vld.idx.msk [tilespmem:v17+s16+$0x0], $0xffff  }
.Ltmp12:
0x61d: {  	v31 =	vsel vm1, $0x1, v1;
	vm2 =	vlt.f32 v35, v25;
	v30 =	vor.u32 v2, v30;
	v25 =	vld [tilespmem:s0+$0x70];
	(pc) =	sbr.rel @p1 .LBB2_23-.Ltmp12, $4  }
0x61e: {  	v36 =	vadd.s32 v40, v31;
	v35 =	vsel vm2, $0x1, v1;
	vm1 =	vlt.f32 v38, v22;
	v31 =	vld [tilespmem:s0+$0x40]  }
0x61f: {  	v35 =	vadd.s32 v47, v35;
	v22 =	vor.u32 v2, v41;
	v38 =	vsel vm1, $0x1, v1;
	[tilespmem:v46+s25+$0x0] =	vst.idx.add.f32.msk $0xffff, v45  }
0x620: {  	v40 =	vsel vm0, $0x1, v1;
	v35 =	vshll.u32 v35, $0x7;
	vm1 =	vlt.f32 v33, v24;
	v37 =	vld [tilespmem:s0+$0xFFFFFC20]  }
0x621: {  	v39 =	vshll.u32 v43, $0x7;
	v33 =	vor.u32 v2, v44;
	v35 =	vor.u32 v2, v35;
	v24 =	vld [tilespmem:s0+$0xFFFFFC50]  }
0x622: {  	_ =	sdelay $0x2  }
0x623: {  	v41 =	vsel vm1, $0x1, v1;
	vm0 =	vlt.f32 v34, v11;
	v11 =	vadd.s32 v13, v40  }
0x624: {  	v13 =	vld.idx.msk [tilespmem:v21+s16+$0x0], $0xffff;
	vm1 =	vlt.f32 v26, v10;
	v32 =	vand.u32 $0x7FFFFFFF, v32;
	v19 =	vadd.s32 v19, v38  }
0x625: {  	v26 =	vld [tilespmem:s31+$0x20];
	v56 =	vor.u32 v2, v39;
	v27 =	vor.u32 v2, v27;
	v14 =	vadd.s32 v14, v28  }
0x626: {  	[tilespmem:v23+s25+$0x0] =	vst.idx.add.f32.msk $0xffff, v29;
	v20 =	vadd.s32 v20, v41;
	v34 =	vsel vm0, $0x1, v1;
	v23 =	vsel vm1, $0x1, v1  }
0x627: {  	v55 =	vld [tilespmem:s31+$0xFFFFFC70];
	v19 =	vshll.u32 v19, $0x7;
	v14 =	vshll.u32 v14, $0x7;
	v17 =	vadd.s32 v17, v34  }
0x628: {  	[tilespmem:v30+s25+$0x0] =	vst.idx.add.f32.msk $0xffff, v32;
	v15 =	vadd.s32 v15, v23;
	v23 =	vand.u32 $0x7FFFFFFF, v31;
	v19 =	vor.u32 v2, v19  }
0x629: {  	v20 =	vshll.u32 v20, $0x7;
	v14 =	vor.u32 v2, v14;
	v37 =	vand.u32 $0x7FFFFFFF, v37;
	[tilespmem:v33+s25+$0x0] =	vst.idx.add.f32.msk $0xffff, v23  }
0x62a: {  	v10 =	vshll.u32 v36, $0x7;
	v17 =	vshll.u32 v17, $0x7;
	v20 =	vor.u32 v2, v20;
	[tilespmem:v35+s25+$0x0] =	vst.idx.add.f32.msk $0xffff, v37  }
0x62b: {  	v15 =	vshll.u32 v15, $0x7;
	v17 =	vor.u32 v2, v17;
	[tilespmem:v56+s25+$0x0] =	vst.idx.add.f32.msk $0xffff, v16;
	v16 =	vand.u32 $0x7FFFFFFF, v26  }
0x62c: {  	v15 =	vor.u32 v2, v15;
	vm0 =	vlt.f32 v13, v6;
	v6 =	vand.u32 $0x7FFFFFFF, v24;
	[tilespmem:v27+s25+$0x0] =	vst.idx.add.f32.msk $0xffff, v16  }
0x62d: {  	v8 =	vand.u32 $0x7FFFFFFF, v8;
	v11 =	vshll.u32 v11, $0x7;
	v13 =	vsel vm0, $0x1, v1;
	[tilespmem:v19+s25+$0x0] =	vst.idx.add.f32.msk $0xffff, v6  }
0x62e: {  	v10 =	vor.u32 v2, v10;
	v16 =	vand.u32 $0x7FFFFFFF, v18;
	v13 =	vadd.s32 v21, v13;
	[tilespmem:v14+s25+$0x0] =	vst.idx.add.f32.msk $0xffff, v8  }
0x62f: {  	v23 =	vand.u32 $0x7FFFFFFF, v55;
	v6 =	vor.u32 v2, v11;
	[tilespmem:v20+s25+$0x0] =	vst.idx.add.f32.msk $0xffff, v16;
	v11 =	vshll.u32 v13, $0x7  }
0x630: {  	v7 =	vand.u32 $0x7FFFFFFF, v7;
	[tilespmem:v17+s25+$0x0] =	vst.idx.add.f32.msk $0xffff, v23;
	v11 =	vor.u32 v2, v11  }
0x631: {  	v13 =	vand.u32 $0x7FFFFFFF, v25;
	[tilespmem:v15+s25+$0x0] =	vst.idx.add.f32.msk $0xffff, v7  }
0x632: {  	v7 =	vand.u32 $0x7FFFFFFF, v9;
	[tilespmem:v22+s25+$0x0] =	vst.idx.add.f32.msk $0xffff, v13  }
0x633: {  	[tilespmem:v10+s25+$0x0] =	vst.idx.add.f32.msk $0xffff, v7;
	v7 =	vand.u32 $0x7FFFFFFF, v12  }
0x634: {  	v5 =	vand.u32 $0x7FFFFFFF, v5;
	[tilespmem:v6+s25+$0x0] =	vst.idx.add.f32.msk $0xffff, v7  }
0x635: {  	[tilespmem:v11+s25+$0x0] =	vst.idx.add.f32.msk $0xffff, v5  }
0x636: {  	v13 =	vld [tilespmem:s18+$0xFFFFFC00]  }
0x637: {  	v22 =	vld [tilespmem:s18+$0x60]  }
0x638: {  	v19 =	vld [tilespmem:s18+$0x70]  }
0x639: {  	v20 =	vld [tilespmem:s18+$0x50]  }
0x63a: {  	v24 =	vld [tilespmem:s18+$0x40]  }
0x63b: {  	v21 =	vld [tilespmem:s18+$0x20]  }
0x63c: {  	v23 =	vld [tilespmem:s18+$0x10]  }
0x63d: {  	v25 =	vld [tilespmem:s18+$0x0]  }
0x63e: {  	v27 =	vld [tilespmem:s18+$0xFFFFFC70]  }
0x63f: {  	v12 =	vld [tilespmem:s18+$0xFFFFFC60]  }
0x640: {  	v32 =	vld [tilespmem:s18+$0xFFFFFC10];
	v5 =	vmul.f32 v13, v4  }
0x641: {  	v30 =	vld [tilespmem:s18+$0xFFFFFC20];
	v6 =	vmul.f32 v22, v4;
	v7 =	vmul.f32 v19, v4  }
0x642: {  	v10 =	vld [tilespmem:s18+$0xFFFFFC40];
	v8 =	vmul.f32 v20, v4;
	v9 =	vmul.f32 v24, v4  }
0x643: {  	v14 =	vmul.f32 v21, v4;
	v15 =	vmul.f32 v23, v4  }
0x644: {  	v26 =	vmul.f32 v25, v4;
	v29 =	vmul.f32 v27, v4  }
0x645: {  	v59 =	vmul.f32 v32, v4;
	v60 =	vmul.f32 v12, v4  }
0x646: {  	v62 =	vmul.f32 v30, v4;
	v5 =	vadd.f32 v5, v3;
	v6 =	vadd.f32 v6, v3  }
0x647: {  	v17 =	vld [tilespmem:s18+$0x30];
	v52 =	vmul.f32 v10, v4;
	v7 =	vadd.f32 v7, v3;
	v8 =	vadd.f32 v8, v3  }
0x648: {  	v9 =	vadd.f32 v9, v3;
	v15 =	vadd.f32 v15, v3;
	v5 =	vtrunc.f32 v5  }
0x649: {  	v61 =	vadd.f32 v59, v3;
	v6 =	vtrunc.f32 v6;
	v16 =	vtrunc.f32 v7  }
0x64a: {  	v11 =	vld [tilespmem:s18+$0xFFFFFC50];
	v8 =	vtrunc.f32 v8;
	v9 =	vtrunc.f32 v9  }
0x64b: {  	v36 =	vadd.f32 v62, v3;
	v62 =	vld [tilespmem:s3+$0x20];
	v57 =	vtrunc.f32 v15;
	v34 =	vtrunc.f32 v61  }
0x64c: {  	v14 =	vadd.f32 v14, v3;
	v7 =	vld [tilespmem:s18+$0xFFFFFC30];
	v18 =	vcvt.f32.s32 v5;
	v5 =	vmul.f32 v17, v4  }
0x64d: {  	v61 =	vld [tilespmem:s3+$0x0];
	v28 =	vcvt.f32.s32 v16;
	v42 =	vcvt.f32.s32 v6  }
0x64e: {  	v6 =	vld [tilespmem:s3+$0xFFFFFC40];
	v16 =	vadd.f32 v5, v3;
	v5 =	vtrunc.f32 v14;
	v14 =	vadd.f32 v26, v3  }
0x64f: {  	v15 =	vcvt.f32.s32 v8;
	v33 =	vcvt.f32.s32 v57;
	v8 =	vld [tilespmem:s3+$0x40]  }
0x650: {  	v31 =	vcvt.f32.s32 v5;
	v5 =	vld [tilespmem:s3+$0xFFFFFC30];
	v14 =	vtrunc.f32 v14  }
0x651: {  	v37 =	vadd.f32 v60, v3;
	v58 =	vtrunc.f32 v16;
	v16 =	vcvt.f32.s32 v9;
	v9 =	vld [tilespmem:s3+$0x50]  }
0x652: {  	v43 =	vmul.f32 v11, v4;
	v38 =	vcvt.f32.s32 v14;
	v26 =	vld.idx.msk [tilespmem:v18+s16+$0x0], $0xffff  }
0x653: {  	v29 =	vadd.f32 v29, v3;
	v37 =	vtrunc.f32 v37;
	v36 =	vtrunc.f32 v36;
	v35 =	vld.idx.msk [tilespmem:v28+s16+$0x0], $0xffff  }
0x654: {  	v43 =	vadd.f32 v43, v3;
	v39 =	vcvt.f32.s32 v36;
	v14 =	vcvt.f32.s32 v58;
	v58 =	vld [tilespmem:s3+$0xFFFFFC00]  }
0x655: {  	v40 =	vadd.f32 v52, v3;
	v29 =	vtrunc.f32 v29;
	v34 =	vcvt.f32.s32 v34;
	v45 =	vld.idx.msk [tilespmem:v33+s16+$0x0], $0xffff  }
0x656: {  	v48 =	vcvt.f32.s32 v29;
	v29 =	vtrunc.f32 v43;
	v63 =	vld.idx.msk [tilespmem:v31+s16+$0x0], $0xffff  }
0x657: {  	v54 =	vtrunc.f32 v40;
	v29 =	vcvt.f32.s32 v29;
	v53 =	vld.idx.msk [tilespmem:v15+s16+$0x0], $0xffff  }
0x658: {  	vm0 =	vlt.f32 v26, v13;
	v26 =	vmul.f32 v7, v4;
	v47 =	vld.idx.msk [tilespmem:v38+s16+$0x0], $0xffff;
	vm1 =	vlt.f32 v35, v19  }
0x659: {  	v41 =	vand.u32 $0x7FFFFFFF, v61;
	v55 =	vld.idx.msk [tilespmem:v42+s16+$0x0], $0xffff;
	v44 =	vsel vm0, $0x1, v1;
	v50 =	vsel vm1, $0x1, v1  }
0x65a: {  	v60 =	vld.idx.msk [tilespmem:v39+s16+$0x0], $0xffff;
	vm1 =	vlt.f32 v45, v23;
	v26 =	vadd.f32 v26, v3;
	v44 =	vadd.s32 v18, v44  }
0x65b: {  	v46 =	vld.idx.msk [tilespmem:v16+s16+$0x0], $0xffff;
	v40 =	vadd.s32 v28, v50;
	vm0 =	vlt.f32 v63, v21;
	v21 =	vcvt.f32.s32 v37  }
0x65c: {  	v56 =	vld.idx.msk [tilespmem:v34+s16+$0x0], $0xffff;
	v19 =	vsel vm0, $0x1, v1;
	v57 =	vtrunc.f32 v26;
	vm0 =	vlt.f32 v53, v20  }
0x65d: {  	v59 =	vld.idx.msk [tilespmem:v48+s16+$0x0], $0xffff;
	v20 =	vshll.u32 v44, $0x7;
	v19 =	vadd.s32 v31, v19;
	vm2 =	vlt.f32 v47, v25  }
0x65e: {  	v13 =	vld [tilespmem:s3+$0x30];
	v44 =	vor.u32 v2, v20;
	v19 =	vshll.u32 v19, $0x7;
	v20 =	vsel vm2, $0x1, v1  }
0x65f: {  	v49 =	vld.idx.msk [tilespmem:v14+s16+$0x0], $0xffff;
	vm2 =	vlt.f32 v60, v30;
	v23 =	vor.u32 v2, v19;
	v19 =	vsel vm1, $0x1, v1  }
0x660: {  	v25 =	vld [tilespmem:s3+$0x70];
	v20 =	vadd.s32 v38, v20;
	vm1 =	vlt.f32 v46, v24;
	v19 =	vadd.s32 v33, v19  }
0x661: {  	v35 =	vld [tilespmem:s3+$0x10];
	v24 =	vshll.u32 v20, $0x7;
	v31 =	vsel vm1, $0x1, v1;
	vm1 =	vlt.f32 v56, v32  }
0x662: {  	v18 =	vld [tilespmem:s3+$0xFFFFFC20];
	v32 =	vsel vm0, $0x1, v1;
	vm0 =	vlt.f32 v55, v22;
	v19 =	vshll.u32 v19, $0x7  }
0x663: {  	v30 =	vld.idx.msk [tilespmem:v29+s16+$0x0], $0xffff;
	v33 =	vor.u32 v2, v24;
	v22 =	vsel vm1, $0x1, v1;
	v24 =	vcvt.f32.s32 v54  }
0x664: {  	v38 =	vld [tilespmem:s3+$0xFFFFFC50];
	v51 =	vsel vm0, $0x1, v1;
	vm1 =	vlt.f32 v59, v27;
	vm0 =	vlt.f32 v49, v17  }
0x665: {  	v36 =	vld.idx.msk [tilespmem:v21+s16+$0x0], $0xffff;
	v27 =	vsel vm2, $0x1, v1;
	v20 =	vor.u32 v2, v19;
	v26 =	vand.u32 $0x7FFFFFFF, v25  }
0x666: {  	v19 =	vld [tilespmem:s3+$0xFFFFFC60];
	v25 =	vand.u32 $0x7FFFFFFF, v58;
	v22 =	vadd.s32 v34, v22;
	v17 =	vsel vm1, $0x1, v1  }
0x667: {  	v34 =	vld [tilespmem:s3+$0xFFFFFC10];
	v22 =	vshll.u32 v22, $0x7;
	v63 =	vadd.s32 v48, v17;
	v17 =	vadd.s32 v39, v27  }
0x668: {  	s19 =	simm.s32 $0x0;
	[tilespmem:v44+s25+$0x0] =	vst.idx.add.f32.msk $0xffff, v25;
	v25 =	vor.u32 v2, v22;
	v22 =	vcvt.f32.s32 v57;
	v27 =	vshll.u32 v63, $0x7  }
0x669: {  	s0 =	simm.s32 $0xC600;
	s4 =	simm.s32 $0x4600;
	s31 =	simm.s32 $0xC580;
	v39 =	vand.u32 $0x7FFFFFFF, v62;
	v28 =	vor.u32 v2, v27;
	v27 =	vadd.s32 v42, v51;
	v37 =	vld.idx.msk [tilespmem:v24+s16+$0x0], $0xffff  }
.LBB2_25:
0x66a: {  	s19 =	sadd.s32 $0x100, s19;
	v42 =	vshll.u32 v17, $0x7;
	[tilespmem:v33+s25+$0x0] =	vst.idx.add.f32.msk $0xffff, v41;
	v16 =	vadd.s32 v16, v31;
	v27 =	vshll.u32 v27, $0x7;
	s3 =	sadd.s32 $0x800, s3;
	s18 =	sadd.s32 $0x800, s18  }
0x66b: {  	v31 =	vand.u32 $0x7FFFFFFF, v35;
	v15 =	vadd.s32 v15, v32;
	v32 =	vshll.u32 v40, $0x7;
	v17 =	vld [tilespmem:s18+$0x60];
	p1 =	slt.u32 s19, $0x700  }
0x66c: {  	vm1 =	vlt.f32 v36, v12;
	v33 =	vor.u32 v2, v42;
	v32 =	vor.u32 v2, v32;
	v12 =	vld [tilespmem:s31+$0xFFFFFC70]  }
0x66d: {  	v34 =	vand.u32 $0x7FFFFFFF, v34;
	vm2 =	vlt.f32 v30, v11;
	v11 =	vsel vm0, $0x1, v1;
	[tilespmem:v23+s25+$0x0] =	vst.idx.add.f32.msk $0xffff, v39  }
0x66e: {  	v35 =	vand.u32 $0x7FFFFFFF, v38;
	v23 =	vsel vm2, $0x1, v1;
	v11 =	vadd.s32 v14, v11;
	v30 =	vld.idx.msk [tilespmem:v22+s16+$0x0], $0xffff  }
0x66f: {  	v14 =	vsel vm1, $0x1, v1;
	vm0 =	vlt.f32 v37, v10;
	v10 =	vadd.s32 v29, v23;
	v29 =	vld [tilespmem:s31+$0x60];
	s31 =	smov.u32 s3  }
0x670: {  	v18 =	vand.u32 $0x7FFFFFFF, v18;
	v14 =	vadd.s32 v21, v14;
	v10 =	vshll.u32 v10, $0x7;
	v23 =	vld [tilespmem:s18+$0xFFFFFC00]  }
0x671: {  	v11 =	vshll.u32 v11, $0x7;
	v14 =	vshll.u32 v14, $0x7;
	v10 =	vor.u32 v2, v10;
	[tilespmem:v32+s25+$0x0] =	vst.idx.add.f32.msk $0xffff, v26  }
0x672: {  	v15 =	vshll.u32 v15, $0x7;
	v21 =	vsel vm0, $0x1, v1;
	v11 =	vor.u32 v2, v11;
	[tilespmem:v25+s25+$0x0] =	vst.idx.add.f32.msk $0xffff, v34  }
0x673: {  	v16 =	vshll.u32 v16, $0x7;
	v21 =	vadd.s32 v24, v21;
	v12 =	vand.u32 $0x7FFFFFFF, v12;
	[tilespmem:v20+s25+$0x0] =	vst.idx.add.f32.msk $0xffff, v31  }
0x674: {  	vm0 =	vlt.f32 v30, v7;
	v7 =	vshll.u32 v21, $0x7;
	[tilespmem:v28+s25+$0x0] =	vst.idx.add.f32.msk $0xffff, v12;
	v12 =	vor.u32 v2, v27  }
0x675: {  	v15 =	vor.u32 v2, v15;
	v14 =	vor.u32 v2, v14;
	[tilespmem:v33+s25+$0x0] =	vst.idx.add.f32.msk $0xffff, v18;
	v18 =	vsel vm0, $0x1, v1  }
0x676: {  	v18 =	vadd.s32 v22, v18;
	[tilespmem:v10+s25+$0x0] =	vst.idx.add.f32.msk $0xffff, v35;
	v10 =	vor.u32 v2, v16;
	v16 =	vand.u32 $0x7FFFFFFF, v29  }
0x677: {  	v13 =	vand.u32 $0x7FFFFFFF, v13;
	v7 =	vor.u32 v2, v7;
	v20 =	vld [tilespmem:s18+$0x70];
	v18 =	vshll.u32 v18, $0x7  }
0x678: {  	v19 =	vand.u32 $0x7FFFFFFF, v19;
	v18 =	vor.u32 v2, v18;
	[tilespmem:v11+s25+$0x0] =	vst.idx.add.f32.msk $0xffff, v13  }
0x679: {  	v9 =	vand.u32 $0x7FFFFFFF, v9;
	[tilespmem:v12+s25+$0x0] =	vst.idx.add.f32.msk $0xffff, v16  }
0x67a: {  	[tilespmem:v14+s25+$0x0] =	vst.idx.add.f32.msk $0xffff, v19  }
0x67b: {  	v8 =	vand.u32 $0x7FFFFFFF, v8;
	[tilespmem:v15+s25+$0x0] =	vst.idx.add.f32.msk $0xffff, v9  }
0x67c: {  	v5 =	vand.u32 $0x7FFFFFFF, v5;
	v6 =	vand.u32 $0x7FFFFFFF, v6;
	[tilespmem:v10+s25+$0x0] =	vst.idx.add.f32.msk $0xffff, v8  }
0x67d: {  	[tilespmem:v7+s25+$0x0] =	vst.idx.add.f32.msk $0xffff, v6  }
0x67e: {  	[tilespmem:v18+s25+$0x0] =	vst.idx.add.f32.msk $0xffff, v5  }
0x67f: {  	v21 =	vld [tilespmem:s18+$0x50]  }
0x680: {  	v19 =	vld [tilespmem:s18+$0x40]  }
0x681: {  	v5 =	vmul.f32 v23, v4;
	v22 =	vld [tilespmem:s18+$0x30]  }
0x682: {  	v6 =	vmul.f32 v20, v4;
	v24 =	vld [tilespmem:s18+$0x20]  }
0x683: {  	v7 =	vmul.f32 v17, v4;
	v5 =	vadd.f32 v5, v3;
	v26 =	vld [tilespmem:s18+$0x10]  }
0x684: {  	v6 =	vadd.f32 v6, v3;
	v29 =	vld [tilespmem:s18+$0x0];
	v8 =	vmul.f32 v21, v4  }
0x685: {  	v7 =	vadd.f32 v7, v3;
	v5 =	vtrunc.f32 v5;
	v25 =	vld [tilespmem:s18+$0xFFFFFC70];
	v9 =	vmul.f32 v19, v4  }
0x686: {  	v18 =	vcvt.f32.s32 v5;
	v12 =	vld [tilespmem:s18+$0xFFFFFC60];
	v5 =	vmul.f32 v22, v4;
	v8 =	vadd.f32 v8, v3  }
0x687: {  	v14 =	vtrunc.f32 v7;
	v11 =	vld [tilespmem:s18+$0xFFFFFC50];
	v13 =	vmul.f32 v24, v4;
	v9 =	vadd.f32 v9, v3  }
0x688: {  	v10 =	vld [tilespmem:s18+$0xFFFFFC40];
	v15 =	vmul.f32 v26, v4;
	v16 =	vadd.f32 v5, v3;
	v5 =	vtrunc.f32 v6  }
0x689: {  	v7 =	vld [tilespmem:s18+$0xFFFFFC30];
	v6 =	vmul.f32 v29, v4;
	v13 =	vadd.f32 v13, v3;
	v28 =	vcvt.f32.s32 v5  }
0x68a: {  	v8 =	vtrunc.f32 v8;
	v30 =	vld [tilespmem:s18+$0xFFFFFC20];
	v5 =	vmul.f32 v25, v4;
	v15 =	vadd.f32 v15, v3  }
0x68b: {  	v27 =	vcvt.f32.s32 v14;
	v32 =	vld [tilespmem:s18+$0xFFFFFC10];
	v31 =	vadd.f32 v6, v3;
	v6 =	vtrunc.f32 v13  }
0x68c: {  	v9 =	vtrunc.f32 v9;
	v13 =	vld.idx.msk [tilespmem:v18+s16+$0x0], $0xffff;
	v33 =	vadd.f32 v5, v3;
	v34 =	vcvt.f32.s32 v6  }
0x68d: {  	v14 =	vtrunc.f32 v15;
	v15 =	vcvt.f32.s32 v8;
	v5 =	vld [tilespmem:s3+$0xFFFFFC30]  }
0x68e: {  	v35 =	vtrunc.f32 v16;
	v31 =	vtrunc.f32 v31;
	v6 =	vld [tilespmem:s3+$0xFFFFFC40]  }
0x68f: {  	v16 =	vcvt.f32.s32 v9;
	v36 =	vcvt.f32.s32 v14;
	v37 =	vld.idx.msk [tilespmem:v28+s16+$0x0], $0xffff  }
0x690: {  	v39 =	vmul.f32 v12, v4;
	v38 =	vmul.f32 v32, v4;
	v8 =	vld [tilespmem:s3+$0x40]  }
0x691: {  	v14 =	vcvt.f32.s32 v35;
	v31 =	vcvt.f32.s32 v31;
	v9 =	vld [tilespmem:s3+$0x50]  }
0x692: {  	v39 =	vadd.f32 v39, v3;
	v35 =	vadd.f32 v38, v3;
	v38 =	vmul.f32 v30, v4;
	v40 =	vld.idx.msk [tilespmem:v34+s16+$0x0], $0xffff  }
0x693: {  	v41 =	vmul.f32 v10, v4;
	vm0 =	vlt.f32 v13, v23;
	v23 =	vmul.f32 v7, v4;
	v42 =	vld.idx.msk [tilespmem:v15+s16+$0x0], $0xffff  }
0x694: {  	v43 =	vmul.f32 v11, v4;
	v35 =	vtrunc.f32 v35;
	v38 =	vadd.f32 v38, v3;
	v13 =	vld [tilespmem:s3+$0x30]  }
0x695: {  	v44 =	vsel vm0, $0x1, v1;
	v45 =	vcvt.f32.s32 v35;
	v35 =	vtrunc.f32 v39;
	v39 =	vld.idx.msk [tilespmem:v36+s16+$0x0], $0xffff  }
0x696: {  	v41 =	vadd.f32 v41, v3;
	v23 =	vadd.f32 v23, v3;
	v38 =	vtrunc.f32 v38;
	v46 =	vld.idx.msk [tilespmem:v16+s16+$0x0], $0xffff  }
0x697: {  	v43 =	vadd.f32 v43, v3;
	v33 =	vtrunc.f32 v33;
	v44 =	vadd.s32 v18, v44;
	v47 =	vld.idx.msk [tilespmem:v31+s16+$0x0], $0xffff  }
0x698: {  	v48 =	vcvt.f32.s32 v33;
	vm1 =	vlt.f32 v37, v20;
	vm0 =	vlt.f32 v40, v24;
	v18 =	vld [tilespmem:s3+$0xFFFFFC20]  }
0x699: {  	v37 =	vcvt.f32.s32 v38;
	v40 =	vsel vm1, $0x1, v1;
	v20 =	vsel vm0, $0x1, v1;
	v38 =	vld.idx.msk [tilespmem:v14+s16+$0x0], $0xffff  }
0x69a: {  	v33 =	vtrunc.f32 v43;
	v24 =	vtrunc.f32 v41;
	v20 =	vadd.s32 v34, v20;
	v34 =	vld.idx.msk [tilespmem:v27+s16+$0x0], $0xffff  }
0x69b: {  	v43 =	vtrunc.f32 v23;
	vm0 =	vlt.f32 v42, v21;
	v20 =	vshll.u32 v20, $0x7;
	v41 =	vld.idx.msk [tilespmem:v45+s16+$0x0], $0xffff  }
0x69c: {  	v21 =	vshll.u32 v44, $0x7;
	vm1 =	vlt.f32 v39, v26;
	v23 =	vor.u32 v2, v20;
	v42 =	vld [tilespmem:s3+$0xFFFFFC00]  }
0x69d: {  	v39 =	vor.u32 v2, v21;
	v20 =	vsel vm1, $0x1, v1;
	vm2 =	vlt.f32 v47, v29;
	v26 =	vld [tilespmem:s3+$0x70]  }
0x69e: {  	v21 =	vcvt.f32.s32 v35;
	v20 =	vadd.s32 v36, v20;
	v29 =	vsel vm2, $0x1, v1;
	v44 =	vld.idx.msk [tilespmem:v48+s16+$0x0], $0xffff  }
0x69f: {  	vm1 =	vlt.f32 v46, v19;
	v20 =	vshll.u32 v20, $0x7;
	v29 =	vadd.s32 v31, v29;
	v47 =	vld.idx.msk [tilespmem:v37+s16+$0x0], $0xffff  }
0x6a0: {  	v20 =	vor.u32 v2, v20;
	v31 =	vsel vm1, $0x1, v1;
	v19 =	vshll.u32 v29, $0x7;
	v46 =	vld [tilespmem:s3+$0x0]  }
0x6a1: {  	v29 =	vcvt.f32.s32 v33;
	vm1 =	vlt.f32 v41, v32;
	v33 =	vor.u32 v2, v19;
	v41 =	vld [tilespmem:s3+$0x20]  }
0x6a2: {  	v32 =	vsel vm0, $0x1, v1;
	vm0 =	vlt.f32 v34, v17;
	v19 =	vld [tilespmem:s3+$0xFFFFFC60];
	v26 =	vand.u32 $0x7FFFFFFF, v26  }
0x6a3: {  	v24 =	vcvt.f32.s32 v24;
	v17 =	vsel vm1, $0x1, v1;
	v49 =	vsel vm0, $0x1, v1;
	v35 =	vld [tilespmem:s3+$0x10]  }
0x6a4: {  	v42 =	vand.u32 $0x7FFFFFFF, v42;
	v17 =	vadd.s32 v45, v17;
	vm1 =	vlt.f32 v44, v25;
	v36 =	vld.idx.msk [tilespmem:v21+s16+$0x0], $0xffff  }
.Ltmp13:
0x6a5: {  	vm0 =	vlt.f32 v38, v22;
	v17 =	vshll.u32 v17, $0x7;
	vm2 =	vlt.f32 v47, v30;
	v34 =	vld [tilespmem:s3+$0xFFFFFC10];
	(pc) =	sbr.rel @p1 .LBB2_25-.Ltmp13, $4  }
0x6a6: {  	v22 =	vcvt.f32.s32 v43;
	v25 =	vor.u32 v2, v17;
	v17 =	vsel vm1, $0x1, v1;
	[tilespmem:v39+s25+$0x0] =	vst.idx.add.f32.msk $0xffff, v42  }
0x6a7: {  	v40 =	vadd.s32 v28, v40;
	v38 =	vsel vm2, $0x1, v1;
	v39 =	vadd.s32 v48, v17;
	v30 =	vld.idx.msk [tilespmem:v29+s16+$0x0], $0xffff  }
0x6a8: {  	v17 =	vadd.s32 v37, v38;
	v28 =	vshll.u32 v39, $0x7;
	v39 =	vand.u32 $0x7FFFFFFF, v41;
	v38 =	vld [tilespmem:s3+$0xFFFFFC50]  }
0x6a9: {  	v27 =	vadd.s32 v27, v49;
	v41 =	vand.u32 $0x7FFFFFFF, v46;
	v28 =	vor.u32 v2, v28;
	v37 =	vld.idx.msk [tilespmem:v24+s16+$0x0], $0xffff  }
0x6aa: {  	_ =	sdelay $0x2  }
0x6ab: {  	v17 =	vshll.u32 v17, $0x7;
	v16 =	vadd.s32 v16, v31;
	v27 =	vshll.u32 v27, $0x7  }
0x6ac: {  	[tilespmem:v33+s25+$0x0] =	vst.idx.add.f32.msk $0xffff, v41;
	v31 =	vand.u32 $0x7FFFFFFF, v35;
	v15 =	vadd.s32 v15, v32;
	v53 =	vshll.u32 v40, $0x7  }
0x6ad: {  	vm1 =	vlt.f32 v36, v12;
	v54 =	vld [tilespmem:s31+$0xFFFFFC70];
	v55 =	vand.u32 $0x7FFFFFFF, v34;
	v18 =	vand.u32 $0x7FFFFFFF, v18  }
0x6ae: {  	[tilespmem:v23+s25+$0x0] =	vst.idx.add.f32.msk $0xffff, v39;
	v9 =	vand.u32 $0x7FFFFFFF, v9;
	v17 =	vor.u32 v2, v17;
	v12 =	vor.u32 v2, v53  }
0x6af: {  	v15 =	vshll.u32 v15, $0x7;
	[tilespmem:v20+s25+$0x0] =	vst.idx.add.f32.msk $0xffff, v31;
	vm2 =	vlt.f32 v30, v11;
	v11 =	vsel vm0, $0x1, v1  }
0x6b0: {  	v20 =	vor.u32 v2, v27;
	v30 =	vsel vm2, $0x1, v1;
	v11 =	vadd.s32 v14, v11;
	v14 =	vld.idx.msk [tilespmem:v22+s16+$0x0], $0xffff  }
0x6b1: {  	v15 =	vor.u32 v2, v15;
	vm0 =	vlt.f32 v37, v10;
	v10 =	vadd.s32 v29, v30  }
0x6b2: {  	[tilespmem:v25+s25+$0x0] =	vst.idx.add.f32.msk $0xffff, v55;
	v16 =	vshll.u32 v16, $0x7;
	v29 =	vsel vm1, $0x1, v1;
	v10 =	vshll.u32 v10, $0x7  }
0x6b3: {  	v30 =	vld [tilespmem:s31+$0x60];
	v11 =	vshll.u32 v11, $0x7;
	v21 =	vadd.s32 v21, v29;
	v10 =	vor.u32 v2, v10  }
0x6b4: {  	v11 =	vor.u32 v2, v11;
	v21 =	vshll.u32 v21, $0x7;
	[tilespmem:v12+s25+$0x0] =	vst.idx.add.f32.msk $0xffff, v26;
	v12 =	vsel vm0, $0x1, v1  }
0x6b5: {  	[tilespmem:v17+s25+$0x0] =	vst.idx.add.f32.msk $0xffff, v18;
	v12 =	vadd.s32 v24, v12;
	v24 =	vand.u32 $0x7FFFFFFF, v54;
	vm0 =	vlt.f32 v14, v7  }
0x6b6: {  	[tilespmem:v15+s25+$0x0] =	vst.idx.add.f32.msk $0xffff, v9;
	v7 =	vor.u32 v2, v21;
	v12 =	vshll.u32 v12, $0x7;
	v14 =	vsel vm0, $0x1, v1  }
0x6b7: {  	v23 =	vand.u32 $0x7FFFFFFF, v38;
	[tilespmem:v28+s25+$0x0] =	vst.idx.add.f32.msk $0xffff, v24;
	v12 =	vor.u32 v2, v12;
	v14 =	vadd.s32 v22, v14  }
0x6b8: {  	v13 =	vand.u32 $0x7FFFFFFF, v13;
	[tilespmem:v10+s25+$0x0] =	vst.idx.add.f32.msk $0xffff, v23;
	v10 =	vor.u32 v2, v16;
	v14 =	vshll.u32 v14, $0x7  }
0x6b9: {  	[tilespmem:v11+s25+$0x0] =	vst.idx.add.f32.msk $0xffff, v13;
	v16 =	vand.u32 $0x7FFFFFFF, v30;
	v11 =	vor.u32 v2, v14  }
0x6ba: {  	v13 =	vand.u32 $0x7FFFFFFF, v19;
	[tilespmem:v20+s25+$0x0] =	vst.idx.add.f32.msk $0xffff, v16  }
0x6bb: {  	v6 =	vand.u32 $0x7FFFFFFF, v6;
	[tilespmem:v7+s25+$0x0] =	vst.idx.add.f32.msk $0xffff, v13  }
0x6bc: {  	v7 =	vand.u32 $0x7FFFFFFF, v8;
	[tilespmem:v12+s25+$0x0] =	vst.idx.add.f32.msk $0xffff, v6  }
0x6bd: {  	v5 =	vand.u32 $0x7FFFFFFF, v5;
	[tilespmem:v10+s25+$0x0] =	vst.idx.add.f32.msk $0xffff, v7  }
0x6be: {  	[tilespmem:v11+s25+$0x0] =	vst.idx.add.f32.msk $0xffff, v5  }
0x6bf: {  	v12 =	vld [tilespmem:s4+$0xFFFFFC00]  }
0x6c0: {  	v15 =	vld [tilespmem:s4+$0x70]  }
0x6c1: {  	v16 =	vld [tilespmem:s4+$0x60]  }
0x6c2: {  	v17 =	vld [tilespmem:s4+$0x50]  }
0x6c3: {  	v18 =	vld [tilespmem:s4+$0x40]  }
0x6c4: {  	v21 =	vld [tilespmem:s4+$0x30]  }
0x6c5: {  	v24 =	vld [tilespmem:s4+$0x10]  }
0x6c6: {  	v11 =	vld [tilespmem:s4+$0xFFFFFC70]  }
0x6c7: {  	v10 =	vld [tilespmem:s4+$0xFFFFFC60]  }
0x6c8: {  	v31 =	vld [tilespmem:s4+$0xFFFFFC50]  }
0x6c9: {  	v33 =	vld [tilespmem:s4+$0xFFFFFC30];
	v5 =	vmul.f32 v12, v4  }
0x6ca: {  	v35 =	vld [tilespmem:s4+$0xFFFFFC20];
	v6 =	vmul.f32 v15, v4;
	v7 =	vmul.f32 v16, v4  }
0x6cb: {  	v8 =	vmul.f32 v17, v4;
	v9 =	vmul.f32 v18, v4  }
0x6cc: {  	v13 =	vmul.f32 v21, v4;
	v20 =	vmul.f32 v24, v4  }
0x6cd: {  	v27 =	vmul.f32 v11, v4;
	v30 =	vmul.f32 v10, v4  }
0x6ce: {  	v56 =	vmul.f32 v31, v4;
	v59 =	vmul.f32 v33, v4;
	v5 =	vadd.f32 v5, v3  }
0x6cf: {  	v42 =	vmul.f32 v35, v4;
	v6 =	vadd.f32 v6, v3;
	v8 =	vadd.f32 v8, v3  }
0x6d0: {  	v7 =	vadd.f32 v7, v3;
	v9 =	vadd.f32 v9, v3;
	v5 =	vtrunc.f32 v5  }
0x6d1: {  	v22 =	vld [tilespmem:s4+$0x20];
	v26 =	vadd.f32 v13, v3;
	v14 =	vtrunc.f32 v6;
	v8 =	vtrunc.f32 v8  }
0x6d2: {  	v25 =	vld [tilespmem:s4+$0x0];
	v32 =	vadd.f32 v56, v3;
	v7 =	vtrunc.f32 v7;
	v9 =	vtrunc.f32 v9  }
0x6d3: {  	v29 =	vld [tilespmem:s4+$0xFFFFFC10];
	v20 =	vadd.f32 v20, v3;
	v26 =	vtrunc.f32 v26;
	v19 =	vcvt.f32.s32 v5  }
0x6d4: {  	v48 =	vld [tilespmem:s0+$0x10];
	v32 =	vtrunc.f32 v32;
	v23 =	vcvt.f32.s32 v14  }
0x6d5: {  	v55 =	vld [tilespmem:s0+$0xFFFFFC00];
	v20 =	vtrunc.f32 v20;
	v58 =	vcvt.f32.s32 v8  }
0x6d6: {  	v37 =	vld [tilespmem:s0+$0xFFFFFC20];
	v5 =	vmul.f32 v22, v4;
	v60 =	vcvt.f32.s32 v9  }
0x6d7: {  	v27 =	vadd.f32 v27, v3;
	v6 =	vld [tilespmem:s4+$0xFFFFFC40];
	v14 =	vmul.f32 v25, v4;
	v13 =	vcvt.f32.s32 v7  }
0x6d8: {  	v7 =	vld [tilespmem:s0+$0xFFFFFC60];
	v9 =	vmul.f32 v29, v4;
	v40 =	vcvt.f32.s32 v26;
	v26 =	vadd.f32 v59, v3  }
0x6d9: {  	v27 =	vtrunc.f32 v27;
	v28 =	vadd.f32 v5, v3;
	v14 =	vadd.f32 v14, v3;
	v57 =	vld.idx.msk [tilespmem:v19+s16+$0x0], $0xffff  }
0x6da: {  	v63 =	vcvt.f32.s32 v20;
	v62 =	vadd.f32 v9, v3;
	v26 =	vtrunc.f32 v26;
	v39 =	vld.idx.msk [tilespmem:v23+s16+$0x0], $0xffff  }
0x6db: {  	v28 =	vtrunc.f32 v28;
	v14 =	vtrunc.f32 v14;
	v43 =	vld.idx.msk [tilespmem:v58+s16+$0x0], $0xffff  }
0x6dc: {  	v50 =	vadd.f32 v42, v3;
	v20 =	vtrunc.f32 v62;
	v28 =	vcvt.f32.s32 v28;
	v45 =	vld.idx.msk [tilespmem:v60+s16+$0x0], $0xffff  }
0x6dd: {  	v52 =	vmul.f32 v6, v4;
	v44 =	vcvt.f32.s32 v20;
	v61 =	vld.idx.msk [tilespmem:v13+s16+$0x0], $0xffff  }
0x6de: {  	v30 =	vadd.f32 v30, v3;
	v14 =	vcvt.f32.s32 v14;
	v20 =	vtrunc.f32 v50;
	v46 =	vld.idx.msk [tilespmem:v40+s16+$0x0], $0xffff  }
0x6df: {  	v8 =	vld [tilespmem:s0+$0x0];
	v47 =	vcvt.f32.s32 v20;
	v20 =	vcvt.f32.s32 v26;
	v26 =	vadd.f32 v52, v3  }
0x6e0: {  	v5 =	vld [tilespmem:s0+$0xFFFFFC40];
	vm0 =	vlt.f32 v57, v12;
	vm1 =	vlt.f32 v43, v17;
	v17 =	vcvt.f32.s32 v27  }
0x6e1: {  	v9 =	vld [tilespmem:s0+$0x30];
	vm2 =	vlt.f32 v45, v18;
	v51 =	vsel vm0, $0x1, v1;
	vm0 =	vlt.f32 v39, v15  }
0x6e2: {  	v15 =	vadd.s32 v19, v51;
	v19 =	vtrunc.f32 v30;
	v30 =	vld.idx.msk [tilespmem:v28+s16+$0x0], $0xffff;
	v39 =	vsel vm0, $0x1, v1  }
0x6e3: {  	v27 =	vld [tilespmem:s0+$0x50];
	vm0 =	vlt.f32 v61, v16;
	v16 =	vsel vm1, $0x1, v1;
	vm1 =	vlt.f32 v46, v21  }
0x6e4: {  	v53 =	vld.idx.msk [tilespmem:v63+s16+$0x0], $0xffff;
	v21 =	vsel vm2, $0x1, v1;
	v42 =	vshll.u32 v15, $0x7;
	v15 =	vcvt.f32.s32 v19  }
0x6e5: {  	v54 =	vld.idx.msk [tilespmem:v44+s16+$0x0], $0xffff;
	v19 =	vcvt.f32.s32 v32;
	v18 =	vadd.s32 v58, v16;
	v39 =	vadd.s32 v23, v39  }
0x6e6: {  	v12 =	vld [tilespmem:s0+$0x60];
	v16 =	vand.u32 $0x7FFFFFFF, v48;
	v21 =	vadd.s32 v60, v21;
	v23 =	vor.u32 v2, v42  }
0x6e7: {  	v56 =	vld.idx.msk [tilespmem:v14+s16+$0x0], $0xffff;
	v58 =	vshll.u32 v39, $0x7;
	v60 =	vshll.u32 v21, $0x7;
	vm2 =	vlt.f32 v30, v22  }
0x6e8: {  	v62 =	vld.idx.msk [tilespmem:v20+s16+$0x0], $0xffff;
	v21 =	vshll.u32 v18, $0x7;
	v61 =	vand.u32 $0x7FFFFFFF, v27;
	v57 =	vsel vm2, $0x1, v1  }
0x6e9: {  	v22 =	vld.idx.msk [tilespmem:v47+s16+$0x0], $0xffff;
	v30 =	vtrunc.f32 v26;
	vm2 =	vlt.f32 v53, v24;
	v24 =	vadd.s32 v28, v57  }
0x6ea: {  	v32 =	vld [tilespmem:s0+$0xFFFFFC10];
	v28 =	vsel vm2, $0x1, v1;
	vm2 =	vlt.f32 v54, v29;
	v29 =	vand.u32 $0x7FFFFFFF, v55  }
0x6eb: {  	v59 =	vld.idx.msk [tilespmem:v19+s16+$0x0], $0xffff;
	v63 =	vadd.s32 v63, v28;
	v28 =	vsel vm2, $0x1, v1;
	v27 =	vshll.u32 v24, $0x7  }
0x6ec: {  	v18 =	vld [tilespmem:s0+$0xFFFFFC30];
	v24 =	vor.u32 v2, v21;
	vm2 =	vlt.f32 v56, v25;
	v21 =	vadd.s32 v44, v28  }
0x6ed: {  	v34 =	vld.idx.msk [tilespmem:v17+s16+$0x0], $0xffff;
	v28 =	vsel vm2, $0x1, v1;
	v25 =	vshll.u32 v21, $0x7;
	v21 =	vcvt.f32.s32 v30  }
0x6ee: {  	v26 =	vld.idx.msk [tilespmem:v15+s16+$0x0], $0xffff;
	v39 =	vshll.u32 v63, $0x7;
	vm2 =	vlt.f32 v22, v35;
	v22 =	vsel vm1, $0x1, v1  }
0x6ef: {  	v30 =	vor.u32 v2, v25;
	v25 =	vld [tilespmem:s0+$0x70];
	v35 =	vsel vm2, $0x1, v1;
	v36 =	vadd.s32 v40, v22  }
0x6f0: {  	v22 =	vor.u32 v2, v58;
	vm1 =	vlt.f32 v59, v31;
	v31 =	vld [tilespmem:s0+$0x40];
	v35 =	vadd.s32 v47, v35  }
0x6f1: {  	s19 =	simm.s32 $0x0;
	v40 =	vsel vm0, $0x1, v1;
	v38 =	vsel vm1, $0x1, v1;
	[tilespmem:v24+s25+$0x0] =	vst.idx.add.f32.msk $0xffff, v61;
	v24 =	vshll.u32 v35, $0x7  }
0x6f2: {  	s3 =	simm.s32 $0xC680;
	s18 =	simm.s32 $0x4680;
	s31 =	simm.s32 $0xC600;
	vm1 =	vlt.f32 v62, v33;
	v33 =	vor.u32 v2, v60;
	v35 =	vor.u32 v2, v24;
	v24 =	vld [tilespmem:s0+$0xFFFFFC50]  }
.LBB2_27:
0x6f3: {  	s19 =	sadd.s32 $0x100, s19;
	v41 =	vsel vm1, $0x1, v1;
	v42 =	vld.idx.msk [tilespmem:v21+s16+$0x0], $0xffff;
	vm0 =	vlt.f32 v34, v11;
	v11 =	vadd.s32 v13, v40;
	s0 =	sadd.s32 $0x800, s0;
	s4 =	sadd.s32 $0x800, s4  }
0x6f4: {  	vm1 =	vlt.f32 v26, v10;
	p1 =	slt.u32 s19, $0x700;
	v13 =	vadd.s32 v20, v41;
	v10 =	vld [tilespmem:s31+$0x20];
	v20 =	vshll.u32 v36, $0x7  }
0x6f5: {  	v26 =	vand.u32 $0x7FFFFFFF, v32;
	v19 =	vadd.s32 v19, v38;
	v34 =	vsel vm0, $0x1, v1;
	v32 =	vld [tilespmem:s31+$0xFFFFFC70];
	s31 =	smov.u32 s0  }
0x6f6: {  	v36 =	vor.u32 v2, v39;
	[tilespmem:v23+s25+$0x0] =	vst.idx.add.f32.msk $0xffff, v29;
	v23 =	vand.u32 $0x7FFFFFFF, v37;
	v29 =	vsel vm1, $0x1, v1  }
0x6f7: {  	v19 =	vshll.u32 v19, $0x7;
	v17 =	vadd.s32 v17, v34;
	[tilespmem:v35+s25+$0x0] =	vst.idx.add.f32.msk $0xffff, v23;
	v23 =	vor.u32 v2, v27  }
0x6f8: {  	v13 =	vshll.u32 v13, $0x7;
	v17 =	vshll.u32 v17, $0x7;
	[tilespmem:v30+s25+$0x0] =	vst.idx.add.f32.msk $0xffff, v26;
	v26 =	vadd.s32 v14, v28  }
0x6f9: {  	v15 =	vadd.s32 v15, v29;
	v17 =	vor.u32 v2, v17;
	v27 =	vand.u32 $0x7FFFFFFF, v31;
	v14 =	vld [tilespmem:s4+$0xFFFFFC00]  }
0x6fa: {  	v19 =	vor.u32 v2, v19;
	v28 =	vshll.u32 v15, $0x7;
	v29 =	vand.u32 $0x7FFFFFFF, v32;
	[tilespmem:v33+s25+$0x0] =	vst.idx.add.f32.msk $0xffff, v27  }
0x6fb: {  	v25 =	vand.u32 $0x7FFFFFFF, v25;
	v13 =	vor.u32 v2, v13;
	v27 =	vor.u32 v2, v28;
	v15 =	vld [tilespmem:s4+$0x70]  }
0x6fc: {  	v11 =	vshll.u32 v11, $0x7;
	v26 =	vshll.u32 v26, $0x7;
	v10 =	vand.u32 $0x7FFFFFFF, v10;
	[tilespmem:v36+s25+$0x0] =	vst.idx.add.f32.msk $0xffff, v16  }
0x6fd: {  	vm0 =	vlt.f32 v42, v6;
	v6 =	vand.u32 $0x7FFFFFFF, v24;
	v16 =	vor.u32 v2, v26;
	[tilespmem:v23+s25+$0x0] =	vst.idx.add.f32.msk $0xffff, v10  }
0x6fe: {  	v11 =	vor.u32 v2, v11;
	v10 =	vsel vm0, $0x1, v1;
	[tilespmem:v17+s25+$0x0] =	vst.idx.add.f32.msk $0xffff, v29;
	v17 =	vor.u32 v2, v20  }
0x6ff: {  	v18 =	vand.u32 $0x7FFFFFFF, v18;
	v10 =	vadd.s32 v21, v10;
	[tilespmem:v19+s25+$0x0] =	vst.idx.add.f32.msk $0xffff, v6  }
0x700: {  	v7 =	vand.u32 $0x7FFFFFFF, v7;
	v6 =	vshll.u32 v10, $0x7;
	[tilespmem:v13+s25+$0x0] =	vst.idx.add.f32.msk $0xffff, v18  }
0x701: {  	v6 =	vor.u32 v2, v6;
	[tilespmem:v27+s25+$0x0] =	vst.idx.add.f32.msk $0xffff, v7;
	v7 =	vand.u32 $0x7FFFFFFF, v12  }
0x702: {  	v9 =	vand.u32 $0x7FFFFFFF, v9;
	[tilespmem:v22+s25+$0x0] =	vst.idx.add.f32.msk $0xffff, v25  }
0x703: {  	v8 =	vand.u32 $0x7FFFFFFF, v8;
	[tilespmem:v17+s25+$0x0] =	vst.idx.add.f32.msk $0xffff, v9  }
0x704: {  	v5 =	vand.u32 $0x7FFFFFFF, v5;
	[tilespmem:v16+s25+$0x0] =	vst.idx.add.f32.msk $0xffff, v8  }
0x705: {  	[tilespmem:v11+s25+$0x0] =	vst.idx.add.f32.msk $0xffff, v7  }
0x706: {  	[tilespmem:v6+s25+$0x0] =	vst.idx.add.f32.msk $0xffff, v5  }
0x707: {  	v16 =	vld [tilespmem:s4+$0x60]  }
0x708: {  	v17 =	vld [tilespmem:s4+$0x50]  }
0x709: {  	v23 =	vld [tilespmem:s4+$0x40]  }
0x70a: {  	v5 =	vmul.f32 v14, v4;
	v27 =	vld [tilespmem:s4+$0x30]  }
0x70b: {  	v6 =	vmul.f32 v15, v4;
	v26 =	vld [tilespmem:s4+$0x20]  }
0x70c: {  	v5 =	vadd.f32 v5, v3;
	v18 =	vld [tilespmem:s4+$0x10];
	v7 =	vmul.f32 v16, v4  }
0x70d: {  	v6 =	vadd.f32 v6, v3;
	v21 =	vld [tilespmem:s4+$0x0];
	v8 =	vmul.f32 v17, v4  }
0x70e: {  	v5 =	vtrunc.f32 v5;
	v11 =	vld [tilespmem:s4+$0xFFFFFC70];
	v9 =	vmul.f32 v23, v4;
	v7 =	vadd.f32 v7, v3  }
0x70f: {  	v13 =	vtrunc.f32 v6;
	v10 =	vld [tilespmem:s4+$0xFFFFFC60];
	v12 =	vmul.f32 v27, v4;
	v8 =	vadd.f32 v8, v3  }
0x710: {  	v19 =	vcvt.f32.s32 v5;
	v22 =	vld [tilespmem:s4+$0xFFFFFC50];
	v5 =	vmul.f32 v26, v4;
	v9 =	vadd.f32 v9, v3  }
0x711: {  	v28 =	vcvt.f32.s32 v13;
	v6 =	vld [tilespmem:s4+$0xFFFFFC40];
	v20 =	vmul.f32 v18, v4;
	v12 =	vadd.f32 v12, v3  }
0x712: {  	v8 =	vtrunc.f32 v8;
	v24 =	vld [tilespmem:s4+$0xFFFFFC30];
	v13 =	vmul.f32 v21, v4;
	v29 =	vadd.f32 v5, v3  }
0x713: {  	v5 =	vtrunc.f32 v7;
	v25 =	vld [tilespmem:s4+$0xFFFFFC20];
	v30 =	vmul.f32 v11, v4;
	v20 =	vadd.f32 v20, v3  }
0x714: {  	v31 =	vld [tilespmem:s4+$0xFFFFFC10];
	v7 =	vmul.f32 v10, v4;
	v32 =	vadd.f32 v13, v3;
	v13 =	vcvt.f32.s32 v5  }
0x715: {  	v9 =	vtrunc.f32 v9;
	v5 =	vld [tilespmem:s0+$0xFFFFFC40];
	v33 =	vmul.f32 v22, v4;
	v30 =	vadd.f32 v30, v3  }
0x716: {  	v36 =	vcvt.f32.s32 v8;
	v29 =	vtrunc.f32 v29;
	v34 =	vld.idx.msk [tilespmem:v19+s16+$0x0], $0xffff;
	v35 =	vadd.f32 v7, v3  }
0x717: {  	v12 =	vtrunc.f32 v12;
	v32 =	vtrunc.f32 v32;
	v33 =	vadd.f32 v33, v3;
	v7 =	vld [tilespmem:s0+$0xFFFFFC60]  }
0x718: {  	v38 =	vcvt.f32.s32 v9;
	v37 =	vmul.f32 v24, v4;
	v39 =	vld.idx.msk [tilespmem:v28+s16+$0x0], $0xffff  }
0x719: {  	v40 =	vcvt.f32.s32 v12;
	v9 =	vmul.f32 v31, v4;
	v8 =	vld [tilespmem:s0+$0x0]  }
0x71a: {  	v29 =	vcvt.f32.s32 v29;
	v12 =	vadd.f32 v37, v3;
	v33 =	vtrunc.f32 v33;
	v37 =	vld.idx.msk [tilespmem:v13+s16+$0x0], $0xffff  }
0x71b: {  	v20 =	vtrunc.f32 v20;
	v42 =	vmul.f32 v25, v4;
	v41 =	vadd.f32 v9, v3;
	v9 =	vld [tilespmem:s0+$0x30]  }
0x71c: {  	v43 =	vcvt.f32.s32 v20;
	vm0 =	vlt.f32 v34, v14;
	v34 =	vtrunc.f32 v12;
	v44 =	vld.idx.msk [tilespmem:v36+s16+$0x0], $0xffff  }
0x71d: {  	v30 =	vtrunc.f32 v30;
	v20 =	vadd.f32 v42, v3;
	v14 =	vtrunc.f32 v41;
	v12 =	vld [tilespmem:s0+$0x60]  }
0x71e: {  	v41 =	vsel vm0, $0x1, v1;
	v42 =	vcvt.f32.s32 v14;
	v14 =	vcvt.f32.s32 v32;
	v32 =	vld.idx.msk [tilespmem:v38+s16+$0x0], $0xffff  }
0x71f: {  	v45 =	vmul.f32 v6, v4;
	v20 =	vtrunc.f32 v20;
	vm0 =	vlt.f32 v39, v15;
	v46 =	vld.idx.msk [tilespmem:v40+s16+$0x0], $0xffff  }
0x720: {  	v15 =	vadd.s32 v19, v41;
	v19 =	vtrunc.f32 v35;
	v39 =	vsel vm0, $0x1, v1;
	v35 =	vld.idx.msk [tilespmem:v29+s16+$0x0], $0xffff  }
0x721: {  	v47 =	vcvt.f32.s32 v20;
	v41 =	vshll.u32 v15, $0x7;
	vm0 =	vlt.f32 v37, v16;
	v48 =	vld [tilespmem:s0+$0x10]  }
0x722: {  	v20 =	vcvt.f32.s32 v34;
	v15 =	vcvt.f32.s32 v19;
	vm1 =	vlt.f32 v44, v17;
	v34 =	vld.idx.msk [tilespmem:v43+s16+$0x0], $0xffff  }
0x723: {  	v19 =	vcvt.f32.s32 v33;
	v17 =	vcvt.f32.s32 v30;
	v16 =	vsel vm1, $0x1, v1;
	v30 =	vld [tilespmem:s0+$0x50]  }
0x724: {  	v37 =	vadd.f32 v45, v3;
	vm2 =	vlt.f32 v32, v23;
	v32 =	vadd.s32 v36, v16;
	v33 =	vld.idx.msk [tilespmem:v42+s16+$0x0], $0xffff  }
0x725: {  	v28 =	vadd.s32 v28, v39;
	vm1 =	vlt.f32 v46, v27;
	v27 =	vsel vm2, $0x1, v1;
	v36 =	vld [tilespmem:s0+$0xFFFFFC00]  }
0x726: {  	v23 =	vor.u32 v2, v41;
	vm2 =	vlt.f32 v35, v26;
	v39 =	vld.idx.msk [tilespmem:v14+s16+$0x0], $0xffff;
	v16 =	vand.u32 $0x7FFFFFFF, v48  }
0x727: {  	v37 =	vtrunc.f32 v37;
	v27 =	vadd.s32 v38, v27;
	v41 =	vsel vm2, $0x1, v1;
	v35 =	vld.idx.msk [tilespmem:v47+s16+$0x0], $0xffff  }
0x728: {  	vm2 =	vlt.f32 v34, v18;
	v29 =	vadd.s32 v29, v41;
	v41 =	vshll.u32 v28, $0x7;
	v26 =	vld.idx.msk [tilespmem:v15+s16+$0x0], $0xffff  }
0x729: {  	v44 =	vshll.u32 v27, $0x7;
	v18 =	vsel vm2, $0x1, v1;
	v45 =	vand.u32 $0x7FFFFFFF, v30;
	v38 =	vld.idx.msk [tilespmem:v19+s16+$0x0], $0xffff  }
0x72a: {  	v28 =	vshll.u32 v32, $0x7;
	vm2 =	vlt.f32 v33, v31;
	v43 =	vadd.s32 v43, v18;
	v33 =	vld.idx.msk [tilespmem:v20+s16+$0x0], $0xffff  }
0x72b: {  	v27 =	vshll.u32 v29, $0x7;
	v46 =	vor.u32 v2, v28;
	v30 =	vsel vm2, $0x1, v1;
	v18 =	vld [tilespmem:s0+$0xFFFFFC30]  }
0x72c: {  	v29 =	vand.u32 $0x7FFFFFFF, v36;
	v28 =	vadd.s32 v42, v30;
	vm2 =	vlt.f32 v39, v21;
	v32 =	vld [tilespmem:s0+$0xFFFFFC10]  }
0x72d: {  	v21 =	vcvt.f32.s32 v37;
	v30 =	vshll.u32 v28, $0x7;
	v28 =	vsel vm2, $0x1, v1;
	v34 =	vld.idx.msk [tilespmem:v17+s16+$0x0], $0xffff  }
.Ltmp14:
0x72e: {  	v31 =	vsel vm1, $0x1, v1;
	vm2 =	vlt.f32 v35, v25;
	v30 =	vor.u32 v2, v30;
	v25 =	vld [tilespmem:s0+$0x70];
	(pc) =	sbr.rel @p1 .LBB2_27-.Ltmp14, $4  }
0x72f: {  	v36 =	vadd.s32 v40, v31;
	v35 =	vsel vm2, $0x1, v1;
	vm1 =	vlt.f32 v38, v22;
	v31 =	vld [tilespmem:s0+$0x40]  }
0x730: {  	v35 =	vadd.s32 v47, v35;
	v22 =	vor.u32 v2, v41;
	v38 =	vsel vm1, $0x1, v1;
	[tilespmem:v46+s25+$0x0] =	vst.idx.add.f32.msk $0xffff, v45  }
0x731: {  	v40 =	vsel vm0, $0x1, v1;
	v35 =	vshll.u32 v35, $0x7;
	vm1 =	vlt.f32 v33, v24;
	v37 =	vld [tilespmem:s0+$0xFFFFFC20]  }
0x732: {  	v39 =	vshll.u32 v43, $0x7;
	v33 =	vor.u32 v2, v44;
	v35 =	vor.u32 v2, v35;
	v24 =	vld [tilespmem:s0+$0xFFFFFC50]  }
0x733: {  	_ =	sdelay $0x2  }
0x734: {  	v41 =	vsel vm1, $0x1, v1;
	vm0 =	vlt.f32 v34, v11;
	v11 =	vadd.s32 v13, v40  }
0x735: {  	v13 =	vld.idx.msk [tilespmem:v21+s16+$0x0], $0xffff;
	vm1 =	vlt.f32 v26, v10;
	v32 =	vand.u32 $0x7FFFFFFF, v32;
	v19 =	vadd.s32 v19, v38  }
0x736: {  	v26 =	vld [tilespmem:s31+$0x20];
	v56 =	vor.u32 v2, v39;
	v27 =	vor.u32 v2, v27;
	v14 =	vadd.s32 v14, v28  }
0x737: {  	[tilespmem:v23+s25+$0x0] =	vst.idx.add.f32.msk $0xffff, v29;
	v20 =	vadd.s32 v20, v41;
	v34 =	vsel vm0, $0x1, v1;
	v23 =	vsel vm1, $0x1, v1  }
0x738: {  	v55 =	vld [tilespmem:s31+$0xFFFFFC70];
	v19 =	vshll.u32 v19, $0x7;
	v14 =	vshll.u32 v14, $0x7;
	v17 =	vadd.s32 v17, v34  }
0x739: {  	[tilespmem:v30+s25+$0x0] =	vst.idx.add.f32.msk $0xffff, v32;
	v15 =	vadd.s32 v15, v23;
	v23 =	vand.u32 $0x7FFFFFFF, v31;
	v19 =	vor.u32 v2, v19  }
0x73a: {  	v20 =	vshll.u32 v20, $0x7;
	v14 =	vor.u32 v2, v14;
	v37 =	vand.u32 $0x7FFFFFFF, v37;
	[tilespmem:v33+s25+$0x0] =	vst.idx.add.f32.msk $0xffff, v23  }
0x73b: {  	v10 =	vshll.u32 v36, $0x7;
	v17 =	vshll.u32 v17, $0x7;
	v20 =	vor.u32 v2, v20;
	[tilespmem:v35+s25+$0x0] =	vst.idx.add.f32.msk $0xffff, v37  }
0x73c: {  	v15 =	vshll.u32 v15, $0x7;
	v17 =	vor.u32 v2, v17;
	[tilespmem:v56+s25+$0x0] =	vst.idx.add.f32.msk $0xffff, v16;
	v16 =	vand.u32 $0x7FFFFFFF, v26  }
0x73d: {  	v15 =	vor.u32 v2, v15;
	vm0 =	vlt.f32 v13, v6;
	v6 =	vand.u32 $0x7FFFFFFF, v24;
	[tilespmem:v27+s25+$0x0] =	vst.idx.add.f32.msk $0xffff, v16  }
0x73e: {  	v8 =	vand.u32 $0x7FFFFFFF, v8;
	v11 =	vshll.u32 v11, $0x7;
	v13 =	vsel vm0, $0x1, v1;
	[tilespmem:v19+s25+$0x0] =	vst.idx.add.f32.msk $0xffff, v6  }
0x73f: {  	v10 =	vor.u32 v2, v10;
	v16 =	vand.u32 $0x7FFFFFFF, v18;
	v13 =	vadd.s32 v21, v13;
	[tilespmem:v14+s25+$0x0] =	vst.idx.add.f32.msk $0xffff, v8  }
0x740: {  	v23 =	vand.u32 $0x7FFFFFFF, v55;
	v6 =	vor.u32 v2, v11;
	[tilespmem:v20+s25+$0x0] =	vst.idx.add.f32.msk $0xffff, v16;
	v11 =	vshll.u32 v13, $0x7  }
0x741: {  	v7 =	vand.u32 $0x7FFFFFFF, v7;
	[tilespmem:v17+s25+$0x0] =	vst.idx.add.f32.msk $0xffff, v23;
	v11 =	vor.u32 v2, v11  }
0x742: {  	v13 =	vand.u32 $0x7FFFFFFF, v25;
	[tilespmem:v15+s25+$0x0] =	vst.idx.add.f32.msk $0xffff, v7  }
0x743: {  	v7 =	vand.u32 $0x7FFFFFFF, v9;
	[tilespmem:v22+s25+$0x0] =	vst.idx.add.f32.msk $0xffff, v13  }
0x744: {  	[tilespmem:v10+s25+$0x0] =	vst.idx.add.f32.msk $0xffff, v7;
	v7 =	vand.u32 $0x7FFFFFFF, v12  }
0x745: {  	v5 =	vand.u32 $0x7FFFFFFF, v5;
	[tilespmem:v6+s25+$0x0] =	vst.idx.add.f32.msk $0xffff, v7  }
0x746: {  	[tilespmem:v11+s25+$0x0] =	vst.idx.add.f32.msk $0xffff, v5  }
0x747: {  	v13 =	vld [tilespmem:s18+$0xFFFFFC00]  }
0x748: {  	v22 =	vld [tilespmem:s18+$0x60]  }
0x749: {  	v19 =	vld [tilespmem:s18+$0x70]  }
0x74a: {  	v20 =	vld [tilespmem:s18+$0x50]  }
0x74b: {  	v24 =	vld [tilespmem:s18+$0x40]  }
0x74c: {  	v21 =	vld [tilespmem:s18+$0x20]  }
0x74d: {  	v23 =	vld [tilespmem:s18+$0x10]  }
0x74e: {  	v25 =	vld [tilespmem:s18+$0x0]  }
0x74f: {  	v27 =	vld [tilespmem:s18+$0xFFFFFC70]  }
0x750: {  	v12 =	vld [tilespmem:s18+$0xFFFFFC60]  }
0x751: {  	v32 =	vld [tilespmem:s18+$0xFFFFFC10];
	v5 =	vmul.f32 v13, v4  }
0x752: {  	v30 =	vld [tilespmem:s18+$0xFFFFFC20];
	v6 =	vmul.f32 v22, v4;
	v7 =	vmul.f32 v19, v4  }
0x753: {  	v10 =	vld [tilespmem:s18+$0xFFFFFC40];
	v8 =	vmul.f32 v20, v4;
	v9 =	vmul.f32 v24, v4  }
0x754: {  	v14 =	vmul.f32 v21, v4;
	v15 =	vmul.f32 v23, v4  }
0x755: {  	v26 =	vmul.f32 v25, v4;
	v29 =	vmul.f32 v27, v4  }
0x756: {  	v59 =	vmul.f32 v32, v4;
	v60 =	vmul.f32 v12, v4  }
0x757: {  	v62 =	vmul.f32 v30, v4;
	v5 =	vadd.f32 v5, v3;
	v6 =	vadd.f32 v6, v3  }
0x758: {  	v17 =	vld [tilespmem:s18+$0x30];
	v52 =	vmul.f32 v10, v4;
	v7 =	vadd.f32 v7, v3;
	v8 =	vadd.f32 v8, v3  }
0x759: {  	v9 =	vadd.f32 v9, v3;
	v15 =	vadd.f32 v15, v3;
	v5 =	vtrunc.f32 v5  }
0x75a: {  	v61 =	vadd.f32 v59, v3;
	v6 =	vtrunc.f32 v6;
	v16 =	vtrunc.f32 v7  }
0x75b: {  	v11 =	vld [tilespmem:s18+$0xFFFFFC50];
	v8 =	vtrunc.f32 v8;
	v9 =	vtrunc.f32 v9  }
0x75c: {  	v36 =	vadd.f32 v62, v3;
	v62 =	vld [tilespmem:s3+$0x20];
	v57 =	vtrunc.f32 v15;
	v34 =	vtrunc.f32 v61  }
0x75d: {  	v14 =	vadd.f32 v14, v3;
	v7 =	vld [tilespmem:s18+$0xFFFFFC30];
	v18 =	vcvt.f32.s32 v5;
	v5 =	vmul.f32 v17, v4  }
0x75e: {  	v61 =	vld [tilespmem:s3+$0x0];
	v28 =	vcvt.f32.s32 v16;
	v42 =	vcvt.f32.s32 v6  }
0x75f: {  	v6 =	vld [tilespmem:s3+$0xFFFFFC40];
	v16 =	vadd.f32 v5, v3;
	v5 =	vtrunc.f32 v14;
	v14 =	vadd.f32 v26, v3  }
0x760: {  	v15 =	vcvt.f32.s32 v8;
	v33 =	vcvt.f32.s32 v57;
	v8 =	vld [tilespmem:s3+$0x40]  }
0x761: {  	v31 =	vcvt.f32.s32 v5;
	v5 =	vld [tilespmem:s3+$0xFFFFFC30];
	v14 =	vtrunc.f32 v14  }
0x762: {  	v37 =	vadd.f32 v60, v3;
	v58 =	vtrunc.f32 v16;
	v16 =	vcvt.f32.s32 v9;
	v9 =	vld [tilespmem:s3+$0x50]  }
0x763: {  	v43 =	vmul.f32 v11, v4;
	v38 =	vcvt.f32.s32 v14;
	v26 =	vld.idx.msk [tilespmem:v18+s16+$0x0], $0xffff  }
0x764: {  	v29 =	vadd.f32 v29, v3;
	v37 =	vtrunc.f32 v37;
	v36 =	vtrunc.f32 v36;
	v35 =	vld.idx.msk [tilespmem:v28+s16+$0x0], $0xffff  }
0x765: {  	v43 =	vadd.f32 v43, v3;
	v39 =	vcvt.f32.s32 v36;
	v14 =	vcvt.f32.s32 v58;
	v58 =	vld [tilespmem:s3+$0xFFFFFC00]  }
0x766: {  	v40 =	vadd.f32 v52, v3;
	v29 =	vtrunc.f32 v29;
	v34 =	vcvt.f32.s32 v34;
	v45 =	vld.idx.msk [tilespmem:v33+s16+$0x0], $0xffff  }
0x767: {  	v48 =	vcvt.f32.s32 v29;
	v29 =	vtrunc.f32 v43;
	v63 =	vld.idx.msk [tilespmem:v31+s16+$0x0], $0xffff  }
0x768: {  	v54 =	vtrunc.f32 v40;
	v29 =	vcvt.f32.s32 v29;
	v53 =	vld.idx.msk [tilespmem:v15+s16+$0x0], $0xffff  }
0x769: {  	vm0 =	vlt.f32 v26, v13;
	v26 =	vmul.f32 v7, v4;
	v47 =	vld.idx.msk [tilespmem:v38+s16+$0x0], $0xffff;
	vm1 =	vlt.f32 v35, v19  }
0x76a: {  	v41 =	vand.u32 $0x7FFFFFFF, v61;
	v55 =	vld.idx.msk [tilespmem:v42+s16+$0x0], $0xffff;
	v44 =	vsel vm0, $0x1, v1;
	v50 =	vsel vm1, $0x1, v1  }
0x76b: {  	v60 =	vld.idx.msk [tilespmem:v39+s16+$0x0], $0xffff;
	vm1 =	vlt.f32 v45, v23;
	v26 =	vadd.f32 v26, v3;
	v44 =	vadd.s32 v18, v44  }
0x76c: {  	v46 =	vld.idx.msk [tilespmem:v16+s16+$0x0], $0xffff;
	v40 =	vadd.s32 v28, v50;
	vm0 =	vlt.f32 v63, v21;
	v21 =	vcvt.f32.s32 v37  }
0x76d: {  	v56 =	vld.idx.msk [tilespmem:v34+s16+$0x0], $0xffff;
	v19 =	vsel vm0, $0x1, v1;
	v57 =	vtrunc.f32 v26;
	vm0 =	vlt.f32 v53, v20  }
0x76e: {  	v59 =	vld.idx.msk [tilespmem:v48+s16+$0x0], $0xffff;
	v20 =	vshll.u32 v44, $0x7;
	v19 =	vadd.s32 v31, v19;
	vm2 =	vlt.f32 v47, v25  }
0x76f: {  	v13 =	vld [tilespmem:s3+$0x30];
	v44 =	vor.u32 v2, v20;
	v19 =	vshll.u32 v19, $0x7;
	v20 =	vsel vm2, $0x1, v1  }
0x770: {  	v49 =	vld.idx.msk [tilespmem:v14+s16+$0x0], $0xffff;
	vm2 =	vlt.f32 v60, v30;
	v23 =	vor.u32 v2, v19;
	v19 =	vsel vm1, $0x1, v1  }
0x771: {  	v25 =	vld [tilespmem:s3+$0x70];
	v20 =	vadd.s32 v38, v20;
	vm1 =	vlt.f32 v46, v24;
	v19 =	vadd.s32 v33, v19  }
0x772: {  	v35 =	vld [tilespmem:s3+$0x10];
	v24 =	vshll.u32 v20, $0x7;
	v31 =	vsel vm1, $0x1, v1;
	vm1 =	vlt.f32 v56, v32  }
0x773: {  	v18 =	vld [tilespmem:s3+$0xFFFFFC20];
	v32 =	vsel vm0, $0x1, v1;
	vm0 =	vlt.f32 v55, v22;
	v19 =	vshll.u32 v19, $0x7  }
0x774: {  	v30 =	vld.idx.msk [tilespmem:v29+s16+$0x0], $0xffff;
	v33 =	vor.u32 v2, v24;
	v22 =	vsel vm1, $0x1, v1;
	v24 =	vcvt.f32.s32 v54  }
0x775: {  	v38 =	vld [tilespmem:s3+$0xFFFFFC50];
	v51 =	vsel vm0, $0x1, v1;
	vm1 =	vlt.f32 v59, v27;
	vm0 =	vlt.f32 v49, v17  }
0x776: {  	v36 =	vld.idx.msk [tilespmem:v21+s16+$0x0], $0xffff;
	v27 =	vsel vm2, $0x1, v1;
	v20 =	vor.u32 v2, v19;
	v26 =	vand.u32 $0x7FFFFFFF, v25  }
0x777: {  	v19 =	vld [tilespmem:s3+$0xFFFFFC60];
	v25 =	vand.u32 $0x7FFFFFFF, v58;
	v22 =	vadd.s32 v34, v22;
	v17 =	vsel vm1, $0x1, v1  }
0x778: {  	v34 =	vld [tilespmem:s3+$0xFFFFFC10];
	v22 =	vshll.u32 v22, $0x7;
	v63 =	vadd.s32 v48, v17;
	v17 =	vadd.s32 v39, v27  }
0x779: {  	s19 =	simm.s32 $0x0;
	[tilespmem:v44+s25+$0x0] =	vst.idx.add.f32.msk $0xffff, v25;
	v25 =	vor.u32 v2, v22;
	v22 =	vcvt.f32.s32 v57;
	v27 =	vshll.u32 v63, $0x7  }
0x77a: {  	s0 =	simm.s32 $0xC700;
	s4 =	simm.s32 $0x4700;
	s31 =	simm.s32 $0xC680;
	v39 =	vand.u32 $0x7FFFFFFF, v62;
	v28 =	vor.u32 v2, v27;
	v27 =	vadd.s32 v42, v51;
	v37 =	vld.idx.msk [tilespmem:v24+s16+$0x0], $0xffff  }
.LBB2_29:
0x77b: {  	s19 =	sadd.s32 $0x100, s19;
	v42 =	vshll.u32 v17, $0x7;
	[tilespmem:v33+s25+$0x0] =	vst.idx.add.f32.msk $0xffff, v41;
	v16 =	vadd.s32 v16, v31;
	v27 =	vshll.u32 v27, $0x7;
	s3 =	sadd.s32 $0x800, s3;
	s18 =	sadd.s32 $0x800, s18  }
0x77c: {  	v31 =	vand.u32 $0x7FFFFFFF, v35;
	v15 =	vadd.s32 v15, v32;
	v32 =	vshll.u32 v40, $0x7;
	v17 =	vld [tilespmem:s18+$0x60];
	p1 =	slt.u32 s19, $0x700  }
0x77d: {  	vm1 =	vlt.f32 v36, v12;
	v33 =	vor.u32 v2, v42;
	v32 =	vor.u32 v2, v32;
	v12 =	vld [tilespmem:s31+$0xFFFFFC70]  }
0x77e: {  	v34 =	vand.u32 $0x7FFFFFFF, v34;
	vm2 =	vlt.f32 v30, v11;
	v11 =	vsel vm0, $0x1, v1;
	[tilespmem:v23+s25+$0x0] =	vst.idx.add.f32.msk $0xffff, v39  }
0x77f: {  	v35 =	vand.u32 $0x7FFFFFFF, v38;
	v23 =	vsel vm2, $0x1, v1;
	v11 =	vadd.s32 v14, v11;
	v30 =	vld.idx.msk [tilespmem:v22+s16+$0x0], $0xffff  }
0x780: {  	v14 =	vsel vm1, $0x1, v1;
	vm0 =	vlt.f32 v37, v10;
	v10 =	vadd.s32 v29, v23;
	v29 =	vld [tilespmem:s31+$0x60];
	s31 =	smov.u32 s3  }
0x781: {  	v18 =	vand.u32 $0x7FFFFFFF, v18;
	v14 =	vadd.s32 v21, v14;
	v10 =	vshll.u32 v10, $0x7;
	v23 =	vld [tilespmem:s18+$0xFFFFFC00]  }
0x782: {  	v11 =	vshll.u32 v11, $0x7;
	v14 =	vshll.u32 v14, $0x7;
	v10 =	vor.u32 v2, v10;
	[tilespmem:v32+s25+$0x0] =	vst.idx.add.f32.msk $0xffff, v26  }
0x783: {  	v15 =	vshll.u32 v15, $0x7;
	v21 =	vsel vm0, $0x1, v1;
	v11 =	vor.u32 v2, v11;
	[tilespmem:v25+s25+$0x0] =	vst.idx.add.f32.msk $0xffff, v34  }
0x784: {  	v16 =	vshll.u32 v16, $0x7;
	v21 =	vadd.s32 v24, v21;
	v12 =	vand.u32 $0x7FFFFFFF, v12;
	[tilespmem:v20+s25+$0x0] =	vst.idx.add.f32.msk $0xffff, v31  }
0x785: {  	vm0 =	vlt.f32 v30, v7;
	v7 =	vshll.u32 v21, $0x7;
	[tilespmem:v28+s25+$0x0] =	vst.idx.add.f32.msk $0xffff, v12;
	v12 =	vor.u32 v2, v27  }
0x786: {  	v15 =	vor.u32 v2, v15;
	v14 =	vor.u32 v2, v14;
	[tilespmem:v33+s25+$0x0] =	vst.idx.add.f32.msk $0xffff, v18;
	v18 =	vsel vm0, $0x1, v1  }
0x787: {  	v18 =	vadd.s32 v22, v18;
	[tilespmem:v10+s25+$0x0] =	vst.idx.add.f32.msk $0xffff, v35;
	v10 =	vor.u32 v2, v16;
	v16 =	vand.u32 $0x7FFFFFFF, v29  }
0x788: {  	v13 =	vand.u32 $0x7FFFFFFF, v13;
	v7 =	vor.u32 v2, v7;
	v20 =	vld [tilespmem:s18+$0x70];
	v18 =	vshll.u32 v18, $0x7  }
0x789: {  	v19 =	vand.u32 $0x7FFFFFFF, v19;
	v18 =	vor.u32 v2, v18;
	[tilespmem:v11+s25+$0x0] =	vst.idx.add.f32.msk $0xffff, v13  }
0x78a: {  	v9 =	vand.u32 $0x7FFFFFFF, v9;
	[tilespmem:v12+s25+$0x0] =	vst.idx.add.f32.msk $0xffff, v16  }
0x78b: {  	[tilespmem:v14+s25+$0x0] =	vst.idx.add.f32.msk $0xffff, v19  }
0x78c: {  	v8 =	vand.u32 $0x7FFFFFFF, v8;
	[tilespmem:v15+s25+$0x0] =	vst.idx.add.f32.msk $0xffff, v9  }
0x78d: {  	v5 =	vand.u32 $0x7FFFFFFF, v5;
	v6 =	vand.u32 $0x7FFFFFFF, v6;
	[tilespmem:v10+s25+$0x0] =	vst.idx.add.f32.msk $0xffff, v8  }
0x78e: {  	[tilespmem:v7+s25+$0x0] =	vst.idx.add.f32.msk $0xffff, v6  }
0x78f: {  	[tilespmem:v18+s25+$0x0] =	vst.idx.add.f32.msk $0xffff, v5  }
0x790: {  	v21 =	vld [tilespmem:s18+$0x50]  }
0x791: {  	v19 =	vld [tilespmem:s18+$0x40]  }
0x792: {  	v5 =	vmul.f32 v23, v4;
	v22 =	vld [tilespmem:s18+$0x30]  }
0x793: {  	v6 =	vmul.f32 v20, v4;
	v24 =	vld [tilespmem:s18+$0x20]  }
0x794: {  	v7 =	vmul.f32 v17, v4;
	v5 =	vadd.f32 v5, v3;
	v26 =	vld [tilespmem:s18+$0x10]  }
0x795: {  	v6 =	vadd.f32 v6, v3;
	v29 =	vld [tilespmem:s18+$0x0];
	v8 =	vmul.f32 v21, v4  }
0x796: {  	v7 =	vadd.f32 v7, v3;
	v5 =	vtrunc.f32 v5;
	v25 =	vld [tilespmem:s18+$0xFFFFFC70];
	v9 =	vmul.f32 v19, v4  }
0x797: {  	v18 =	vcvt.f32.s32 v5;
	v12 =	vld [tilespmem:s18+$0xFFFFFC60];
	v5 =	vmul.f32 v22, v4;
	v8 =	vadd.f32 v8, v3  }
0x798: {  	v14 =	vtrunc.f32 v7;
	v11 =	vld [tilespmem:s18+$0xFFFFFC50];
	v13 =	vmul.f32 v24, v4;
	v9 =	vadd.f32 v9, v3  }
0x799: {  	v10 =	vld [tilespmem:s18+$0xFFFFFC40];
	v15 =	vmul.f32 v26, v4;
	v16 =	vadd.f32 v5, v3;
	v5 =	vtrunc.f32 v6  }
0x79a: {  	v7 =	vld [tilespmem:s18+$0xFFFFFC30];
	v6 =	vmul.f32 v29, v4;
	v13 =	vadd.f32 v13, v3;
	v28 =	vcvt.f32.s32 v5  }
0x79b: {  	v8 =	vtrunc.f32 v8;
	v30 =	vld [tilespmem:s18+$0xFFFFFC20];
	v5 =	vmul.f32 v25, v4;
	v15 =	vadd.f32 v15, v3  }
0x79c: {  	v27 =	vcvt.f32.s32 v14;
	v32 =	vld [tilespmem:s18+$0xFFFFFC10];
	v31 =	vadd.f32 v6, v3;
	v6 =	vtrunc.f32 v13  }
0x79d: {  	v9 =	vtrunc.f32 v9;
	v13 =	vld.idx.msk [tilespmem:v18+s16+$0x0], $0xffff;
	v33 =	vadd.f32 v5, v3;
	v34 =	vcvt.f32.s32 v6  }
0x79e: {  	v14 =	vtrunc.f32 v15;
	v15 =	vcvt.f32.s32 v8;
	v5 =	vld [tilespmem:s3+$0xFFFFFC30]  }
0x79f: {  	v35 =	vtrunc.f32 v16;
	v31 =	vtrunc.f32 v31;
	v6 =	vld [tilespmem:s3+$0xFFFFFC40]  }
0x7a0: {  	v16 =	vcvt.f32.s32 v9;
	v36 =	vcvt.f32.s32 v14;
	v37 =	vld.idx.msk [tilespmem:v28+s16+$0x0], $0xffff  }
0x7a1: {  	v39 =	vmul.f32 v12, v4;
	v38 =	vmul.f32 v32, v4;
	v8 =	vld [tilespmem:s3+$0x40]  }
0x7a2: {  	v14 =	vcvt.f32.s32 v35;
	v31 =	vcvt.f32.s32 v31;
	v9 =	vld [tilespmem:s3+$0x50]  }
0x7a3: {  	v39 =	vadd.f32 v39, v3;
	v35 =	vadd.f32 v38, v3;
	v38 =	vmul.f32 v30, v4;
	v40 =	vld.idx.msk [tilespmem:v34+s16+$0x0], $0xffff  }
0x7a4: {  	v41 =	vmul.f32 v10, v4;
	vm0 =	vlt.f32 v13, v23;
	v23 =	vmul.f32 v7, v4;
	v42 =	vld.idx.msk [tilespmem:v15+s16+$0x0], $0xffff  }
0x7a5: {  	v43 =	vmul.f32 v11, v4;
	v35 =	vtrunc.f32 v35;
	v38 =	vadd.f32 v38, v3;
	v13 =	vld [tilespmem:s3+$0x30]  }
0x7a6: {  	v44 =	vsel vm0, $0x1, v1;
	v45 =	vcvt.f32.s32 v35;
	v35 =	vtrunc.f32 v39;
	v39 =	vld.idx.msk [tilespmem:v36+s16+$0x0], $0xffff  }
0x7a7: {  	v41 =	vadd.f32 v41, v3;
	v23 =	vadd.f32 v23, v3;
	v38 =	vtrunc.f32 v38;
	v46 =	vld.idx.msk [tilespmem:v16+s16+$0x0], $0xffff  }
0x7a8: {  	v43 =	vadd.f32 v43, v3;
	v33 =	vtrunc.f32 v33;
	v44 =	vadd.s32 v18, v44;
	v47 =	vld.idx.msk [tilespmem:v31+s16+$0x0], $0xffff  }
0x7a9: {  	v48 =	vcvt.f32.s32 v33;
	vm1 =	vlt.f32 v37, v20;
	vm0 =	vlt.f32 v40, v24;
	v18 =	vld [tilespmem:s3+$0xFFFFFC20]  }
0x7aa: {  	v37 =	vcvt.f32.s32 v38;
	v40 =	vsel vm1, $0x1, v1;
	v20 =	vsel vm0, $0x1, v1;
	v38 =	vld.idx.msk [tilespmem:v14+s16+$0x0], $0xffff  }
0x7ab: {  	v33 =	vtrunc.f32 v43;
	v24 =	vtrunc.f32 v41;
	v20 =	vadd.s32 v34, v20;
	v34 =	vld.idx.msk [tilespmem:v27+s16+$0x0], $0xffff  }
0x7ac: {  	v43 =	vtrunc.f32 v23;
	vm0 =	vlt.f32 v42, v21;
	v20 =	vshll.u32 v20, $0x7;
	v41 =	vld.idx.msk [tilespmem:v45+s16+$0x0], $0xffff  }
0x7ad: {  	v21 =	vshll.u32 v44, $0x7;
	vm1 =	vlt.f32 v39, v26;
	v23 =	vor.u32 v2, v20;
	v42 =	vld [tilespmem:s3+$0xFFFFFC00]  }
0x7ae: {  	v39 =	vor.u32 v2, v21;
	v20 =	vsel vm1, $0x1, v1;
	vm2 =	vlt.f32 v47, v29;
	v26 =	vld [tilespmem:s3+$0x70]  }
0x7af: {  	v21 =	vcvt.f32.s32 v35;
	v20 =	vadd.s32 v36, v20;
	v29 =	vsel vm2, $0x1, v1;
	v44 =	vld.idx.msk [tilespmem:v48+s16+$0x0], $0xffff  }
0x7b0: {  	vm1 =	vlt.f32 v46, v19;
	v20 =	vshll.u32 v20, $0x7;
	v29 =	vadd.s32 v31, v29;
	v47 =	vld.idx.msk [tilespmem:v37+s16+$0x0], $0xffff  }
0x7b1: {  	v20 =	vor.u32 v2, v20;
	v31 =	vsel vm1, $0x1, v1;
	v19 =	vshll.u32 v29, $0x7;
	v46 =	vld [tilespmem:s3+$0x0]  }
0x7b2: {  	v29 =	vcvt.f32.s32 v33;
	vm1 =	vlt.f32 v41, v32;
	v33 =	vor.u32 v2, v19;
	v41 =	vld [tilespmem:s3+$0x20]  }
0x7b3: {  	v32 =	vsel vm0, $0x1, v1;
	vm0 =	vlt.f32 v34, v17;
	v19 =	vld [tilespmem:s3+$0xFFFFFC60];
	v26 =	vand.u32 $0x7FFFFFFF, v26  }
0x7b4: {  	v24 =	vcvt.f32.s32 v24;
	v17 =	vsel vm1, $0x1, v1;
	v49 =	vsel vm0, $0x1, v1;
	v35 =	vld [tilespmem:s3+$0x10]  }
0x7b5: {  	v42 =	vand.u32 $0x7FFFFFFF, v42;
	v17 =	vadd.s32 v45, v17;
	vm1 =	vlt.f32 v44, v25;
	v36 =	vld.idx.msk [tilespmem:v21+s16+$0x0], $0xffff  }
.Ltmp15:
0x7b6: {  	vm0 =	vlt.f32 v38, v22;
	v17 =	vshll.u32 v17, $0x7;
	vm2 =	vlt.f32 v47, v30;
	v34 =	vld [tilespmem:s3+$0xFFFFFC10];
	(pc) =	sbr.rel @p1 .LBB2_29-.Ltmp15, $4  }
0x7b7: {  	v22 =	vcvt.f32.s32 v43;
	v25 =	vor.u32 v2, v17;
	v17 =	vsel vm1, $0x1, v1;
	[tilespmem:v39+s25+$0x0] =	vst.idx.add.f32.msk $0xffff, v42  }
0x7b8: {  	v40 =	vadd.s32 v28, v40;
	v38 =	vsel vm2, $0x1, v1;
	v39 =	vadd.s32 v48, v17;
	v30 =	vld.idx.msk [tilespmem:v29+s16+$0x0], $0xffff  }
0x7b9: {  	v17 =	vadd.s32 v37, v38;
	v28 =	vshll.u32 v39, $0x7;
	v39 =	vand.u32 $0x7FFFFFFF, v41;
	v38 =	vld [tilespmem:s3+$0xFFFFFC50]  }
0x7ba: {  	v27 =	vadd.s32 v27, v49;
	v41 =	vand.u32 $0x7FFFFFFF, v46;
	v28 =	vor.u32 v2, v28;
	v37 =	vld.idx.msk [tilespmem:v24+s16+$0x0], $0xffff  }
0x7bb: {  	_ =	sdelay $0x2  }
0x7bc: {  	v17 =	vshll.u32 v17, $0x7;
	v16 =	vadd.s32 v16, v31;
	v27 =	vshll.u32 v27, $0x7  }
0x7bd: {  	[tilespmem:v33+s25+$0x0] =	vst.idx.add.f32.msk $0xffff, v41;
	v31 =	vand.u32 $0x7FFFFFFF, v35;
	v15 =	vadd.s32 v15, v32;
	v53 =	vshll.u32 v40, $0x7  }
0x7be: {  	vm1 =	vlt.f32 v36, v12;
	v54 =	vld [tilespmem:s31+$0xFFFFFC70];
	v55 =	vand.u32 $0x7FFFFFFF, v34;
	v18 =	vand.u32 $0x7FFFFFFF, v18  }
0x7bf: {  	[tilespmem:v23+s25+$0x0] =	vst.idx.add.f32.msk $0xffff, v39;
	v9 =	vand.u32 $0x7FFFFFFF, v9;
	v17 =	vor.u32 v2, v17;
	v12 =	vor.u32 v2, v53  }
0x7c0: {  	v15 =	vshll.u32 v15, $0x7;
	[tilespmem:v20+s25+$0x0] =	vst.idx.add.f32.msk $0xffff, v31;
	vm2 =	vlt.f32 v30, v11;
	v11 =	vsel vm0, $0x1, v1  }
0x7c1: {  	v20 =	vor.u32 v2, v27;
	v30 =	vsel vm2, $0x1, v1;
	v11 =	vadd.s32 v14, v11;
	v14 =	vld.idx.msk [tilespmem:v22+s16+$0x0], $0xffff  }
0x7c2: {  	v15 =	vor.u32 v2, v15;
	vm0 =	vlt.f32 v37, v10;
	v10 =	vadd.s32 v29, v30  }
0x7c3: {  	[tilespmem:v25+s25+$0x0] =	vst.idx.add.f32.msk $0xffff, v55;
	v16 =	vshll.u32 v16, $0x7;
	v29 =	vsel vm1, $0x1, v1;
	v10 =	vshll.u32 v10, $0x7  }
0x7c4: {  	v30 =	vld [tilespmem:s31+$0x60];
	v11 =	vshll.u32 v11, $0x7;
	v21 =	vadd.s32 v21, v29;
	v10 =	vor.u32 v2, v10  }
0x7c5: {  	v11 =	vor.u32 v2, v11;
	v21 =	vshll.u32 v21, $0x7;
	[tilespmem:v12+s25+$0x0] =	vst.idx.add.f32.msk $0xffff, v26;
	v12 =	vsel vm0, $0x1, v1  }
0x7c6: {  	[tilespmem:v17+s25+$0x0] =	vst.idx.add.f32.msk $0xffff, v18;
	v12 =	vadd.s32 v24, v12;
	v24 =	vand.u32 $0x7FFFFFFF, v54;
	vm0 =	vlt.f32 v14, v7  }
0x7c7: {  	[tilespmem:v15+s25+$0x0] =	vst.idx.add.f32.msk $0xffff, v9;
	v7 =	vor.u32 v2, v21;
	v12 =	vshll.u32 v12, $0x7;
	v14 =	vsel vm0, $0x1, v1  }
0x7c8: {  	v23 =	vand.u32 $0x7FFFFFFF, v38;
	[tilespmem:v28+s25+$0x0] =	vst.idx.add.f32.msk $0xffff, v24;
	v12 =	vor.u32 v2, v12;
	v14 =	vadd.s32 v22, v14  }
0x7c9: {  	v13 =	vand.u32 $0x7FFFFFFF, v13;
	[tilespmem:v10+s25+$0x0] =	vst.idx.add.f32.msk $0xffff, v23;
	v10 =	vor.u32 v2, v16;
	v14 =	vshll.u32 v14, $0x7  }
0x7ca: {  	[tilespmem:v11+s25+$0x0] =	vst.idx.add.f32.msk $0xffff, v13;
	v16 =	vand.u32 $0x7FFFFFFF, v30;
	v11 =	vor.u32 v2, v14  }
0x7cb: {  	v13 =	vand.u32 $0x7FFFFFFF, v19;
	[tilespmem:v20+s25+$0x0] =	vst.idx.add.f32.msk $0xffff, v16  }
0x7cc: {  	v6 =	vand.u32 $0x7FFFFFFF, v6;
	[tilespmem:v7+s25+$0x0] =	vst.idx.add.f32.msk $0xffff, v13  }
0x7cd: {  	v7 =	vand.u32 $0x7FFFFFFF, v8;
	[tilespmem:v12+s25+$0x0] =	vst.idx.add.f32.msk $0xffff, v6  }
0x7ce: {  	v5 =	vand.u32 $0x7FFFFFFF, v5;
	[tilespmem:v10+s25+$0x0] =	vst.idx.add.f32.msk $0xffff, v7  }
0x7cf: {  	[tilespmem:v11+s25+$0x0] =	vst.idx.add.f32.msk $0xffff, v5  }
0x7d0: {  	v12 =	vld [tilespmem:s4+$0xFFFFFC00]  }
0x7d1: {  	v15 =	vld [tilespmem:s4+$0x70]  }
0x7d2: {  	v16 =	vld [tilespmem:s4+$0x60]  }
0x7d3: {  	v17 =	vld [tilespmem:s4+$0x50]  }
0x7d4: {  	v18 =	vld [tilespmem:s4+$0x40]  }
0x7d5: {  	v21 =	vld [tilespmem:s4+$0x30]  }
0x7d6: {  	v24 =	vld [tilespmem:s4+$0x10]  }
0x7d7: {  	v11 =	vld [tilespmem:s4+$0xFFFFFC70]  }
0x7d8: {  	v10 =	vld [tilespmem:s4+$0xFFFFFC60]  }
0x7d9: {  	v31 =	vld [tilespmem:s4+$0xFFFFFC50]  }
0x7da: {  	v33 =	vld [tilespmem:s4+$0xFFFFFC30];
	v5 =	vmul.f32 v12, v4  }
0x7db: {  	v35 =	vld [tilespmem:s4+$0xFFFFFC20];
	v6 =	vmul.f32 v15, v4;
	v7 =	vmul.f32 v16, v4  }
0x7dc: {  	v8 =	vmul.f32 v17, v4;
	v9 =	vmul.f32 v18, v4  }
0x7dd: {  	v13 =	vmul.f32 v21, v4;
	v20 =	vmul.f32 v24, v4  }
0x7de: {  	v27 =	vmul.f32 v11, v4;
	v30 =	vmul.f32 v10, v4  }
0x7df: {  	v56 =	vmul.f32 v31, v4;
	v59 =	vmul.f32 v33, v4;
	v5 =	vadd.f32 v5, v3  }
0x7e0: {  	v42 =	vmul.f32 v35, v4;
	v6 =	vadd.f32 v6, v3;
	v8 =	vadd.f32 v8, v3  }
0x7e1: {  	v7 =	vadd.f32 v7, v3;
	v9 =	vadd.f32 v9, v3;
	v5 =	vtrunc.f32 v5  }
0x7e2: {  	v22 =	vld [tilespmem:s4+$0x20];
	v26 =	vadd.f32 v13, v3;
	v14 =	vtrunc.f32 v6;
	v8 =	vtrunc.f32 v8  }
0x7e3: {  	v25 =	vld [tilespmem:s4+$0x0];
	v32 =	vadd.f32 v56, v3;
	v7 =	vtrunc.f32 v7;
	v9 =	vtrunc.f32 v9  }
0x7e4: {  	v29 =	vld [tilespmem:s4+$0xFFFFFC10];
	v20 =	vadd.f32 v20, v3;
	v26 =	vtrunc.f32 v26;
	v19 =	vcvt.f32.s32 v5  }
0x7e5: {  	v48 =	vld [tilespmem:s0+$0x10];
	v32 =	vtrunc.f32 v32;
	v23 =	vcvt.f32.s32 v14  }
0x7e6: {  	v55 =	vld [tilespmem:s0+$0xFFFFFC00];
	v20 =	vtrunc.f32 v20;
	v58 =	vcvt.f32.s32 v8  }
0x7e7: {  	v37 =	vld [tilespmem:s0+$0xFFFFFC20];
	v5 =	vmul.f32 v22, v4;
	v60 =	vcvt.f32.s32 v9  }
0x7e8: {  	v27 =	vadd.f32 v27, v3;
	v6 =	vld [tilespmem:s4+$0xFFFFFC40];
	v14 =	vmul.f32 v25, v4;
	v13 =	vcvt.f32.s32 v7  }
0x7e9: {  	v7 =	vld [tilespmem:s0+$0xFFFFFC60];
	v9 =	vmul.f32 v29, v4;
	v40 =	vcvt.f32.s32 v26;
	v26 =	vadd.f32 v59, v3  }
0x7ea: {  	v27 =	vtrunc.f32 v27;
	v28 =	vadd.f32 v5, v3;
	v14 =	vadd.f32 v14, v3;
	v57 =	vld.idx.msk [tilespmem:v19+s16+$0x0], $0xffff  }
0x7eb: {  	v63 =	vcvt.f32.s32 v20;
	v62 =	vadd.f32 v9, v3;
	v26 =	vtrunc.f32 v26;
	v39 =	vld.idx.msk [tilespmem:v23+s16+$0x0], $0xffff  }
0x7ec: {  	v28 =	vtrunc.f32 v28;
	v14 =	vtrunc.f32 v14;
	v43 =	vld.idx.msk [tilespmem:v58+s16+$0x0], $0xffff  }
0x7ed: {  	v50 =	vadd.f32 v42, v3;
	v20 =	vtrunc.f32 v62;
	v28 =	vcvt.f32.s32 v28;
	v45 =	vld.idx.msk [tilespmem:v60+s16+$0x0], $0xffff  }
0x7ee: {  	v52 =	vmul.f32 v6, v4;
	v44 =	vcvt.f32.s32 v20;
	v61 =	vld.idx.msk [tilespmem:v13+s16+$0x0], $0xffff  }
0x7ef: {  	v30 =	vadd.f32 v30, v3;
	v14 =	vcvt.f32.s32 v14;
	v20 =	vtrunc.f32 v50;
	v46 =	vld.idx.msk [tilespmem:v40+s16+$0x0], $0xffff  }
0x7f0: {  	v8 =	vld [tilespmem:s0+$0x0];
	v47 =	vcvt.f32.s32 v20;
	v20 =	vcvt.f32.s32 v26;
	v26 =	vadd.f32 v52, v3  }
0x7f1: {  	v5 =	vld [tilespmem:s0+$0xFFFFFC40];
	vm0 =	vlt.f32 v57, v12;
	vm1 =	vlt.f32 v43, v17;
	v17 =	vcvt.f32.s32 v27  }
0x7f2: {  	v9 =	vld [tilespmem:s0+$0x30];
	vm2 =	vlt.f32 v45, v18;
	v51 =	vsel vm0, $0x1, v1;
	vm0 =	vlt.f32 v39, v15  }
0x7f3: {  	v15 =	vadd.s32 v19, v51;
	v19 =	vtrunc.f32 v30;
	v30 =	vld.idx.msk [tilespmem:v28+s16+$0x0], $0xffff;
	v39 =	vsel vm0, $0x1, v1  }
0x7f4: {  	v27 =	vld [tilespmem:s0+$0x50];
	vm0 =	vlt.f32 v61, v16;
	v16 =	vsel vm1, $0x1, v1;
	vm1 =	vlt.f32 v46, v21  }
0x7f5: {  	v53 =	vld.idx.msk [tilespmem:v63+s16+$0x0], $0xffff;
	v21 =	vsel vm2, $0x1, v1;
	v42 =	vshll.u32 v15, $0x7;
	v15 =	vcvt.f32.s32 v19  }
0x7f6: {  	v54 =	vld.idx.msk [tilespmem:v44+s16+$0x0], $0xffff;
	v19 =	vcvt.f32.s32 v32;
	v18 =	vadd.s32 v58, v16;
	v39 =	vadd.s32 v23, v39  }
0x7f7: {  	v12 =	vld [tilespmem:s0+$0x60];
	v16 =	vand.u32 $0x7FFFFFFF, v48;
	v21 =	vadd.s32 v60, v21;
	v23 =	vor.u32 v2, v42  }
0x7f8: {  	v56 =	vld.idx.msk [tilespmem:v14+s16+$0x0], $0xffff;
	v58 =	vshll.u32 v39, $0x7;
	v60 =	vshll.u32 v21, $0x7;
	vm2 =	vlt.f32 v30, v22  }
0x7f9: {  	v62 =	vld.idx.msk [tilespmem:v20+s16+$0x0], $0xffff;
	v21 =	vshll.u32 v18, $0x7;
	v61 =	vand.u32 $0x7FFFFFFF, v27;
	v57 =	vsel vm2, $0x1, v1  }
0x7fa: {  	v22 =	vld.idx.msk [tilespmem:v47+s16+$0x0], $0xffff;
	v30 =	vtrunc.f32 v26;
	vm2 =	vlt.f32 v53, v24;
	v24 =	vadd.s32 v28, v57  }
0x7fb: {  	v32 =	vld [tilespmem:s0+$0xFFFFFC10];
	v28 =	vsel vm2, $0x1, v1;
	vm2 =	vlt.f32 v54, v29;
	v29 =	vand.u32 $0x7FFFFFFF, v55  }
0x7fc: {  	v59 =	vld.idx.msk [tilespmem:v19+s16+$0x0], $0xffff;
	v63 =	vadd.s32 v63, v28;
	v28 =	vsel vm2, $0x1, v1;
	v27 =	vshll.u32 v24, $0x7  }
0x7fd: {  	v18 =	vld [tilespmem:s0+$0xFFFFFC30];
	v24 =	vor.u32 v2, v21;
	vm2 =	vlt.f32 v56, v25;
	v21 =	vadd.s32 v44, v28  }
0x7fe: {  	v34 =	vld.idx.msk [tilespmem:v17+s16+$0x0], $0xffff;
	v28 =	vsel vm2, $0x1, v1;
	v25 =	vshll.u32 v21, $0x7;
	v21 =	vcvt.f32.s32 v30  }
0x7ff: {  	v26 =	vld.idx.msk [tilespmem:v15+s16+$0x0], $0xffff;
	v39 =	vshll.u32 v63, $0x7;
	vm2 =	vlt.f32 v22, v35;
	v22 =	vsel vm1, $0x1, v1  }
0x800: {  	v30 =	vor.u32 v2, v25;
	v25 =	vld [tilespmem:s0+$0x70];
	v35 =	vsel vm2, $0x1, v1;
	v36 =	vadd.s32 v40, v22  }
0x801: {  	v22 =	vor.u32 v2, v58;
	vm1 =	vlt.f32 v59, v31;
	v31 =	vld [tilespmem:s0+$0x40];
	v35 =	vadd.s32 v47, v35  }
0x802: {  	s18 =	simm.s32 $0x0;
	v40 =	vsel vm0, $0x1, v1;
	v38 =	vsel vm1, $0x1, v1;
	[tilespmem:v24+s25+$0x0] =	vst.idx.add.f32.msk $0xffff, v61;
	v24 =	vshll.u32 v35, $0x7  }
0x803: {  	s3 =	simm.s32 $0x4780;
	s19 =	simm.s32 $0xC700;
	s31 =	simm.s32 $0xC780;
	vm1 =	vlt.f32 v62, v33;
	v33 =	vor.u32 v2, v60;
	v35 =	vor.u32 v2, v24;
	v24 =	vld [tilespmem:s0+$0xFFFFFC50]  }
.LBB2_31:
0x804: {  	s18 =	sadd.s32 $0x100, s18;
	v41 =	vsel vm1, $0x1, v1;
	v42 =	vld.idx.msk [tilespmem:v21+s16+$0x0], $0xffff;
	vm0 =	vlt.f32 v34, v11;
	v11 =	vadd.s32 v13, v40;
	s0 =	sadd.s32 $0x800, s0;
	s4 =	sadd.s32 $0x800, s4  }
0x805: {  	vm1 =	vlt.f32 v26, v10;
	p1 =	slt.u32 s18, $0x700;
	v13 =	vadd.s32 v20, v41;
	v10 =	vld [tilespmem:s19+$0x20];
	v20 =	vshll.u32 v36, $0x7  }
0x806: {  	v26 =	vand.u32 $0x7FFFFFFF, v32;
	v19 =	vadd.s32 v19, v38;
	v34 =	vsel vm0, $0x1, v1;
	v32 =	vld [tilespmem:s19+$0xFFFFFC70];
	s19 =	smov.u32 s0  }
0x807: {  	v36 =	vor.u32 v2, v39;
	[tilespmem:v23+s25+$0x0] =	vst.idx.add.f32.msk $0xffff, v29;
	v23 =	vand.u32 $0x7FFFFFFF, v37;
	v29 =	vsel vm1, $0x1, v1  }
0x808: {  	v19 =	vshll.u32 v19, $0x7;
	v17 =	vadd.s32 v17, v34;
	[tilespmem:v35+s25+$0x0] =	vst.idx.add.f32.msk $0xffff, v23;
	v23 =	vor.u32 v2, v27  }
0x809: {  	v13 =	vshll.u32 v13, $0x7;
	v17 =	vshll.u32 v17, $0x7;
	[tilespmem:v30+s25+$0x0] =	vst.idx.add.f32.msk $0xffff, v26;
	v26 =	vadd.s32 v14, v28  }
0x80a: {  	v15 =	vadd.s32 v15, v29;
	v17 =	vor.u32 v2, v17;
	v27 =	vand.u32 $0x7FFFFFFF, v31;
	v14 =	vld [tilespmem:s4+$0xFFFFFC00]  }
0x80b: {  	v19 =	vor.u32 v2, v19;
	v28 =	vshll.u32 v15, $0x7;
	v29 =	vand.u32 $0x7FFFFFFF, v32;
	[tilespmem:v33+s25+$0x0] =	vst.idx.add.f32.msk $0xffff, v27  }
0x80c: {  	v25 =	vand.u32 $0x7FFFFFFF, v25;
	v13 =	vor.u32 v2, v13;
	v27 =	vor.u32 v2, v28;
	v15 =	vld [tilespmem:s4+$0x70]  }
0x80d: {  	v11 =	vshll.u32 v11, $0x7;
	v26 =	vshll.u32 v26, $0x7;
	v10 =	vand.u32 $0x7FFFFFFF, v10;
	[tilespmem:v36+s25+$0x0] =	vst.idx.add.f32.msk $0xffff, v16  }
0x80e: {  	vm0 =	vlt.f32 v42, v6;
	v6 =	vand.u32 $0x7FFFFFFF, v24;
	v16 =	vor.u32 v2, v26;
	[tilespmem:v23+s25+$0x0] =	vst.idx.add.f32.msk $0xffff, v10  }
0x80f: {  	v11 =	vor.u32 v2, v11;
	v10 =	vsel vm0, $0x1, v1;
	[tilespmem:v17+s25+$0x0] =	vst.idx.add.f32.msk $0xffff, v29;
	v17 =	vor.u32 v2, v20  }
0x810: {  	v18 =	vand.u32 $0x7FFFFFFF, v18;
	v10 =	vadd.s32 v21, v10;
	[tilespmem:v19+s25+$0x0] =	vst.idx.add.f32.msk $0xffff, v6  }
0x811: {  	v7 =	vand.u32 $0x7FFFFFFF, v7;
	v6 =	vshll.u32 v10, $0x7;
	[tilespmem:v13+s25+$0x0] =	vst.idx.add.f32.msk $0xffff, v18  }
0x812: {  	v6 =	vor.u32 v2, v6;
	[tilespmem:v27+s25+$0x0] =	vst.idx.add.f32.msk $0xffff, v7;
	v7 =	vand.u32 $0x7FFFFFFF, v12  }
0x813: {  	v9 =	vand.u32 $0x7FFFFFFF, v9;
	[tilespmem:v22+s25+$0x0] =	vst.idx.add.f32.msk $0xffff, v25  }
0x814: {  	v8 =	vand.u32 $0x7FFFFFFF, v8;
	[tilespmem:v17+s25+$0x0] =	vst.idx.add.f32.msk $0xffff, v9  }
0x815: {  	v5 =	vand.u32 $0x7FFFFFFF, v5;
	[tilespmem:v16+s25+$0x0] =	vst.idx.add.f32.msk $0xffff, v8  }
0x816: {  	[tilespmem:v11+s25+$0x0] =	vst.idx.add.f32.msk $0xffff, v7  }
0x817: {  	[tilespmem:v6+s25+$0x0] =	vst.idx.add.f32.msk $0xffff, v5  }
0x818: {  	v16 =	vld [tilespmem:s4+$0x60]  }
0x819: {  	v17 =	vld [tilespmem:s4+$0x50]  }
0x81a: {  	v23 =	vld [tilespmem:s4+$0x40]  }
0x81b: {  	v5 =	vmul.f32 v14, v4;
	v27 =	vld [tilespmem:s4+$0x30]  }
0x81c: {  	v6 =	vmul.f32 v15, v4;
	v26 =	vld [tilespmem:s4+$0x20]  }
0x81d: {  	v5 =	vadd.f32 v5, v3;
	v18 =	vld [tilespmem:s4+$0x10];
	v7 =	vmul.f32 v16, v4  }
0x81e: {  	v6 =	vadd.f32 v6, v3;
	v21 =	vld [tilespmem:s4+$0x0];
	v8 =	vmul.f32 v17, v4  }
0x81f: {  	v5 =	vtrunc.f32 v5;
	v11 =	vld [tilespmem:s4+$0xFFFFFC70];
	v9 =	vmul.f32 v23, v4;
	v7 =	vadd.f32 v7, v3  }
0x820: {  	v13 =	vtrunc.f32 v6;
	v10 =	vld [tilespmem:s4+$0xFFFFFC60];
	v12 =	vmul.f32 v27, v4;
	v8 =	vadd.f32 v8, v3  }
0x821: {  	v19 =	vcvt.f32.s32 v5;
	v22 =	vld [tilespmem:s4+$0xFFFFFC50];
	v5 =	vmul.f32 v26, v4;
	v9 =	vadd.f32 v9, v3  }
0x822: {  	v28 =	vcvt.f32.s32 v13;
	v6 =	vld [tilespmem:s4+$0xFFFFFC40];
	v20 =	vmul.f32 v18, v4;
	v12 =	vadd.f32 v12, v3  }
0x823: {  	v8 =	vtrunc.f32 v8;
	v24 =	vld [tilespmem:s4+$0xFFFFFC30];
	v13 =	vmul.f32 v21, v4;
	v29 =	vadd.f32 v5, v3  }
0x824: {  	v5 =	vtrunc.f32 v7;
	v25 =	vld [tilespmem:s4+$0xFFFFFC20];
	v30 =	vmul.f32 v11, v4;
	v20 =	vadd.f32 v20, v3  }
0x825: {  	v31 =	vld [tilespmem:s4+$0xFFFFFC10];
	v7 =	vmul.f32 v10, v4;
	v32 =	vadd.f32 v13, v3;
	v13 =	vcvt.f32.s32 v5  }
0x826: {  	v9 =	vtrunc.f32 v9;
	v5 =	vld [tilespmem:s0+$0xFFFFFC40];
	v33 =	vmul.f32 v22, v4;
	v30 =	vadd.f32 v30, v3  }
0x827: {  	v36 =	vcvt.f32.s32 v8;
	v29 =	vtrunc.f32 v29;
	v34 =	vld.idx.msk [tilespmem:v19+s16+$0x0], $0xffff;
	v35 =	vadd.f32 v7, v3  }
0x828: {  	v12 =	vtrunc.f32 v12;
	v32 =	vtrunc.f32 v32;
	v33 =	vadd.f32 v33, v3;
	v7 =	vld [tilespmem:s0+$0xFFFFFC60]  }
0x829: {  	v38 =	vcvt.f32.s32 v9;
	v37 =	vmul.f32 v24, v4;
	v39 =	vld.idx.msk [tilespmem:v28+s16+$0x0], $0xffff  }
0x82a: {  	v40 =	vcvt.f32.s32 v12;
	v9 =	vmul.f32 v31, v4;
	v8 =	vld [tilespmem:s0+$0x0]  }
0x82b: {  	v29 =	vcvt.f32.s32 v29;
	v12 =	vadd.f32 v37, v3;
	v33 =	vtrunc.f32 v33;
	v37 =	vld.idx.msk [tilespmem:v13+s16+$0x0], $0xffff  }
0x82c: {  	v20 =	vtrunc.f32 v20;
	v42 =	vmul.f32 v25, v4;
	v41 =	vadd.f32 v9, v3;
	v9 =	vld [tilespmem:s0+$0x30]  }
0x82d: {  	v43 =	vcvt.f32.s32 v20;
	vm0 =	vlt.f32 v34, v14;
	v34 =	vtrunc.f32 v12;
	v44 =	vld.idx.msk [tilespmem:v36+s16+$0x0], $0xffff  }
0x82e: {  	v30 =	vtrunc.f32 v30;
	v20 =	vadd.f32 v42, v3;
	v14 =	vtrunc.f32 v41;
	v12 =	vld [tilespmem:s0+$0x60]  }
0x82f: {  	v41 =	vsel vm0, $0x1, v1;
	v42 =	vcvt.f32.s32 v14;
	v14 =	vcvt.f32.s32 v32;
	v32 =	vld.idx.msk [tilespmem:v38+s16+$0x0], $0xffff  }
0x830: {  	v45 =	vmul.f32 v6, v4;
	v20 =	vtrunc.f32 v20;
	vm0 =	vlt.f32 v39, v15;
	v46 =	vld.idx.msk [tilespmem:v40+s16+$0x0], $0xffff  }
0x831: {  	v15 =	vadd.s32 v19, v41;
	v19 =	vtrunc.f32 v35;
	v39 =	vsel vm0, $0x1, v1;
	v35 =	vld.idx.msk [tilespmem:v29+s16+$0x0], $0xffff  }
0x832: {  	v47 =	vcvt.f32.s32 v20;
	v41 =	vshll.u32 v15, $0x7;
	vm0 =	vlt.f32 v37, v16;
	v48 =	vld [tilespmem:s0+$0x10]  }
0x833: {  	v20 =	vcvt.f32.s32 v34;
	v15 =	vcvt.f32.s32 v19;
	vm1 =	vlt.f32 v44, v17;
	v34 =	vld.idx.msk [tilespmem:v43+s16+$0x0], $0xffff  }
0x834: {  	v19 =	vcvt.f32.s32 v33;
	v17 =	vcvt.f32.s32 v30;
	v16 =	vsel vm1, $0x1, v1;
	v30 =	vld [tilespmem:s0+$0x50]  }
0x835: {  	v37 =	vadd.f32 v45, v3;
	vm2 =	vlt.f32 v32, v23;
	v32 =	vadd.s32 v36, v16;
	v33 =	vld.idx.msk [tilespmem:v42+s16+$0x0], $0xffff  }
0x836: {  	v28 =	vadd.s32 v28, v39;
	vm1 =	vlt.f32 v46, v27;
	v27 =	vsel vm2, $0x1, v1;
	v36 =	vld [tilespmem:s0+$0xFFFFFC00]  }
0x837: {  	v23 =	vor.u32 v2, v41;
	vm2 =	vlt.f32 v35, v26;
	v39 =	vld.idx.msk [tilespmem:v14+s16+$0x0], $0xffff;
	v16 =	vand.u32 $0x7FFFFFFF, v48  }
0x838: {  	v37 =	vtrunc.f32 v37;
	v27 =	vadd.s32 v38, v27;
	v41 =	vsel vm2, $0x1, v1;
	v35 =	vld.idx.msk [tilespmem:v47+s16+$0x0], $0xffff  }
0x839: {  	vm2 =	vlt.f32 v34, v18;
	v29 =	vadd.s32 v29, v41;
	v41 =	vshll.u32 v28, $0x7;
	v26 =	vld.idx.msk [tilespmem:v15+s16+$0x0], $0xffff  }
0x83a: {  	v44 =	vshll.u32 v27, $0x7;
	v18 =	vsel vm2, $0x1, v1;
	v45 =	vand.u32 $0x7FFFFFFF, v30;
	v38 =	vld.idx.msk [tilespmem:v19+s16+$0x0], $0xffff  }
0x83b: {  	v28 =	vshll.u32 v32, $0x7;
	vm2 =	vlt.f32 v33, v31;
	v43 =	vadd.s32 v43, v18;
	v33 =	vld.idx.msk [tilespmem:v20+s16+$0x0], $0xffff  }
0x83c: {  	v27 =	vshll.u32 v29, $0x7;
	v46 =	vor.u32 v2, v28;
	v30 =	vsel vm2, $0x1, v1;
	v18 =	vld [tilespmem:s0+$0xFFFFFC30]  }
0x83d: {  	v29 =	vand.u32 $0x7FFFFFFF, v36;
	v28 =	vadd.s32 v42, v30;
	vm2 =	vlt.f32 v39, v21;
	v32 =	vld [tilespmem:s0+$0xFFFFFC10]  }
0x83e: {  	v21 =	vcvt.f32.s32 v37;
	v30 =	vshll.u32 v28, $0x7;
	v28 =	vsel vm2, $0x1, v1;
	v34 =	vld.idx.msk [tilespmem:v17+s16+$0x0], $0xffff  }
.Ltmp16:
0x83f: {  	v31 =	vsel vm1, $0x1, v1;
	vm2 =	vlt.f32 v35, v25;
	v30 =	vor.u32 v2, v30;
	v25 =	vld [tilespmem:s0+$0x70];
	(pc) =	sbr.rel @p1 .LBB2_31-.Ltmp16, $4  }
0x840: {  	v36 =	vadd.s32 v40, v31;
	v35 =	vsel vm2, $0x1, v1;
	vm1 =	vlt.f32 v38, v22;
	v31 =	vld [tilespmem:s0+$0x40]  }
0x841: {  	v35 =	vadd.s32 v47, v35;
	v22 =	vor.u32 v2, v41;
	v38 =	vsel vm1, $0x1, v1;
	[tilespmem:v46+s25+$0x0] =	vst.idx.add.f32.msk $0xffff, v45  }
0x842: {  	v40 =	vsel vm0, $0x1, v1;
	v35 =	vshll.u32 v35, $0x7;
	vm1 =	vlt.f32 v33, v24;
	v37 =	vld [tilespmem:s0+$0xFFFFFC20]  }
0x843: {  	v39 =	vshll.u32 v43, $0x7;
	v33 =	vor.u32 v2, v44;
	v35 =	vor.u32 v2, v35;
	v24 =	vld [tilespmem:s0+$0xFFFFFC50]  }
0x844: {  	_ =	sdelay $0x2  }
0x845: {  	v41 =	vsel vm1, $0x1, v1;
	vm0 =	vlt.f32 v34, v11;
	v11 =	vadd.s32 v13, v40  }
0x846: {  	v13 =	vld.idx.msk [tilespmem:v21+s16+$0x0], $0xffff;
	vm1 =	vlt.f32 v26, v10;
	v32 =	vand.u32 $0x7FFFFFFF, v32;
	v19 =	vadd.s32 v19, v38  }
0x847: {  	v26 =	vld [tilespmem:s19+$0x20];
	v52 =	vor.u32 v2, v39;
	v27 =	vor.u32 v2, v27;
	v14 =	vadd.s32 v14, v28  }
0x848: {  	[tilespmem:v23+s25+$0x0] =	vst.idx.add.f32.msk $0xffff, v29;
	v20 =	vadd.s32 v20, v41;
	v34 =	vsel vm0, $0x1, v1;
	v23 =	vsel vm1, $0x1, v1  }
0x849: {  	v51 =	vld [tilespmem:s19+$0xFFFFFC70];
	v19 =	vshll.u32 v19, $0x7;
	v14 =	vshll.u32 v14, $0x7;
	v17 =	vadd.s32 v17, v34  }
0x84a: {  	[tilespmem:v30+s25+$0x0] =	vst.idx.add.f32.msk $0xffff, v32;
	v15 =	vadd.s32 v15, v23;
	v23 =	vand.u32 $0x7FFFFFFF, v31;
	v19 =	vor.u32 v2, v19  }
0x84b: {  	v20 =	vshll.u32 v20, $0x7;
	v14 =	vor.u32 v2, v14;
	v37 =	vand.u32 $0x7FFFFFFF, v37;
	[tilespmem:v33+s25+$0x0] =	vst.idx.add.f32.msk $0xffff, v23  }
0x84c: {  	v10 =	vshll.u32 v36, $0x7;
	v17 =	vshll.u32 v17, $0x7;
	v20 =	vor.u32 v2, v20;
	[tilespmem:v35+s25+$0x0] =	vst.idx.add.f32.msk $0xffff, v37  }
0x84d: {  	v15 =	vshll.u32 v15, $0x7;
	v17 =	vor.u32 v2, v17;
	[tilespmem:v52+s25+$0x0] =	vst.idx.add.f32.msk $0xffff, v16;
	v16 =	vand.u32 $0x7FFFFFFF, v26  }
0x84e: {  	v15 =	vor.u32 v2, v15;
	vm0 =	vlt.f32 v13, v6;
	v6 =	vand.u32 $0x7FFFFFFF, v24;
	[tilespmem:v27+s25+$0x0] =	vst.idx.add.f32.msk $0xffff, v16  }
0x84f: {  	v8 =	vand.u32 $0x7FFFFFFF, v8;
	v11 =	vshll.u32 v11, $0x7;
	v13 =	vsel vm0, $0x1, v1;
	[tilespmem:v19+s25+$0x0] =	vst.idx.add.f32.msk $0xffff, v6  }
0x850: {  	v10 =	vor.u32 v2, v10;
	v16 =	vand.u32 $0x7FFFFFFF, v18;
	v13 =	vadd.s32 v21, v13;
	[tilespmem:v14+s25+$0x0] =	vst.idx.add.f32.msk $0xffff, v8  }
0x851: {  	v23 =	vand.u32 $0x7FFFFFFF, v51;
	v6 =	vor.u32 v2, v11;
	[tilespmem:v20+s25+$0x0] =	vst.idx.add.f32.msk $0xffff, v16;
	v11 =	vshll.u32 v13, $0x7  }
0x852: {  	v7 =	vand.u32 $0x7FFFFFFF, v7;
	[tilespmem:v17+s25+$0x0] =	vst.idx.add.f32.msk $0xffff, v23;
	v11 =	vor.u32 v2, v11  }
0x853: {  	v13 =	vand.u32 $0x7FFFFFFF, v25;
	[tilespmem:v15+s25+$0x0] =	vst.idx.add.f32.msk $0xffff, v7  }
0x854: {  	v7 =	vand.u32 $0x7FFFFFFF, v9;
	[tilespmem:v22+s25+$0x0] =	vst.idx.add.f32.msk $0xffff, v13  }
0x855: {  	[tilespmem:v10+s25+$0x0] =	vst.idx.add.f32.msk $0xffff, v7;
	v7 =	vand.u32 $0x7FFFFFFF, v12  }
0x856: {  	v5 =	vand.u32 $0x7FFFFFFF, v5;
	[tilespmem:v6+s25+$0x0] =	vst.idx.add.f32.msk $0xffff, v7  }
0x857: {  	[tilespmem:v11+s25+$0x0] =	vst.idx.add.f32.msk $0xffff, v5  }
0x858: {  	v18 =	vld [tilespmem:s3+$0xFFFFFC00]  }
0x859: {  	v16 =	vld [tilespmem:s3+$0x70]  }
0x85a: {  	v20 =	vld [tilespmem:s3+$0x60]  }
0x85b: {  	v24 =	vld [tilespmem:s3+$0x50]  }
0x85c: {  	v19 =	vld [tilespmem:s3+$0x40]  }
0x85d: {  	v25 =	vld [tilespmem:s3+$0x30]  }
0x85e: {  	v21 =	vld [tilespmem:s3+$0x20]  }
0x85f: {  	v11 =	vld [tilespmem:s3+$0x0]  }
0x860: {  	v26 =	vld [tilespmem:s3+$0xFFFFFC70]  }
0x861: {  	v13 =	vld [tilespmem:s3+$0xFFFFFC60];
	v5 =	vmul.f32 v18, v4  }
0x862: {  	v34 =	vld [tilespmem:s3+$0xFFFFFC20];
	v6 =	vmul.f32 v16, v4;
	v7 =	vmul.f32 v20, v4  }
0x863: {  	v8 =	vmul.f32 v24, v4;
	v9 =	vmul.f32 v19, v4  }
0x864: {  	v12 =	vmul.f32 v25, v4;
	v15 =	vmul.f32 v21, v4  }
0x865: {  	v17 =	vmul.f32 v11, v4;
	v28 =	vmul.f32 v26, v4  }
0x866: {  	v22 =	vld [tilespmem:s3+$0x10];
	v55 =	vmul.f32 v13, v4;
	v5 =	vadd.f32 v5, v3;
	v6 =	vadd.f32 v6, v3  }
0x867: {  	v58 =	vmul.f32 v34, v4;
	v14 =	vadd.f32 v8, v3;
	v15 =	vadd.f32 v15, v3  }
0x868: {  	v30 =	vld [tilespmem:s3+$0xFFFFFC10];
	v5 =	vtrunc.f32 v5;
	v10 =	vtrunc.f32 v6  }
0x869: {  	v63 =	vld [tilespmem:s31+$0x70];
	v7 =	vadd.f32 v7, v3;
	v14 =	vtrunc.f32 v14;
	v15 =	vtrunc.f32 v15  }
0x86a: {  	v8 =	vld [tilespmem:s3+$0xFFFFFC30];
	v17 =	vadd.f32 v17, v3;
	v23 =	vcvt.f32.s32 v10;
	v27 =	vcvt.f32.s32 v5  }
0x86b: {  	v52 =	vld [tilespmem:s31+$0x20];
	v37 =	vadd.f32 v55, v3;
	v5 =	vmul.f32 v22, v4;
	v53 =	vcvt.f32.s32 v15  }
0x86c: {  	v7 =	vtrunc.f32 v7;
	v54 =	vtrunc.f32 v17;
	v17 =	vadd.f32 v28, v3;
	v10 =	vld [tilespmem:s3+$0xFFFFFC40]  }
0x86d: {  	v32 =	vld [tilespmem:s31+$0xFFFFFC70];
	v37 =	vtrunc.f32 v37;
	v31 =	vcvt.f32.s32 v7;
	v29 =	vadd.f32 v5, v3  }
0x86e: {  	v6 =	vld [tilespmem:s3+$0xFFFFFC50];
	v35 =	vcvt.f32.s32 v14;
	v56 =	vtrunc.f32 v17  }
0x86f: {  	v9 =	vadd.f32 v9, v3;
	v7 =	vld [tilespmem:s31+$0xFFFFFC50];
	v42 =	vmul.f32 v8, v4;
	v14 =	vtrunc.f32 v29  }
0x870: {  	v12 =	vadd.f32 v12, v3;
	v38 =	vcvt.f32.s32 v56;
	v28 =	vcvt.f32.s32 v14;
	v33 =	vld.idx.msk [tilespmem:v23+s16+$0x0], $0xffff  }
0x871: {  	v14 =	vmul.f32 v30, v4;
	v43 =	vmul.f32 v10, v4;
	v59 =	vld.idx.msk [tilespmem:v53+s16+$0x0], $0xffff  }
0x872: {  	v5 =	vld [tilespmem:s31+$0xFFFFFC30];
	v29 =	vtrunc.f32 v12;
	v12 =	vtrunc.f32 v9  }
0x873: {  	v60 =	vmul.f32 v6, v4;
	v57 =	vld.idx.msk [tilespmem:v31+s16+$0x0], $0xffff;
	v17 =	vadd.f32 v14, v3;
	v61 =	vadd.f32 v43, v3  }
0x874: {  	v9 =	vld [tilespmem:s31+$0xFFFFFC40];
	v15 =	vcvt.f32.s32 v12;
	v29 =	vcvt.f32.s32 v29  }
0x875: {  	v41 =	vtrunc.f32 v61;
	v61 =	vld [tilespmem:s31+$0xFFFFFC00];
	vm0 =	vlt.f32 v33, v16;
	v16 =	vtrunc.f32 v17  }
0x876: {  	v12 =	vld [tilespmem:s31+$0xFFFFFC10];
	v17 =	vadd.f32 v58, v3;
	v33 =	vadd.f32 v60, v3;
	vm1 =	vlt.f32 v59, v21  }
0x877: {  	v62 =	vld.idx.msk [tilespmem:v28+s16+$0x0], $0xffff;
	v59 =	vand.u32 $0x7FFFFFFF, v63;
	v44 =	vcvt.f32.s32 v16;
	v16 =	vadd.f32 v42, v3  }
0x878: {  	v40 =	vld.idx.msk [tilespmem:v35+s16+$0x0], $0xffff;
	v46 =	vsel vm0, $0x1, v1;
	vm0 =	vlt.f32 v57, v20;
	v17 =	vtrunc.f32 v17  }
0x879: {  	v45 =	vld.idx.msk [tilespmem:v27+s16+$0x0], $0xffff;
	v20 =	vadd.s32 v23, v46;
	v17 =	vcvt.f32.s32 v17;
	v23 =	vtrunc.f32 v16  }
0x87a: {  	v47 =	vld.idx.msk [tilespmem:v29+s16+$0x0], $0xffff;
	v16 =	vsel vm1, $0x1, v1;
	v20 =	vshll.u32 v20, $0x7;
	v63 =	vand.u32 $0x7FFFFFFF, v61  }
0x87b: {  	v14 =	vld [tilespmem:s31+$0x0];
	v21 =	vadd.s32 v53, v16;
	v53 =	vsel vm0, $0x1, v1;
	v16 =	vcvt.f32.s32 v54  }
0x87c: {  	v39 =	vld.idx.msk [tilespmem:v15+s16+$0x0], $0xffff;
	v49 =	vor.u32 v2, v20;
	vm0 =	vlt.f32 v62, v22;
	v22 =	vshll.u32 v21, $0x7  }
0x87d: {  	v54 =	vld [tilespmem:s31+$0x10];
	v21 =	vcvt.f32.s32 v37;
	v55 =	vsel vm0, $0x1, v1;
	v56 =	vor.u32 v2, v22  }
0x87e: {  	vm0 =	vlt.f32 v45, v18;
	v48 =	vld.idx.msk [tilespmem:v44+s16+$0x0], $0xffff;
	v18 =	vadd.s32 v28, v55;
	v28 =	vadd.s32 v31, v53  }
0x87f: {  	v58 =	vld.idx.msk [tilespmem:v38+s16+$0x0], $0xffff;
	v22 =	vsel vm0, $0x1, v1;
	vm0 =	vlt.f32 v47, v25;
	v18 =	vshll.u32 v18, $0x7  }
0x880: {  	v20 =	vld [tilespmem:s31+$0x50];
	v27 =	vadd.s32 v27, v22;
	v25 =	vsel vm0, $0x1, v1;
	v28 =	vshll.u32 v28, $0x7  }
0x881: {  	v22 =	vld [tilespmem:s31+$0x60];
	vm0 =	vlt.f32 v40, v24;
	v24 =	vand.u32 $0x7FFFFFFF, v52;
	v60 =	vor.u32 v2, v18  }
0x882: {  	v57 =	vld.idx.msk [tilespmem:v17+s16+$0x0], $0xffff;
	v18 =	vshll.u32 v27, $0x7;
	v27 =	vtrunc.f32 v33;
	v29 =	vadd.s32 v29, v25  }
0x883: {  	v25 =	vor.u32 v2, v28;
	v28 =	vand.u32 $0x7FFFFFFF, v54;
	[tilespmem:v49+s25+$0x0] =	vst.idx.add.f32.msk $0xffff, v59;
	vm1 =	vlt.f32 v48, v30  }
0x884: {  	v62 =	vor.u32 v2, v18;
	v31 =	vld.idx.msk [tilespmem:v21+s16+$0x0], $0xffff;
	v18 =	vsel vm1, $0x1, v1;
	vm1 =	vlt.f32 v58, v26  }
0x885: {  	[tilespmem:v56+s25+$0x0] =	vst.idx.add.f32.msk $0xffff, v24;
	v26 =	vcvt.f32.s32 v41;
	v18 =	vadd.s32 v44, v18;
	v24 =	vsel vm1, $0x1, v1  }
0x886: {  	[tilespmem:v60+s25+$0x0] =	vst.idx.add.f32.msk $0xffff, v28;
	v28 =	vshll.u32 v29, $0x7;
	vm1 =	vlt.f32 v39, v19;
	v19 =	vcvt.f32.s32 v27  }
0x887: {  	v30 =	vld.idx.msk [tilespmem:v16+s16+$0x0], $0xffff;
	v27 =	vsel vm0, $0x1, v1;
	vm0 =	vlt.f32 v57, v34;
	v18 =	vshll.u32 v18, $0x7  }
0x888: {  	v24 =	vadd.s32 v38, v24;
	v29 =	vor.u32 v2, v28;
	v28 =	vld [tilespmem:s31+$0x40];
	v33 =	vsel vm1, $0x1, v1  }
0x889: {  	s0 =	simm.s32 $0x0;
	s4 =	simm.s32 $0xC780;
	[tilespmem:v62+s25+$0x0] =	vst.idx.add.f32.msk $0xffff, v63;
	v18 =	vor.u32 v2, v18;
	v34 =	vshll.u32 v24, $0x7;
	v24 =	vadd.s32 v35, v27  }
.LBB2_33:
0x88a: {  	s0 =	sadd.s32 $0x100, s0;
	v27 =	vsel vm0, $0x1, v1;
	v23 =	vcvt.f32.s32 v23;
	v34 =	vor.u32 v2, v34;
	v35 =	vld [tilespmem:s31+$0x30];
	s4 =	sadd.s32 $0x800, s4;
	s3 =	sadd.s32 $0x800, s3  }
0x88b: {  	v15 =	vadd.s32 v15, v33;
	v24 =	vshll.u32 v24, $0x7;
	p1 =	slt.u32 s0, $0x700;
	v36 =	vld [tilespmem:s31+$0xFFFFFC20];
	v17 =	vadd.s32 v17, v27  }
0x88c: {  	vm0 =	vlt.f32 v31, v13;
	vm1 =	vlt.f32 v30, v11;
	v17 =	vshll.u32 v17, $0x7;
	v27 =	vld.idx.msk [tilespmem:v26+s16+$0x0], $0xffff  }
0x88d: {  	v24 =	vor.u32 v2, v24;
	v11 =	vor.u32 v2, v17;
	v13 =	vld [tilespmem:s31+$0xFFFFFC60];
	v17 =	vsel vm0, $0x1, v1;
	s31 =	smov.u32 s4  }
0x88e: {  	v15 =	vshll.u32 v15, $0x7;
	v30 =	vld.idx.msk [tilespmem:v19+s16+$0x0], $0xffff;
	v17 =	vadd.s32 v21, v17;
	v21 =	vand.u32 $0x7FFFFFFF, v32  }
0x88f: {  	v15 =	vor.u32 v2, v15;
	v17 =	vshll.u32 v17, $0x7;
	[tilespmem:v34+s25+$0x0] =	vst.idx.add.f32.msk $0xffff, v21;
	v21 =	vsel vm1, $0x1, v1  }
0x890: {  	v31 =	vld.idx.msk [tilespmem:v23+s16+$0x0], $0xffff;
	v17 =	vor.u32 v2, v17;
	v16 =	vadd.s32 v16, v21;
	v21 =	vand.u32 $0x7FFFFFFF, v35  }
0x891: {  	v32 =	vand.u32 $0x7FFFFFFF, v36;
	v16 =	vshll.u32 v16, $0x7;
	[tilespmem:v29+s25+$0x0] =	vst.idx.add.f32.msk $0xffff, v21;
	v21 =	vand.u32 $0x7FFFFFFF, v22  }
0x892: {  	vm0 =	vlt.f32 v27, v10;
	[tilespmem:v11+s25+$0x0] =	vst.idx.add.f32.msk $0xffff, v32;
	v10 =	vor.u32 v2, v16;
	v11 =	vand.u32 $0x7FFFFFFF, v28  }
0x893: {  	v20 =	vand.u32 $0x7FFFFFFF, v20;
	v16 =	vsel vm0, $0x1, v1;
	[tilespmem:v25+s25+$0x0] =	vst.idx.add.f32.msk $0xffff, v21  }
0x894: {  	v16 =	vadd.s32 v26, v16;
	vm0 =	vlt.f32 v30, v6;
	[tilespmem:v24+s25+$0x0] =	vst.idx.add.f32.msk $0xffff, v20  }
0x895: {  	v13 =	vand.u32 $0x7FFFFFFF, v13;
	v6 =	vshll.u32 v16, $0x7;
	v16 =	vsel vm0, $0x1, v1;
	[tilespmem:v15+s25+$0x0] =	vst.idx.add.f32.msk $0xffff, v11  }
0x896: {  	vm0 =	vlt.f32 v31, v8;
	v6 =	vor.u32 v2, v6;
	v8 =	vand.u32 $0x7FFFFFFF, v14;
	[tilespmem:v17+s25+$0x0] =	vst.idx.add.f32.msk $0xffff, v13  }
0x897: {  	v11 =	vand.u32 $0x7FFFFFFF, v12;
	v12 =	vsel vm0, $0x1, v1;
	v13 =	vadd.s32 v19, v16;
	[tilespmem:v10+s25+$0x0] =	vst.idx.add.f32.msk $0xffff, v8  }
0x898: {  	v8 =	vadd.s32 v23, v12;
	v10 =	vshll.u32 v13, $0x7;
	[tilespmem:v18+s25+$0x0] =	vst.idx.add.f32.msk $0xffff, v11  }
0x899: {  	v8 =	vshll.u32 v8, $0x7;
	v10 =	vor.u32 v2, v10;
	v16 =	vld [tilespmem:s3+$0x70]  }
0x89a: {  	v9 =	vand.u32 $0x7FFFFFFF, v9;
	v8 =	vor.u32 v2, v8;
	v20 =	vld [tilespmem:s3+$0xFFFFFC00]  }
0x89b: {  	[tilespmem:v6+s25+$0x0] =	vst.idx.add.f32.msk $0xffff, v9  }
0x89c: {  	v21 =	vld [tilespmem:s3+$0x60]  }
0x89d: {  	v6 =	vand.u32 $0x7FFFFFFF, v7;
	v18 =	vld [tilespmem:s3+$0x50]  }
0x89e: {  	v5 =	vand.u32 $0x7FFFFFFF, v5;
	[tilespmem:v10+s25+$0x0] =	vst.idx.add.f32.msk $0xffff, v6  }
0x89f: {  	[tilespmem:v8+s25+$0x0] =	vst.idx.add.f32.msk $0xffff, v5  }
0x8a0: {  	v19 =	vld [tilespmem:s3+$0x40]  }
0x8a1: {  	v5 =	vmul.f32 v20, v4;
	v26 =	vld [tilespmem:s3+$0x30]  }
0x8a2: {  	v6 =	vmul.f32 v16, v4;
	v22 =	vld [tilespmem:s3+$0x20]  }
0x8a3: {  	v5 =	vadd.f32 v5, v3;
	v7 =	vmul.f32 v21, v4;
	v28 =	vld [tilespmem:s3+$0x10]  }
0x8a4: {  	v6 =	vadd.f32 v6, v3;
	v8 =	vmul.f32 v18, v4;
	v11 =	vld [tilespmem:s3+$0x0]  }
0x8a5: {  	v5 =	vtrunc.f32 v5;
	v7 =	vadd.f32 v7, v3;
	v25 =	vld [tilespmem:s3+$0xFFFFFC70];
	v9 =	vmul.f32 v19, v4  }
0x8a6: {  	v14 =	vadd.f32 v8, v3;
	v8 =	vtrunc.f32 v6;
	v13 =	vld [tilespmem:s3+$0xFFFFFC60];
	v12 =	vmul.f32 v26, v4  }
0x8a7: {  	v23 =	vcvt.f32.s32 v8;
	v6 =	vld [tilespmem:s3+$0xFFFFFC50];
	v15 =	vmul.f32 v22, v4;
	v9 =	vadd.f32 v9, v3  }
0x8a8: {  	v29 =	vcvt.f32.s32 v5;
	v10 =	vld [tilespmem:s3+$0xFFFFFC40];
	v5 =	vmul.f32 v28, v4;
	v12 =	vadd.f32 v12, v3  }
0x8a9: {  	v14 =	vtrunc.f32 v14;
	v8 =	vld [tilespmem:s3+$0xFFFFFC30];
	v17 =	vmul.f32 v11, v4;
	v15 =	vadd.f32 v15, v3  }
0x8aa: {  	v24 =	vld [tilespmem:s3+$0xFFFFFC20];
	v27 =	vmul.f32 v25, v4;
	v30 =	vadd.f32 v5, v3;
	v5 =	vtrunc.f32 v7  }
0x8ab: {  	v31 =	vld [tilespmem:s3+$0xFFFFFC10];
	v17 =	vadd.f32 v17, v3;
	v7 =	vtrunc.f32 v15;
	v32 =	vcvt.f32.s32 v5  }
0x8ac: {  	v5 =	vld [tilespmem:s4+$0xFFFFFC30];
	v33 =	vadd.f32 v27, v3;
	v34 =	vcvt.f32.s32 v7;
	v27 =	vcvt.f32.s32 v14  }
0x8ad: {  	v14 =	vtrunc.f32 v30;
	v30 =	vtrunc.f32 v12;
	v35 =	vld.idx.msk [tilespmem:v23+s16+$0x0], $0xffff  }
0x8ae: {  	v12 =	vtrunc.f32 v9;
	v36 =	vtrunc.f32 v17;
	v7 =	vld [tilespmem:s4+$0xFFFFFC50]  }
0x8af: {  	v37 =	vcvt.f32.s32 v14;
	v15 =	vcvt.f32.s32 v12;
	v9 =	vld [tilespmem:s4+$0xFFFFFC40]  }
0x8b0: {  	v17 =	vmul.f32 v13, v4;
	v12 =	vld [tilespmem:s4+$0xFFFFFC10];
	v14 =	vmul.f32 v31, v4  }
0x8b1: {  	v38 =	vcvt.f32.s32 v30;
	v33 =	vtrunc.f32 v33;
	v30 =	vld.idx.msk [tilespmem:v32+s16+$0x0], $0xffff  }
0x8b2: {  	v40 =	vmul.f32 v24, v4;
	v41 =	vadd.f32 v17, v3;
	v39 =	vadd.f32 v14, v3;
	v42 =	vld.idx.msk [tilespmem:v34+s16+$0x0], $0xffff  }
0x8b3: {  	v43 =	vmul.f32 v10, v4;
	v17 =	vmul.f32 v8, v4;
	vm0 =	vlt.f32 v35, v16;
	v14 =	vld [tilespmem:s4+$0x0]  }
0x8b4: {  	v35 =	vadd.f32 v40, v3;
	v16 =	vtrunc.f32 v39;
	v39 =	vmul.f32 v6, v4;
	v40 =	vld.idx.msk [tilespmem:v27+s16+$0x0], $0xffff  }
0x8b5: {  	v43 =	vadd.f32 v43, v3;
	v44 =	vcvt.f32.s32 v16;
	v16 =	vadd.f32 v17, v3;
	v45 =	vld.idx.msk [tilespmem:v37+s16+$0x0], $0xffff  }
0x8b6: {  	v17 =	vtrunc.f32 v35;
	v46 =	vld.idx.msk [tilespmem:v29+s16+$0x0], $0xffff;
	v35 =	vadd.f32 v39, v3;
	v39 =	vsel vm0, $0x1, v1  }
0x8b7: {  	v17 =	vcvt.f32.s32 v17;
	vm0 =	vlt.f32 v30, v21;
	v47 =	vld.idx.msk [tilespmem:v38+s16+$0x0], $0xffff;
	v21 =	vadd.s32 v23, v39  }
0x8b8: {  	v33 =	vcvt.f32.s32 v33;
	v30 =	vtrunc.f32 v41;
	vm1 =	vlt.f32 v42, v22;
	v39 =	vld.idx.msk [tilespmem:v15+s16+$0x0], $0xffff  }
0x8b9: {  	v41 =	vtrunc.f32 v43;
	v23 =	vtrunc.f32 v16;
	v16 =	vsel vm1, $0x1, v1;
	v22 =	vld [tilespmem:s4+$0x70]  }
0x8ba: {  	v43 =	vsel vm0, $0x1, v1;
	v48 =	vshll.u32 v21, $0x7;
	v34 =	vadd.s32 v34, v16;
	v42 =	vld [tilespmem:s4+$0x20]  }
0x8bb: {  	v16 =	vcvt.f32.s32 v36;
	vm0 =	vlt.f32 v45, v28;
	v28 =	vshll.u32 v34, $0x7;
	v49 =	vld.idx.msk [tilespmem:v44+s16+$0x0], $0xffff  }
0x8bc: {  	v21 =	vcvt.f32.s32 v30;
	v30 =	vsel vm0, $0x1, v1;
	v28 =	vor.u32 v2, v28;
	v34 =	vld [tilespmem:s4+$0x10]  }
0x8bd: {  	vm0 =	vlt.f32 v46, v20;
	v20 =	vadd.s32 v37, v30;
	v30 =	vadd.s32 v32, v43;
	v36 =	vld.idx.msk [tilespmem:v17+s16+$0x0], $0xffff  }
0x8be: {  	v32 =	vsel vm0, $0x1, v1;
	v20 =	vshll.u32 v20, $0x7;
	v37 =	vld.idx.msk [tilespmem:v33+s16+$0x0], $0xffff;
	v43 =	vand.u32 $0x7FFFFFFF, v22  }
0x8bf: {  	v45 =	vor.u32 v2, v48;
	v29 =	vadd.s32 v29, v32;
	v32 =	vor.u32 v2, v20;
	v22 =	vld [tilespmem:s4+$0x60]  }
0x8c0: {  	v35 =	vtrunc.f32 v35;
	vm0 =	vlt.f32 v47, v26;
	v29 =	vshll.u32 v29, $0x7;
	v20 =	vld [tilespmem:s4+$0x50]  }
0x8c1: {  	v26 =	vsel vm0, $0x1, v1;
	v47 =	vshll.u32 v30, $0x7;
	vm1 =	vlt.f32 v49, v31;
	v46 =	vld [tilespmem:s4+$0xFFFFFC00]  }
0x8c2: {  	vm0 =	vlt.f32 v40, v18;
	v48 =	vor.u32 v2, v29;
	v29 =	vsel vm1, $0x1, v1;
	v30 =	vld.idx.msk [tilespmem:v16+s16+$0x0], $0xffff  }
0x8c3: {  	v38 =	vadd.s32 v38, v26;
	v18 =	vadd.s32 v44, v29;
	v29 =	vand.u32 $0x7FFFFFFF, v42;
	v31 =	vld.idx.msk [tilespmem:v21+s16+$0x0], $0xffff  }
0x8c4: {  	v18 =	vshll.u32 v18, $0x7;
	vm1 =	vlt.f32 v37, v25;
	v25 =	vor.u32 v2, v47;
	[tilespmem:v28+s25+$0x0] =	vst.idx.add.f32.msk $0xffff, v29  }
.Ltmp17:
0x8c5: {  	v18 =	vor.u32 v2, v18;
	v28 =	vsel vm1, $0x1, v1;
	v29 =	vand.u32 $0x7FFFFFFF, v34;
	[tilespmem:v45+s25+$0x0] =	vst.idx.add.f32.msk $0xffff, v43;
	(pc) =	sbr.rel @p1 .LBB2_33-.Ltmp17, $4  }
0x8c6: {  	v26 =	vcvt.f32.s32 v41;
	vm1 =	vlt.f32 v39, v19;
	[tilespmem:v32+s25+$0x0] =	vst.idx.add.f32.msk $0xffff, v29;
	v29 =	vshll.u32 v38, $0x7  }
0x8c7: {  	v37 =	vadd.s32 v33, v28;
	v34 =	vand.u32 $0x7FFFFFFF, v46;
	v29 =	vor.u32 v2, v29;
	v28 =	vld [tilespmem:s4+$0x40]  }
0x8c8: {  	v19 =	vcvt.f32.s32 v35;
	v35 =	vsel vm0, $0x1, v1;
	v33 =	vsel vm1, $0x1, v1;
	v32 =	vld [tilespmem:s4+$0xFFFFFC70]  }
0x8c9: {  	vm0 =	vlt.f32 v36, v24;
	v24 =	vadd.s32 v27, v35;
	[tilespmem:v48+s25+$0x0] =	vst.idx.add.f32.msk $0xffff, v34;
	v34 =	vshll.u32 v37, $0x7  }
0x8ca: {  	v23 =	vcvt.f32.s32 v23  }
0x8cb: {  	v27 =	vsel vm0, $0x1, v1;
	v34 =	vor.u32 v2, v34  }
0x8cc: {  	v15 =	vadd.s32 v15, v33;
	v24 =	vshll.u32 v24, $0x7;
	vm12 =	vlt.f32 v31, v13  }
0x8cd: {  	v35 =	vld [tilespmem:s31+$0x30];
	vm1 =	vlt.f32 v30, v11;
	v22 =	vand.u32 $0x7FFFFFFF, v22;
	v20 =	vand.u32 $0x7FFFFFFF, v20  }
0x8ce: {  	v48 =	vld.idx.msk [tilespmem:v26+s16+$0x0], $0xffff;
	v12 =	vand.u32 $0x7FFFFFFF, v12;
	v17 =	vadd.s32 v17, v27;
	v50 =	vsel vm12, $0x1, v1  }
0x8cf: {  	v51 =	vld.idx.msk [tilespmem:v19+s16+$0x0], $0xffff;
	v24 =	vor.u32 v2, v24;
	v15 =	vshll.u32 v15, $0x7;
	v53 =	vsel vm1, $0x1, v1  }
0x8d0: {  	v17 =	vshll.u32 v17, $0x7;
	v15 =	vor.u32 v2, v15;
	v16 =	vadd.s32 v16, v53;
	v54 =	vld.idx.msk [tilespmem:v23+s16+$0x0], $0xffff  }
0x8d1: {  	v47 =	vld [tilespmem:s31+$0xFFFFFC20];
	v58 =	vand.u32 $0x7FFFFFFF, v28;
	v49 =	vor.u32 v2, v17;
	v17 =	vadd.s32 v21, v50  }
0x8d2: {  	[tilespmem:v25+s25+$0x0] =	vst.idx.add.f32.msk $0xffff, v22;
	v52 =	vand.u32 $0x7FFFFFFF, v32;
	v16 =	vshll.u32 v16, $0x7;
	v17 =	vshll.u32 v17, $0x7  }
0x8d3: {  	v56 =	vld [tilespmem:s31+$0xFFFFFC60];
	v57 =	vor.u32 v2, v16;
	v17 =	vor.u32 v2, v17;
	vm13 =	vlt.f32 v48, v10  }
0x8d4: {  	[tilespmem:v18+s25+$0x0] =	vst.idx.add.f32.msk $0xffff, v12;
	v55 =	vand.u32 $0x7FFFFFFF, v35;
	vm14 =	vlt.f32 v51, v6;
	v59 =	vsel vm13, $0x1, v1  }
0x8d5: {  	[tilespmem:v34+s25+$0x0] =	vst.idx.add.f32.msk $0xffff, v52;
	v60 =	vsel vm14, $0x1, v1;
	v6 =	vadd.s32 v26, v59;
	vm15 =	vlt.f32 v54, v8  }
0x8d6: {  	[tilespmem:v29+s25+$0x0] =	vst.idx.add.f32.msk $0xffff, v55;
	v13 =	vadd.s32 v19, v60;
	v6 =	vshll.u32 v6, $0x7;
	v8 =	vsel vm15, $0x1, v1  }
0x8d7: {  	[tilespmem:v24+s25+$0x0] =	vst.idx.add.f32.msk $0xffff, v20;
	v13 =	vshll.u32 v13, $0x7;
	v6 =	vor.u32 v2, v6;
	v8 =	vadd.s32 v23, v8  }
0x8d8: {  	v27 =	vand.u32 $0x7FFFFFFF, v47;
	[tilespmem:v15+s25+$0x0] =	vst.idx.add.f32.msk $0xffff, v58;
	v62 =	vor.u32 v2, v13;
	v8 =	vshll.u32 v8, $0x7  }
0x8d9: {  	v63 =	vand.u32 $0x7FFFFFFF, v14;
	[tilespmem:v49+s25+$0x0] =	vst.idx.add.f32.msk $0xffff, v27;
	v8 =	vor.u32 v2, v8  }
.Ltmp18:
0x8da: {  	v61 =	vand.u32 $0x7FFFFFFF, v56;
	[tilespmem:v57+s25+$0x0] =	vst.idx.add.f32.msk $0xffff, v63;
	(pc) =	sbr.rel @p0 .LBB2_36-.Ltmp18, $4  }
0x8db: {  	v9 =	vand.u32 $0x7FFFFFFF, v9;
	[tilespmem:v17+s25+$0x0] =	vst.idx.add.f32.msk $0xffff, v61  }
0x8dc: {  	[tilespmem:v6+s25+$0x0] =	vst.idx.add.f32.msk $0xffff, v9;
	v6 =	vand.u32 $0x7FFFFFFF, v7  }
0x8dd: {  	v5 =	vand.u32 $0x7FFFFFFF, v5;
	[tilespmem:v62+s25+$0x0] =	vst.idx.add.f32.msk $0xffff, v6  }
0x8de: {  	[tilespmem:v8+s25+$0x0] =	vst.idx.add.f32.msk $0xffff, v5  }
0x8df: {  	s0 =	sshll.u32 s30, $0xC  }
.Ltmp19:
0x8e0: {  	s0 =	sadd.s32 s0, s13;
	(pc) =	sbr.rel .LBB2_2-.Ltmp19, $4  }
0x8e1: {  	s3 =	sadd.s32 s2, s0  }
0x8e2: {  	[tilespmem:s21], [sflag:$0x2] =	stream.linear.gather [hbm4b:s3+s5], $0x4000, $0x38;
	[tilespmem:$0x11180] =	vst v63  }
0x8e3: {  	s30 =	sadd.s32 $0x1, s30;
	s0 =	sadd.s32 s1, s0  }
0x8e4: {  	[tilespmem:s22], [sflag:$0x4] =	stream.linear.gather [hbm4b:s0+s5], $0x4000, $0x38;
	[tilespmem:$0x11180] =	vst v63  }
.LBB2_37:
0x8e5: {  	_ =	sfence.sel $0x180000  }
0x8e6: {  	[bflag:$0x0] =	sbarrier.arrive $0xFFFF  }
0x8e7: {  	_ =	strace $0x90000047  }
0x8e8: {  	s0 =	stileid.u32;
	[bflag:$0x2] =	sbarrier.arrive $0xFFFF  }
0x8e9: {  	p0 =	sne.s32 s0, $0x0;
	s0 =	rddreg [dreg:$0x4]  }
0x8ea: {  	s0 =	sadd.s32 @!p0 $0x100000, s0  }
0x8eb: {  	[sflag:s0] =	ssyncadd.tile.s32 @!p0 $0x1;
	_ =	shalt  }
.Lfunc_end2:
_tile_overlayer_lowered:
.L_overlay_start_2:
0x8ec: {  	(tag) =	ssettag $0x2  }
0x8ed: {  	s0 =	rddreg [dreg:$0x0];
	s2 =	stileid.u32  }
0x8ee: {  	s1 =	rddreg [dreg:$0x1];
	p0 =	sne.s32 s2, $0x0  }
0x8ef: {  	s3 =	rddreg [dreg:$0x2];
	[bflag:$0x3] =	sbarrier.arrive $0xFFFF;
	s2 =	simm.s32 @!p0 $0x1C05  }
0x8f0: {  	[timem:s3], [sflag:s2] =	dma.local @!p0 [hbm:s0], s1  }
0x8f1: {  	s0 =	simm.s32 @!p0 $0x5  }
0x8f2: {  	_ =	swait.ge @!p0 [sflag:s0], s1  }
0x8f3: {  	s1 =	ssub.s32 @!p0 $0x0, s1;
	[sflag:s0] =	ssyncset.done @!p0 $0x0  }
0x8f4: {  	[sflag:s0] =	ssyncadd.s32 @!p0 s1  }
0x8f5: {  	[bflag:$0x3] =	sbarrier.arrive $0xFFFF  }
0x8f6: {  	_ =	shalt  }

</sc_bundles>
